<compile_context>
chip_gen: v7x
topology: tpu7x:2x2x1
jax: 0.10.2.dev20260603
libtpu: 0.0.44.dev20260713+nightly
codegen_flags: <defaults>
</compile_context>

<pallas_src>
import functools

import jax
import jax.numpy as jnp
from jax import lax
from jax.experimental import pallas as pl
from jax.experimental.pallas import tpu as pltpu
from jax.experimental.pallas import tpu_sc as plsc

B = 4096
L = 200
D = 64
NR = 4
LP = 256
NBUF = 4
NVI = LP // 16
SLICES = ((0, 80), (80, 80), (160, 40))

_info = plsc.get_sparse_core_info()
NC = _info.num_cores
NS = _info.num_subcores
NW = NC * NS
ROWS_PER_W = B // NW
ROWS_PER_TILE = (NR * L) // NS

_mesh = plsc.VectorSubcoreMesh(core_axis_name="c", subcore_axis_name="s")


@functools.partial(
    pl.kernel,
    out_type=(
        jax.ShapeDtypeStruct((B, L, D), jnp.float32),
        jax.ShapeDtypeStruct((B, L, D), jnp.float32),
        jax.ShapeDtypeStruct((NC * NR * L, D), jnp.float32),
    ),
    mesh=_mesh,
    scratch_types=[
        pltpu.VMEM((NBUF * LP,), jnp.int32),
        pltpu.VMEM((NBUF * LP,), jnp.int32),
        pltpu.VMEM((NBUF * LP,), jnp.int32),
        pltpu.VMEM((NBUF, L, D), jnp.float32),
        pltpu.VMEM((NBUF, L, D), jnp.float32),
        pltpu.VMEM((L, D), jnp.float32),
        pltpu.VMEM((LP,), jnp.int32),
        pltpu.VMEM((NR, D), jnp.float32),
        pltpu.VMEM((ROWS_PER_TILE, D), jnp.float32),
    ]
    + [pltpu.SemaphoreType.DMA] * (3 * NBUF + 1),
    compiler_params=pltpu.CompilerParams(use_tc_tiling_on_sc=False),
)
def _emb_kernel(eidx_hbm, ridx_hbm, etab_hbm, rtab_hbm, pos_hbm,
                enc_hbm, dec_hbm, comb_hbm,
                eidx_v, ridx_v, didx_v, enc_v, dec_v,
                pos_v, lpos_v, resp_v, build_v, *sems):
    sem_i = sems[0:NBUF]
    sem_g = sems[NBUF:2 * NBUF]
    sem_w = sems[2 * NBUF:3 * NBUF]
    sem_misc = sems[3 * NBUF]

    cid = lax.axis_index("c")
    sid = lax.axis_index("s")
    wid = sid * NC + cid
    row0 = wid * ROWS_PER_W

    pltpu.async_copy(pos_hbm, pos_v, sem_misc)
    pltpu.async_copy(rtab_hbm, resp_v, sem_misc)
    pltpu.make_async_copy(pos_hbm, pos_v, sem_misc).wait()
    pltpu.make_async_copy(rtab_hbm, resp_v, sem_misc).wait()

    comb_base = cid * (NR * L)
    for i in range(NVI):
        lpos_v[pl.ds(16 * i, 16)] = lax.rem(
            jnp.full((16,), 16 * i, jnp.int32) + lax.iota(jnp.int32, 16), L
        ) + comb_base


    r_own = sid // (L // ROWS_PER_TILE)
    l_own = (sid % (L // ROWS_PER_TILE)) * ROWS_PER_TILE
    rvec = [resp_v[r_own, pl.ds(c * 16, 16)] for c in range(D // 16)]

    @pl.loop(0, ROWS_PER_TILE)
    def _build(l):
        for c in range(D // 16):
            sl = pl.ds(c * 16, 16)
            build_v[l, sl] = pos_v[l_own + l, sl] + rvec[c]

    pltpu.sync_copy(
        build_v, comb_hbm.at[pl.ds(comb_base + sid * ROWS_PER_TILE, ROWS_PER_TILE)])
    plsc.subcore_barrier()

    def issue_idx(g, s):
        row = row0 + g
        pltpu.async_copy(eidx_hbm.at[row], eidx_v.at[pl.ds(s * LP, LP)], sem_i[s])
        pltpu.async_copy(ridx_hbm.at[row], ridx_v.at[pl.ds(s * LP, LP)], sem_i[s])

    def drain_idx(g, s):
        row = row0 + g
        pltpu.make_async_copy(eidx_hbm.at[row], eidx_v.at[pl.ds(s * LP, LP)], sem_i[s]).wait()
        pltpu.make_async_copy(ridx_hbm.at[row], ridx_v.at[pl.ds(s * LP, LP)], sem_i[s]).wait()

    def compute_didx(s):
        for i in range(NVI):
            sl = pl.ds(s * LP + 16 * i, 16)
            didx_v[sl] = ridx_v[sl] * L + lpos_v[pl.ds(16 * i, 16)]

    def issue_gather(s):
        for (o, n) in SLICES:
            pltpu.async_copy(etab_hbm.at[eidx_v.at[pl.ds(s * LP + o, n)]],
                             enc_v.at[s, pl.ds(o, n)], sem_g[s])
            pltpu.async_copy(comb_hbm.at[didx_v.at[pl.ds(s * LP + o, n)]],
                             dec_v.at[s, pl.ds(o, n)], sem_g[s])

    def drain_gather(s):
        for (o, n) in SLICES:
            pltpu.make_async_copy(etab_hbm.at[eidx_v.at[pl.ds(s * LP + o, n)]],
                                  enc_v.at[s, pl.ds(o, n)], sem_g[s]).wait()
            pltpu.make_async_copy(comb_hbm.at[didx_v.at[pl.ds(s * LP + o, n)]],
                                  dec_v.at[s, pl.ds(o, n)], sem_g[s]).wait()

    def issue_wb(g, s):
        row = row0 + g
        pltpu.async_copy(enc_v.at[s], enc_hbm.at[row], sem_w[s])
        pltpu.async_copy(dec_v.at[s], dec_hbm.at[row], sem_w[s])

    def drain_wb(g, s):
        row = row0 + g
        pltpu.make_async_copy(enc_v.at[s], enc_hbm.at[row], sem_w[s]).wait()
        pltpu.make_async_copy(dec_v.at[s], dec_hbm.at[row], sem_w[s]).wait()

    def compute_pos(s):
        @pl.loop(0, L)
        def _pos_add(l):
            for c in range(D // 16):
                sl = pl.ds(c * 16, 16)
                enc_v[s, l, sl] = enc_v[s, l, sl] + pos_v[l, sl]

    for g in range(NBUF):
        issue_idx(g, g)
    for g in range(2):
        drain_idx(g, g)
        compute_didx(g)
        issue_gather(g)

    @pl.loop(0, ROWS_PER_W)
    def _main(g):
        for b in range(NBUF):
            b2 = (b + 2) % NBUF

            @pl.when(lax.rem(g, NBUF) == b)
            def _body():
                @pl.when(g + 2 < ROWS_PER_W)
                def _():
                    drain_idx(g + 2, b2)
                    compute_didx(b2)

                    @pl.when(g >= 2)
                    def _():
                        drain_wb(g - 2, b2)

                    issue_gather(b2)

                drain_gather(b)

                @pl.when(g + NBUF < ROWS_PER_W)
                def _():
                    issue_idx(g + NBUF, b)

                compute_pos(b)
                issue_wb(g, b)

    for g in range(ROWS_PER_W - NBUF, ROWS_PER_W):
        drain_wb(g, g % NBUF)


def kernel(input_exercise, input_r, exercise_table, response_table, position_table):
    eidx = jnp.pad(input_exercise, ((0, 0), (0, LP - L)))
    ridx = jnp.pad(input_r, ((0, 0), (0, LP - L)))
    enc, dec, _ = _emb_kernel(eidx, ridx, exercise_table,
                              response_table, position_table)
    return enc, dec

# --- scband reference (transcript-rebuilt; emitter-appended) ---
"""Pipeline reference for scband-embedding-block-37022618091659 (READ-ONLY COPY).

The authoritative reference and input builder live on the scoring server;
editing this copy changes nothing except your own understanding.
"""

import jax, jax.numpy as jnp
import numpy as np

B = 4096
L = 200
D = 64
NQ = 100000
NR = 4


def pos_encode(seq_len):
    return jnp.arange(seq_len, dtype=jnp.int32)


def setup_inputs(seed: int = 0) -> dict:
    key = jax.random.key(seed)
    k1, k2, k3, k4, k5 = jax.random.split(key, 5)
    input_exercise = jax.random.randint(k1, (B, L), 0, NQ, dtype=jnp.int32)
    input_r = jax.random.randint(k2, (B, L), 0, NR, dtype=jnp.int32)
    exercise_table = jax.random.normal(k3, (NQ, D), dtype=jnp.float32) * 0.02
    response_table = jax.random.normal(k4, (NR, D), dtype=jnp.float32) * 0.02
    position_table = jax.random.normal(k5, (L, D), dtype=jnp.float32) * 0.02
    return {
        "input_exercise": input_exercise,
        "input_r": input_r,
        "exercise_table": exercise_table,
        "response_table": response_table,
        "position_table": position_table,
    }


def reference(input_exercise, input_r, exercise_table, response_table, position_table):
    position_encoded = pos_encode(L)
    _pos = jnp.take(position_table, position_encoded, axis=0)  # [L, D]
    _exe = jnp.take(exercise_table, input_exercise, axis=0)    # [B, L, D]
    _response = jnp.take(response_table, input_r, axis=0)      # [B, L, D]
    input_encoder = _exe + _pos[None, :, :]
    input_decoder = _response + _pos[None, :, :]
    return (input_encoder, input_decoder)

if __name__ == "__main__":
    import jax
    _d = setup_inputs()
    print(jax.jit(kernel)(*tuple(_d.values())))

</pallas_src>

<mosaic_0001>
#map = affine_map<(d0, d1) -> (0, 0)>
#map1 = affine_map<(d0, d1) -> (0, 0, 0)>
module attributes {stable_mosaic.version = 14 : i64} {
  func.func @_emb_kernel(%arg0: i32, %arg1: i32, %arg2: memref<4096x256xi32, #tpu.memory_space<hbm>>, %arg3: memref<4096x256xi32, #tpu.memory_space<hbm>>, %arg4: memref<100000x64xf32, #tpu.memory_space<hbm>>, %arg5: memref<4x64xf32, #tpu.memory_space<hbm>>, %arg6: memref<200x64xf32, #tpu.memory_space<hbm>>, %arg7: memref<4096x200x64xf32, #tpu.memory_space<hbm>>, %arg8: memref<4096x200x64xf32, #tpu.memory_space<hbm>>, %arg9: memref<1600x64xf32, #tpu.memory_space<hbm>>, %arg10: memref<1024xi32, #tpu.memory_space<vmem>>, %arg11: memref<1024xi32, #tpu.memory_space<vmem>>, %arg12: memref<1024xi32, #tpu.memory_space<vmem>>, %arg13: memref<4x200x64xf32, #tpu.memory_space<vmem>>, %arg14: memref<4x200x64xf32, #tpu.memory_space<vmem>>, %arg15: memref<200x64xf32, #tpu.memory_space<vmem>>, %arg16: memref<256xi32, #tpu.memory_space<vmem>>, %arg17: memref<4x64xf32, #tpu.memory_space<vmem>>, %arg18: memref<50x64xf32, #tpu.memory_space<vmem>>, %arg19: memref<!tpu.dma_semaphore, #tpu.memory_space<semaphore_mem>>, %arg20: memref<!tpu.dma_semaphore, #tpu.memory_space<semaphore_mem>>, %arg21: memref<!tpu.dma_semaphore, #tpu.memory_space<semaphore_mem>>, %arg22: memref<!tpu.dma_semaphore, #tpu.memory_space<semaphore_mem>>, %arg23: memref<!tpu.dma_semaphore, #tpu.memory_space<semaphore_mem>>, %arg24: memref<!tpu.dma_semaphore, #tpu.memory_space<semaphore_mem>>, %arg25: memref<!tpu.dma_semaphore, #tpu.memory_space<semaphore_mem>>, %arg26: memref<!tpu.dma_semaphore, #tpu.memory_space<semaphore_mem>>, %arg27: memref<!tpu.dma_semaphore, #tpu.memory_space<semaphore_mem>>, %arg28: memref<!tpu.dma_semaphore, #tpu.memory_space<semaphore_mem>>, %arg29: memref<!tpu.dma_semaphore, #tpu.memory_space<semaphore_mem>>, %arg30: memref<!tpu.dma_semaphore, #tpu.memory_space<semaphore_mem>>, %arg31: memref<!tpu.dma_semaphore, #tpu.memory_space<semaphore_mem>>) attributes {dimension_semantics = [#tpu.dimension_semantics<core_parallel>, #tpu.dimension_semantics<subcore_parallel>], iteration_bounds = array<i64: 2, 16>, scalar_prefetch = 0 : i64, scratch_operands = 22 : i64, tpu.core_type = #tpu.core_type<sc_vector_subcore>, window_params = [{transform_indices = #map}, {transform_indices = #map}, {transform_indices = #map}, {transform_indices = #map}, {transform_indices = #map}, {transform_indices = #map1}, {transform_indices = #map1}, {transform_indices = #map}]} {
    %mul3A = arith.constant 2 : i32
    %mul3A_0 = arith.muli %arg1, %mul3A : i32
    %add3A = arith.addi %mul3A_0, %arg0 : i32
    %mul3A_1 = arith.constant 128 : i32
    %mul3A_2 = arith.muli %add3A, %mul3A_1 : i32
    tpu.enqueue_dma source(%arg6 : memref<200x64xf32, #tpu.memory_space<hbm>>) target(%arg15 : memref<200x64xf32, #tpu.memory_space<vmem>>) target_semaphore(%arg31 : memref<!tpu.dma_semaphore, #tpu.memory_space<semaphore_mem>>)
    tpu.enqueue_dma source(%arg5 : memref<4x64xf32, #tpu.memory_space<hbm>>) target(%arg17 : memref<4x64xf32, #tpu.memory_space<vmem>>) target_semaphore(%arg31 : memref<!tpu.dma_semaphore, #tpu.memory_space<semaphore_mem>>)
    tpu.wait_dma2 semaphore(%arg31 : memref<!tpu.dma_semaphore, #tpu.memory_space<semaphore_mem>>) src(%arg6 : memref<200x64xf32, #tpu.memory_space<hbm>>) dst(%arg15 : memref<200x64xf32, #tpu.memory_space<vmem>>)
    tpu.wait_dma2 semaphore(%arg31 : memref<!tpu.dma_semaphore, #tpu.memory_space<semaphore_mem>>) src(%arg5 : memref<4x64xf32, #tpu.memory_space<hbm>>) dst(%arg17 : memref<4x64xf32, #tpu.memory_space<vmem>>)
    %mul3A_3 = arith.constant 800 : i32
    %mul3A_4 = arith.muli %arg0, %mul3A_3 : i32
    %broadcast_in_dim3A = arith.constant 0 : i32
    %broadcast_in_dim3A_5 = vector.broadcast %broadcast_in_dim3A : i32 to vector<16xi32>
    %iota3A = tpu.iota {dimensions = array<i32: 0>} : vector<16xi32>
    %add3A_6 = arith.addi %broadcast_in_dim3A_5, %iota3A : vector<16xi32>
    %rem3A = arith.constant 200 : i32
    %rem3A_7 = vector.broadcast %rem3A : i32 to vector<16xi32>
    %rem3A_8 = arith.remsi %add3A_6, %rem3A_7 : vector<16xi32>
    %add3A_9 = vector.broadcast %mul3A_4 : i32 to vector<16xi32>
    %add3A_10 = arith.addi %rem3A_8, %add3A_9 : vector<16xi32>
    %swap3A = arith.constant 0 : index
    %swap3A_11 = tpu.vector_load %arg16[%swap3A] {strides = array<i32>} : memref<256xi32, #tpu.memory_space<vmem>>, vector<16xi32>,
    %swap3A_12 = vector.shape_cast %swap3A_11 : vector<16xi32> to vector<16xi32>
    %swap3A_13 = vector.shape_cast %add3A_10 : vector<16xi32> to vector<16xi32>
    tpu.vector_store %arg16[%swap3A], %swap3A_13 {strides = array<i32>} : memref<256xi32, #tpu.memory_space<vmem>>, vector<16xi32>,
    %broadcast_in_dim3A_14 = arith.constant 16 : i32
    %broadcast_in_dim3A_15 = vector.broadcast %broadcast_in_dim3A_14 : i32 to vector<16xi32>
    %iota3A_16 = tpu.iota {dimensions = array<i32: 0>} : vector<16xi32>
    %add3A_17 = arith.addi %broadcast_in_dim3A_15, %iota3A_16 : vector<16xi32>
    %rem3A_18 = arith.constant 200 : i32
    %rem3A_19 = vector.broadcast %rem3A_18 : i32 to vector<16xi32>
    %rem3A_20 = arith.remsi %add3A_17, %rem3A_19 : vector<16xi32>
    %add3A_21 = vector.broadcast %mul3A_4 : i32 to vector<16xi32>
    %add3A_22 = arith.addi %rem3A_20, %add3A_21 : vector<16xi32>
    %swap3A_23 = arith.constant 16 : index
    %swap3A_24 = tpu.vector_load %arg16[%swap3A_23] {strides = array<i32>} : memref<256xi32, #tpu.memory_space<vmem>>, vector<16xi32>,
    %swap3A_25 = vector.shape_cast %swap3A_24 : vector<16xi32> to vector<16xi32>
    %swap3A_26 = vector.shape_cast %add3A_22 : vector<16xi32> to vector<16xi32>
    tpu.vector_store %arg16[%swap3A_23], %swap3A_26 {strides = array<i32>} : memref<256xi32, #tpu.memory_space<vmem>>, vector<16xi32>,
    %broadcast_in_dim3A_27 = arith.constant 32 : i32
    %broadcast_in_dim3A_28 = vector.broadcast %broadcast_in_dim3A_27 : i32 to vector<16xi32>
    %iota3A_29 = tpu.iota {dimensions = array<i32: 0>} : vector<16xi32>
    %add3A_30 = arith.addi %broadcast_in_dim3A_28, %iota3A_29 : vector<16xi32>
    %rem3A_31 = arith.constant 200 : i32
    %rem3A_32 = vector.broadcast %rem3A_31 : i32 to vector<16xi32>
    %rem3A_33 = arith.remsi %add3A_30, %rem3A_32 : vector<16xi32>
    %add3A_34 = vector.broadcast %mul3A_4 : i32 to vector<16xi32>
    %add3A_35 = arith.addi %rem3A_33, %add3A_34 : vector<16xi32>
    %swap3A_36 = arith.constant 32 : index
    %swap3A_37 = tpu.vector_load %arg16[%swap3A_36] {strides = array<i32>} : memref<256xi32, #tpu.memory_space<vmem>>, vector<16xi32>,
    %swap3A_38 = vector.shape_cast %swap3A_37 : vector<16xi32> to vector<16xi32>
    %swap3A_39 = vector.shape_cast %add3A_35 : vector<16xi32> to vector<16xi32>
    tpu.vector_store %arg16[%swap3A_36], %swap3A_39 {strides = array<i32>} : memref<256xi32, #tpu.memory_space<vmem>>, vector<16xi32>,
    %broadcast_in_dim3A_40 = arith.constant 48 : i32
    %broadcast_in_dim3A_41 = vector.broadcast %broadcast_in_dim3A_40 : i32 to vector<16xi32>
    %iota3A_42 = tpu.iota {dimensions = array<i32: 0>} : vector<16xi32>
    %add3A_43 = arith.addi %broadcast_in_dim3A_41, %iota3A_42 : vector<16xi32>
    %rem3A_44 = arith.constant 200 : i32
    %rem3A_45 = vector.broadcast %rem3A_44 : i32 to vector<16xi32>
    %rem3A_46 = arith.remsi %add3A_43, %rem3A_45 : vector<16xi32>
    %add3A_47 = vector.broadcast %mul3A_4 : i32 to vector<16xi32>
    %add3A_48 = arith.addi %rem3A_46, %add3A_47 : vector<16xi32>
    %swap3A_49 = arith.constant 48 : index
    %swap3A_50 = tpu.vector_load %arg16[%swap3A_49] {strides = array<i32>} : memref<256xi32, #tpu.memory_space<vmem>>, vector<16xi32>,
    %swap3A_51 = vector.shape_cast %swap3A_50 : vector<16xi32> to vector<16xi32>
    %swap3A_52 = vector.shape_cast %add3A_48 : vector<16xi32> to vector<16xi32>
    tpu.vector_store %arg16[%swap3A_49], %swap3A_52 {strides = array<i32>} : memref<256xi32, #tpu.memory_space<vmem>>, vector<16xi32>,
    %broadcast_in_dim3A_53 = arith.constant 64 : i32
    %broadcast_in_dim3A_54 = vector.broadcast %broadcast_in_dim3A_53 : i32 to vector<16xi32>
    %iota3A_55 = tpu.iota {dimensions = array<i32: 0>} : vector<16xi32>
    %add3A_56 = arith.addi %broadcast_in_dim3A_54, %iota3A_55 : vector<16xi32>
    %rem3A_57 = arith.constant 200 : i32
    %rem3A_58 = vector.broadcast %rem3A_57 : i32 to vector<16xi32>
    %rem3A_59 = arith.remsi %add3A_56, %rem3A_58 : vector<16xi32>
    %add3A_60 = vector.broadcast %mul3A_4 : i32 to vector<16xi32>
    %add3A_61 = arith.addi %rem3A_59, %add3A_60 : vector<16xi32>
    %swap3A_62 = arith.constant 64 : index
    %swap3A_63 = tpu.vector_load %arg16[%swap3A_62] {strides = array<i32>} : memref<256xi32, #tpu.memory_space<vmem>>, vector<16xi32>,
    %swap3A_64 = vector.shape_cast %swap3A_63 : vector<16xi32> to vector<16xi32>
    %swap3A_65 = vector.shape_cast %add3A_61 : vector<16xi32> to vector<16xi32>
    tpu.vector_store %arg16[%swap3A_62], %swap3A_65 {strides = array<i32>} : memref<256xi32, #tpu.memory_space<vmem>>, vector<16xi32>,
    %broadcast_in_dim3A_66 = arith.constant 80 : i32
    %broadcast_in_dim3A_67 = vector.broadcast %broadcast_in_dim3A_66 : i32 to vector<16xi32>
    %iota3A_68 = tpu.iota {dimensions = array<i32: 0>} : vector<16xi32>
    %add3A_69 = arith.addi %broadcast_in_dim3A_67, %iota3A_68 : vector<16xi32>
    %rem3A_70 = arith.constant 200 : i32
    %rem3A_71 = vector.broadcast %rem3A_70 : i32 to vector<16xi32>
    %rem3A_72 = arith.remsi %add3A_69, %rem3A_71 : vector<16xi32>
    %add3A_73 = vector.broadcast %mul3A_4 : i32 to vector<16xi32>
    %add3A_74 = arith.addi %rem3A_72, %add3A_73 : vector<16xi32>
    %swap3A_75 = arith.constant 80 : index
    %swap3A_76 = tpu.vector_load %arg16[%swap3A_75] {strides = array<i32>} : memref<256xi32, #tpu.memory_space<vmem>>, vector<16xi32>,
    %swap3A_77 = vector.shape_cast %swap3A_76 : vector<16xi32> to vector<16xi32>
    %swap3A_78 = vector.shape_cast %add3A_74 : vector<16xi32> to vector<16xi32>
    tpu.vector_store %arg16[%swap3A_75], %swap3A_78 {strides = array<i32>} : memref<256xi32, #tpu.memory_space<vmem>>, vector<16xi32>,
    %broadcast_in_dim3A_79 = arith.constant 96 : i32
    %broadcast_in_dim3A_80 = vector.broadcast %broadcast_in_dim3A_79 : i32 to vector<16xi32>
    %iota3A_81 = tpu.iota {dimensions = array<i32: 0>} : vector<16xi32>
    %add3A_82 = arith.addi %broadcast_in_dim3A_80, %iota3A_81 : vector<16xi32>
    %rem3A_83 = arith.constant 200 : i32
    %rem3A_84 = vector.broadcast %rem3A_83 : i32 to vector<16xi32>
    %rem3A_85 = arith.remsi %add3A_82, %rem3A_84 : vector<16xi32>
    %add3A_86 = vector.broadcast %mul3A_4 : i32 to vector<16xi32>
    %add3A_87 = arith.addi %rem3A_85, %add3A_86 : vector<16xi32>
    %swap3A_88 = arith.constant 96 : index
    %swap3A_89 = tpu.vector_load %arg16[%swap3A_88] {strides = array<i32>} : memref<256xi32, #tpu.memory_space<vmem>>, vector<16xi32>,
    %swap3A_90 = vector.shape_cast %swap3A_89 : vector<16xi32> to vector<16xi32>
    %swap3A_91 = vector.shape_cast %add3A_87 : vector<16xi32> to vector<16xi32>
    tpu.vector_store %arg16[%swap3A_88], %swap3A_91 {strides = array<i32>} : memref<256xi32, #tpu.memory_space<vmem>>, vector<16xi32>,
    %broadcast_in_dim3A_92 = arith.constant 112 : i32
    %broadcast_in_dim3A_93 = vector.broadcast %broadcast_in_dim3A_92 : i32 to vector<16xi32>
    %iota3A_94 = tpu.iota {dimensions = array<i32: 0>} : vector<16xi32>
    %add3A_95 = arith.addi %broadcast_in_dim3A_93, %iota3A_94 : vector<16xi32>
    %rem3A_96 = arith.constant 200 : i32
    %rem3A_97 = vector.broadcast %rem3A_96 : i32 to vector<16xi32>
    %rem3A_98 = arith.remsi %add3A_95, %rem3A_97 : vector<16xi32>
    %add3A_99 = vector.broadcast %mul3A_4 : i32 to vector<16xi32>
    %add3A_100 = arith.addi %rem3A_98, %add3A_99 : vector<16xi32>
    %swap3A_101 = arith.constant 112 : index
    %swap3A_102 = tpu.vector_load %arg16[%swap3A_101] {strides = array<i32>} : memref<256xi32, #tpu.memory_space<vmem>>, vector<16xi32>,
    %swap3A_103 = vector.shape_cast %swap3A_102 : vector<16xi32> to vector<16xi32>
    %swap3A_104 = vector.shape_cast %add3A_100 : vector<16xi32> to vector<16xi32>
    tpu.vector_store %arg16[%swap3A_101], %swap3A_104 {strides = array<i32>} : memref<256xi32, #tpu.memory_space<vmem>>, vector<16xi32>,
    %broadcast_in_dim3A_105 = arith.constant 128 : i32
    %broadcast_in_dim3A_106 = vector.broadcast %broadcast_in_dim3A_105 : i32 to vector<16xi32>
    %iota3A_107 = tpu.iota {dimensions = array<i32: 0>} : vector<16xi32>
    %add3A_108 = arith.addi %broadcast_in_dim3A_106, %iota3A_107 : vector<16xi32>
    %rem3A_109 = arith.constant 200 : i32
    %rem3A_110 = vector.broadcast %rem3A_109 : i32 to vector<16xi32>
    %rem3A_111 = arith.remsi %add3A_108, %rem3A_110 : vector<16xi32>
    %add3A_112 = vector.broadcast %mul3A_4 : i32 to vector<16xi32>
    %add3A_113 = arith.addi %rem3A_111, %add3A_112 : vector<16xi32>
    %swap3A_114 = arith.constant 128 : index
    %swap3A_115 = tpu.vector_load %arg16[%swap3A_114] {strides = array<i32>} : memref<256xi32, #tpu.memory_space<vmem>>, vector<16xi32>,
    %swap3A_116 = vector.shape_cast %swap3A_115 : vector<16xi32> to vector<16xi32>
    %swap3A_117 = vector.shape_cast %add3A_113 : vector<16xi32> to vector<16xi32>
    tpu.vector_store %arg16[%swap3A_114], %swap3A_117 {strides = array<i32>} : memref<256xi32, #tpu.memory_space<vmem>>, vector<16xi32>,
    %broadcast_in_dim3A_118 = arith.constant 144 : i32
    %broadcast_in_dim3A_119 = vector.broadcast %broadcast_in_dim3A_118 : i32 to vector<16xi32>
    %iota3A_120 = tpu.iota {dimensions = array<i32: 0>} : vector<16xi32>
    %add3A_121 = arith.addi %broadcast_in_dim3A_119, %iota3A_120 : vector<16xi32>
    %rem3A_122 = arith.constant 200 : i32
    %rem3A_123 = vector.broadcast %rem3A_122 : i32 to vector<16xi32>
    %rem3A_124 = arith.remsi %add3A_121, %rem3A_123 : vector<16xi32>
    %add3A_125 = vector.broadcast %mul3A_4 : i32 to vector<16xi32>
    %add3A_126 = arith.addi %rem3A_124, %add3A_125 : vector<16xi32>
    %swap3A_127 = arith.constant 144 : index
    %swap3A_128 = tpu.vector_load %arg16[%swap3A_127] {strides = array<i32>} : memref<256xi32, #tpu.memory_space<vmem>>, vector<16xi32>,
    %swap3A_129 = vector.shape_cast %swap3A_128 : vector<16xi32> to vector<16xi32>
    %swap3A_130 = vector.shape_cast %add3A_126 : vector<16xi32> to vector<16xi32>
    tpu.vector_store %arg16[%swap3A_127], %swap3A_130 {strides = array<i32>} : memref<256xi32, #tpu.memory_space<vmem>>, vector<16xi32>,
    %broadcast_in_dim3A_131 = arith.constant 160 : i32
    %broadcast_in_dim3A_132 = vector.broadcast %broadcast_in_dim3A_131 : i32 to vector<16xi32>
    %iota3A_133 = tpu.iota {dimensions = array<i32: 0>} : vector<16xi32>
    %add3A_134 = arith.addi %broadcast_in_dim3A_132, %iota3A_133 : vector<16xi32>
    %rem3A_135 = arith.constant 200 : i32
    %rem3A_136 = vector.broadcast %rem3A_135 : i32 to vector<16xi32>
    %rem3A_137 = arith.remsi %add3A_134, %rem3A_136 : vector<16xi32>
    %add3A_138 = vector.broadcast %mul3A_4 : i32 to vector<16xi32>
    %add3A_139 = arith.addi %rem3A_137, %add3A_138 : vector<16xi32>
    %swap3A_140 = arith.constant 160 : index
    %swap3A_141 = tpu.vector_load %arg16[%swap3A_140] {strides = array<i32>} : memref<256xi32, #tpu.memory_space<vmem>>, vector<16xi32>,
    %swap3A_142 = vector.shape_cast %swap3A_141 : vector<16xi32> to vector<16xi32>
    %swap3A_143 = vector.shape_cast %add3A_139 : vector<16xi32> to vector<16xi32>
    tpu.vector_store %arg16[%swap3A_140], %swap3A_143 {strides = array<i32>} : memref<256xi32, #tpu.memory_space<vmem>>, vector<16xi32>,
    %broadcast_in_dim3A_144 = arith.constant 176 : i32
    %broadcast_in_dim3A_145 = vector.broadcast %broadcast_in_dim3A_144 : i32 to vector<16xi32>
    %iota3A_146 = tpu.iota {dimensions = array<i32: 0>} : vector<16xi32>
    %add3A_147 = arith.addi %broadcast_in_dim3A_145, %iota3A_146 : vector<16xi32>
    %rem3A_148 = arith.constant 200 : i32
    %rem3A_149 = vector.broadcast %rem3A_148 : i32 to vector<16xi32>
    %rem3A_150 = arith.remsi %add3A_147, %rem3A_149 : vector<16xi32>
    %add3A_151 = vector.broadcast %mul3A_4 : i32 to vector<16xi32>
    %add3A_152 = arith.addi %rem3A_150, %add3A_151 : vector<16xi32>
    %swap3A_153 = arith.constant 176 : index
    %swap3A_154 = tpu.vector_load %arg16[%swap3A_153] {strides = array<i32>} : memref<256xi32, #tpu.memory_space<vmem>>, vector<16xi32>,
    %swap3A_155 = vector.shape_cast %swap3A_154 : vector<16xi32> to vector<16xi32>
    %swap3A_156 = vector.shape_cast %add3A_152 : vector<16xi32> to vector<16xi32>
    tpu.vector_store %arg16[%swap3A_153], %swap3A_156 {strides = array<i32>} : memref<256xi32, #tpu.memory_space<vmem>>, vector<16xi32>,
    %broadcast_in_dim3A_157 = arith.constant 192 : i32
    %broadcast_in_dim3A_158 = vector.broadcast %broadcast_in_dim3A_157 : i32 to vector<16xi32>
    %iota3A_159 = tpu.iota {dimensions = array<i32: 0>} : vector<16xi32>
    %add3A_160 = arith.addi %broadcast_in_dim3A_158, %iota3A_159 : vector<16xi32>
    %rem3A_161 = arith.constant 200 : i32
    %rem3A_162 = vector.broadcast %rem3A_161 : i32 to vector<16xi32>
    %rem3A_163 = arith.remsi %add3A_160, %rem3A_162 : vector<16xi32>
    %add3A_164 = vector.broadcast %mul3A_4 : i32 to vector<16xi32>
    %add3A_165 = arith.addi %rem3A_163, %add3A_164 : vector<16xi32>
    %swap3A_166 = arith.constant 192 : index
    %swap3A_167 = tpu.vector_load %arg16[%swap3A_166] {strides = array<i32>} : memref<256xi32, #tpu.memory_space<vmem>>, vector<16xi32>,
    %swap3A_168 = vector.shape_cast %swap3A_167 : vector<16xi32> to vector<16xi32>
    %swap3A_169 = vector.shape_cast %add3A_165 : vector<16xi32> to vector<16xi32>
    tpu.vector_store %arg16[%swap3A_166], %swap3A_169 {strides = array<i32>} : memref<256xi32, #tpu.memory_space<vmem>>, vector<16xi32>,
    %broadcast_in_dim3A_170 = arith.constant 208 : i32
    %broadcast_in_dim3A_171 = vector.broadcast %broadcast_in_dim3A_170 : i32 to vector<16xi32>
    %iota3A_172 = tpu.iota {dimensions = array<i32: 0>} : vector<16xi32>
    %add3A_173 = arith.addi %broadcast_in_dim3A_171, %iota3A_172 : vector<16xi32>
    %rem3A_174 = arith.constant 200 : i32
    %rem3A_175 = vector.broadcast %rem3A_174 : i32 to vector<16xi32>
    %rem3A_176 = arith.remsi %add3A_173, %rem3A_175 : vector<16xi32>
    %add3A_177 = vector.broadcast %mul3A_4 : i32 to vector<16xi32>
    %add3A_178 = arith.addi %rem3A_176, %add3A_177 : vector<16xi32>
    %swap3A_179 = arith.constant 208 : index
    %swap3A_180 = tpu.vector_load %arg16[%swap3A_179] {strides = array<i32>} : memref<256xi32, #tpu.memory_space<vmem>>, vector<16xi32>,
    %swap3A_181 = vector.shape_cast %swap3A_180 : vector<16xi32> to vector<16xi32>
    %swap3A_182 = vector.shape_cast %add3A_178 : vector<16xi32> to vector<16xi32>
    tpu.vector_store %arg16[%swap3A_179], %swap3A_182 {strides = array<i32>} : memref<256xi32, #tpu.memory_space<vmem>>, vector<16xi32>,
    %broadcast_in_dim3A_183 = arith.constant 224 : i32
    %broadcast_in_dim3A_184 = vector.broadcast %broadcast_in_dim3A_183 : i32 to vector<16xi32>
    %iota3A_185 = tpu.iota {dimensions = array<i32: 0>} : vector<16xi32>
    %add3A_186 = arith.addi %broadcast_in_dim3A_184, %iota3A_185 : vector<16xi32>
    %rem3A_187 = arith.constant 200 : i32
    %rem3A_188 = vector.broadcast %rem3A_187 : i32 to vector<16xi32>
    %rem3A_189 = arith.remsi %add3A_186, %rem3A_188 : vector<16xi32>
    %add3A_190 = vector.broadcast %mul3A_4 : i32 to vector<16xi32>
    %add3A_191 = arith.addi %rem3A_189, %add3A_190 : vector<16xi32>
    %swap3A_192 = arith.constant 224 : index
    %swap3A_193 = tpu.vector_load %arg16[%swap3A_192] {strides = array<i32>} : memref<256xi32, #tpu.memory_space<vmem>>, vector<16xi32>,
    %swap3A_194 = vector.shape_cast %swap3A_193 : vector<16xi32> to vector<16xi32>
    %swap3A_195 = vector.shape_cast %add3A_191 : vector<16xi32> to vector<16xi32>
    tpu.vector_store %arg16[%swap3A_192], %swap3A_195 {strides = array<i32>} : memref<256xi32, #tpu.memory_space<vmem>>, vector<16xi32>,
    %broadcast_in_dim3A_196 = arith.constant 240 : i32
    %broadcast_in_dim3A_197 = vector.broadcast %broadcast_in_dim3A_196 : i32 to vector<16xi32>
    %iota3A_198 = tpu.iota {dimensions = array<i32: 0>} : vector<16xi32>
    %add3A_199 = arith.addi %broadcast_in_dim3A_197, %iota3A_198 : vector<16xi32>
    %rem3A_200 = arith.constant 200 : i32
    %rem3A_201 = vector.broadcast %rem3A_200 : i32 to vector<16xi32>
    %rem3A_202 = arith.remsi %add3A_199, %rem3A_201 : vector<16xi32>
    %add3A_203 = vector.broadcast %mul3A_4 : i32 to vector<16xi32>
    %add3A_204 = arith.addi %rem3A_202, %add3A_203 : vector<16xi32>
    %swap3A_205 = arith.constant 240 : index
    %swap3A_206 = tpu.vector_load %arg16[%swap3A_205] {strides = array<i32>} : memref<256xi32, #tpu.memory_space<vmem>>, vector<16xi32>,
    %swap3A_207 = vector.shape_cast %swap3A_206 : vector<16xi32> to vector<16xi32>
    %swap3A_208 = vector.shape_cast %add3A_204 : vector<16xi32> to vector<16xi32>
    tpu.vector_store %arg16[%swap3A_205], %swap3A_208 {strides = array<i32>} : memref<256xi32, #tpu.memory_space<vmem>>, vector<16xi32>,
    %jit3A = arith.constant 4 : i32
    %div3A = arith.divsi %arg1, %jit3A : i32
    %sign3A = arith.constant 0 : i32
    %sign3A_209 = arith.cmpi sgt, %arg1, %sign3A : i32
    %sign3A_210 = arith.extui %sign3A_209 : i1 to i32
    %sign3A_211 = arith.constant 0 : i32
    %sign3A_212 = arith.cmpi slt, %arg1, %sign3A_211 : i32
    %sign3A_213 = arith.extui %sign3A_212 : i1 to i32
    %sign3A_214 = arith.subi %sign3A_210, %sign3A_213 : i32
    %sign3A_215 = arith.constant 0 : i32
    %sign3A_216 = arith.cmpi sgt, %jit3A, %sign3A_215 : i32
    %sign3A_217 = arith.extui %sign3A_216 : i1 to i32
    %sign3A_218 = arith.constant 0 : i32
    %sign3A_219 = arith.cmpi slt, %jit3A, %sign3A_218 : i32
    %sign3A_220 = arith.extui %sign3A_219 : i1 to i32
    %sign3A_221 = arith.subi %sign3A_217, %sign3A_220 : i32
    %ne3A = arith.cmpi ne, %sign3A_214, %sign3A_221 : i32
    %rem3A_222 = arith.remsi %arg1, %jit3A : i32
    %ne3A_223 = arith.constant 0 : i32
    %ne3A_224 = arith.cmpi ne, %rem3A_222, %ne3A_223 : i32
    %and3A = arith.andi %ne3A, %ne3A_224 : i1
    %sub3A = arith.constant 1 : i32
    %sub3A_225 = arith.subi %div3A, %sub3A : i32
    %select_n3A = arith.select %and3A, %sub3A_225, %div3A : i32
    %jit3A_226 = arith.constant 4 : i32
    %eq3A = arith.constant 0 : i32
    %eq3A_227 = arith.cmpi eq, %jit3A_226, %eq3A : i32
    %jit3A_228 = arith.constant 1 : i32
    %select_n3A_229 = arith.select %eq3A_227, %jit3A_228, %jit3A_226 : i32
    %rem3A_230 = arith.remsi %arg1, %select_n3A_229 : i32
    %ne3A_231 = arith.constant 0 : i32
    %ne3A_232 = arith.cmpi ne, %rem3A_230, %ne3A_231 : i32
    %lt3A = arith.constant 0 : i32
    %lt3A_233 = arith.cmpi slt, %rem3A_230, %lt3A : i32
    %lt3A_234 = arith.constant 0 : i32
    %lt3A_235 = arith.cmpi slt, %select_n3A_229, %lt3A_234 : i32
    %ne3A_236 = arith.xori %lt3A_233, %lt3A_235 : i1
    %and3A_237 = arith.andi %ne3A_236, %ne3A_232 : i1
    %add3A_238 = arith.addi %rem3A_230, %select_n3A_229 : i32
    %select_n3A_239 = arith.select %and3A_237, %add3A_238, %rem3A_230 : i32
    %mul3A_240 = arith.constant 50 : i32
    %mul3A_241 = arith.muli %select_n3A_239, %mul3A_240 : i32
    %get3A = arith.index_cast %select_n3A : i32 to index
    %get3A_242 = arith.constant 0 : index
    %get3A_243 = tpu.vector_load %arg17[%get3A, %get3A_242] {strides = array<i32>} : memref<4x64xf32, #tpu.memory_space<vmem>>, vector<1x16xf32>,
    %get3A_244 = vector.shape_cast %get3A_243 : vector<1x16xf32> to vector<16xf32>
    %get3A_245 = arith.index_cast %select_n3A : i32 to index
    %get3A_246 = arith.constant 16 : index
    %get3A_247 = tpu.vector_load %arg17[%get3A_245, %get3A_246] {strides = array<i32>} : memref<4x64xf32, #tpu.memory_space<vmem>>, vector<1x16xf32>,
    %get3A_248 = vector.shape_cast %get3A_247 : vector<1x16xf32> to vector<16xf32>
    %get3A_249 = arith.index_cast %select_n3A : i32 to index
    %get3A_250 = arith.constant 32 : index
    %get3A_251 = tpu.vector_load %arg17[%get3A_249, %get3A_250] {strides = array<i32>} : memref<4x64xf32, #tpu.memory_space<vmem>>, vector<1x16xf32>,
    %get3A_252 = vector.shape_cast %get3A_251 : vector<1x16xf32> to vector<16xf32>
    %get3A_253 = arith.index_cast %select_n3A : i32 to index
    %get3A_254 = arith.constant 48 : index
    %get3A_255 = tpu.vector_load %arg17[%get3A_253, %get3A_254] {strides = array<i32>} : memref<4x64xf32, #tpu.memory_space<vmem>>, vector<1x16xf32>,
    %get3A_256 = vector.shape_cast %get3A_255 : vector<1x16xf32> to vector<16xf32>
    %scan3A = arith.constant 0 : i32
    %scan3A_257 = arith.constant 50 : i32
    %scan3A_258 = arith.addi %scan3A, %scan3A_257 : i32
    %scan3A_259 = arith.constant 1 : i32
    scf.for %scan3A_1111 = %scan3A to %scan3A_258 step %scan3A_259  : i32 {
      %mul3A_1112 = arith.constant 1 : i32
      %mul3A_1113 = arith.muli %scan3A_1111, %mul3A_1112 : i32
      %add3A_1114 = arith.constant 0 : i32
      %add3A_1115 = arith.addi %add3A_1114, %mul3A_1113 : i32
      %add3A_1116 = arith.addi %mul3A_241, %add3A_1115 : i32
      %get3A_1117 = arith.index_cast %add3A_1116 : i32 to index
      %get3A_1118 = arith.constant 0 : index
      %get3A_1119 = tpu.vector_load %arg15[%get3A_1117, %get3A_1118] {strides = array<i32>} : memref<200x64xf32, #tpu.memory_space<vmem>>, vector<1x16xf32>,
      %get3A_1120 = vector.shape_cast %get3A_1119 : vector<1x16xf32> to vector<16xf32>
      %add3A_1121 = arith.addf %get3A_1120, %get3A_244 : vector<16xf32>
      %swap3A_1122 = arith.index_cast %add3A_1115 : i32 to index
      %swap3A_1123 = arith.constant 0 : index
      %swap3A_1124 = tpu.vector_load %arg18[%swap3A_1122, %swap3A_1123] {strides = array<i32>} : memref<50x64xf32, #tpu.memory_space<vmem>>, vector<1x16xf32>,
      %swap3A_1125 = vector.shape_cast %swap3A_1124 : vector<1x16xf32> to vector<16xf32>
      %swap3A_1126 = vector.shape_cast %add3A_1121 : vector<16xf32> to vector<1x16xf32>
      tpu.vector_store %arg18[%swap3A_1122, %swap3A_1123], %swap3A_1126 {strides = array<i32>} : memref<50x64xf32, #tpu.memory_space<vmem>>, vector<1x16xf32>,
      %add3A_1127 = arith.addi %mul3A_241, %add3A_1115 : i32
      %get3A_1128 = arith.index_cast %add3A_1127 : i32 to index
      %get3A_1129 = arith.constant 16 : index
      %get3A_1130 = tpu.vector_load %arg15[%get3A_1128, %get3A_1129] {strides = array<i32>} : memref<200x64xf32, #tpu.memory_space<vmem>>, vector<1x16xf32>,
      %get3A_1131 = vector.shape_cast %get3A_1130 : vector<1x16xf32> to vector<16xf32>
      %add3A_1132 = arith.addf %get3A_1131, %get3A_248 : vector<16xf32>
      %swap3A_1133 = arith.index_cast %add3A_1115 : i32 to index
      %swap3A_1134 = arith.constant 16 : index
      %swap3A_1135 = tpu.vector_load %arg18[%swap3A_1133, %swap3A_1134] {strides = array<i32>} : memref<50x64xf32, #tpu.memory_space<vmem>>, vector<1x16xf32>,
      %swap3A_1136 = vector.shape_cast %swap3A_1135 : vector<1x16xf32> to vector<16xf32>
      %swap3A_1137 = vector.shape_cast %add3A_1132 : vector<16xf32> to vector<1x16xf32>
      tpu.vector_store %arg18[%swap3A_1133, %swap3A_1134], %swap3A_1137 {strides = array<i32>} : memref<50x64xf32, #tpu.memory_space<vmem>>, vector<1x16xf32>,
      %add3A_1138 = arith.addi %mul3A_241, %add3A_1115 : i32
      %get3A_1139 = arith.index_cast %add3A_1138 : i32 to index
      %get3A_1140 = arith.constant 32 : index
      %get3A_1141 = tpu.vector_load %arg15[%get3A_1139, %get3A_1140] {strides = array<i32>} : memref<200x64xf32, #tpu.memory_space<vmem>>, vector<1x16xf32>,
      %get3A_1142 = vector.shape_cast %get3A_1141 : vector<1x16xf32> to vector<16xf32>
      %add3A_1143 = arith.addf %get3A_1142, %get3A_252 : vector<16xf32>
      %swap3A_1144 = arith.index_cast %add3A_1115 : i32 to index
      %swap3A_1145 = arith.constant 32 : index
      %swap3A_1146 = tpu.vector_load %arg18[%swap3A_1144, %swap3A_1145] {strides = array<i32>} : memref<50x64xf32, #tpu.memory_space<vmem>>, vector<1x16xf32>,
      %swap3A_1147 = vector.shape_cast %swap3A_1146 : vector<1x16xf32> to vector<16xf32>
      %swap3A_1148 = vector.shape_cast %add3A_1143 : vector<16xf32> to vector<1x16xf32>
      tpu.vector_store %arg18[%swap3A_1144, %swap3A_1145], %swap3A_1148 {strides = array<i32>} : memref<50x64xf32, #tpu.memory_space<vmem>>, vector<1x16xf32>,
      %add3A_1149 = arith.addi %mul3A_241, %add3A_1115 : i32
      %get3A_1150 = arith.index_cast %add3A_1149 : i32 to index
      %get3A_1151 = arith.constant 48 : index
      %get3A_1152 = tpu.vector_load %arg15[%get3A_1150, %get3A_1151] {strides = array<i32>} : memref<200x64xf32, #tpu.memory_space<vmem>>, vector<1x16xf32>,
      %get3A_1153 = vector.shape_cast %get3A_1152 : vector<1x16xf32> to vector<16xf32>
      %add3A_1154 = arith.addf %get3A_1153, %get3A_256 : vector<16xf32>
      %swap3A_1155 = arith.index_cast %add3A_1115 : i32 to index
      %swap3A_1156 = arith.constant 48 : index
      %swap3A_1157 = tpu.vector_load %arg18[%swap3A_1155, %swap3A_1156] {strides = array<i32>} : memref<50x64xf32, #tpu.memory_space<vmem>>, vector<1x16xf32>,
      %swap3A_1158 = vector.shape_cast %swap3A_1157 : vector<1x16xf32> to vector<16xf32>
      %swap3A_1159 = vector.shape_cast %add3A_1154 : vector<16xf32> to vector<1x16xf32>
      tpu.vector_store %arg18[%swap3A_1155, %swap3A_1156], %swap3A_1159 {strides = array<i32>} : memref<50x64xf32, #tpu.memory_space<vmem>>, vector<1x16xf32>,
    }
    %scan3A_260 = arith.constant 50 : i32
    %mul3A_261 = arith.constant 50 : i32
    %mul3A_262 = arith.muli %arg1, %mul3A_261 : i32
    %add3A_263 = arith.addi %mul3A_4, %mul3A_262 : i32
    "tpu.region"() ({
      %run_scoped3A = tpu.sem_alloc : memref<!tpu.dma_semaphore, #tpu.memory_space<semaphore_mem>>
      %dma_start3A_1111 = arith.constant 0 : i32
      %dma_start3A_1112 = tpu.memref_slice %arg9[%add3A_263, %dma_start3A_1111] : memref<1600x64xf32, #tpu.memory_space<hbm>> -> memref<50x64xf32, #tpu.memory_space<hbm>>
      %dma_start3A_1113 = arith.constant 0 : i32
      %dma_start3A_1114 = tpu.memref_slice %arg9[%add3A_263, %dma_start3A_1113] : memref<1600x64xf32, #tpu.memory_space<hbm>> -> memref<50x64xf32, #tpu.memory_space<hbm>>
      tpu.enqueue_dma source(%arg18 : memref<50x64xf32, #tpu.memory_space<vmem>>) target(%dma_start3A_1114 : memref<50x64xf32, #tpu.memory_space<hbm>>) target_semaphore(%run_scoped3A : memref<!tpu.dma_semaphore, #tpu.memory_space<semaphore_mem>>)
      %dma_wait3A_1115 = arith.constant 0 : i32
      %dma_wait3A_1116 = tpu.memref_slice %arg9[%add3A_263, %dma_wait3A_1115] : memref<1600x64xf32, #tpu.memory_space<hbm>> -> memref<50x64xf32, #tpu.memory_space<hbm>>
      %dma_wait3A_1117 = arith.constant 0 : i32
      %dma_wait3A_1118 = tpu.memref_slice %arg9[%add3A_263, %dma_wait3A_1117] : memref<1600x64xf32, #tpu.memory_space<hbm>> -> memref<50x64xf32, #tpu.memory_space<hbm>>
      tpu.wait_dma2 semaphore(%run_scoped3A : memref<!tpu.dma_semaphore, #tpu.memory_space<semaphore_mem>>) src(%arg18 : memref<50x64xf32, #tpu.memory_space<vmem>>) dst(%dma_wait3A_1118 : memref<50x64xf32, #tpu.memory_space<hbm>>)
      tpu.yield
    }) : () -> ()
    %barrier3A = arith.constant 0 : index
    tpu.barrier barrier_id(%barrier3A)
    %add3A_264 = arith.constant 0 : i32
    %add3A_265 = arith.addi %mul3A_2, %add3A_264 : i32
    %dma_start3A = arith.constant 0 : i32
    %dma_start3A_266 = tpu.memref_slice %arg10[%dma_start3A] : memref<1024xi32, #tpu.memory_space<vmem>> -> memref<256xi32, #tpu.memory_space<vmem>>
    %dma_start3A_267 = arith.constant 0 : i32
    %dma_start3A_268 = tpu.memref_slice %arg2[%add3A_265, %dma_start3A_267] : memref<4096x256xi32, #tpu.memory_space<hbm>> -> memref<1x256xi32, #tpu.memory_space<hbm>>
    %dma_start3A_269 = tpu.memref_squeeze %dma_start3A_268 : memref<1x256xi32, #tpu.memory_space<hbm>> -> memref<256xi32, #tpu.memory_space<hbm>>
    %dma_start3A_270 = arith.constant 0 : i32
    %dma_start3A_271 = tpu.memref_slice %arg10[%dma_start3A_270] : memref<1024xi32, #tpu.memory_space<vmem>> -> memref<256xi32, #tpu.memory_space<vmem>>
    %dma_start3A_272 = arith.constant 0 : i32
    %dma_start3A_273 = tpu.memref_slice %arg2[%add3A_265, %dma_start3A_272] : memref<4096x256xi32, #tpu.memory_space<hbm>> -> memref<1x256xi32, #tpu.memory_space<hbm>>
    %dma_start3A_274 = tpu.memref_squeeze %dma_start3A_273 : memref<1x256xi32, #tpu.memory_space<hbm>> -> memref<256xi32, #tpu.memory_space<hbm>>
    tpu.enqueue_dma source(%dma_start3A_274 : memref<256xi32, #tpu.memory_space<hbm>>) target(%dma_start3A_271 : memref<256xi32, #tpu.memory_space<vmem>>) target_semaphore(%arg19 : memref<!tpu.dma_semaphore, #tpu.memory_space<semaphore_mem>>)
    %dma_start3A_275 = arith.constant 0 : i32
    %dma_start3A_276 = tpu.memref_slice %arg11[%dma_start3A_275] : memref<1024xi32, #tpu.memory_space<vmem>> -> memref<256xi32, #tpu.memory_space<vmem>>
    %dma_start3A_277 = arith.constant 0 : i32
    %dma_start3A_278 = tpu.memref_slice %arg3[%add3A_265, %dma_start3A_277] : memref<4096x256xi32, #tpu.memory_space<hbm>> -> memref<1x256xi32, #tpu.memory_space<hbm>>
    %dma_start3A_279 = tpu.memref_squeeze %dma_start3A_278 : memref<1x256xi32, #tpu.memory_space<hbm>> -> memref<256xi32, #tpu.memory_space<hbm>>
    %dma_start3A_280 = arith.constant 0 : i32
    %dma_start3A_281 = tpu.memref_slice %arg11[%dma_start3A_280] : memref<1024xi32, #tpu.memory_space<vmem>> -> memref<256xi32, #tpu.memory_space<vmem>>
    %dma_start3A_282 = arith.constant 0 : i32
    %dma_start3A_283 = tpu.memref_slice %arg3[%add3A_265, %dma_start3A_282] : memref<4096x256xi32, #tpu.memory_space<hbm>> -> memref<1x256xi32, #tpu.memory_space<hbm>>
    %dma_start3A_284 = tpu.memref_squeeze %dma_start3A_283 : memref<1x256xi32, #tpu.memory_space<hbm>> -> memref<256xi32, #tpu.memory_space<hbm>>
    tpu.enqueue_dma source(%dma_start3A_284 : memref<256xi32, #tpu.memory_space<hbm>>) target(%dma_start3A_281 : memref<256xi32, #tpu.memory_space<vmem>>) target_semaphore(%arg19 : memref<!tpu.dma_semaphore, #tpu.memory_space<semaphore_mem>>)
    %add3A_285 = arith.constant 1 : i32
    %add3A_286 = arith.addi %mul3A_2, %add3A_285 : i32
    %dma_start3A_287 = arith.constant 256 : i32
    %dma_start3A_288 = tpu.memref_slice %arg10[%dma_start3A_287] : memref<1024xi32, #tpu.memory_space<vmem>> -> memref<256xi32, #tpu.memory_space<vmem>>
    %dma_start3A_289 = arith.constant 0 : i32
    %dma_start3A_290 = tpu.memref_slice %arg2[%add3A_286, %dma_start3A_289] : memref<4096x256xi32, #tpu.memory_space<hbm>> -> memref<1x256xi32, #tpu.memory_space<hbm>>
    %dma_start3A_291 = tpu.memref_squeeze %dma_start3A_290 : memref<1x256xi32, #tpu.memory_space<hbm>> -> memref<256xi32, #tpu.memory_space<hbm>>
    %dma_start3A_292 = arith.constant 256 : i32
    %dma_start3A_293 = tpu.memref_slice %arg10[%dma_start3A_292] : memref<1024xi32, #tpu.memory_space<vmem>> -> memref<256xi32, #tpu.memory_space<vmem>>
    %dma_start3A_294 = arith.constant 0 : i32
    %dma_start3A_295 = tpu.memref_slice %arg2[%add3A_286, %dma_start3A_294] : memref<4096x256xi32, #tpu.memory_space<hbm>> -> memref<1x256xi32, #tpu.memory_space<hbm>>
    %dma_start3A_296 = tpu.memref_squeeze %dma_start3A_295 : memref<1x256xi32, #tpu.memory_space<hbm>> -> memref<256xi32, #tpu.memory_space<hbm>>
    tpu.enqueue_dma source(%dma_start3A_296 : memref<256xi32, #tpu.memory_space<hbm>>) target(%dma_start3A_293 : memref<256xi32, #tpu.memory_space<vmem>>) target_semaphore(%arg20 : memref<!tpu.dma_semaphore, #tpu.memory_space<semaphore_mem>>)
    %dma_start3A_297 = arith.constant 256 : i32
    %dma_start3A_298 = tpu.memref_slice %arg11[%dma_start3A_297] : memref<1024xi32, #tpu.memory_space<vmem>> -> memref<256xi32, #tpu.memory_space<vmem>>
    %dma_start3A_299 = arith.constant 0 : i32
    %dma_start3A_300 = tpu.memref_slice %arg3[%add3A_286, %dma_start3A_299] : memref<4096x256xi32, #tpu.memory_space<hbm>> -> memref<1x256xi32, #tpu.memory_space<hbm>>
    %dma_start3A_301 = tpu.memref_squeeze %dma_start3A_300 : memref<1x256xi32, #tpu.memory_space<hbm>> -> memref<256xi32, #tpu.memory_space<hbm>>
    %dma_start3A_302 = arith.constant 256 : i32
    %dma_start3A_303 = tpu.memref_slice %arg11[%dma_start3A_302] : memref<1024xi32, #tpu.memory_space<vmem>> -> memref<256xi32, #tpu.memory_space<vmem>>
    %dma_start3A_304 = arith.constant 0 : i32
    %dma_start3A_305 = tpu.memref_slice %arg3[%add3A_286, %dma_start3A_304] : memref<4096x256xi32, #tpu.memory_space<hbm>> -> memref<1x256xi32, #tpu.memory_space<hbm>>
    %dma_start3A_306 = tpu.memref_squeeze %dma_start3A_305 : memref<1x256xi32, #tpu.memory_space<hbm>> -> memref<256xi32, #tpu.memory_space<hbm>>
    tpu.enqueue_dma source(%dma_start3A_306 : memref<256xi32, #tpu.memory_space<hbm>>) target(%dma_start3A_303 : memref<256xi32, #tpu.memory_space<vmem>>) target_semaphore(%arg20 : memref<!tpu.dma_semaphore, #tpu.memory_space<semaphore_mem>>)
    %add3A_307 = arith.constant 2 : i32
    %add3A_308 = arith.addi %mul3A_2, %add3A_307 : i32
    %dma_start3A_309 = arith.constant 512 : i32
    %dma_start3A_310 = tpu.memref_slice %arg10[%dma_start3A_309] : memref<1024xi32, #tpu.memory_space<vmem>> -> memref<256xi32, #tpu.memory_space<vmem>>
    %dma_start3A_311 = arith.constant 0 : i32
    %dma_start3A_312 = tpu.memref_slice %arg2[%add3A_308, %dma_start3A_311] : memref<4096x256xi32, #tpu.memory_space<hbm>> -> memref<1x256xi32, #tpu.memory_space<hbm>>
    %dma_start3A_313 = tpu.memref_squeeze %dma_start3A_312 : memref<1x256xi32, #tpu.memory_space<hbm>> -> memref<256xi32, #tpu.memory_space<hbm>>
    %dma_start3A_314 = arith.constant 512 : i32
    %dma_start3A_315 = tpu.memref_slice %arg10[%dma_start3A_314] : memref<1024xi32, #tpu.memory_space<vmem>> -> memref<256xi32, #tpu.memory_space<vmem>>
    %dma_start3A_316 = arith.constant 0 : i32
    %dma_start3A_317 = tpu.memref_slice %arg2[%add3A_308, %dma_start3A_316] : memref<4096x256xi32, #tpu.memory_space<hbm>> -> memref<1x256xi32, #tpu.memory_space<hbm>>
    %dma_start3A_318 = tpu.memref_squeeze %dma_start3A_317 : memref<1x256xi32, #tpu.memory_space<hbm>> -> memref<256xi32, #tpu.memory_space<hbm>>
    tpu.enqueue_dma source(%dma_start3A_318 : memref<256xi32, #tpu.memory_space<hbm>>) target(%dma_start3A_315 : memref<256xi32, #tpu.memory_space<vmem>>) target_semaphore(%arg21 : memref<!tpu.dma_semaphore, #tpu.memory_space<semaphore_mem>>)
    %dma_start3A_319 = arith.constant 512 : i32
    %dma_start3A_320 = tpu.memref_slice %arg11[%dma_start3A_319] : memref<1024xi32, #tpu.memory_space<vmem>> -> memref<256xi32, #tpu.memory_space<vmem>>
    %dma_start3A_321 = arith.constant 0 : i32
    %dma_start3A_322 = tpu.memref_slice %arg3[%add3A_308, %dma_start3A_321] : memref<4096x256xi32, #tpu.memory_space<hbm>> -> memref<1x256xi32, #tpu.memory_space<hbm>>
    %dma_start3A_323 = tpu.memref_squeeze %dma_start3A_322 : memref<1x256xi32, #tpu.memory_space<hbm>> -> memref<256xi32, #tpu.memory_space<hbm>>
    %dma_start3A_324 = arith.constant 512 : i32
    %dma_start3A_325 = tpu.memref_slice %arg11[%dma_start3A_324] : memref<1024xi32, #tpu.memory_space<vmem>> -> memref<256xi32, #tpu.memory_space<vmem>>
    %dma_start3A_326 = arith.constant 0 : i32
    %dma_start3A_327 = tpu.memref_slice %arg3[%add3A_308, %dma_start3A_326] : memref<4096x256xi32, #tpu.memory_space<hbm>> -> memref<1x256xi32, #tpu.memory_space<hbm>>
    %dma_start3A_328 = tpu.memref_squeeze %dma_start3A_327 : memref<1x256xi32, #tpu.memory_space<hbm>> -> memref<256xi32, #tpu.memory_space<hbm>>
    tpu.enqueue_dma source(%dma_start3A_328 : memref<256xi32, #tpu.memory_space<hbm>>) target(%dma_start3A_325 : memref<256xi32, #tpu.memory_space<vmem>>) target_semaphore(%arg21 : memref<!tpu.dma_semaphore, #tpu.memory_space<semaphore_mem>>)
    %add3A_329 = arith.constant 3 : i32
    %add3A_330 = arith.addi %mul3A_2, %add3A_329 : i32
    %dma_start3A_331 = arith.constant 768 : i32
    %dma_start3A_332 = tpu.memref_slice %arg10[%dma_start3A_331] : memref<1024xi32, #tpu.memory_space<vmem>> -> memref<256xi32, #tpu.memory_space<vmem>>
    %dma_start3A_333 = arith.constant 0 : i32
    %dma_start3A_334 = tpu.memref_slice %arg2[%add3A_330, %dma_start3A_333] : memref<4096x256xi32, #tpu.memory_space<hbm>> -> memref<1x256xi32, #tpu.memory_space<hbm>>
    %dma_start3A_335 = tpu.memref_squeeze %dma_start3A_334 : memref<1x256xi32, #tpu.memory_space<hbm>> -> memref<256xi32, #tpu.memory_space<hbm>>
    %dma_start3A_336 = arith.constant 768 : i32
    %dma_start3A_337 = tpu.memref_slice %arg10[%dma_start3A_336] : memref<1024xi32, #tpu.memory_space<vmem>> -> memref<256xi32, #tpu.memory_space<vmem>>
    %dma_start3A_338 = arith.constant 0 : i32
    %dma_start3A_339 = tpu.memref_slice %arg2[%add3A_330, %dma_start3A_338] : memref<4096x256xi32, #tpu.memory_space<hbm>> -> memref<1x256xi32, #tpu.memory_space<hbm>>
    %dma_start3A_340 = tpu.memref_squeeze %dma_start3A_339 : memref<1x256xi32, #tpu.memory_space<hbm>> -> memref<256xi32, #tpu.memory_space<hbm>>
    tpu.enqueue_dma source(%dma_start3A_340 : memref<256xi32, #tpu.memory_space<hbm>>) target(%dma_start3A_337 : memref<256xi32, #tpu.memory_space<vmem>>) target_semaphore(%arg22 : memref<!tpu.dma_semaphore, #tpu.memory_space<semaphore_mem>>)
    %dma_start3A_341 = arith.constant 768 : i32
    %dma_start3A_342 = tpu.memref_slice %arg11[%dma_start3A_341] : memref<1024xi32, #tpu.memory_space<vmem>> -> memref<256xi32, #tpu.memory_space<vmem>>
    %dma_start3A_343 = arith.constant 0 : i32
    %dma_start3A_344 = tpu.memref_slice %arg3[%add3A_330, %dma_start3A_343] : memref<4096x256xi32, #tpu.memory_space<hbm>> -> memref<1x256xi32, #tpu.memory_space<hbm>>
    %dma_start3A_345 = tpu.memref_squeeze %dma_start3A_344 : memref<1x256xi32, #tpu.memory_space<hbm>> -> memref<256xi32, #tpu.memory_space<hbm>>
    %dma_start3A_346 = arith.constant 768 : i32
    %dma_start3A_347 = tpu.memref_slice %arg11[%dma_start3A_346] : memref<1024xi32, #tpu.memory_space<vmem>> -> memref<256xi32, #tpu.memory_space<vmem>>
    %dma_start3A_348 = arith.constant 0 : i32
    %dma_start3A_349 = tpu.memref_slice %arg3[%add3A_330, %dma_start3A_348] : memref<4096x256xi32, #tpu.memory_space<hbm>> -> memref<1x256xi32, #tpu.memory_space<hbm>>
    %dma_start3A_350 = tpu.memref_squeeze %dma_start3A_349 : memref<1x256xi32, #tpu.memory_space<hbm>> -> memref<256xi32, #tpu.memory_space<hbm>>
    tpu.enqueue_dma source(%dma_start3A_350 : memref<256xi32, #tpu.memory_space<hbm>>) target(%dma_start3A_347 : memref<256xi32, #tpu.memory_space<vmem>>) target_semaphore(%arg22 : memref<!tpu.dma_semaphore, #tpu.memory_space<semaphore_mem>>)
    %add3A_351 = arith.constant 0 : i32
    %add3A_352 = arith.addi %mul3A_2, %add3A_351 : i32
    %dma_wait3A = arith.constant 0 : i32
    %dma_wait3A_353 = tpu.memref_slice %arg10[%dma_wait3A] : memref<1024xi32, #tpu.memory_space<vmem>> -> memref<256xi32, #tpu.memory_space<vmem>>
    %dma_wait3A_354 = arith.constant 0 : i32
    %dma_wait3A_355 = tpu.memref_slice %arg2[%add3A_352, %dma_wait3A_354] : memref<4096x256xi32, #tpu.memory_space<hbm>> -> memref<1x256xi32, #tpu.memory_space<hbm>>
    %dma_wait3A_356 = tpu.memref_squeeze %dma_wait3A_355 : memref<1x256xi32, #tpu.memory_space<hbm>> -> memref<256xi32, #tpu.memory_space<hbm>>
    %dma_wait3A_357 = arith.constant 0 : i32
    %dma_wait3A_358 = tpu.memref_slice %arg10[%dma_wait3A_357] : memref<1024xi32, #tpu.memory_space<vmem>> -> memref<256xi32, #tpu.memory_space<vmem>>
    %dma_wait3A_359 = arith.constant 0 : i32
    %dma_wait3A_360 = tpu.memref_slice %arg2[%add3A_352, %dma_wait3A_359] : memref<4096x256xi32, #tpu.memory_space<hbm>> -> memref<1x256xi32, #tpu.memory_space<hbm>>
    %dma_wait3A_361 = tpu.memref_squeeze %dma_wait3A_360 : memref<1x256xi32, #tpu.memory_space<hbm>> -> memref<256xi32, #tpu.memory_space<hbm>>
    tpu.wait_dma2 semaphore(%arg19 : memref<!tpu.dma_semaphore, #tpu.memory_space<semaphore_mem>>) src(%dma_wait3A_361 : memref<256xi32, #tpu.memory_space<hbm>>) dst(%dma_wait3A_358 : memref<256xi32, #tpu.memory_space<vmem>>)
    %dma_wait3A_362 = arith.constant 0 : i32
    %dma_wait3A_363 = tpu.memref_slice %arg11[%dma_wait3A_362] : memref<1024xi32, #tpu.memory_space<vmem>> -> memref<256xi32, #tpu.memory_space<vmem>>
    %dma_wait3A_364 = arith.constant 0 : i32
    %dma_wait3A_365 = tpu.memref_slice %arg3[%add3A_352, %dma_wait3A_364] : memref<4096x256xi32, #tpu.memory_space<hbm>> -> memref<1x256xi32, #tpu.memory_space<hbm>>
    %dma_wait3A_366 = tpu.memref_squeeze %dma_wait3A_365 : memref<1x256xi32, #tpu.memory_space<hbm>> -> memref<256xi32, #tpu.memory_space<hbm>>
    %dma_wait3A_367 = arith.constant 0 : i32
    %dma_wait3A_368 = tpu.memref_slice %arg11[%dma_wait3A_367] : memref<1024xi32, #tpu.memory_space<vmem>> -> memref<256xi32, #tpu.memory_space<vmem>>
    %dma_wait3A_369 = arith.constant 0 : i32
    %dma_wait3A_370 = tpu.memref_slice %arg3[%add3A_352, %dma_wait3A_369] : memref<4096x256xi32, #tpu.memory_space<hbm>> -> memref<1x256xi32, #tpu.memory_space<hbm>>
    %dma_wait3A_371 = tpu.memref_squeeze %dma_wait3A_370 : memref<1x256xi32, #tpu.memory_space<hbm>> -> memref<256xi32, #tpu.memory_space<hbm>>
    tpu.wait_dma2 semaphore(%arg19 : memref<!tpu.dma_semaphore, #tpu.memory_space<semaphore_mem>>) src(%dma_wait3A_371 : memref<256xi32, #tpu.memory_space<hbm>>) dst(%dma_wait3A_368 : memref<256xi32, #tpu.memory_space<vmem>>)
    %get3A_372 = arith.constant 0 : index
    %get3A_373 = tpu.vector_load %arg11[%get3A_372] {strides = array<i32>} : memref<1024xi32, #tpu.memory_space<vmem>>, vector<16xi32>,
    %get3A_374 = vector.shape_cast %get3A_373 : vector<16xi32> to vector<16xi32>
    %mul3A_375 = arith.constant 200 : i32
    %mul3A_376 = vector.broadcast %mul3A_375 : i32 to vector<16xi32>
    %mul3A_377 = arith.muli %get3A_374, %mul3A_376 : vector<16xi32>
    %get3A_378 = arith.constant 0 : index
    %get3A_379 = tpu.vector_load %arg16[%get3A_378] {strides = array<i32>} : memref<256xi32, #tpu.memory_space<vmem>>, vector<16xi32>,
    %get3A_380 = vector.shape_cast %get3A_379 : vector<16xi32> to vector<16xi32>
    %add3A_381 = arith.addi %mul3A_377, %get3A_380 : vector<16xi32>
    %swap3A_382 = arith.constant 0 : index
    %swap3A_383 = tpu.vector_load %arg12[%swap3A_382] {strides = array<i32>} : memref<1024xi32, #tpu.memory_space<vmem>>, vector<16xi32>,
    %swap3A_384 = vector.shape_cast %swap3A_383 : vector<16xi32> to vector<16xi32>
    %swap3A_385 = vector.shape_cast %add3A_381 : vector<16xi32> to vector<16xi32>
    tpu.vector_store %arg12[%swap3A_382], %swap3A_385 {strides = array<i32>} : memref<1024xi32, #tpu.memory_space<vmem>>, vector<16xi32>,
    %get3A_386 = arith.constant 16 : index
    %get3A_387 = tpu.vector_load %arg11[%get3A_386] {strides = array<i32>} : memref<1024xi32, #tpu.memory_space<vmem>>, vector<16xi32>,
    %get3A_388 = vector.shape_cast %get3A_387 : vector<16xi32> to vector<16xi32>
    %mul3A_389 = arith.constant 200 : i32
    %mul3A_390 = vector.broadcast %mul3A_389 : i32 to vector<16xi32>
    %mul3A_391 = arith.muli %get3A_388, %mul3A_390 : vector<16xi32>
    %get3A_392 = arith.constant 16 : index
    %get3A_393 = tpu.vector_load %arg16[%get3A_392] {strides = array<i32>} : memref<256xi32, #tpu.memory_space<vmem>>, vector<16xi32>,
    %get3A_394 = vector.shape_cast %get3A_393 : vector<16xi32> to vector<16xi32>
    %add3A_395 = arith.addi %mul3A_391, %get3A_394 : vector<16xi32>
    %swap3A_396 = arith.constant 16 : index
    %swap3A_397 = tpu.vector_load %arg12[%swap3A_396] {strides = array<i32>} : memref<1024xi32, #tpu.memory_space<vmem>>, vector<16xi32>,
    %swap3A_398 = vector.shape_cast %swap3A_397 : vector<16xi32> to vector<16xi32>
    %swap3A_399 = vector.shape_cast %add3A_395 : vector<16xi32> to vector<16xi32>
    tpu.vector_store %arg12[%swap3A_396], %swap3A_399 {strides = array<i32>} : memref<1024xi32, #tpu.memory_space<vmem>>, vector<16xi32>,
    %get3A_400 = arith.constant 32 : index
    %get3A_401 = tpu.vector_load %arg11[%get3A_400] {strides = array<i32>} : memref<1024xi32, #tpu.memory_space<vmem>>, vector<16xi32>,
    %get3A_402 = vector.shape_cast %get3A_401 : vector<16xi32> to vector<16xi32>
    %mul3A_403 = arith.constant 200 : i32
    %mul3A_404 = vector.broadcast %mul3A_403 : i32 to vector<16xi32>
    %mul3A_405 = arith.muli %get3A_402, %mul3A_404 : vector<16xi32>
    %get3A_406 = arith.constant 32 : index
    %get3A_407 = tpu.vector_load %arg16[%get3A_406] {strides = array<i32>} : memref<256xi32, #tpu.memory_space<vmem>>, vector<16xi32>,
    %get3A_408 = vector.shape_cast %get3A_407 : vector<16xi32> to vector<16xi32>
    %add3A_409 = arith.addi %mul3A_405, %get3A_408 : vector<16xi32>
    %swap3A_410 = arith.constant 32 : index
    %swap3A_411 = tpu.vector_load %arg12[%swap3A_410] {strides = array<i32>} : memref<1024xi32, #tpu.memory_space<vmem>>, vector<16xi32>,
    %swap3A_412 = vector.shape_cast %swap3A_411 : vector<16xi32> to vector<16xi32>
    %swap3A_413 = vector.shape_cast %add3A_409 : vector<16xi32> to vector<16xi32>
    tpu.vector_store %arg12[%swap3A_410], %swap3A_413 {strides = array<i32>} : memref<1024xi32, #tpu.memory_space<vmem>>, vector<16xi32>,
    %get3A_414 = arith.constant 48 : index
    %get3A_415 = tpu.vector_load %arg11[%get3A_414] {strides = array<i32>} : memref<1024xi32, #tpu.memory_space<vmem>>, vector<16xi32>,
    %get3A_416 = vector.shape_cast %get3A_415 : vector<16xi32> to vector<16xi32>
    %mul3A_417 = arith.constant 200 : i32
    %mul3A_418 = vector.broadcast %mul3A_417 : i32 to vector<16xi32>
    %mul3A_419 = arith.muli %get3A_416, %mul3A_418 : vector<16xi32>
    %get3A_420 = arith.constant 48 : index
    %get3A_421 = tpu.vector_load %arg16[%get3A_420] {strides = array<i32>} : memref<256xi32, #tpu.memory_space<vmem>>, vector<16xi32>,
    %get3A_422 = vector.shape_cast %get3A_421 : vector<16xi32> to vector<16xi32>
    %add3A_423 = arith.addi %mul3A_419, %get3A_422 : vector<16xi32>
    %swap3A_424 = arith.constant 48 : index
    %swap3A_425 = tpu.vector_load %arg12[%swap3A_424] {strides = array<i32>} : memref<1024xi32, #tpu.memory_space<vmem>>, vector<16xi32>,
    %swap3A_426 = vector.shape_cast %swap3A_425 : vector<16xi32> to vector<16xi32>
    %swap3A_427 = vector.shape_cast %add3A_423 : vector<16xi32> to vector<16xi32>
    tpu.vector_store %arg12[%swap3A_424], %swap3A_427 {strides = array<i32>} : memref<1024xi32, #tpu.memory_space<vmem>>, vector<16xi32>,
    %get3A_428 = arith.constant 64 : index
    %get3A_429 = tpu.vector_load %arg11[%get3A_428] {strides = array<i32>} : memref<1024xi32, #tpu.memory_space<vmem>>, vector<16xi32>,
    %get3A_430 = vector.shape_cast %get3A_429 : vector<16xi32> to vector<16xi32>
    %mul3A_431 = arith.constant 200 : i32
    %mul3A_432 = vector.broadcast %mul3A_431 : i32 to vector<16xi32>
    %mul3A_433 = arith.muli %get3A_430, %mul3A_432 : vector<16xi32>
    %get3A_434 = arith.constant 64 : index
    %get3A_435 = tpu.vector_load %arg16[%get3A_434] {strides = array<i32>} : memref<256xi32, #tpu.memory_space<vmem>>, vector<16xi32>,
    %get3A_436 = vector.shape_cast %get3A_435 : vector<16xi32> to vector<16xi32>
    %add3A_437 = arith.addi %mul3A_433, %get3A_436 : vector<16xi32>
    %swap3A_438 = arith.constant 64 : index
    %swap3A_439 = tpu.vector_load %arg12[%swap3A_438] {strides = array<i32>} : memref<1024xi32, #tpu.memory_space<vmem>>, vector<16xi32>,
    %swap3A_440 = vector.shape_cast %swap3A_439 : vector<16xi32> to vector<16xi32>
    %swap3A_441 = vector.shape_cast %add3A_437 : vector<16xi32> to vector<16xi32>
    tpu.vector_store %arg12[%swap3A_438], %swap3A_441 {strides = array<i32>} : memref<1024xi32, #tpu.memory_space<vmem>>, vector<16xi32>,
    %get3A_442 = arith.constant 80 : index
    %get3A_443 = tpu.vector_load %arg11[%get3A_442] {strides = array<i32>} : memref<1024xi32, #tpu.memory_space<vmem>>, vector<16xi32>,
    %get3A_444 = vector.shape_cast %get3A_443 : vector<16xi32> to vector<16xi32>
    %mul3A_445 = arith.constant 200 : i32
    %mul3A_446 = vector.broadcast %mul3A_445 : i32 to vector<16xi32>
    %mul3A_447 = arith.muli %get3A_444, %mul3A_446 : vector<16xi32>
    %get3A_448 = arith.constant 80 : index
    %get3A_449 = tpu.vector_load %arg16[%get3A_448] {strides = array<i32>} : memref<256xi32, #tpu.memory_space<vmem>>, vector<16xi32>,
    %get3A_450 = vector.shape_cast %get3A_449 : vector<16xi32> to vector<16xi32>
    %add3A_451 = arith.addi %mul3A_447, %get3A_450 : vector<16xi32>
    %swap3A_452 = arith.constant 80 : index
    %swap3A_453 = tpu.vector_load %arg12[%swap3A_452] {strides = array<i32>} : memref<1024xi32, #tpu.memory_space<vmem>>, vector<16xi32>,
    %swap3A_454 = vector.shape_cast %swap3A_453 : vector<16xi32> to vector<16xi32>
    %swap3A_455 = vector.shape_cast %add3A_451 : vector<16xi32> to vector<16xi32>
    tpu.vector_store %arg12[%swap3A_452], %swap3A_455 {strides = array<i32>} : memref<1024xi32, #tpu.memory_space<vmem>>, vector<16xi32>,
    %get3A_456 = arith.constant 96 : index
    %get3A_457 = tpu.vector_load %arg11[%get3A_456] {strides = array<i32>} : memref<1024xi32, #tpu.memory_space<vmem>>, vector<16xi32>,
    %get3A_458 = vector.shape_cast %get3A_457 : vector<16xi32> to vector<16xi32>
    %mul3A_459 = arith.constant 200 : i32
    %mul3A_460 = vector.broadcast %mul3A_459 : i32 to vector<16xi32>
    %mul3A_461 = arith.muli %get3A_458, %mul3A_460 : vector<16xi32>
    %get3A_462 = arith.constant 96 : index
    %get3A_463 = tpu.vector_load %arg16[%get3A_462] {strides = array<i32>} : memref<256xi32, #tpu.memory_space<vmem>>, vector<16xi32>,
    %get3A_464 = vector.shape_cast %get3A_463 : vector<16xi32> to vector<16xi32>
    %add3A_465 = arith.addi %mul3A_461, %get3A_464 : vector<16xi32>
    %swap3A_466 = arith.constant 96 : index
    %swap3A_467 = tpu.vector_load %arg12[%swap3A_466] {strides = array<i32>} : memref<1024xi32, #tpu.memory_space<vmem>>, vector<16xi32>,
    %swap3A_468 = vector.shape_cast %swap3A_467 : vector<16xi32> to vector<16xi32>
    %swap3A_469 = vector.shape_cast %add3A_465 : vector<16xi32> to vector<16xi32>
    tpu.vector_store %arg12[%swap3A_466], %swap3A_469 {strides = array<i32>} : memref<1024xi32, #tpu.memory_space<vmem>>, vector<16xi32>,
    %get3A_470 = arith.constant 112 : index
    %get3A_471 = tpu.vector_load %arg11[%get3A_470] {strides = array<i32>} : memref<1024xi32, #tpu.memory_space<vmem>>, vector<16xi32>,
    %get3A_472 = vector.shape_cast %get3A_471 : vector<16xi32> to vector<16xi32>
    %mul3A_473 = arith.constant 200 : i32
    %mul3A_474 = vector.broadcast %mul3A_473 : i32 to vector<16xi32>
    %mul3A_475 = arith.muli %get3A_472, %mul3A_474 : vector<16xi32>
    %get3A_476 = arith.constant 112 : index
    %get3A_477 = tpu.vector_load %arg16[%get3A_476] {strides = array<i32>} : memref<256xi32, #tpu.memory_space<vmem>>, vector<16xi32>,
    %get3A_478 = vector.shape_cast %get3A_477 : vector<16xi32> to vector<16xi32>
    %add3A_479 = arith.addi %mul3A_475, %get3A_478 : vector<16xi32>
    %swap3A_480 = arith.constant 112 : index
    %swap3A_481 = tpu.vector_load %arg12[%swap3A_480] {strides = array<i32>} : memref<1024xi32, #tpu.memory_space<vmem>>, vector<16xi32>,
    %swap3A_482 = vector.shape_cast %swap3A_481 : vector<16xi32> to vector<16xi32>
    %swap3A_483 = vector.shape_cast %add3A_479 : vector<16xi32> to vector<16xi32>
    tpu.vector_store %arg12[%swap3A_480], %swap3A_483 {strides = array<i32>} : memref<1024xi32, #tpu.memory_space<vmem>>, vector<16xi32>,
    %get3A_484 = arith.constant 128 : index
    %get3A_485 = tpu.vector_load %arg11[%get3A_484] {strides = array<i32>} : memref<1024xi32, #tpu.memory_space<vmem>>, vector<16xi32>,
    %get3A_486 = vector.shape_cast %get3A_485 : vector<16xi32> to vector<16xi32>
    %mul3A_487 = arith.constant 200 : i32
    %mul3A_488 = vector.broadcast %mul3A_487 : i32 to vector<16xi32>
    %mul3A_489 = arith.muli %get3A_486, %mul3A_488 : vector<16xi32>
    %get3A_490 = arith.constant 128 : index
    %get3A_491 = tpu.vector_load %arg16[%get3A_490] {strides = array<i32>} : memref<256xi32, #tpu.memory_space<vmem>>, vector<16xi32>,
    %get3A_492 = vector.shape_cast %get3A_491 : vector<16xi32> to vector<16xi32>
    %add3A_493 = arith.addi %mul3A_489, %get3A_492 : vector<16xi32>
    %swap3A_494 = arith.constant 128 : index
    %swap3A_495 = tpu.vector_load %arg12[%swap3A_494] {strides = array<i32>} : memref<1024xi32, #tpu.memory_space<vmem>>, vector<16xi32>,
    %swap3A_496 = vector.shape_cast %swap3A_495 : vector<16xi32> to vector<16xi32>
    %swap3A_497 = vector.shape_cast %add3A_493 : vector<16xi32> to vector<16xi32>
    tpu.vector_store %arg12[%swap3A_494], %swap3A_497 {strides = array<i32>} : memref<1024xi32, #tpu.memory_space<vmem>>, vector<16xi32>,
    %get3A_498 = arith.constant 144 : index
    %get3A_499 = tpu.vector_load %arg11[%get3A_498] {strides = array<i32>} : memref<1024xi32, #tpu.memory_space<vmem>>, vector<16xi32>,
    %get3A_500 = vector.shape_cast %get3A_499 : vector<16xi32> to vector<16xi32>
    %mul3A_501 = arith.constant 200 : i32
    %mul3A_502 = vector.broadcast %mul3A_501 : i32 to vector<16xi32>
    %mul3A_503 = arith.muli %get3A_500, %mul3A_502 : vector<16xi32>
    %get3A_504 = arith.constant 144 : index
    %get3A_505 = tpu.vector_load %arg16[%get3A_504] {strides = array<i32>} : memref<256xi32, #tpu.memory_space<vmem>>, vector<16xi32>,
    %get3A_506 = vector.shape_cast %get3A_505 : vector<16xi32> to vector<16xi32>
    %add3A_507 = arith.addi %mul3A_503, %get3A_506 : vector<16xi32>
    %swap3A_508 = arith.constant 144 : index
    %swap3A_509 = tpu.vector_load %arg12[%swap3A_508] {strides = array<i32>} : memref<1024xi32, #tpu.memory_space<vmem>>, vector<16xi32>,
    %swap3A_510 = vector.shape_cast %swap3A_509 : vector<16xi32> to vector<16xi32>
    %swap3A_511 = vector.shape_cast %add3A_507 : vector<16xi32> to vector<16xi32>
    tpu.vector_store %arg12[%swap3A_508], %swap3A_511 {strides = array<i32>} : memref<1024xi32, #tpu.memory_space<vmem>>, vector<16xi32>,
    %get3A_512 = arith.constant 160 : index
    %get3A_513 = tpu.vector_load %arg11[%get3A_512] {strides = array<i32>} : memref<1024xi32, #tpu.memory_space<vmem>>, vector<16xi32>,
    %get3A_514 = vector.shape_cast %get3A_513 : vector<16xi32> to vector<16xi32>
    %mul3A_515 = arith.constant 200 : i32
    %mul3A_516 = vector.broadcast %mul3A_515 : i32 to vector<16xi32>
    %mul3A_517 = arith.muli %get3A_514, %mul3A_516 : vector<16xi32>
    %get3A_518 = arith.constant 160 : index
    %get3A_519 = tpu.vector_load %arg16[%get3A_518] {strides = array<i32>} : memref<256xi32, #tpu.memory_space<vmem>>, vector<16xi32>,
    %get3A_520 = vector.shape_cast %get3A_519 : vector<16xi32> to vector<16xi32>
    %add3A_521 = arith.addi %mul3A_517, %get3A_520 : vector<16xi32>
    %swap3A_522 = arith.constant 160 : index
    %swap3A_523 = tpu.vector_load %arg12[%swap3A_522] {strides = array<i32>} : memref<1024xi32, #tpu.memory_space<vmem>>, vector<16xi32>,
    %swap3A_524 = vector.shape_cast %swap3A_523 : vector<16xi32> to vector<16xi32>
    %swap3A_525 = vector.shape_cast %add3A_521 : vector<16xi32> to vector<16xi32>
    tpu.vector_store %arg12[%swap3A_522], %swap3A_525 {strides = array<i32>} : memref<1024xi32, #tpu.memory_space<vmem>>, vector<16xi32>,
    %get3A_526 = arith.constant 176 : index
    %get3A_527 = tpu.vector_load %arg11[%get3A_526] {strides = array<i32>} : memref<1024xi32, #tpu.memory_space<vmem>>, vector<16xi32>,
    %get3A_528 = vector.shape_cast %get3A_527 : vector<16xi32> to vector<16xi32>
    %mul3A_529 = arith.constant 200 : i32
    %mul3A_530 = vector.broadcast %mul3A_529 : i32 to vector<16xi32>
    %mul3A_531 = arith.muli %get3A_528, %mul3A_530 : vector<16xi32>
    %get3A_532 = arith.constant 176 : index
    %get3A_533 = tpu.vector_load %arg16[%get3A_532] {strides = array<i32>} : memref<256xi32, #tpu.memory_space<vmem>>, vector<16xi32>,
    %get3A_534 = vector.shape_cast %get3A_533 : vector<16xi32> to vector<16xi32>
    %add3A_535 = arith.addi %mul3A_531, %get3A_534 : vector<16xi32>
    %swap3A_536 = arith.constant 176 : index
    %swap3A_537 = tpu.vector_load %arg12[%swap3A_536] {strides = array<i32>} : memref<1024xi32, #tpu.memory_space<vmem>>, vector<16xi32>,
    %swap3A_538 = vector.shape_cast %swap3A_537 : vector<16xi32> to vector<16xi32>
    %swap3A_539 = vector.shape_cast %add3A_535 : vector<16xi32> to vector<16xi32>
    tpu.vector_store %arg12[%swap3A_536], %swap3A_539 {strides = array<i32>} : memref<1024xi32, #tpu.memory_space<vmem>>, vector<16xi32>,
    %get3A_540 = arith.constant 192 : index
    %get3A_541 = tpu.vector_load %arg11[%get3A_540] {strides = array<i32>} : memref<1024xi32, #tpu.memory_space<vmem>>, vector<16xi32>,
    %get3A_542 = vector.shape_cast %get3A_541 : vector<16xi32> to vector<16xi32>
    %mul3A_543 = arith.constant 200 : i32
    %mul3A_544 = vector.broadcast %mul3A_543 : i32 to vector<16xi32>
    %mul3A_545 = arith.muli %get3A_542, %mul3A_544 : vector<16xi32>
    %get3A_546 = arith.constant 192 : index
    %get3A_547 = tpu.vector_load %arg16[%get3A_546] {strides = array<i32>} : memref<256xi32, #tpu.memory_space<vmem>>, vector<16xi32>,
    %get3A_548 = vector.shape_cast %get3A_547 : vector<16xi32> to vector<16xi32>
    %add3A_549 = arith.addi %mul3A_545, %get3A_548 : vector<16xi32>
    %swap3A_550 = arith.constant 192 : index
    %swap3A_551 = tpu.vector_load %arg12[%swap3A_550] {strides = array<i32>} : memref<1024xi32, #tpu.memory_space<vmem>>, vector<16xi32>,
    %swap3A_552 = vector.shape_cast %swap3A_551 : vector<16xi32> to vector<16xi32>
    %swap3A_553 = vector.shape_cast %add3A_549 : vector<16xi32> to vector<16xi32>
    tpu.vector_store %arg12[%swap3A_550], %swap3A_553 {strides = array<i32>} : memref<1024xi32, #tpu.memory_space<vmem>>, vector<16xi32>,
    %get3A_554 = arith.constant 208 : index
    %get3A_555 = tpu.vector_load %arg11[%get3A_554] {strides = array<i32>} : memref<1024xi32, #tpu.memory_space<vmem>>, vector<16xi32>,
    %get3A_556 = vector.shape_cast %get3A_555 : vector<16xi32> to vector<16xi32>
    %mul3A_557 = arith.constant 200 : i32
    %mul3A_558 = vector.broadcast %mul3A_557 : i32 to vector<16xi32>
    %mul3A_559 = arith.muli %get3A_556, %mul3A_558 : vector<16xi32>
    %get3A_560 = arith.constant 208 : index
    %get3A_561 = tpu.vector_load %arg16[%get3A_560] {strides = array<i32>} : memref<256xi32, #tpu.memory_space<vmem>>, vector<16xi32>,
    %get3A_562 = vector.shape_cast %get3A_561 : vector<16xi32> to vector<16xi32>
    %add3A_563 = arith.addi %mul3A_559, %get3A_562 : vector<16xi32>
    %swap3A_564 = arith.constant 208 : index
    %swap3A_565 = tpu.vector_load %arg12[%swap3A_564] {strides = array<i32>} : memref<1024xi32, #tpu.memory_space<vmem>>, vector<16xi32>,
    %swap3A_566 = vector.shape_cast %swap3A_565 : vector<16xi32> to vector<16xi32>
    %swap3A_567 = vector.shape_cast %add3A_563 : vector<16xi32> to vector<16xi32>
    tpu.vector_store %arg12[%swap3A_564], %swap3A_567 {strides = array<i32>} : memref<1024xi32, #tpu.memory_space<vmem>>, vector<16xi32>,
    %get3A_568 = arith.constant 224 : index
    %get3A_569 = tpu.vector_load %arg11[%get3A_568] {strides = array<i32>} : memref<1024xi32, #tpu.memory_space<vmem>>, vector<16xi32>,
    %get3A_570 = vector.shape_cast %get3A_569 : vector<16xi32> to vector<16xi32>
    %mul3A_571 = arith.constant 200 : i32
    %mul3A_572 = vector.broadcast %mul3A_571 : i32 to vector<16xi32>
    %mul3A_573 = arith.muli %get3A_570, %mul3A_572 : vector<16xi32>
    %get3A_574 = arith.constant 224 : index
    %get3A_575 = tpu.vector_load %arg16[%get3A_574] {strides = array<i32>} : memref<256xi32, #tpu.memory_space<vmem>>, vector<16xi32>,
    %get3A_576 = vector.shape_cast %get3A_575 : vector<16xi32> to vector<16xi32>
    %add3A_577 = arith.addi %mul3A_573, %get3A_576 : vector<16xi32>
    %swap3A_578 = arith.constant 224 : index
    %swap3A_579 = tpu.vector_load %arg12[%swap3A_578] {strides = array<i32>} : memref<1024xi32, #tpu.memory_space<vmem>>, vector<16xi32>,
    %swap3A_580 = vector.shape_cast %swap3A_579 : vector<16xi32> to vector<16xi32>
    %swap3A_581 = vector.shape_cast %add3A_577 : vector<16xi32> to vector<16xi32>
    tpu.vector_store %arg12[%swap3A_578], %swap3A_581 {strides = array<i32>} : memref<1024xi32, #tpu.memory_space<vmem>>, vector<16xi32>,
    %get3A_582 = arith.constant 240 : index
    %get3A_583 = tpu.vector_load %arg11[%get3A_582] {strides = array<i32>} : memref<1024xi32, #tpu.memory_space<vmem>>, vector<16xi32>,
    %get3A_584 = vector.shape_cast %get3A_583 : vector<16xi32> to vector<16xi32>
    %mul3A_585 = arith.constant 200 : i32
    %mul3A_586 = vector.broadcast %mul3A_585 : i32 to vector<16xi32>
    %mul3A_587 = arith.muli %get3A_584, %mul3A_586 : vector<16xi32>
    %get3A_588 = arith.constant 240 : index
    %get3A_589 = tpu.vector_load %arg16[%get3A_588] {strides = array<i32>} : memref<256xi32, #tpu.memory_space<vmem>>, vector<16xi32>,
    %get3A_590 = vector.shape_cast %get3A_589 : vector<16xi32> to vector<16xi32>
    %add3A_591 = arith.addi %mul3A_587, %get3A_590 : vector<16xi32>
    %swap3A_592 = arith.constant 240 : index
    %swap3A_593 = tpu.vector_load %arg12[%swap3A_592] {strides = array<i32>} : memref<1024xi32, #tpu.memory_space<vmem>>, vector<16xi32>,
    %swap3A_594 = vector.shape_cast %swap3A_593 : vector<16xi32> to vector<16xi32>
    %swap3A_595 = vector.shape_cast %add3A_591 : vector<16xi32> to vector<16xi32>
    tpu.vector_store %arg12[%swap3A_592], %swap3A_595 {strides = array<i32>} : memref<1024xi32, #tpu.memory_space<vmem>>, vector<16xi32>,
    %dma_start3A_596 = arith.constant 0 : i32
    %dma_start3A_597 = arith.constant 0 : i32
    %dma_start3A_598 = arith.constant 0 : i32
    %dma_start3A_599 = tpu.memref_slice %arg13[%dma_start3A_596, %dma_start3A_597, %dma_start3A_598] : memref<4x200x64xf32, #tpu.memory_space<vmem>> -> memref<1x80x64xf32, #tpu.memory_space<vmem>>
    %dma_start3A_600 = tpu.memref_squeeze %dma_start3A_599 : memref<1x80x64xf32, #tpu.memory_space<vmem>> -> memref<80x64xf32, #tpu.memory_space<vmem>>
    %dma_start3A_601 = arith.constant 0 : i32
    %dma_start3A_602 = tpu.memref_slice %arg10[%dma_start3A_601] : memref<1024xi32, #tpu.memory_space<vmem>> -> memref<80xi32, #tpu.memory_space<vmem>>
    %dma_start3A_603 = arith.constant 0 : i32
    %dma_start3A_604 = arith.constant 0 : i32
    %dma_start3A_605 = tpu.memref_slice %arg4[%dma_start3A_603, %dma_start3A_604] : memref<100000x64xf32, #tpu.memory_space<hbm>> -> memref<100000x64xf32, #tpu.memory_space<hbm>>
    tpu.enqueue_indirect_dma source(%dma_start3A_605 : memref<100000x64xf32, #tpu.memory_space<hbm>>) target(%dma_start3A_600 : memref<80x64xf32, #tpu.memory_space<vmem>>) offsets(%dma_start3A_602 : memref<80xi32, #tpu.memory_space<vmem>>) semaphore(%arg23 : memref<!tpu.dma_semaphore, #tpu.memory_space<semaphore_mem>>)
    %dma_start3A_606 = arith.constant 0 : i32
    %dma_start3A_607 = arith.constant 0 : i32
    %dma_start3A_608 = arith.constant 0 : i32
    %dma_start3A_609 = tpu.memref_slice %arg14[%dma_start3A_606, %dma_start3A_607, %dma_start3A_608] : memref<4x200x64xf32, #tpu.memory_space<vmem>> -> memref<1x80x64xf32, #tpu.memory_space<vmem>>
    %dma_start3A_610 = tpu.memref_squeeze %dma_start3A_609 : memref<1x80x64xf32, #tpu.memory_space<vmem>> -> memref<80x64xf32, #tpu.memory_space<vmem>>
    %dma_start3A_611 = arith.constant 0 : i32
    %dma_start3A_612 = tpu.memref_slice %arg12[%dma_start3A_611] : memref<1024xi32, #tpu.memory_space<vmem>> -> memref<80xi32, #tpu.memory_space<vmem>>
    %dma_start3A_613 = arith.constant 0 : i32
    %dma_start3A_614 = arith.constant 0 : i32
    %dma_start3A_615 = tpu.memref_slice %arg9[%dma_start3A_613, %dma_start3A_614] : memref<1600x64xf32, #tpu.memory_space<hbm>> -> memref<1600x64xf32, #tpu.memory_space<hbm>>
    tpu.enqueue_indirect_dma source(%dma_start3A_615 : memref<1600x64xf32, #tpu.memory_space<hbm>>) target(%dma_start3A_610 : memref<80x64xf32, #tpu.memory_space<vmem>>) offsets(%dma_start3A_612 : memref<80xi32, #tpu.memory_space<vmem>>) semaphore(%arg23 : memref<!tpu.dma_semaphore, #tpu.memory_space<semaphore_mem>>)
    %dma_start3A_616 = arith.constant 0 : i32
    %dma_start3A_617 = arith.constant 80 : i32
    %dma_start3A_618 = arith.constant 0 : i32
    %dma_start3A_619 = tpu.memref_slice %arg13[%dma_start3A_616, %dma_start3A_617, %dma_start3A_618] : memref<4x200x64xf32, #tpu.memory_space<vmem>> -> memref<1x80x64xf32, #tpu.memory_space<vmem>>
    %dma_start3A_620 = tpu.memref_squeeze %dma_start3A_619 : memref<1x80x64xf32, #tpu.memory_space<vmem>> -> memref<80x64xf32, #tpu.memory_space<vmem>>
    %dma_start3A_621 = arith.constant 80 : i32
    %dma_start3A_622 = tpu.memref_slice %arg10[%dma_start3A_621] : memref<1024xi32, #tpu.memory_space<vmem>> -> memref<80xi32, #tpu.memory_space<vmem>>
    %dma_start3A_623 = arith.constant 0 : i32
    %dma_start3A_624 = arith.constant 0 : i32
    %dma_start3A_625 = tpu.memref_slice %arg4[%dma_start3A_623, %dma_start3A_624] : memref<100000x64xf32, #tpu.memory_space<hbm>> -> memref<100000x64xf32, #tpu.memory_space<hbm>>
    tpu.enqueue_indirect_dma source(%dma_start3A_625 : memref<100000x64xf32, #tpu.memory_space<hbm>>) target(%dma_start3A_620 : memref<80x64xf32, #tpu.memory_space<vmem>>) offsets(%dma_start3A_622 : memref<80xi32, #tpu.memory_space<vmem>>) semaphore(%arg23 : memref<!tpu.dma_semaphore, #tpu.memory_space<semaphore_mem>>)
    %dma_start3A_626 = arith.constant 0 : i32
    %dma_start3A_627 = arith.constant 80 : i32
    %dma_start3A_628 = arith.constant 0 : i32
    %dma_start3A_629 = tpu.memref_slice %arg14[%dma_start3A_626, %dma_start3A_627, %dma_start3A_628] : memref<4x200x64xf32, #tpu.memory_space<vmem>> -> memref<1x80x64xf32, #tpu.memory_space<vmem>>
    %dma_start3A_630 = tpu.memref_squeeze %dma_start3A_629 : memref<1x80x64xf32, #tpu.memory_space<vmem>> -> memref<80x64xf32, #tpu.memory_space<vmem>>
    %dma_start3A_631 = arith.constant 80 : i32
    %dma_start3A_632 = tpu.memref_slice %arg12[%dma_start3A_631] : memref<1024xi32, #tpu.memory_space<vmem>> -> memref<80xi32, #tpu.memory_space<vmem>>
    %dma_start3A_633 = arith.constant 0 : i32
    %dma_start3A_634 = arith.constant 0 : i32
    %dma_start3A_635 = tpu.memref_slice %arg9[%dma_start3A_633, %dma_start3A_634] : memref<1600x64xf32, #tpu.memory_space<hbm>> -> memref<1600x64xf32, #tpu.memory_space<hbm>>
    tpu.enqueue_indirect_dma source(%dma_start3A_635 : memref<1600x64xf32, #tpu.memory_space<hbm>>) target(%dma_start3A_630 : memref<80x64xf32, #tpu.memory_space<vmem>>) offsets(%dma_start3A_632 : memref<80xi32, #tpu.memory_space<vmem>>) semaphore(%arg23 : memref<!tpu.dma_semaphore, #tpu.memory_space<semaphore_mem>>)
    %dma_start3A_636 = arith.constant 0 : i32
    %dma_start3A_637 = arith.constant 160 : i32
    %dma_start3A_638 = arith.constant 0 : i32
    %dma_start3A_639 = tpu.memref_slice %arg13[%dma_start3A_636, %dma_start3A_637, %dma_start3A_638] : memref<4x200x64xf32, #tpu.memory_space<vmem>> -> memref<1x40x64xf32, #tpu.memory_space<vmem>>
    %dma_start3A_640 = tpu.memref_squeeze %dma_start3A_639 : memref<1x40x64xf32, #tpu.memory_space<vmem>> -> memref<40x64xf32, #tpu.memory_space<vmem>>
    %dma_start3A_641 = arith.constant 160 : i32
    %dma_start3A_642 = tpu.memref_slice %arg10[%dma_start3A_641] : memref<1024xi32, #tpu.memory_space<vmem>> -> memref<40xi32, #tpu.memory_space<vmem>>
    %dma_start3A_643 = arith.constant 0 : i32
    %dma_start3A_644 = arith.constant 0 : i32
    %dma_start3A_645 = tpu.memref_slice %arg4[%dma_start3A_643, %dma_start3A_644] : memref<100000x64xf32, #tpu.memory_space<hbm>> -> memref<100000x64xf32, #tpu.memory_space<hbm>>
    tpu.enqueue_indirect_dma source(%dma_start3A_645 : memref<100000x64xf32, #tpu.memory_space<hbm>>) target(%dma_start3A_640 : memref<40x64xf32, #tpu.memory_space<vmem>>) offsets(%dma_start3A_642 : memref<40xi32, #tpu.memory_space<vmem>>) semaphore(%arg23 : memref<!tpu.dma_semaphore, #tpu.memory_space<semaphore_mem>>)
    %dma_start3A_646 = arith.constant 0 : i32
    %dma_start3A_647 = arith.constant 160 : i32
    %dma_start3A_648 = arith.constant 0 : i32
    %dma_start3A_649 = tpu.memref_slice %arg14[%dma_start3A_646, %dma_start3A_647, %dma_start3A_648] : memref<4x200x64xf32, #tpu.memory_space<vmem>> -> memref<1x40x64xf32, #tpu.memory_space<vmem>>
    %dma_start3A_650 = tpu.memref_squeeze %dma_start3A_649 : memref<1x40x64xf32, #tpu.memory_space<vmem>> -> memref<40x64xf32, #tpu.memory_space<vmem>>
    %dma_start3A_651 = arith.constant 160 : i32
    %dma_start3A_652 = tpu.memref_slice %arg12[%dma_start3A_651] : memref<1024xi32, #tpu.memory_space<vmem>> -> memref<40xi32, #tpu.memory_space<vmem>>
    %dma_start3A_653 = arith.constant 0 : i32
    %dma_start3A_654 = arith.constant 0 : i32
    %dma_start3A_655 = tpu.memref_slice %arg9[%dma_start3A_653, %dma_start3A_654] : memref<1600x64xf32, #tpu.memory_space<hbm>> -> memref<1600x64xf32, #tpu.memory_space<hbm>>
    tpu.enqueue_indirect_dma source(%dma_start3A_655 : memref<1600x64xf32, #tpu.memory_space<hbm>>) target(%dma_start3A_650 : memref<40x64xf32, #tpu.memory_space<vmem>>) offsets(%dma_start3A_652 : memref<40xi32, #tpu.memory_space<vmem>>) semaphore(%arg23 : memref<!tpu.dma_semaphore, #tpu.memory_space<semaphore_mem>>)
    %add3A_656 = arith.constant 1 : i32
    %add3A_657 = arith.addi %mul3A_2, %add3A_656 : i32
    %dma_wait3A_658 = arith.constant 256 : i32
    %dma_wait3A_659 = tpu.memref_slice %arg10[%dma_wait3A_658] : memref<1024xi32, #tpu.memory_space<vmem>> -> memref<256xi32, #tpu.memory_space<vmem>>
    %dma_wait3A_660 = arith.constant 0 : i32
    %dma_wait3A_661 = tpu.memref_slice %arg2[%add3A_657, %dma_wait3A_660] : memref<4096x256xi32, #tpu.memory_space<hbm>> -> memref<1x256xi32, #tpu.memory_space<hbm>>
    %dma_wait3A_662 = tpu.memref_squeeze %dma_wait3A_661 : memref<1x256xi32, #tpu.memory_space<hbm>> -> memref<256xi32, #tpu.memory_space<hbm>>
    %dma_wait3A_663 = arith.constant 256 : i32
    %dma_wait3A_664 = tpu.memref_slice %arg10[%dma_wait3A_663] : memref<1024xi32, #tpu.memory_space<vmem>> -> memref<256xi32, #tpu.memory_space<vmem>>
    %dma_wait3A_665 = arith.constant 0 : i32
    %dma_wait3A_666 = tpu.memref_slice %arg2[%add3A_657, %dma_wait3A_665] : memref<4096x256xi32, #tpu.memory_space<hbm>> -> memref<1x256xi32, #tpu.memory_space<hbm>>
    %dma_wait3A_667 = tpu.memref_squeeze %dma_wait3A_666 : memref<1x256xi32, #tpu.memory_space<hbm>> -> memref<256xi32, #tpu.memory_space<hbm>>
    tpu.wait_dma2 semaphore(%arg20 : memref<!tpu.dma_semaphore, #tpu.memory_space<semaphore_mem>>) src(%dma_wait3A_667 : memref<256xi32, #tpu.memory_space<hbm>>) dst(%dma_wait3A_664 : memref<256xi32, #tpu.memory_space<vmem>>)
    %dma_wait3A_668 = arith.constant 256 : i32
    %dma_wait3A_669 = tpu.memref_slice %arg11[%dma_wait3A_668] : memref<1024xi32, #tpu.memory_space<vmem>> -> memref<256xi32, #tpu.memory_space<vmem>>
    %dma_wait3A_670 = arith.constant 0 : i32
    %dma_wait3A_671 = tpu.memref_slice %arg3[%add3A_657, %dma_wait3A_670] : memref<4096x256xi32, #tpu.memory_space<hbm>> -> memref<1x256xi32, #tpu.memory_space<hbm>>
    %dma_wait3A_672 = tpu.memref_squeeze %dma_wait3A_671 : memref<1x256xi32, #tpu.memory_space<hbm>> -> memref<256xi32, #tpu.memory_space<hbm>>
    %dma_wait3A_673 = arith.constant 256 : i32
    %dma_wait3A_674 = tpu.memref_slice %arg11[%dma_wait3A_673] : memref<1024xi32, #tpu.memory_space<vmem>> -> memref<256xi32, #tpu.memory_space<vmem>>
    %dma_wait3A_675 = arith.constant 0 : i32
    %dma_wait3A_676 = tpu.memref_slice %arg3[%add3A_657, %dma_wait3A_675] : memref<4096x256xi32, #tpu.memory_space<hbm>> -> memref<1x256xi32, #tpu.memory_space<hbm>>
    %dma_wait3A_677 = tpu.memref_squeeze %dma_wait3A_676 : memref<1x256xi32, #tpu.memory_space<hbm>> -> memref<256xi32, #tpu.memory_space<hbm>>
    tpu.wait_dma2 semaphore(%arg20 : memref<!tpu.dma_semaphore, #tpu.memory_space<semaphore_mem>>) src(%dma_wait3A_677 : memref<256xi32, #tpu.memory_space<hbm>>) dst(%dma_wait3A_674 : memref<256xi32, #tpu.memory_space<vmem>>)
    %get3A_678 = arith.constant 256 : index
    %get3A_679 = tpu.vector_load %arg11[%get3A_678] {strides = array<i32>} : memref<1024xi32, #tpu.memory_space<vmem>>, vector<16xi32>,
    %get3A_680 = vector.shape_cast %get3A_679 : vector<16xi32> to vector<16xi32>
    %mul3A_681 = arith.constant 200 : i32
    %mul3A_682 = vector.broadcast %mul3A_681 : i32 to vector<16xi32>
    %mul3A_683 = arith.muli %get3A_680, %mul3A_682 : vector<16xi32>
    %get3A_684 = arith.constant 0 : index
    %get3A_685 = tpu.vector_load %arg16[%get3A_684] {strides = array<i32>} : memref<256xi32, #tpu.memory_space<vmem>>, vector<16xi32>,
    %get3A_686 = vector.shape_cast %get3A_685 : vector<16xi32> to vector<16xi32>
    %add3A_687 = arith.addi %mul3A_683, %get3A_686 : vector<16xi32>
    %swap3A_688 = arith.constant 256 : index
    %swap3A_689 = tpu.vector_load %arg12[%swap3A_688] {strides = array<i32>} : memref<1024xi32, #tpu.memory_space<vmem>>, vector<16xi32>,
    %swap3A_690 = vector.shape_cast %swap3A_689 : vector<16xi32> to vector<16xi32>
    %swap3A_691 = vector.shape_cast %add3A_687 : vector<16xi32> to vector<16xi32>
    tpu.vector_store %arg12[%swap3A_688], %swap3A_691 {strides = array<i32>} : memref<1024xi32, #tpu.memory_space<vmem>>, vector<16xi32>,
    %get3A_692 = arith.constant 272 : index
    %get3A_693 = tpu.vector_load %arg11[%get3A_692] {strides = array<i32>} : memref<1024xi32, #tpu.memory_space<vmem>>, vector<16xi32>,
    %get3A_694 = vector.shape_cast %get3A_693 : vector<16xi32> to vector<16xi32>
    %mul3A_695 = arith.constant 200 : i32
    %mul3A_696 = vector.broadcast %mul3A_695 : i32 to vector<16xi32>
    %mul3A_697 = arith.muli %get3A_694, %mul3A_696 : vector<16xi32>
    %get3A_698 = arith.constant 16 : index
    %get3A_699 = tpu.vector_load %arg16[%get3A_698] {strides = array<i32>} : memref<256xi32, #tpu.memory_space<vmem>>, vector<16xi32>,
    %get3A_700 = vector.shape_cast %get3A_699 : vector<16xi32> to vector<16xi32>
    %add3A_701 = arith.addi %mul3A_697, %get3A_700 : vector<16xi32>
    %swap3A_702 = arith.constant 272 : index
    %swap3A_703 = tpu.vector_load %arg12[%swap3A_702] {strides = array<i32>} : memref<1024xi32, #tpu.memory_space<vmem>>, vector<16xi32>,
    %swap3A_704 = vector.shape_cast %swap3A_703 : vector<16xi32> to vector<16xi32>
    %swap3A_705 = vector.shape_cast %add3A_701 : vector<16xi32> to vector<16xi32>
    tpu.vector_store %arg12[%swap3A_702], %swap3A_705 {strides = array<i32>} : memref<1024xi32, #tpu.memory_space<vmem>>, vector<16xi32>,
    %get3A_706 = arith.constant 288 : index
    %get3A_707 = tpu.vector_load %arg11[%get3A_706] {strides = array<i32>} : memref<1024xi32, #tpu.memory_space<vmem>>, vector<16xi32>,
    %get3A_708 = vector.shape_cast %get3A_707 : vector<16xi32> to vector<16xi32>
    %mul3A_709 = arith.constant 200 : i32
    %mul3A_710 = vector.broadcast %mul3A_709 : i32 to vector<16xi32>
    %mul3A_711 = arith.muli %get3A_708, %mul3A_710 : vector<16xi32>
    %get3A_712 = arith.constant 32 : index
    %get3A_713 = tpu.vector_load %arg16[%get3A_712] {strides = array<i32>} : memref<256xi32, #tpu.memory_space<vmem>>, vector<16xi32>,
    %get3A_714 = vector.shape_cast %get3A_713 : vector<16xi32> to vector<16xi32>
    %add3A_715 = arith.addi %mul3A_711, %get3A_714 : vector<16xi32>
    %swap3A_716 = arith.constant 288 : index
    %swap3A_717 = tpu.vector_load %arg12[%swap3A_716] {strides = array<i32>} : memref<1024xi32, #tpu.memory_space<vmem>>, vector<16xi32>,
    %swap3A_718 = vector.shape_cast %swap3A_717 : vector<16xi32> to vector<16xi32>
    %swap3A_719 = vector.shape_cast %add3A_715 : vector<16xi32> to vector<16xi32>
    tpu.vector_store %arg12[%swap3A_716], %swap3A_719 {strides = array<i32>} : memref<1024xi32, #tpu.memory_space<vmem>>, vector<16xi32>,
    %get3A_720 = arith.constant 304 : index
    %get3A_721 = tpu.vector_load %arg11[%get3A_720] {strides = array<i32>} : memref<1024xi32, #tpu.memory_space<vmem>>, vector<16xi32>,
    %get3A_722 = vector.shape_cast %get3A_721 : vector<16xi32> to vector<16xi32>
    %mul3A_723 = arith.constant 200 : i32
    %mul3A_724 = vector.broadcast %mul3A_723 : i32 to vector<16xi32>
    %mul3A_725 = arith.muli %get3A_722, %mul3A_724 : vector<16xi32>
    %get3A_726 = arith.constant 48 : index
    %get3A_727 = tpu.vector_load %arg16[%get3A_726] {strides = array<i32>} : memref<256xi32, #tpu.memory_space<vmem>>, vector<16xi32>,
    %get3A_728 = vector.shape_cast %get3A_727 : vector<16xi32> to vector<16xi32>
    %add3A_729 = arith.addi %mul3A_725, %get3A_728 : vector<16xi32>
    %swap3A_730 = arith.constant 304 : index
    %swap3A_731 = tpu.vector_load %arg12[%swap3A_730] {strides = array<i32>} : memref<1024xi32, #tpu.memory_space<vmem>>, vector<16xi32>,
    %swap3A_732 = vector.shape_cast %swap3A_731 : vector<16xi32> to vector<16xi32>
    %swap3A_733 = vector.shape_cast %add3A_729 : vector<16xi32> to vector<16xi32>
    tpu.vector_store %arg12[%swap3A_730], %swap3A_733 {strides = array<i32>} : memref<1024xi32, #tpu.memory_space<vmem>>, vector<16xi32>,
    %get3A_734 = arith.constant 320 : index
    %get3A_735 = tpu.vector_load %arg11[%get3A_734] {strides = array<i32>} : memref<1024xi32, #tpu.memory_space<vmem>>, vector<16xi32>,
    %get3A_736 = vector.shape_cast %get3A_735 : vector<16xi32> to vector<16xi32>
    %mul3A_737 = arith.constant 200 : i32
    %mul3A_738 = vector.broadcast %mul3A_737 : i32 to vector<16xi32>
    %mul3A_739 = arith.muli %get3A_736, %mul3A_738 : vector<16xi32>
    %get3A_740 = arith.constant 64 : index
    %get3A_741 = tpu.vector_load %arg16[%get3A_740] {strides = array<i32>} : memref<256xi32, #tpu.memory_space<vmem>>, vector<16xi32>,
    %get3A_742 = vector.shape_cast %get3A_741 : vector<16xi32> to vector<16xi32>
    %add3A_743 = arith.addi %mul3A_739, %get3A_742 : vector<16xi32>
    %swap3A_744 = arith.constant 320 : index
    %swap3A_745 = tpu.vector_load %arg12[%swap3A_744] {strides = array<i32>} : memref<1024xi32, #tpu.memory_space<vmem>>, vector<16xi32>,
    %swap3A_746 = vector.shape_cast %swap3A_745 : vector<16xi32> to vector<16xi32>
    %swap3A_747 = vector.shape_cast %add3A_743 : vector<16xi32> to vector<16xi32>
    tpu.vector_store %arg12[%swap3A_744], %swap3A_747 {strides = array<i32>} : memref<1024xi32, #tpu.memory_space<vmem>>, vector<16xi32>,
    %get3A_748 = arith.constant 336 : index
    %get3A_749 = tpu.vector_load %arg11[%get3A_748] {strides = array<i32>} : memref<1024xi32, #tpu.memory_space<vmem>>, vector<16xi32>,
    %get3A_750 = vector.shape_cast %get3A_749 : vector<16xi32> to vector<16xi32>
    %mul3A_751 = arith.constant 200 : i32
    %mul3A_752 = vector.broadcast %mul3A_751 : i32 to vector<16xi32>
    %mul3A_753 = arith.muli %get3A_750, %mul3A_752 : vector<16xi32>
    %get3A_754 = arith.constant 80 : index
    %get3A_755 = tpu.vector_load %arg16[%get3A_754] {strides = array<i32>} : memref<256xi32, #tpu.memory_space<vmem>>, vector<16xi32>,
    %get3A_756 = vector.shape_cast %get3A_755 : vector<16xi32> to vector<16xi32>
    %add3A_757 = arith.addi %mul3A_753, %get3A_756 : vector<16xi32>
    %swap3A_758 = arith.constant 336 : index
    %swap3A_759 = tpu.vector_load %arg12[%swap3A_758] {strides = array<i32>} : memref<1024xi32, #tpu.memory_space<vmem>>, vector<16xi32>,
    %swap3A_760 = vector.shape_cast %swap3A_759 : vector<16xi32> to vector<16xi32>
    %swap3A_761 = vector.shape_cast %add3A_757 : vector<16xi32> to vector<16xi32>
    tpu.vector_store %arg12[%swap3A_758], %swap3A_761 {strides = array<i32>} : memref<1024xi32, #tpu.memory_space<vmem>>, vector<16xi32>,
    %get3A_762 = arith.constant 352 : index
    %get3A_763 = tpu.vector_load %arg11[%get3A_762] {strides = array<i32>} : memref<1024xi32, #tpu.memory_space<vmem>>, vector<16xi32>,
    %get3A_764 = vector.shape_cast %get3A_763 : vector<16xi32> to vector<16xi32>
    %mul3A_765 = arith.constant 200 : i32
    %mul3A_766 = vector.broadcast %mul3A_765 : i32 to vector<16xi32>
    %mul3A_767 = arith.muli %get3A_764, %mul3A_766 : vector<16xi32>
    %get3A_768 = arith.constant 96 : index
    %get3A_769 = tpu.vector_load %arg16[%get3A_768] {strides = array<i32>} : memref<256xi32, #tpu.memory_space<vmem>>, vector<16xi32>,
    %get3A_770 = vector.shape_cast %get3A_769 : vector<16xi32> to vector<16xi32>
    %add3A_771 = arith.addi %mul3A_767, %get3A_770 : vector<16xi32>
    %swap3A_772 = arith.constant 352 : index
    %swap3A_773 = tpu.vector_load %arg12[%swap3A_772] {strides = array<i32>} : memref<1024xi32, #tpu.memory_space<vmem>>, vector<16xi32>,
    %swap3A_774 = vector.shape_cast %swap3A_773 : vector<16xi32> to vector<16xi32>
    %swap3A_775 = vector.shape_cast %add3A_771 : vector<16xi32> to vector<16xi32>
    tpu.vector_store %arg12[%swap3A_772], %swap3A_775 {strides = array<i32>} : memref<1024xi32, #tpu.memory_space<vmem>>, vector<16xi32>,
    %get3A_776 = arith.constant 368 : index
    %get3A_777 = tpu.vector_load %arg11[%get3A_776] {strides = array<i32>} : memref<1024xi32, #tpu.memory_space<vmem>>, vector<16xi32>,
    %get3A_778 = vector.shape_cast %get3A_777 : vector<16xi32> to vector<16xi32>
    %mul3A_779 = arith.constant 200 : i32
    %mul3A_780 = vector.broadcast %mul3A_779 : i32 to vector<16xi32>
    %mul3A_781 = arith.muli %get3A_778, %mul3A_780 : vector<16xi32>
    %get3A_782 = arith.constant 112 : index
    %get3A_783 = tpu.vector_load %arg16[%get3A_782] {strides = array<i32>} : memref<256xi32, #tpu.memory_space<vmem>>, vector<16xi32>,
    %get3A_784 = vector.shape_cast %get3A_783 : vector<16xi32> to vector<16xi32>
    %add3A_785 = arith.addi %mul3A_781, %get3A_784 : vector<16xi32>
    %swap3A_786 = arith.constant 368 : index
    %swap3A_787 = tpu.vector_load %arg12[%swap3A_786] {strides = array<i32>} : memref<1024xi32, #tpu.memory_space<vmem>>, vector<16xi32>,
    %swap3A_788 = vector.shape_cast %swap3A_787 : vector<16xi32> to vector<16xi32>
    %swap3A_789 = vector.shape_cast %add3A_785 : vector<16xi32> to vector<16xi32>
    tpu.vector_store %arg12[%swap3A_786], %swap3A_789 {strides = array<i32>} : memref<1024xi32, #tpu.memory_space<vmem>>, vector<16xi32>,
    %get3A_790 = arith.constant 384 : index
    %get3A_791 = tpu.vector_load %arg11[%get3A_790] {strides = array<i32>} : memref<1024xi32, #tpu.memory_space<vmem>>, vector<16xi32>,
    %get3A_792 = vector.shape_cast %get3A_791 : vector<16xi32> to vector<16xi32>
    %mul3A_793 = arith.constant 200 : i32
    %mul3A_794 = vector.broadcast %mul3A_793 : i32 to vector<16xi32>
    %mul3A_795 = arith.muli %get3A_792, %mul3A_794 : vector<16xi32>
    %get3A_796 = arith.constant 128 : index
    %get3A_797 = tpu.vector_load %arg16[%get3A_796] {strides = array<i32>} : memref<256xi32, #tpu.memory_space<vmem>>, vector<16xi32>,
    %get3A_798 = vector.shape_cast %get3A_797 : vector<16xi32> to vector<16xi32>
    %add3A_799 = arith.addi %mul3A_795, %get3A_798 : vector<16xi32>
    %swap3A_800 = arith.constant 384 : index
    %swap3A_801 = tpu.vector_load %arg12[%swap3A_800] {strides = array<i32>} : memref<1024xi32, #tpu.memory_space<vmem>>, vector<16xi32>,
    %swap3A_802 = vector.shape_cast %swap3A_801 : vector<16xi32> to vector<16xi32>
    %swap3A_803 = vector.shape_cast %add3A_799 : vector<16xi32> to vector<16xi32>
    tpu.vector_store %arg12[%swap3A_800], %swap3A_803 {strides = array<i32>} : memref<1024xi32, #tpu.memory_space<vmem>>, vector<16xi32>,
    %get3A_804 = arith.constant 400 : index
    %get3A_805 = tpu.vector_load %arg11[%get3A_804] {strides = array<i32>} : memref<1024xi32, #tpu.memory_space<vmem>>, vector<16xi32>,
    %get3A_806 = vector.shape_cast %get3A_805 : vector<16xi32> to vector<16xi32>
    %mul3A_807 = arith.constant 200 : i32
    %mul3A_808 = vector.broadcast %mul3A_807 : i32 to vector<16xi32>
    %mul3A_809 = arith.muli %get3A_806, %mul3A_808 : vector<16xi32>
    %get3A_810 = arith.constant 144 : index
    %get3A_811 = tpu.vector_load %arg16[%get3A_810] {strides = array<i32>} : memref<256xi32, #tpu.memory_space<vmem>>, vector<16xi32>,
    %get3A_812 = vector.shape_cast %get3A_811 : vector<16xi32> to vector<16xi32>
    %add3A_813 = arith.addi %mul3A_809, %get3A_812 : vector<16xi32>
    %swap3A_814 = arith.constant 400 : index
    %swap3A_815 = tpu.vector_load %arg12[%swap3A_814] {strides = array<i32>} : memref<1024xi32, #tpu.memory_space<vmem>>, vector<16xi32>,
    %swap3A_816 = vector.shape_cast %swap3A_815 : vector<16xi32> to vector<16xi32>
    %swap3A_817 = vector.shape_cast %add3A_813 : vector<16xi32> to vector<16xi32>
    tpu.vector_store %arg12[%swap3A_814], %swap3A_817 {strides = array<i32>} : memref<1024xi32, #tpu.memory_space<vmem>>, vector<16xi32>,
    %get3A_818 = arith.constant 416 : index
    %get3A_819 = tpu.vector_load %arg11[%get3A_818] {strides = array<i32>} : memref<1024xi32, #tpu.memory_space<vmem>>, vector<16xi32>,
    %get3A_820 = vector.shape_cast %get3A_819 : vector<16xi32> to vector<16xi32>
    %mul3A_821 = arith.constant 200 : i32
    %mul3A_822 = vector.broadcast %mul3A_821 : i32 to vector<16xi32>
    %mul3A_823 = arith.muli %get3A_820, %mul3A_822 : vector<16xi32>
    %get3A_824 = arith.constant 160 : index
    %get3A_825 = tpu.vector_load %arg16[%get3A_824] {strides = array<i32>} : memref<256xi32, #tpu.memory_space<vmem>>, vector<16xi32>,
    %get3A_826 = vector.shape_cast %get3A_825 : vector<16xi32> to vector<16xi32>
    %add3A_827 = arith.addi %mul3A_823, %get3A_826 : vector<16xi32>
    %swap3A_828 = arith.constant 416 : index
    %swap3A_829 = tpu.vector_load %arg12[%swap3A_828] {strides = array<i32>} : memref<1024xi32, #tpu.memory_space<vmem>>, vector<16xi32>,
    %swap3A_830 = vector.shape_cast %swap3A_829 : vector<16xi32> to vector<16xi32>
    %swap3A_831 = vector.shape_cast %add3A_827 : vector<16xi32> to vector<16xi32>
    tpu.vector_store %arg12[%swap3A_828], %swap3A_831 {strides = array<i32>} : memref<1024xi32, #tpu.memory_space<vmem>>, vector<16xi32>,
    %get3A_832 = arith.constant 432 : index
    %get3A_833 = tpu.vector_load %arg11[%get3A_832] {strides = array<i32>} : memref<1024xi32, #tpu.memory_space<vmem>>, vector<16xi32>,
    %get3A_834 = vector.shape_cast %get3A_833 : vector<16xi32> to vector<16xi32>
    %mul3A_835 = arith.constant 200 : i32
    %mul3A_836 = vector.broadcast %mul3A_835 : i32 to vector<16xi32>
    %mul3A_837 = arith.muli %get3A_834, %mul3A_836 : vector<16xi32>
    %get3A_838 = arith.constant 176 : index
    %get3A_839 = tpu.vector_load %arg16[%get3A_838] {strides = array<i32>} : memref<256xi32, #tpu.memory_space<vmem>>, vector<16xi32>,
    %get3A_840 = vector.shape_cast %get3A_839 : vector<16xi32> to vector<16xi32>
    %add3A_841 = arith.addi %mul3A_837, %get3A_840 : vector<16xi32>
    %swap3A_842 = arith.constant 432 : index
    %swap3A_843 = tpu.vector_load %arg12[%swap3A_842] {strides = array<i32>} : memref<1024xi32, #tpu.memory_space<vmem>>, vector<16xi32>,
    %swap3A_844 = vector.shape_cast %swap3A_843 : vector<16xi32> to vector<16xi32>
    %swap3A_845 = vector.shape_cast %add3A_841 : vector<16xi32> to vector<16xi32>
    tpu.vector_store %arg12[%swap3A_842], %swap3A_845 {strides = array<i32>} : memref<1024xi32, #tpu.memory_space<vmem>>, vector<16xi32>,
    %get3A_846 = arith.constant 448 : index
    %get3A_847 = tpu.vector_load %arg11[%get3A_846] {strides = array<i32>} : memref<1024xi32, #tpu.memory_space<vmem>>, vector<16xi32>,
    %get3A_848 = vector.shape_cast %get3A_847 : vector<16xi32> to vector<16xi32>
    %mul3A_849 = arith.constant 200 : i32
    %mul3A_850 = vector.broadcast %mul3A_849 : i32 to vector<16xi32>
    %mul3A_851 = arith.muli %get3A_848, %mul3A_850 : vector<16xi32>
    %get3A_852 = arith.constant 192 : index
    %get3A_853 = tpu.vector_load %arg16[%get3A_852] {strides = array<i32>} : memref<256xi32, #tpu.memory_space<vmem>>, vector<16xi32>,
    %get3A_854 = vector.shape_cast %get3A_853 : vector<16xi32> to vector<16xi32>
    %add3A_855 = arith.addi %mul3A_851, %get3A_854 : vector<16xi32>
    %swap3A_856 = arith.constant 448 : index
    %swap3A_857 = tpu.vector_load %arg12[%swap3A_856] {strides = array<i32>} : memref<1024xi32, #tpu.memory_space<vmem>>, vector<16xi32>,
    %swap3A_858 = vector.shape_cast %swap3A_857 : vector<16xi32> to vector<16xi32>
    %swap3A_859 = vector.shape_cast %add3A_855 : vector<16xi32> to vector<16xi32>
    tpu.vector_store %arg12[%swap3A_856], %swap3A_859 {strides = array<i32>} : memref<1024xi32, #tpu.memory_space<vmem>>, vector<16xi32>,
    %get3A_860 = arith.constant 464 : index
    %get3A_861 = tpu.vector_load %arg11[%get3A_860] {strides = array<i32>} : memref<1024xi32, #tpu.memory_space<vmem>>, vector<16xi32>,
    %get3A_862 = vector.shape_cast %get3A_861 : vector<16xi32> to vector<16xi32>
    %mul3A_863 = arith.constant 200 : i32
    %mul3A_864 = vector.broadcast %mul3A_863 : i32 to vector<16xi32>
    %mul3A_865 = arith.muli %get3A_862, %mul3A_864 : vector<16xi32>
    %get3A_866 = arith.constant 208 : index
    %get3A_867 = tpu.vector_load %arg16[%get3A_866] {strides = array<i32>} : memref<256xi32, #tpu.memory_space<vmem>>, vector<16xi32>,
    %get3A_868 = vector.shape_cast %get3A_867 : vector<16xi32> to vector<16xi32>
    %add3A_869 = arith.addi %mul3A_865, %get3A_868 : vector<16xi32>
    %swap3A_870 = arith.constant 464 : index
    %swap3A_871 = tpu.vector_load %arg12[%swap3A_870] {strides = array<i32>} : memref<1024xi32, #tpu.memory_space<vmem>>, vector<16xi32>,
    %swap3A_872 = vector.shape_cast %swap3A_871 : vector<16xi32> to vector<16xi32>
    %swap3A_873 = vector.shape_cast %add3A_869 : vector<16xi32> to vector<16xi32>
    tpu.vector_store %arg12[%swap3A_870], %swap3A_873 {strides = array<i32>} : memref<1024xi32, #tpu.memory_space<vmem>>, vector<16xi32>,
    %get3A_874 = arith.constant 480 : index
    %get3A_875 = tpu.vector_load %arg11[%get3A_874] {strides = array<i32>} : memref<1024xi32, #tpu.memory_space<vmem>>, vector<16xi32>,
    %get3A_876 = vector.shape_cast %get3A_875 : vector<16xi32> to vector<16xi32>
    %mul3A_877 = arith.constant 200 : i32
    %mul3A_878 = vector.broadcast %mul3A_877 : i32 to vector<16xi32>
    %mul3A_879 = arith.muli %get3A_876, %mul3A_878 : vector<16xi32>
    %get3A_880 = arith.constant 224 : index
    %get3A_881 = tpu.vector_load %arg16[%get3A_880] {strides = array<i32>} : memref<256xi32, #tpu.memory_space<vmem>>, vector<16xi32>,
    %get3A_882 = vector.shape_cast %get3A_881 : vector<16xi32> to vector<16xi32>
    %add3A_883 = arith.addi %mul3A_879, %get3A_882 : vector<16xi32>
    %swap3A_884 = arith.constant 480 : index
    %swap3A_885 = tpu.vector_load %arg12[%swap3A_884] {strides = array<i32>} : memref<1024xi32, #tpu.memory_space<vmem>>, vector<16xi32>,
    %swap3A_886 = vector.shape_cast %swap3A_885 : vector<16xi32> to vector<16xi32>
    %swap3A_887 = vector.shape_cast %add3A_883 : vector<16xi32> to vector<16xi32>
    tpu.vector_store %arg12[%swap3A_884], %swap3A_887 {strides = array<i32>} : memref<1024xi32, #tpu.memory_space<vmem>>, vector<16xi32>,
    %get3A_888 = arith.constant 496 : index
    %get3A_889 = tpu.vector_load %arg11[%get3A_888] {strides = array<i32>} : memref<1024xi32, #tpu.memory_space<vmem>>, vector<16xi32>,
    %get3A_890 = vector.shape_cast %get3A_889 : vector<16xi32> to vector<16xi32>
    %mul3A_891 = arith.constant 200 : i32
    %mul3A_892 = vector.broadcast %mul3A_891 : i32 to vector<16xi32>
    %mul3A_893 = arith.muli %get3A_890, %mul3A_892 : vector<16xi32>
    %get3A_894 = arith.constant 240 : index
    %get3A_895 = tpu.vector_load %arg16[%get3A_894] {strides = array<i32>} : memref<256xi32, #tpu.memory_space<vmem>>, vector<16xi32>,
    %get3A_896 = vector.shape_cast %get3A_895 : vector<16xi32> to vector<16xi32>
    %add3A_897 = arith.addi %mul3A_893, %get3A_896 : vector<16xi32>
    %swap3A_898 = arith.constant 496 : index
    %swap3A_899 = tpu.vector_load %arg12[%swap3A_898] {strides = array<i32>} : memref<1024xi32, #tpu.memory_space<vmem>>, vector<16xi32>,
    %swap3A_900 = vector.shape_cast %swap3A_899 : vector<16xi32> to vector<16xi32>
    %swap3A_901 = vector.shape_cast %add3A_897 : vector<16xi32> to vector<16xi32>
    tpu.vector_store %arg12[%swap3A_898], %swap3A_901 {strides = array<i32>} : memref<1024xi32, #tpu.memory_space<vmem>>, vector<16xi32>,
    %dma_start3A_902 = arith.constant 1 : i32
    %dma_start3A_903 = arith.constant 0 : i32
    %dma_start3A_904 = arith.constant 0 : i32
    %dma_start3A_905 = tpu.memref_slice %arg13[%dma_start3A_902, %dma_start3A_903, %dma_start3A_904] : memref<4x200x64xf32, #tpu.memory_space<vmem>> -> memref<1x80x64xf32, #tpu.memory_space<vmem>>
    %dma_start3A_906 = tpu.memref_squeeze %dma_start3A_905 : memref<1x80x64xf32, #tpu.memory_space<vmem>> -> memref<80x64xf32, #tpu.memory_space<vmem>>
    %dma_start3A_907 = arith.constant 256 : i32
    %dma_start3A_908 = tpu.memref_slice %arg10[%dma_start3A_907] : memref<1024xi32, #tpu.memory_space<vmem>> -> memref<80xi32, #tpu.memory_space<vmem>>
    %dma_start3A_909 = arith.constant 0 : i32
    %dma_start3A_910 = arith.constant 0 : i32
    %dma_start3A_911 = tpu.memref_slice %arg4[%dma_start3A_909, %dma_start3A_910] : memref<100000x64xf32, #tpu.memory_space<hbm>> -> memref<100000x64xf32, #tpu.memory_space<hbm>>
    tpu.enqueue_indirect_dma source(%dma_start3A_911 : memref<100000x64xf32, #tpu.memory_space<hbm>>) target(%dma_start3A_906 : memref<80x64xf32, #tpu.memory_space<vmem>>) offsets(%dma_start3A_908 : memref<80xi32, #tpu.memory_space<vmem>>) semaphore(%arg24 : memref<!tpu.dma_semaphore, #tpu.memory_space<semaphore_mem>>)
    %dma_start3A_912 = arith.constant 1 : i32
    %dma_start3A_913 = arith.constant 0 : i32
    %dma_start3A_914 = arith.constant 0 : i32
    %dma_start3A_915 = tpu.memref_slice %arg14[%dma_start3A_912, %dma_start3A_913, %dma_start3A_914] : memref<4x200x64xf32, #tpu.memory_space<vmem>> -> memref<1x80x64xf32, #tpu.memory_space<vmem>>
    %dma_start3A_916 = tpu.memref_squeeze %dma_start3A_915 : memref<1x80x64xf32, #tpu.memory_space<vmem>> -> memref<80x64xf32, #tpu.memory_space<vmem>>
    %dma_start3A_917 = arith.constant 256 : i32
    %dma_start3A_918 = tpu.memref_slice %arg12[%dma_start3A_917] : memref<1024xi32, #tpu.memory_space<vmem>> -> memref<80xi32, #tpu.memory_space<vmem>>
    %dma_start3A_919 = arith.constant 0 : i32
    %dma_start3A_920 = arith.constant 0 : i32
    %dma_start3A_921 = tpu.memref_slice %arg9[%dma_start3A_919, %dma_start3A_920] : memref<1600x64xf32, #tpu.memory_space<hbm>> -> memref<1600x64xf32, #tpu.memory_space<hbm>>
    tpu.enqueue_indirect_dma source(%dma_start3A_921 : memref<1600x64xf32, #tpu.memory_space<hbm>>) target(%dma_start3A_916 : memref<80x64xf32, #tpu.memory_space<vmem>>) offsets(%dma_start3A_918 : memref<80xi32, #tpu.memory_space<vmem>>) semaphore(%arg24 : memref<!tpu.dma_semaphore, #tpu.memory_space<semaphore_mem>>)
    %dma_start3A_922 = arith.constant 1 : i32
    %dma_start3A_923 = arith.constant 80 : i32
    %dma_start3A_924 = arith.constant 0 : i32
    %dma_start3A_925 = tpu.memref_slice %arg13[%dma_start3A_922, %dma_start3A_923, %dma_start3A_924] : memref<4x200x64xf32, #tpu.memory_space<vmem>> -> memref<1x80x64xf32, #tpu.memory_space<vmem>>
    %dma_start3A_926 = tpu.memref_squeeze %dma_start3A_925 : memref<1x80x64xf32, #tpu.memory_space<vmem>> -> memref<80x64xf32, #tpu.memory_space<vmem>>
    %dma_start3A_927 = arith.constant 336 : i32
    %dma_start3A_928 = tpu.memref_slice %arg10[%dma_start3A_927] : memref<1024xi32, #tpu.memory_space<vmem>> -> memref<80xi32, #tpu.memory_space<vmem>>
    %dma_start3A_929 = arith.constant 0 : i32
    %dma_start3A_930 = arith.constant 0 : i32
    %dma_start3A_931 = tpu.memref_slice %arg4[%dma_start3A_929, %dma_start3A_930] : memref<100000x64xf32, #tpu.memory_space<hbm>> -> memref<100000x64xf32, #tpu.memory_space<hbm>>
    tpu.enqueue_indirect_dma source(%dma_start3A_931 : memref<100000x64xf32, #tpu.memory_space<hbm>>) target(%dma_start3A_926 : memref<80x64xf32, #tpu.memory_space<vmem>>) offsets(%dma_start3A_928 : memref<80xi32, #tpu.memory_space<vmem>>) semaphore(%arg24 : memref<!tpu.dma_semaphore, #tpu.memory_space<semaphore_mem>>)
    %dma_start3A_932 = arith.constant 1 : i32
    %dma_start3A_933 = arith.constant 80 : i32
    %dma_start3A_934 = arith.constant 0 : i32
    %dma_start3A_935 = tpu.memref_slice %arg14[%dma_start3A_932, %dma_start3A_933, %dma_start3A_934] : memref<4x200x64xf32, #tpu.memory_space<vmem>> -> memref<1x80x64xf32, #tpu.memory_space<vmem>>
    %dma_start3A_936 = tpu.memref_squeeze %dma_start3A_935 : memref<1x80x64xf32, #tpu.memory_space<vmem>> -> memref<80x64xf32, #tpu.memory_space<vmem>>
    %dma_start3A_937 = arith.constant 336 : i32
    %dma_start3A_938 = tpu.memref_slice %arg12[%dma_start3A_937] : memref<1024xi32, #tpu.memory_space<vmem>> -> memref<80xi32, #tpu.memory_space<vmem>>
    %dma_start3A_939 = arith.constant 0 : i32
    %dma_start3A_940 = arith.constant 0 : i32
    %dma_start3A_941 = tpu.memref_slice %arg9[%dma_start3A_939, %dma_start3A_940] : memref<1600x64xf32, #tpu.memory_space<hbm>> -> memref<1600x64xf32, #tpu.memory_space<hbm>>
    tpu.enqueue_indirect_dma source(%dma_start3A_941 : memref<1600x64xf32, #tpu.memory_space<hbm>>) target(%dma_start3A_936 : memref<80x64xf32, #tpu.memory_space<vmem>>) offsets(%dma_start3A_938 : memref<80xi32, #tpu.memory_space<vmem>>) semaphore(%arg24 : memref<!tpu.dma_semaphore, #tpu.memory_space<semaphore_mem>>)
    %dma_start3A_942 = arith.constant 1 : i32
    %dma_start3A_943 = arith.constant 160 : i32
    %dma_start3A_944 = arith.constant 0 : i32
    %dma_start3A_945 = tpu.memref_slice %arg13[%dma_start3A_942, %dma_start3A_943, %dma_start3A_944] : memref<4x200x64xf32, #tpu.memory_space<vmem>> -> memref<1x40x64xf32, #tpu.memory_space<vmem>>
    %dma_start3A_946 = tpu.memref_squeeze %dma_start3A_945 : memref<1x40x64xf32, #tpu.memory_space<vmem>> -> memref<40x64xf32, #tpu.memory_space<vmem>>
    %dma_start3A_947 = arith.constant 416 : i32
    %dma_start3A_948 = tpu.memref_slice %arg10[%dma_start3A_947] : memref<1024xi32, #tpu.memory_space<vmem>> -> memref<40xi32, #tpu.memory_space<vmem>>
    %dma_start3A_949 = arith.constant 0 : i32
    %dma_start3A_950 = arith.constant 0 : i32
    %dma_start3A_951 = tpu.memref_slice %arg4[%dma_start3A_949, %dma_start3A_950] : memref<100000x64xf32, #tpu.memory_space<hbm>> -> memref<100000x64xf32, #tpu.memory_space<hbm>>
    tpu.enqueue_indirect_dma source(%dma_start3A_951 : memref<100000x64xf32, #tpu.memory_space<hbm>>) target(%dma_start3A_946 : memref<40x64xf32, #tpu.memory_space<vmem>>) offsets(%dma_start3A_948 : memref<40xi32, #tpu.memory_space<vmem>>) semaphore(%arg24 : memref<!tpu.dma_semaphore, #tpu.memory_space<semaphore_mem>>)
    %dma_start3A_952 = arith.constant 1 : i32
    %dma_start3A_953 = arith.constant 160 : i32
    %dma_start3A_954 = arith.constant 0 : i32
    %dma_start3A_955 = tpu.memref_slice %arg14[%dma_start3A_952, %dma_start3A_953, %dma_start3A_954] : memref<4x200x64xf32, #tpu.memory_space<vmem>> -> memref<1x40x64xf32, #tpu.memory_space<vmem>>
    %dma_start3A_956 = tpu.memref_squeeze %dma_start3A_955 : memref<1x40x64xf32, #tpu.memory_space<vmem>> -> memref<40x64xf32, #tpu.memory_space<vmem>>
    %dma_start3A_957 = arith.constant 416 : i32
    %dma_start3A_958 = tpu.memref_slice %arg12[%dma_start3A_957] : memref<1024xi32, #tpu.memory_space<vmem>> -> memref<40xi32, #tpu.memory_space<vmem>>
    %dma_start3A_959 = arith.constant 0 : i32
    %dma_start3A_960 = arith.constant 0 : i32
    %dma_start3A_961 = tpu.memref_slice %arg9[%dma_start3A_959, %dma_start3A_960] : memref<1600x64xf32, #tpu.memory_space<hbm>> -> memref<1600x64xf32, #tpu.memory_space<hbm>>
    tpu.enqueue_indirect_dma source(%dma_start3A_961 : memref<1600x64xf32, #tpu.memory_space<hbm>>) target(%dma_start3A_956 : memref<40x64xf32, #tpu.memory_space<vmem>>) offsets(%dma_start3A_958 : memref<40xi32, #tpu.memory_space<vmem>>) semaphore(%arg24 : memref<!tpu.dma_semaphore, #tpu.memory_space<semaphore_mem>>)
    %scan3A_962 = arith.constant 0 : i32
    %scan3A_963 = arith.constant 128 : i32
    %scan3A_964 = arith.addi %scan3A_962, %scan3A_963 : i32
    %scan3A_965 = arith.constant 1 : i32
    scf.for %scan3A_1111 = %scan3A_962 to %scan3A_964 step %scan3A_965  : i32 {
      %mul3A_1112 = arith.constant 1 : i32
      %mul3A_1113 = arith.muli %scan3A_1111, %mul3A_1112 : i32
      %add3A_1114 = arith.constant 0 : i32
      %add3A_1115 = arith.addi %add3A_1114, %mul3A_1113 : i32
      %rem3A_1116 = arith.constant 4 : i32
      %rem3A_1117 = arith.remsi %add3A_1115, %rem3A_1116 : i32
      %eq3A_1118 = arith.constant 0 : i32
      %eq3A_1119 = arith.cmpi eq, %rem3A_1117, %eq3A_1118 : i32
      %convert_element_type3A = arith.extui %eq3A_1119 : i1 to i32
      %cond3A = arith.constant 0 : i32
      %cond3A_1120 = arith.cmpi ne, %convert_element_type3A, %cond3A : i32
      scf.if %cond3A_1120 {
        %add3A_1142 = arith.constant 2 : i32
        %add3A_1143 = arith.addi %add3A_1115, %add3A_1142 : i32
        %lt3A_1144 = arith.constant 128 : i32
        %lt3A_1145 = arith.cmpi slt, %add3A_1143, %lt3A_1144 : i32
        %convert_element_type3A_1146 = arith.extui %lt3A_1145 : i1 to i32
        %cond3A_1147 = arith.constant 0 : i32
        %cond3A_1148 = arith.cmpi ne, %convert_element_type3A_1146, %cond3A_1147 : i32
        scf.if %cond3A_1148 {
          %add3A_1256 = arith.constant 2 : i32
          %add3A_1257 = arith.addi %add3A_1115, %add3A_1256 : i32
          %add3A_1258 = arith.addi %mul3A_2, %add3A_1257 : i32
          %dma_wait3A_1259 = arith.constant 512 : i32
          %dma_wait3A_1260 = tpu.memref_slice %arg10[%dma_wait3A_1259] : memref<1024xi32, #tpu.memory_space<vmem>> -> memref<256xi32, #tpu.memory_space<vmem>>
          %dma_wait3A_1261 = arith.constant 0 : i32
          %dma_wait3A_1262 = tpu.memref_slice %arg2[%add3A_1258, %dma_wait3A_1261] : memref<4096x256xi32, #tpu.memory_space<hbm>> -> memref<1x256xi32, #tpu.memory_space<hbm>>
          %dma_wait3A_1263 = tpu.memref_squeeze %dma_wait3A_1262 : memref<1x256xi32, #tpu.memory_space<hbm>> -> memref<256xi32, #tpu.memory_space<hbm>>
          %dma_wait3A_1264 = arith.constant 512 : i32
          %dma_wait3A_1265 = tpu.memref_slice %arg10[%dma_wait3A_1264] : memref<1024xi32, #tpu.memory_space<vmem>> -> memref<256xi32, #tpu.memory_space<vmem>>
          %dma_wait3A_1266 = arith.constant 0 : i32
          %dma_wait3A_1267 = tpu.memref_slice %arg2[%add3A_1258, %dma_wait3A_1266] : memref<4096x256xi32, #tpu.memory_space<hbm>> -> memref<1x256xi32, #tpu.memory_space<hbm>>
          %dma_wait3A_1268 = tpu.memref_squeeze %dma_wait3A_1267 : memref<1x256xi32, #tpu.memory_space<hbm>> -> memref<256xi32, #tpu.memory_space<hbm>>
          tpu.wait_dma2 semaphore(%arg21 : memref<!tpu.dma_semaphore, #tpu.memory_space<semaphore_mem>>) src(%dma_wait3A_1268 : memref<256xi32, #tpu.memory_space<hbm>>) dst(%dma_wait3A_1265 : memref<256xi32, #tpu.memory_space<vmem>>)
          %dma_wait3A_1269 = arith.constant 512 : i32
          %dma_wait3A_1270 = tpu.memref_slice %arg11[%dma_wait3A_1269] : memref<1024xi32, #tpu.memory_space<vmem>> -> memref<256xi32, #tpu.memory_space<vmem>>
          %dma_wait3A_1271 = arith.constant 0 : i32
          %dma_wait3A_1272 = tpu.memref_slice %arg3[%add3A_1258, %dma_wait3A_1271] : memref<4096x256xi32, #tpu.memory_space<hbm>> -> memref<1x256xi32, #tpu.memory_space<hbm>>
          %dma_wait3A_1273 = tpu.memref_squeeze %dma_wait3A_1272 : memref<1x256xi32, #tpu.memory_space<hbm>> -> memref<256xi32, #tpu.memory_space<hbm>>
          %dma_wait3A_1274 = arith.constant 512 : i32
          %dma_wait3A_1275 = tpu.memref_slice %arg11[%dma_wait3A_1274] : memref<1024xi32, #tpu.memory_space<vmem>> -> memref<256xi32, #tpu.memory_space<vmem>>
          %dma_wait3A_1276 = arith.constant 0 : i32
          %dma_wait3A_1277 = tpu.memref_slice %arg3[%add3A_1258, %dma_wait3A_1276] : memref<4096x256xi32, #tpu.memory_space<hbm>> -> memref<1x256xi32, #tpu.memory_space<hbm>>
          %dma_wait3A_1278 = tpu.memref_squeeze %dma_wait3A_1277 : memref<1x256xi32, #tpu.memory_space<hbm>> -> memref<256xi32, #tpu.memory_space<hbm>>
          tpu.wait_dma2 semaphore(%arg21 : memref<!tpu.dma_semaphore, #tpu.memory_space<semaphore_mem>>) src(%dma_wait3A_1278 : memref<256xi32, #tpu.memory_space<hbm>>) dst(%dma_wait3A_1275 : memref<256xi32, #tpu.memory_space<vmem>>)
          %get3A_1279 = arith.constant 512 : index
          %get3A_1280 = tpu.vector_load %arg11[%get3A_1279] {strides = array<i32>} : memref<1024xi32, #tpu.memory_space<vmem>>, vector<16xi32>,
          %get3A_1281 = vector.shape_cast %get3A_1280 : vector<16xi32> to vector<16xi32>
          %mul3A_1282 = arith.constant 200 : i32
          %mul3A_1283 = vector.broadcast %mul3A_1282 : i32 to vector<16xi32>
          %mul3A_1284 = arith.muli %get3A_1281, %mul3A_1283 : vector<16xi32>
          %get3A_1285 = arith.constant 0 : index
          %get3A_1286 = tpu.vector_load %arg16[%get3A_1285] {strides = array<i32>} : memref<256xi32, #tpu.memory_space<vmem>>, vector<16xi32>,
          %get3A_1287 = vector.shape_cast %get3A_1286 : vector<16xi32> to vector<16xi32>
          %add3A_1288 = arith.addi %mul3A_1284, %get3A_1287 : vector<16xi32>
          %swap3A_1289 = arith.constant 512 : index
          %swap3A_1290 = tpu.vector_load %arg12[%swap3A_1289] {strides = array<i32>} : memref<1024xi32, #tpu.memory_space<vmem>>, vector<16xi32>,
          %swap3A_1291 = vector.shape_cast %swap3A_1290 : vector<16xi32> to vector<16xi32>
          %swap3A_1292 = vector.shape_cast %add3A_1288 : vector<16xi32> to vector<16xi32>
          tpu.vector_store %arg12[%swap3A_1289], %swap3A_1292 {strides = array<i32>} : memref<1024xi32, #tpu.memory_space<vmem>>, vector<16xi32>,
          %get3A_1293 = arith.constant 528 : index
          %get3A_1294 = tpu.vector_load %arg11[%get3A_1293] {strides = array<i32>} : memref<1024xi32, #tpu.memory_space<vmem>>, vector<16xi32>,
          %get3A_1295 = vector.shape_cast %get3A_1294 : vector<16xi32> to vector<16xi32>
          %mul3A_1296 = arith.constant 200 : i32
          %mul3A_1297 = vector.broadcast %mul3A_1296 : i32 to vector<16xi32>
          %mul3A_1298 = arith.muli %get3A_1295, %mul3A_1297 : vector<16xi32>
          %get3A_1299 = arith.constant 16 : index
          %get3A_1300 = tpu.vector_load %arg16[%get3A_1299] {strides = array<i32>} : memref<256xi32, #tpu.memory_space<vmem>>, vector<16xi32>,
          %get3A_1301 = vector.shape_cast %get3A_1300 : vector<16xi32> to vector<16xi32>
          %add3A_1302 = arith.addi %mul3A_1298, %get3A_1301 : vector<16xi32>
          %swap3A_1303 = arith.constant 528 : index
          %swap3A_1304 = tpu.vector_load %arg12[%swap3A_1303] {strides = array<i32>} : memref<1024xi32, #tpu.memory_space<vmem>>, vector<16xi32>,
          %swap3A_1305 = vector.shape_cast %swap3A_1304 : vector<16xi32> to vector<16xi32>
          %swap3A_1306 = vector.shape_cast %add3A_1302 : vector<16xi32> to vector<16xi32>
          tpu.vector_store %arg12[%swap3A_1303], %swap3A_1306 {strides = array<i32>} : memref<1024xi32, #tpu.memory_space<vmem>>, vector<16xi32>,
          %get3A_1307 = arith.constant 544 : index
          %get3A_1308 = tpu.vector_load %arg11[%get3A_1307] {strides = array<i32>} : memref<1024xi32, #tpu.memory_space<vmem>>, vector<16xi32>,
          %get3A_1309 = vector.shape_cast %get3A_1308 : vector<16xi32> to vector<16xi32>
          %mul3A_1310 = arith.constant 200 : i32
          %mul3A_1311 = vector.broadcast %mul3A_1310 : i32 to vector<16xi32>
          %mul3A_1312 = arith.muli %get3A_1309, %mul3A_1311 : vector<16xi32>
          %get3A_1313 = arith.constant 32 : index
          %get3A_1314 = tpu.vector_load %arg16[%get3A_1313] {strides = array<i32>} : memref<256xi32, #tpu.memory_space<vmem>>, vector<16xi32>,
          %get3A_1315 = vector.shape_cast %get3A_1314 : vector<16xi32> to vector<16xi32>
          %add3A_1316 = arith.addi %mul3A_1312, %get3A_1315 : vector<16xi32>
          %swap3A_1317 = arith.constant 544 : index
          %swap3A_1318 = tpu.vector_load %arg12[%swap3A_1317] {strides = array<i32>} : memref<1024xi32, #tpu.memory_space<vmem>>, vector<16xi32>,
          %swap3A_1319 = vector.shape_cast %swap3A_1318 : vector<16xi32> to vector<16xi32>
          %swap3A_1320 = vector.shape_cast %add3A_1316 : vector<16xi32> to vector<16xi32>
          tpu.vector_store %arg12[%swap3A_1317], %swap3A_1320 {strides = array<i32>} : memref<1024xi32, #tpu.memory_space<vmem>>, vector<16xi32>,
          %get3A_1321 = arith.constant 560 : index
          %get3A_1322 = tpu.vector_load %arg11[%get3A_1321] {strides = array<i32>} : memref<1024xi32, #tpu.memory_space<vmem>>, vector<16xi32>,
          %get3A_1323 = vector.shape_cast %get3A_1322 : vector<16xi32> to vector<16xi32>
          %mul3A_1324 = arith.constant 200 : i32
          %mul3A_1325 = vector.broadcast %mul3A_1324 : i32 to vector<16xi32>
          %mul3A_1326 = arith.muli %get3A_1323, %mul3A_1325 : vector<16xi32>
          %get3A_1327 = arith.constant 48 : index
          %get3A_1328 = tpu.vector_load %arg16[%get3A_1327] {strides = array<i32>} : memref<256xi32, #tpu.memory_space<vmem>>, vector<16xi32>,
          %get3A_1329 = vector.shape_cast %get3A_1328 : vector<16xi32> to vector<16xi32>
          %add3A_1330 = arith.addi %mul3A_1326, %get3A_1329 : vector<16xi32>
          %swap3A_1331 = arith.constant 560 : index
          %swap3A_1332 = tpu.vector_load %arg12[%swap3A_1331] {strides = array<i32>} : memref<1024xi32, #tpu.memory_space<vmem>>, vector<16xi32>,
          %swap3A_1333 = vector.shape_cast %swap3A_1332 : vector<16xi32> to vector<16xi32>
          %swap3A_1334 = vector.shape_cast %add3A_1330 : vector<16xi32> to vector<16xi32>
          tpu.vector_store %arg12[%swap3A_1331], %swap3A_1334 {strides = array<i32>} : memref<1024xi32, #tpu.memory_space<vmem>>, vector<16xi32>,
          %get3A_1335 = arith.constant 576 : index
          %get3A_1336 = tpu.vector_load %arg11[%get3A_1335] {strides = array<i32>} : memref<1024xi32, #tpu.memory_space<vmem>>, vector<16xi32>,
          %get3A_1337 = vector.shape_cast %get3A_1336 : vector<16xi32> to vector<16xi32>
          %mul3A_1338 = arith.constant 200 : i32
          %mul3A_1339 = vector.broadcast %mul3A_1338 : i32 to vector<16xi32>
          %mul3A_1340 = arith.muli %get3A_1337, %mul3A_1339 : vector<16xi32>
          %get3A_1341 = arith.constant 64 : index
          %get3A_1342 = tpu.vector_load %arg16[%get3A_1341] {strides = array<i32>} : memref<256xi32, #tpu.memory_space<vmem>>, vector<16xi32>,
          %get3A_1343 = vector.shape_cast %get3A_1342 : vector<16xi32> to vector<16xi32>
          %add3A_1344 = arith.addi %mul3A_1340, %get3A_1343 : vector<16xi32>
          %swap3A_1345 = arith.constant 576 : index
          %swap3A_1346 = tpu.vector_load %arg12[%swap3A_1345] {strides = array<i32>} : memref<1024xi32, #tpu.memory_space<vmem>>, vector<16xi32>,
          %swap3A_1347 = vector.shape_cast %swap3A_1346 : vector<16xi32> to vector<16xi32>
          %swap3A_1348 = vector.shape_cast %add3A_1344 : vector<16xi32> to vector<16xi32>
          tpu.vector_store %arg12[%swap3A_1345], %swap3A_1348 {strides = array<i32>} : memref<1024xi32, #tpu.memory_space<vmem>>, vector<16xi32>,
          %get3A_1349 = arith.constant 592 : index
          %get3A_1350 = tpu.vector_load %arg11[%get3A_1349] {strides = array<i32>} : memref<1024xi32, #tpu.memory_space<vmem>>, vector<16xi32>,
          %get3A_1351 = vector.shape_cast %get3A_1350 : vector<16xi32> to vector<16xi32>
          %mul3A_1352 = arith.constant 200 : i32
          %mul3A_1353 = vector.broadcast %mul3A_1352 : i32 to vector<16xi32>
          %mul3A_1354 = arith.muli %get3A_1351, %mul3A_1353 : vector<16xi32>
          %get3A_1355 = arith.constant 80 : index
          %get3A_1356 = tpu.vector_load %arg16[%get3A_1355] {strides = array<i32>} : memref<256xi32, #tpu.memory_space<vmem>>, vector<16xi32>,
          %get3A_1357 = vector.shape_cast %get3A_1356 : vector<16xi32> to vector<16xi32>
          %add3A_1358 = arith.addi %mul3A_1354, %get3A_1357 : vector<16xi32>
          %swap3A_1359 = arith.constant 592 : index
          %swap3A_1360 = tpu.vector_load %arg12[%swap3A_1359] {strides = array<i32>} : memref<1024xi32, #tpu.memory_space<vmem>>, vector<16xi32>,
          %swap3A_1361 = vector.shape_cast %swap3A_1360 : vector<16xi32> to vector<16xi32>
          %swap3A_1362 = vector.shape_cast %add3A_1358 : vector<16xi32> to vector<16xi32>
          tpu.vector_store %arg12[%swap3A_1359], %swap3A_1362 {strides = array<i32>} : memref<1024xi32, #tpu.memory_space<vmem>>, vector<16xi32>,
          %get3A_1363 = arith.constant 608 : index
          %get3A_1364 = tpu.vector_load %arg11[%get3A_1363] {strides = array<i32>} : memref<1024xi32, #tpu.memory_space<vmem>>, vector<16xi32>,
          %get3A_1365 = vector.shape_cast %get3A_1364 : vector<16xi32> to vector<16xi32>
          %mul3A_1366 = arith.constant 200 : i32
          %mul3A_1367 = vector.broadcast %mul3A_1366 : i32 to vector<16xi32>
          %mul3A_1368 = arith.muli %get3A_1365, %mul3A_1367 : vector<16xi32>
          %get3A_1369 = arith.constant 96 : index
          %get3A_1370 = tpu.vector_load %arg16[%get3A_1369] {strides = array<i32>} : memref<256xi32, #tpu.memory_space<vmem>>, vector<16xi32>,
          %get3A_1371 = vector.shape_cast %get3A_1370 : vector<16xi32> to vector<16xi32>
          %add3A_1372 = arith.addi %mul3A_1368, %get3A_1371 : vector<16xi32>
          %swap3A_1373 = arith.constant 608 : index
          %swap3A_1374 = tpu.vector_load %arg12[%swap3A_1373] {strides = array<i32>} : memref<1024xi32, #tpu.memory_space<vmem>>, vector<16xi32>,
          %swap3A_1375 = vector.shape_cast %swap3A_1374 : vector<16xi32> to vector<16xi32>
          %swap3A_1376 = vector.shape_cast %add3A_1372 : vector<16xi32> to vector<16xi32>
          tpu.vector_store %arg12[%swap3A_1373], %swap3A_1376 {strides = array<i32>} : memref<1024xi32, #tpu.memory_space<vmem>>, vector<16xi32>,
          %get3A_1377 = arith.constant 624 : index
          %get3A_1378 = tpu.vector_load %arg11[%get3A_1377] {strides = array<i32>} : memref<1024xi32, #tpu.memory_space<vmem>>, vector<16xi32>,
          %get3A_1379 = vector.shape_cast %get3A_1378 : vector<16xi32> to vector<16xi32>
          %mul3A_1380 = arith.constant 200 : i32
          %mul3A_1381 = vector.broadcast %mul3A_1380 : i32 to vector<16xi32>
          %mul3A_1382 = arith.muli %get3A_1379, %mul3A_1381 : vector<16xi32>
          %get3A_1383 = arith.constant 112 : index
          %get3A_1384 = tpu.vector_load %arg16[%get3A_1383] {strides = array<i32>} : memref<256xi32, #tpu.memory_space<vmem>>, vector<16xi32>,
          %get3A_1385 = vector.shape_cast %get3A_1384 : vector<16xi32> to vector<16xi32>
          %add3A_1386 = arith.addi %mul3A_1382, %get3A_1385 : vector<16xi32>
          %swap3A_1387 = arith.constant 624 : index
          %swap3A_1388 = tpu.vector_load %arg12[%swap3A_1387] {strides = array<i32>} : memref<1024xi32, #tpu.memory_space<vmem>>, vector<16xi32>,
          %swap3A_1389 = vector.shape_cast %swap3A_1388 : vector<16xi32> to vector<16xi32>
          %swap3A_1390 = vector.shape_cast %add3A_1386 : vector<16xi32> to vector<16xi32>
          tpu.vector_store %arg12[%swap3A_1387], %swap3A_1390 {strides = array<i32>} : memref<1024xi32, #tpu.memory_space<vmem>>, vector<16xi32>,
          %get3A_1391 = arith.constant 640 : index
          %get3A_1392 = tpu.vector_load %arg11[%get3A_1391] {strides = array<i32>} : memref<1024xi32, #tpu.memory_space<vmem>>, vector<16xi32>,
          %get3A_1393 = vector.shape_cast %get3A_1392 : vector<16xi32> to vector<16xi32>
          %mul3A_1394 = arith.constant 200 : i32
          %mul3A_1395 = vector.broadcast %mul3A_1394 : i32 to vector<16xi32>
          %mul3A_1396 = arith.muli %get3A_1393, %mul3A_1395 : vector<16xi32>
          %get3A_1397 = arith.constant 128 : index
          %get3A_1398 = tpu.vector_load %arg16[%get3A_1397] {strides = array<i32>} : memref<256xi32, #tpu.memory_space<vmem>>, vector<16xi32>,
          %get3A_1399 = vector.shape_cast %get3A_1398 : vector<16xi32> to vector<16xi32>
          %add3A_1400 = arith.addi %mul3A_1396, %get3A_1399 : vector<16xi32>
          %swap3A_1401 = arith.constant 640 : index
          %swap3A_1402 = tpu.vector_load %arg12[%swap3A_1401] {strides = array<i32>} : memref<1024xi32, #tpu.memory_space<vmem>>, vector<16xi32>,
          %swap3A_1403 = vector.shape_cast %swap3A_1402 : vector<16xi32> to vector<16xi32>
          %swap3A_1404 = vector.shape_cast %add3A_1400 : vector<16xi32> to vector<16xi32>
          tpu.vector_store %arg12[%swap3A_1401], %swap3A_1404 {strides = array<i32>} : memref<1024xi32, #tpu.memory_space<vmem>>, vector<16xi32>,
          %get3A_1405 = arith.constant 656 : index
          %get3A_1406 = tpu.vector_load %arg11[%get3A_1405] {strides = array<i32>} : memref<1024xi32, #tpu.memory_space<vmem>>, vector<16xi32>,
          %get3A_1407 = vector.shape_cast %get3A_1406 : vector<16xi32> to vector<16xi32>
          %mul3A_1408 = arith.constant 200 : i32
          %mul3A_1409 = vector.broadcast %mul3A_1408 : i32 to vector<16xi32>
          %mul3A_1410 = arith.muli %get3A_1407, %mul3A_1409 : vector<16xi32>
          %get3A_1411 = arith.constant 144 : index
          %get3A_1412 = tpu.vector_load %arg16[%get3A_1411] {strides = array<i32>} : memref<256xi32, #tpu.memory_space<vmem>>, vector<16xi32>,
          %get3A_1413 = vector.shape_cast %get3A_1412 : vector<16xi32> to vector<16xi32>
          %add3A_1414 = arith.addi %mul3A_1410, %get3A_1413 : vector<16xi32>
          %swap3A_1415 = arith.constant 656 : index
          %swap3A_1416 = tpu.vector_load %arg12[%swap3A_1415] {strides = array<i32>} : memref<1024xi32, #tpu.memory_space<vmem>>, vector<16xi32>,
          %swap3A_1417 = vector.shape_cast %swap3A_1416 : vector<16xi32> to vector<16xi32>
          %swap3A_1418 = vector.shape_cast %add3A_1414 : vector<16xi32> to vector<16xi32>
          tpu.vector_store %arg12[%swap3A_1415], %swap3A_1418 {strides = array<i32>} : memref<1024xi32, #tpu.memory_space<vmem>>, vector<16xi32>,
          %get3A_1419 = arith.constant 672 : index
          %get3A_1420 = tpu.vector_load %arg11[%get3A_1419] {strides = array<i32>} : memref<1024xi32, #tpu.memory_space<vmem>>, vector<16xi32>,
          %get3A_1421 = vector.shape_cast %get3A_1420 : vector<16xi32> to vector<16xi32>
          %mul3A_1422 = arith.constant 200 : i32
          %mul3A_1423 = vector.broadcast %mul3A_1422 : i32 to vector<16xi32>
          %mul3A_1424 = arith.muli %get3A_1421, %mul3A_1423 : vector<16xi32>
          %get3A_1425 = arith.constant 160 : index
          %get3A_1426 = tpu.vector_load %arg16[%get3A_1425] {strides = array<i32>} : memref<256xi32, #tpu.memory_space<vmem>>, vector<16xi32>,
          %get3A_1427 = vector.shape_cast %get3A_1426 : vector<16xi32> to vector<16xi32>
          %add3A_1428 = arith.addi %mul3A_1424, %get3A_1427 : vector<16xi32>
          %swap3A_1429 = arith.constant 672 : index
          %swap3A_1430 = tpu.vector_load %arg12[%swap3A_1429] {strides = array<i32>} : memref<1024xi32, #tpu.memory_space<vmem>>, vector<16xi32>,
          %swap3A_1431 = vector.shape_cast %swap3A_1430 : vector<16xi32> to vector<16xi32>
          %swap3A_1432 = vector.shape_cast %add3A_1428 : vector<16xi32> to vector<16xi32>
          tpu.vector_store %arg12[%swap3A_1429], %swap3A_1432 {strides = array<i32>} : memref<1024xi32, #tpu.memory_space<vmem>>, vector<16xi32>,
          %get3A_1433 = arith.constant 688 : index
          %get3A_1434 = tpu.vector_load %arg11[%get3A_1433] {strides = array<i32>} : memref<1024xi32, #tpu.memory_space<vmem>>, vector<16xi32>,
          %get3A_1435 = vector.shape_cast %get3A_1434 : vector<16xi32> to vector<16xi32>
          %mul3A_1436 = arith.constant 200 : i32
          %mul3A_1437 = vector.broadcast %mul3A_1436 : i32 to vector<16xi32>
          %mul3A_1438 = arith.muli %get3A_1435, %mul3A_1437 : vector<16xi32>
          %get3A_1439 = arith.constant 176 : index
          %get3A_1440 = tpu.vector_load %arg16[%get3A_1439] {strides = array<i32>} : memref<256xi32, #tpu.memory_space<vmem>>, vector<16xi32>,
          %get3A_1441 = vector.shape_cast %get3A_1440 : vector<16xi32> to vector<16xi32>
          %add3A_1442 = arith.addi %mul3A_1438, %get3A_1441 : vector<16xi32>
          %swap3A_1443 = arith.constant 688 : index
          %swap3A_1444 = tpu.vector_load %arg12[%swap3A_1443] {strides = array<i32>} : memref<1024xi32, #tpu.memory_space<vmem>>, vector<16xi32>,
          %swap3A_1445 = vector.shape_cast %swap3A_1444 : vector<16xi32> to vector<16xi32>
          %swap3A_1446 = vector.shape_cast %add3A_1442 : vector<16xi32> to vector<16xi32>
          tpu.vector_store %arg12[%swap3A_1443], %swap3A_1446 {strides = array<i32>} : memref<1024xi32, #tpu.memory_space<vmem>>, vector<16xi32>,
          %get3A_1447 = arith.constant 704 : index
          %get3A_1448 = tpu.vector_load %arg11[%get3A_1447] {strides = array<i32>} : memref<1024xi32, #tpu.memory_space<vmem>>, vector<16xi32>,
          %get3A_1449 = vector.shape_cast %get3A_1448 : vector<16xi32> to vector<16xi32>
          %mul3A_1450 = arith.constant 200 : i32
          %mul3A_1451 = vector.broadcast %mul3A_1450 : i32 to vector<16xi32>
          %mul3A_1452 = arith.muli %get3A_1449, %mul3A_1451 : vector<16xi32>
          %get3A_1453 = arith.constant 192 : index
          %get3A_1454 = tpu.vector_load %arg16[%get3A_1453] {strides = array<i32>} : memref<256xi32, #tpu.memory_space<vmem>>, vector<16xi32>,
          %get3A_1455 = vector.shape_cast %get3A_1454 : vector<16xi32> to vector<16xi32>
          %add3A_1456 = arith.addi %mul3A_1452, %get3A_1455 : vector<16xi32>
          %swap3A_1457 = arith.constant 704 : index
          %swap3A_1458 = tpu.vector_load %arg12[%swap3A_1457] {strides = array<i32>} : memref<1024xi32, #tpu.memory_space<vmem>>, vector<16xi32>,
          %swap3A_1459 = vector.shape_cast %swap3A_1458 : vector<16xi32> to vector<16xi32>
          %swap3A_1460 = vector.shape_cast %add3A_1456 : vector<16xi32> to vector<16xi32>
          tpu.vector_store %arg12[%swap3A_1457], %swap3A_1460 {strides = array<i32>} : memref<1024xi32, #tpu.memory_space<vmem>>, vector<16xi32>,
          %get3A_1461 = arith.constant 720 : index
          %get3A_1462 = tpu.vector_load %arg11[%get3A_1461] {strides = array<i32>} : memref<1024xi32, #tpu.memory_space<vmem>>, vector<16xi32>,
          %get3A_1463 = vector.shape_cast %get3A_1462 : vector<16xi32> to vector<16xi32>
          %mul3A_1464 = arith.constant 200 : i32
          %mul3A_1465 = vector.broadcast %mul3A_1464 : i32 to vector<16xi32>
          %mul3A_1466 = arith.muli %get3A_1463, %mul3A_1465 : vector<16xi32>
          %get3A_1467 = arith.constant 208 : index
          %get3A_1468 = tpu.vector_load %arg16[%get3A_1467] {strides = array<i32>} : memref<256xi32, #tpu.memory_space<vmem>>, vector<16xi32>,
          %get3A_1469 = vector.shape_cast %get3A_1468 : vector<16xi32> to vector<16xi32>
          %add3A_1470 = arith.addi %mul3A_1466, %get3A_1469 : vector<16xi32>
          %swap3A_1471 = arith.constant 720 : index
          %swap3A_1472 = tpu.vector_load %arg12[%swap3A_1471] {strides = array<i32>} : memref<1024xi32, #tpu.memory_space<vmem>>, vector<16xi32>,
          %swap3A_1473 = vector.shape_cast %swap3A_1472 : vector<16xi32> to vector<16xi32>
          %swap3A_1474 = vector.shape_cast %add3A_1470 : vector<16xi32> to vector<16xi32>
          tpu.vector_store %arg12[%swap3A_1471], %swap3A_1474 {strides = array<i32>} : memref<1024xi32, #tpu.memory_space<vmem>>, vector<16xi32>,
          %get3A_1475 = arith.constant 736 : index
          %get3A_1476 = tpu.vector_load %arg11[%get3A_1475] {strides = array<i32>} : memref<1024xi32, #tpu.memory_space<vmem>>, vector<16xi32>,
          %get3A_1477 = vector.shape_cast %get3A_1476 : vector<16xi32> to vector<16xi32>
          %mul3A_1478 = arith.constant 200 : i32
          %mul3A_1479 = vector.broadcast %mul3A_1478 : i32 to vector<16xi32>
          %mul3A_1480 = arith.muli %get3A_1477, %mul3A_1479 : vector<16xi32>
          %get3A_1481 = arith.constant 224 : index
          %get3A_1482 = tpu.vector_load %arg16[%get3A_1481] {strides = array<i32>} : memref<256xi32, #tpu.memory_space<vmem>>, vector<16xi32>,
          %get3A_1483 = vector.shape_cast %get3A_1482 : vector<16xi32> to vector<16xi32>
          %add3A_1484 = arith.addi %mul3A_1480, %get3A_1483 : vector<16xi32>
          %swap3A_1485 = arith.constant 736 : index
          %swap3A_1486 = tpu.vector_load %arg12[%swap3A_1485] {strides = array<i32>} : memref<1024xi32, #tpu.memory_space<vmem>>, vector<16xi32>,
          %swap3A_1487 = vector.shape_cast %swap3A_1486 : vector<16xi32> to vector<16xi32>
          %swap3A_1488 = vector.shape_cast %add3A_1484 : vector<16xi32> to vector<16xi32>
          tpu.vector_store %arg12[%swap3A_1485], %swap3A_1488 {strides = array<i32>} : memref<1024xi32, #tpu.memory_space<vmem>>, vector<16xi32>,
          %get3A_1489 = arith.constant 752 : index
          %get3A_1490 = tpu.vector_load %arg11[%get3A_1489] {strides = array<i32>} : memref<1024xi32, #tpu.memory_space<vmem>>, vector<16xi32>,
          %get3A_1491 = vector.shape_cast %get3A_1490 : vector<16xi32> to vector<16xi32>
          %mul3A_1492 = arith.constant 200 : i32
          %mul3A_1493 = vector.broadcast %mul3A_1492 : i32 to vector<16xi32>
          %mul3A_1494 = arith.muli %get3A_1491, %mul3A_1493 : vector<16xi32>
          %get3A_1495 = arith.constant 240 : index
          %get3A_1496 = tpu.vector_load %arg16[%get3A_1495] {strides = array<i32>} : memref<256xi32, #tpu.memory_space<vmem>>, vector<16xi32>,
          %get3A_1497 = vector.shape_cast %get3A_1496 : vector<16xi32> to vector<16xi32>
          %add3A_1498 = arith.addi %mul3A_1494, %get3A_1497 : vector<16xi32>
          %swap3A_1499 = arith.constant 752 : index
          %swap3A_1500 = tpu.vector_load %arg12[%swap3A_1499] {strides = array<i32>} : memref<1024xi32, #tpu.memory_space<vmem>>, vector<16xi32>,
          %swap3A_1501 = vector.shape_cast %swap3A_1500 : vector<16xi32> to vector<16xi32>
          %swap3A_1502 = vector.shape_cast %add3A_1498 : vector<16xi32> to vector<16xi32>
          tpu.vector_store %arg12[%swap3A_1499], %swap3A_1502 {strides = array<i32>} : memref<1024xi32, #tpu.memory_space<vmem>>, vector<16xi32>,
          %ge3A = arith.constant 2 : i32
          %ge3A_1503 = arith.cmpi sge, %add3A_1115, %ge3A : i32
          %convert_element_type3A_1504 = arith.extui %ge3A_1503 : i1 to i32
          %cond3A_1505 = arith.constant 0 : i32
          %cond3A_1506 = arith.cmpi ne, %convert_element_type3A_1504, %cond3A_1505 : i32
          scf.if %cond3A_1506 {
            %sub3A_1567 = arith.constant 2 : i32
            %sub3A_1568 = arith.subi %add3A_1115, %sub3A_1567 : i32
            %add3A_1569 = arith.addi %mul3A_2, %sub3A_1568 : i32
            %dma_wait3A_1570 = arith.constant 2 : i32
            %dma_wait3A_1571 = arith.constant 0 : i32
            %dma_wait3A_1572 = arith.constant 0 : i32
            %dma_wait3A_1573 = tpu.memref_slice %arg13[%dma_wait3A_1570, %dma_wait3A_1571, %dma_wait3A_1572] : memref<4x200x64xf32, #tpu.memory_space<vmem>> -> memref<1x200x64xf32, #tpu.memory_space<vmem>>
            %dma_wait3A_1574 = tpu.memref_squeeze %dma_wait3A_1573 : memref<1x200x64xf32, #tpu.memory_space<vmem>> -> memref<200x64xf32, #tpu.memory_space<vmem>>
            %dma_wait3A_1575 = arith.constant 0 : i32
            %dma_wait3A_1576 = arith.constant 0 : i32
            %dma_wait3A_1577 = tpu.memref_slice %arg7[%add3A_1569, %dma_wait3A_1575, %dma_wait3A_1576] : memref<4096x200x64xf32, #tpu.memory_space<hbm>> -> memref<1x200x64xf32, #tpu.memory_space<hbm>>
            %dma_wait3A_1578 = tpu.memref_squeeze %dma_wait3A_1577 : memref<1x200x64xf32, #tpu.memory_space<hbm>> -> memref<200x64xf32, #tpu.memory_space<hbm>>
            %dma_wait3A_1579 = arith.constant 0 : i32
            %dma_wait3A_1580 = arith.constant 0 : i32
            %dma_wait3A_1581 = tpu.memref_slice %arg7[%add3A_1569, %dma_wait3A_1579, %dma_wait3A_1580] : memref<4096x200x64xf32, #tpu.memory_space<hbm>> -> memref<1x200x64xf32, #tpu.memory_space<hbm>>
            %dma_wait3A_1582 = tpu.memref_squeeze %dma_wait3A_1581 : memref<1x200x64xf32, #tpu.memory_space<hbm>> -> memref<200x64xf32, #tpu.memory_space<hbm>>
            %dma_wait3A_1583 = arith.constant 0 : i32
            %dma_wait3A_1584 = arith.constant 0 : i32
            %dma_wait3A_1585 = tpu.memref_slice %arg13[%dma_wait3A_1570, %dma_wait3A_1583, %dma_wait3A_1584] : memref<4x200x64xf32, #tpu.memory_space<vmem>> -> memref<1x200x64xf32, #tpu.memory_space<vmem>>
            %dma_wait3A_1586 = tpu.memref_squeeze %dma_wait3A_1585 : memref<1x200x64xf32, #tpu.memory_space<vmem>> -> memref<200x64xf32, #tpu.memory_space<vmem>>
            tpu.wait_dma2 semaphore(%arg29 : memref<!tpu.dma_semaphore, #tpu.memory_space<semaphore_mem>>) src(%dma_wait3A_1586 : memref<200x64xf32, #tpu.memory_space<vmem>>) dst(%dma_wait3A_1582 : memref<200x64xf32, #tpu.memory_space<hbm>>)
            %dma_wait3A_1587 = arith.constant 2 : i32
            %dma_wait3A_1588 = arith.constant 0 : i32
            %dma_wait3A_1589 = arith.constant 0 : i32
            %dma_wait3A_1590 = tpu.memref_slice %arg14[%dma_wait3A_1587, %dma_wait3A_1588, %dma_wait3A_1589] : memref<4x200x64xf32, #tpu.memory_space<vmem>> -> memref<1x200x64xf32, #tpu.memory_space<vmem>>
            %dma_wait3A_1591 = tpu.memref_squeeze %dma_wait3A_1590 : memref<1x200x64xf32, #tpu.memory_space<vmem>> -> memref<200x64xf32, #tpu.memory_space<vmem>>
            %dma_wait3A_1592 = arith.constant 0 : i32
            %dma_wait3A_1593 = arith.constant 0 : i32
            %dma_wait3A_1594 = tpu.memref_slice %arg8[%add3A_1569, %dma_wait3A_1592, %dma_wait3A_1593] : memref<4096x200x64xf32, #tpu.memory_space<hbm>> -> memref<1x200x64xf32, #tpu.memory_space<hbm>>
            %dma_wait3A_1595 = tpu.memref_squeeze %dma_wait3A_1594 : memref<1x200x64xf32, #tpu.memory_space<hbm>> -> memref<200x64xf32, #tpu.memory_space<hbm>>
            %dma_wait3A_1596 = arith.constant 0 : i32
            %dma_wait3A_1597 = arith.constant 0 : i32
            %dma_wait3A_1598 = tpu.memref_slice %arg8[%add3A_1569, %dma_wait3A_1596, %dma_wait3A_1597] : memref<4096x200x64xf32, #tpu.memory_space<hbm>> -> memref<1x200x64xf32, #tpu.memory_space<hbm>>
            %dma_wait3A_1599 = tpu.memref_squeeze %dma_wait3A_1598 : memref<1x200x64xf32, #tpu.memory_space<hbm>> -> memref<200x64xf32, #tpu.memory_space<hbm>>
            %dma_wait3A_1600 = arith.constant 0 : i32
            %dma_wait3A_1601 = arith.constant 0 : i32
            %dma_wait3A_1602 = tpu.memref_slice %arg14[%dma_wait3A_1587, %dma_wait3A_1600, %dma_wait3A_1601] : memref<4x200x64xf32, #tpu.memory_space<vmem>> -> memref<1x200x64xf32, #tpu.memory_space<vmem>>
            %dma_wait3A_1603 = tpu.memref_squeeze %dma_wait3A_1602 : memref<1x200x64xf32, #tpu.memory_space<vmem>> -> memref<200x64xf32, #tpu.memory_space<vmem>>
            tpu.wait_dma2 semaphore(%arg29 : memref<!tpu.dma_semaphore, #tpu.memory_space<semaphore_mem>>) src(%dma_wait3A_1603 : memref<200x64xf32, #tpu.memory_space<vmem>>) dst(%dma_wait3A_1599 : memref<200x64xf32, #tpu.memory_space<hbm>>)
          } else {
          }
          %dma_start3A_1507 = arith.constant 2 : i32
          %dma_start3A_1508 = arith.constant 0 : i32
          %dma_start3A_1509 = arith.constant 0 : i32
          %dma_start3A_1510 = tpu.memref_slice %arg13[%dma_start3A_1507, %dma_start3A_1508, %dma_start3A_1509] : memref<4x200x64xf32, #tpu.memory_space<vmem>> -> memref<1x80x64xf32, #tpu.memory_space<vmem>>
          %dma_start3A_1511 = tpu.memref_squeeze %dma_start3A_1510 : memref<1x80x64xf32, #tpu.memory_space<vmem>> -> memref<80x64xf32, #tpu.memory_space<vmem>>
          %dma_start3A_1512 = arith.constant 512 : i32
          %dma_start3A_1513 = tpu.memref_slice %arg10[%dma_start3A_1512] : memref<1024xi32, #tpu.memory_space<vmem>> -> memref<80xi32, #tpu.memory_space<vmem>>
          %dma_start3A_1514 = arith.constant 0 : i32
          %dma_start3A_1515 = arith.constant 0 : i32
          %dma_start3A_1516 = tpu.memref_slice %arg4[%dma_start3A_1514, %dma_start3A_1515] : memref<100000x64xf32, #tpu.memory_space<hbm>> -> memref<100000x64xf32, #tpu.memory_space<hbm>>
          tpu.enqueue_indirect_dma source(%dma_start3A_1516 : memref<100000x64xf32, #tpu.memory_space<hbm>>) target(%dma_start3A_1511 : memref<80x64xf32, #tpu.memory_space<vmem>>) offsets(%dma_start3A_1513 : memref<80xi32, #tpu.memory_space<vmem>>) semaphore(%arg25 : memref<!tpu.dma_semaphore, #tpu.memory_space<semaphore_mem>>)
          %dma_start3A_1517 = arith.constant 2 : i32
          %dma_start3A_1518 = arith.constant 0 : i32
          %dma_start3A_1519 = arith.constant 0 : i32
          %dma_start3A_1520 = tpu.memref_slice %arg14[%dma_start3A_1517, %dma_start3A_1518, %dma_start3A_1519] : memref<4x200x64xf32, #tpu.memory_space<vmem>> -> memref<1x80x64xf32, #tpu.memory_space<vmem>>
          %dma_start3A_1521 = tpu.memref_squeeze %dma_start3A_1520 : memref<1x80x64xf32, #tpu.memory_space<vmem>> -> memref<80x64xf32, #tpu.memory_space<vmem>>
          %dma_start3A_1522 = arith.constant 512 : i32
          %dma_start3A_1523 = tpu.memref_slice %arg12[%dma_start3A_1522] : memref<1024xi32, #tpu.memory_space<vmem>> -> memref<80xi32, #tpu.memory_space<vmem>>
          %dma_start3A_1524 = arith.constant 0 : i32
          %dma_start3A_1525 = arith.constant 0 : i32
          %dma_start3A_1526 = tpu.memref_slice %arg9[%dma_start3A_1524, %dma_start3A_1525] : memref<1600x64xf32, #tpu.memory_space<hbm>> -> memref<1600x64xf32, #tpu.memory_space<hbm>>
          tpu.enqueue_indirect_dma source(%dma_start3A_1526 : memref<1600x64xf32, #tpu.memory_space<hbm>>) target(%dma_start3A_1521 : memref<80x64xf32, #tpu.memory_space<vmem>>) offsets(%dma_start3A_1523 : memref<80xi32, #tpu.memory_space<vmem>>) semaphore(%arg25 : memref<!tpu.dma_semaphore, #tpu.memory_space<semaphore_mem>>)
          %dma_start3A_1527 = arith.constant 2 : i32
          %dma_start3A_1528 = arith.constant 80 : i32
          %dma_start3A_1529 = arith.constant 0 : i32
          %dma_start3A_1530 = tpu.memref_slice %arg13[%dma_start3A_1527, %dma_start3A_1528, %dma_start3A_1529] : memref<4x200x64xf32, #tpu.memory_space<vmem>> -> memref<1x80x64xf32, #tpu.memory_space<vmem>>
          %dma_start3A_1531 = tpu.memref_squeeze %dma_start3A_1530 : memref<1x80x64xf32, #tpu.memory_space<vmem>> -> memref<80x64xf32, #tpu.memory_space<vmem>>
          %dma_start3A_1532 = arith.constant 592 : i32
          %dma_start3A_1533 = tpu.memref_slice %arg10[%dma_start3A_1532] : memref<1024xi32, #tpu.memory_space<vmem>> -> memref<80xi32, #tpu.memory_space<vmem>>
          %dma_start3A_1534 = arith.constant 0 : i32
          %dma_start3A_1535 = arith.constant 0 : i32
          %dma_start3A_1536 = tpu.memref_slice %arg4[%dma_start3A_1534, %dma_start3A_1535] : memref<100000x64xf32, #tpu.memory_space<hbm>> -> memref<100000x64xf32, #tpu.memory_space<hbm>>
          tpu.enqueue_indirect_dma source(%dma_start3A_1536 : memref<100000x64xf32, #tpu.memory_space<hbm>>) target(%dma_start3A_1531 : memref<80x64xf32, #tpu.memory_space<vmem>>) offsets(%dma_start3A_1533 : memref<80xi32, #tpu.memory_space<vmem>>) semaphore(%arg25 : memref<!tpu.dma_semaphore, #tpu.memory_space<semaphore_mem>>)
          %dma_start3A_1537 = arith.constant 2 : i32
          %dma_start3A_1538 = arith.constant 80 : i32
          %dma_start3A_1539 = arith.constant 0 : i32
          %dma_start3A_1540 = tpu.memref_slice %arg14[%dma_start3A_1537, %dma_start3A_1538, %dma_start3A_1539] : memref<4x200x64xf32, #tpu.memory_space<vmem>> -> memref<1x80x64xf32, #tpu.memory_space<vmem>>
          %dma_start3A_1541 = tpu.memref_squeeze %dma_start3A_1540 : memref<1x80x64xf32, #tpu.memory_space<vmem>> -> memref<80x64xf32, #tpu.memory_space<vmem>>
          %dma_start3A_1542 = arith.constant 592 : i32
          %dma_start3A_1543 = tpu.memref_slice %arg12[%dma_start3A_1542] : memref<1024xi32, #tpu.memory_space<vmem>> -> memref<80xi32, #tpu.memory_space<vmem>>
          %dma_start3A_1544 = arith.constant 0 : i32
          %dma_start3A_1545 = arith.constant 0 : i32
          %dma_start3A_1546 = tpu.memref_slice %arg9[%dma_start3A_1544, %dma_start3A_1545] : memref<1600x64xf32, #tpu.memory_space<hbm>> -> memref<1600x64xf32, #tpu.memory_space<hbm>>
          tpu.enqueue_indirect_dma source(%dma_start3A_1546 : memref<1600x64xf32, #tpu.memory_space<hbm>>) target(%dma_start3A_1541 : memref<80x64xf32, #tpu.memory_space<vmem>>) offsets(%dma_start3A_1543 : memref<80xi32, #tpu.memory_space<vmem>>) semaphore(%arg25 : memref<!tpu.dma_semaphore, #tpu.memory_space<semaphore_mem>>)
          %dma_start3A_1547 = arith.constant 2 : i32
          %dma_start3A_1548 = arith.constant 160 : i32
          %dma_start3A_1549 = arith.constant 0 : i32
          %dma_start3A_1550 = tpu.memref_slice %arg13[%dma_start3A_1547, %dma_start3A_1548, %dma_start3A_1549] : memref<4x200x64xf32, #tpu.memory_space<vmem>> -> memref<1x40x64xf32, #tpu.memory_space<vmem>>
          %dma_start3A_1551 = tpu.memref_squeeze %dma_start3A_1550 : memref<1x40x64xf32, #tpu.memory_space<vmem>> -> memref<40x64xf32, #tpu.memory_space<vmem>>
          %dma_start3A_1552 = arith.constant 672 : i32
          %dma_start3A_1553 = tpu.memref_slice %arg10[%dma_start3A_1552] : memref<1024xi32, #tpu.memory_space<vmem>> -> memref<40xi32, #tpu.memory_space<vmem>>
          %dma_start3A_1554 = arith.constant 0 : i32
          %dma_start3A_1555 = arith.constant 0 : i32
          %dma_start3A_1556 = tpu.memref_slice %arg4[%dma_start3A_1554, %dma_start3A_1555] : memref<100000x64xf32, #tpu.memory_space<hbm>> -> memref<100000x64xf32, #tpu.memory_space<hbm>>
          tpu.enqueue_indirect_dma source(%dma_start3A_1556 : memref<100000x64xf32, #tpu.memory_space<hbm>>) target(%dma_start3A_1551 : memref<40x64xf32, #tpu.memory_space<vmem>>) offsets(%dma_start3A_1553 : memref<40xi32, #tpu.memory_space<vmem>>) semaphore(%arg25 : memref<!tpu.dma_semaphore, #tpu.memory_space<semaphore_mem>>)
          %dma_start3A_1557 = arith.constant 2 : i32
          %dma_start3A_1558 = arith.constant 160 : i32
          %dma_start3A_1559 = arith.constant 0 : i32
          %dma_start3A_1560 = tpu.memref_slice %arg14[%dma_start3A_1557, %dma_start3A_1558, %dma_start3A_1559] : memref<4x200x64xf32, #tpu.memory_space<vmem>> -> memref<1x40x64xf32, #tpu.memory_space<vmem>>
          %dma_start3A_1561 = tpu.memref_squeeze %dma_start3A_1560 : memref<1x40x64xf32, #tpu.memory_space<vmem>> -> memref<40x64xf32, #tpu.memory_space<vmem>>
          %dma_start3A_1562 = arith.constant 672 : i32
          %dma_start3A_1563 = tpu.memref_slice %arg12[%dma_start3A_1562] : memref<1024xi32, #tpu.memory_space<vmem>> -> memref<40xi32, #tpu.memory_space<vmem>>
          %dma_start3A_1564 = arith.constant 0 : i32
          %dma_start3A_1565 = arith.constant 0 : i32
          %dma_start3A_1566 = tpu.memref_slice %arg9[%dma_start3A_1564, %dma_start3A_1565] : memref<1600x64xf32, #tpu.memory_space<hbm>> -> memref<1600x64xf32, #tpu.memory_space<hbm>>
          tpu.enqueue_indirect_dma source(%dma_start3A_1566 : memref<1600x64xf32, #tpu.memory_space<hbm>>) target(%dma_start3A_1561 : memref<40x64xf32, #tpu.memory_space<vmem>>) offsets(%dma_start3A_1563 : memref<40xi32, #tpu.memory_space<vmem>>) semaphore(%arg25 : memref<!tpu.dma_semaphore, #tpu.memory_space<semaphore_mem>>)
        } else {
        }
        %dma_wait3A_1149 = arith.constant 0 : i32
        %dma_wait3A_1150 = arith.constant 0 : i32
        %dma_wait3A_1151 = arith.constant 0 : i32
        %dma_wait3A_1152 = tpu.memref_slice %arg13[%dma_wait3A_1149, %dma_wait3A_1150, %dma_wait3A_1151] : memref<4x200x64xf32, #tpu.memory_space<vmem>> -> memref<1x80x64xf32, #tpu.memory_space<vmem>>
        %dma_wait3A_1153 = tpu.memref_squeeze %dma_wait3A_1152 : memref<1x80x64xf32, #tpu.memory_space<vmem>> -> memref<80x64xf32, #tpu.memory_space<vmem>>
        %dma_wait3A_1154 = arith.constant 0 : i32
        %dma_wait3A_1155 = tpu.memref_slice %arg10[%dma_wait3A_1154] : memref<1024xi32, #tpu.memory_space<vmem>> -> memref<80xi32, #tpu.memory_space<vmem>>
        %dma_wait3A_1156 = arith.constant 0 : i32
        %dma_wait3A_1157 = arith.constant 0 : i32
        %dma_wait3A_1158 = tpu.memref_slice %arg4[%dma_wait3A_1156, %dma_wait3A_1157] : memref<100000x64xf32, #tpu.memory_space<hbm>> -> memref<100000x64xf32, #tpu.memory_space<hbm>>
        tpu.wait_indirect_dma semaphore(%arg23 : memref<!tpu.dma_semaphore, #tpu.memory_space<semaphore_mem>>) src(%dma_wait3A_1158 : memref<100000x64xf32, #tpu.memory_space<hbm>>) dst(%dma_wait3A_1153 : memref<80x64xf32, #tpu.memory_space<vmem>>)
        %dma_wait3A_1159 = arith.constant 0 : i32
        %dma_wait3A_1160 = arith.constant 0 : i32
        %dma_wait3A_1161 = arith.constant 0 : i32
        %dma_wait3A_1162 = tpu.memref_slice %arg14[%dma_wait3A_1159, %dma_wait3A_1160, %dma_wait3A_1161] : memref<4x200x64xf32, #tpu.memory_space<vmem>> -> memref<1x80x64xf32, #tpu.memory_space<vmem>>
        %dma_wait3A_1163 = tpu.memref_squeeze %dma_wait3A_1162 : memref<1x80x64xf32, #tpu.memory_space<vmem>> -> memref<80x64xf32, #tpu.memory_space<vmem>>
        %dma_wait3A_1164 = arith.constant 0 : i32
        %dma_wait3A_1165 = tpu.memref_slice %arg12[%dma_wait3A_1164] : memref<1024xi32, #tpu.memory_space<vmem>> -> memref<80xi32, #tpu.memory_space<vmem>>
        %dma_wait3A_1166 = arith.constant 0 : i32
        %dma_wait3A_1167 = arith.constant 0 : i32
        %dma_wait3A_1168 = tpu.memref_slice %arg9[%dma_wait3A_1166, %dma_wait3A_1167] : memref<1600x64xf32, #tpu.memory_space<hbm>> -> memref<1600x64xf32, #tpu.memory_space<hbm>>
        tpu.wait_indirect_dma semaphore(%arg23 : memref<!tpu.dma_semaphore, #tpu.memory_space<semaphore_mem>>) src(%dma_wait3A_1168 : memref<1600x64xf32, #tpu.memory_space<hbm>>) dst(%dma_wait3A_1163 : memref<80x64xf32, #tpu.memory_space<vmem>>)
        %dma_wait3A_1169 = arith.constant 0 : i32
        %dma_wait3A_1170 = arith.constant 80 : i32
        %dma_wait3A_1171 = arith.constant 0 : i32
        %dma_wait3A_1172 = tpu.memref_slice %arg13[%dma_wait3A_1169, %dma_wait3A_1170, %dma_wait3A_1171] : memref<4x200x64xf32, #tpu.memory_space<vmem>> -> memref<1x80x64xf32, #tpu.memory_space<vmem>>
        %dma_wait3A_1173 = tpu.memref_squeeze %dma_wait3A_1172 : memref<1x80x64xf32, #tpu.memory_space<vmem>> -> memref<80x64xf32, #tpu.memory_space<vmem>>
        %dma_wait3A_1174 = arith.constant 80 : i32
        %dma_wait3A_1175 = tpu.memref_slice %arg10[%dma_wait3A_1174] : memref<1024xi32, #tpu.memory_space<vmem>> -> memref<80xi32, #tpu.memory_space<vmem>>
        %dma_wait3A_1176 = arith.constant 0 : i32
        %dma_wait3A_1177 = arith.constant 0 : i32
        %dma_wait3A_1178 = tpu.memref_slice %arg4[%dma_wait3A_1176, %dma_wait3A_1177] : memref<100000x64xf32, #tpu.memory_space<hbm>> -> memref<100000x64xf32, #tpu.memory_space<hbm>>
        tpu.wait_indirect_dma semaphore(%arg23 : memref<!tpu.dma_semaphore, #tpu.memory_space<semaphore_mem>>) src(%dma_wait3A_1178 : memref<100000x64xf32, #tpu.memory_space<hbm>>) dst(%dma_wait3A_1173 : memref<80x64xf32, #tpu.memory_space<vmem>>)
        %dma_wait3A_1179 = arith.constant 0 : i32
        %dma_wait3A_1180 = arith.constant 80 : i32
        %dma_wait3A_1181 = arith.constant 0 : i32
        %dma_wait3A_1182 = tpu.memref_slice %arg14[%dma_wait3A_1179, %dma_wait3A_1180, %dma_wait3A_1181] : memref<4x200x64xf32, #tpu.memory_space<vmem>> -> memref<1x80x64xf32, #tpu.memory_space<vmem>>
        %dma_wait3A_1183 = tpu.memref_squeeze %dma_wait3A_1182 : memref<1x80x64xf32, #tpu.memory_space<vmem>> -> memref<80x64xf32, #tpu.memory_space<vmem>>
        %dma_wait3A_1184 = arith.constant 80 : i32
        %dma_wait3A_1185 = tpu.memref_slice %arg12[%dma_wait3A_1184] : memref<1024xi32, #tpu.memory_space<vmem>> -> memref<80xi32, #tpu.memory_space<vmem>>
        %dma_wait3A_1186 = arith.constant 0 : i32
        %dma_wait3A_1187 = arith.constant 0 : i32
        %dma_wait3A_1188 = tpu.memref_slice %arg9[%dma_wait3A_1186, %dma_wait3A_1187] : memref<1600x64xf32, #tpu.memory_space<hbm>> -> memref<1600x64xf32, #tpu.memory_space<hbm>>
        tpu.wait_indirect_dma semaphore(%arg23 : memref<!tpu.dma_semaphore, #tpu.memory_space<semaphore_mem>>) src(%dma_wait3A_1188 : memref<1600x64xf32, #tpu.memory_space<hbm>>) dst(%dma_wait3A_1183 : memref<80x64xf32, #tpu.memory_space<vmem>>)
        %dma_wait3A_1189 = arith.constant 0 : i32
        %dma_wait3A_1190 = arith.constant 160 : i32
        %dma_wait3A_1191 = arith.constant 0 : i32
        %dma_wait3A_1192 = tpu.memref_slice %arg13[%dma_wait3A_1189, %dma_wait3A_1190, %dma_wait3A_1191] : memref<4x200x64xf32, #tpu.memory_space<vmem>> -> memref<1x40x64xf32, #tpu.memory_space<vmem>>
        %dma_wait3A_1193 = tpu.memref_squeeze %dma_wait3A_1192 : memref<1x40x64xf32, #tpu.memory_space<vmem>> -> memref<40x64xf32, #tpu.memory_space<vmem>>
        %dma_wait3A_1194 = arith.constant 160 : i32
        %dma_wait3A_1195 = tpu.memref_slice %arg10[%dma_wait3A_1194] : memref<1024xi32, #tpu.memory_space<vmem>> -> memref<40xi32, #tpu.memory_space<vmem>>
        %dma_wait3A_1196 = arith.constant 0 : i32
        %dma_wait3A_1197 = arith.constant 0 : i32
        %dma_wait3A_1198 = tpu.memref_slice %arg4[%dma_wait3A_1196, %dma_wait3A_1197] : memref<100000x64xf32, #tpu.memory_space<hbm>> -> memref<100000x64xf32, #tpu.memory_space<hbm>>
        tpu.wait_indirect_dma semaphore(%arg23 : memref<!tpu.dma_semaphore, #tpu.memory_space<semaphore_mem>>) src(%dma_wait3A_1198 : memref<100000x64xf32, #tpu.memory_space<hbm>>) dst(%dma_wait3A_1193 : memref<40x64xf32, #tpu.memory_space<vmem>>)
        %dma_wait3A_1199 = arith.constant 0 : i32
        %dma_wait3A_1200 = arith.constant 160 : i32
        %dma_wait3A_1201 = arith.constant 0 : i32
        %dma_wait3A_1202 = tpu.memref_slice %arg14[%dma_wait3A_1199, %dma_wait3A_1200, %dma_wait3A_1201] : memref<4x200x64xf32, #tpu.memory_space<vmem>> -> memref<1x40x64xf32, #tpu.memory_space<vmem>>
        %dma_wait3A_1203 = tpu.memref_squeeze %dma_wait3A_1202 : memref<1x40x64xf32, #tpu.memory_space<vmem>> -> memref<40x64xf32, #tpu.memory_space<vmem>>
        %dma_wait3A_1204 = arith.constant 160 : i32
        %dma_wait3A_1205 = tpu.memref_slice %arg12[%dma_wait3A_1204] : memref<1024xi32, #tpu.memory_space<vmem>> -> memref<40xi32, #tpu.memory_space<vmem>>
        %dma_wait3A_1206 = arith.constant 0 : i32
        %dma_wait3A_1207 = arith.constant 0 : i32
        %dma_wait3A_1208 = tpu.memref_slice %arg9[%dma_wait3A_1206, %dma_wait3A_1207] : memref<1600x64xf32, #tpu.memory_space<hbm>> -> memref<1600x64xf32, #tpu.memory_space<hbm>>
        tpu.wait_indirect_dma semaphore(%arg23 : memref<!tpu.dma_semaphore, #tpu.memory_space<semaphore_mem>>) src(%dma_wait3A_1208 : memref<1600x64xf32, #tpu.memory_space<hbm>>) dst(%dma_wait3A_1203 : memref<40x64xf32, #tpu.memory_space<vmem>>)
        %add3A_1209 = arith.constant 4 : i32
        %add3A_1210 = arith.addi %add3A_1115, %add3A_1209 : i32
        %lt3A_1211 = arith.constant 128 : i32
        %lt3A_1212 = arith.cmpi slt, %add3A_1210, %lt3A_1211 : i32
        %convert_element_type3A_1213 = arith.extui %lt3A_1212 : i1 to i32
        %cond3A_1214 = arith.constant 0 : i32
        %cond3A_1215 = arith.cmpi ne, %convert_element_type3A_1213, %cond3A_1214 : i32
        scf.if %cond3A_1215 {
          %add3A_1256 = arith.constant 4 : i32
          %add3A_1257 = arith.addi %add3A_1115, %add3A_1256 : i32
          %add3A_1258 = arith.addi %mul3A_2, %add3A_1257 : i32
          %dma_start3A_1259 = arith.constant 0 : i32
          %dma_start3A_1260 = tpu.memref_slice %arg10[%dma_start3A_1259] : memref<1024xi32, #tpu.memory_space<vmem>> -> memref<256xi32, #tpu.memory_space<vmem>>
          %dma_start3A_1261 = arith.constant 0 : i32
          %dma_start3A_1262 = tpu.memref_slice %arg2[%add3A_1258, %dma_start3A_1261] : memref<4096x256xi32, #tpu.memory_space<hbm>> -> memref<1x256xi32, #tpu.memory_space<hbm>>
          %dma_start3A_1263 = tpu.memref_squeeze %dma_start3A_1262 : memref<1x256xi32, #tpu.memory_space<hbm>> -> memref<256xi32, #tpu.memory_space<hbm>>
          %dma_start3A_1264 = arith.constant 0 : i32
          %dma_start3A_1265 = tpu.memref_slice %arg10[%dma_start3A_1264] : memref<1024xi32, #tpu.memory_space<vmem>> -> memref<256xi32, #tpu.memory_space<vmem>>
          %dma_start3A_1266 = arith.constant 0 : i32
          %dma_start3A_1267 = tpu.memref_slice %arg2[%add3A_1258, %dma_start3A_1266] : memref<4096x256xi32, #tpu.memory_space<hbm>> -> memref<1x256xi32, #tpu.memory_space<hbm>>
          %dma_start3A_1268 = tpu.memref_squeeze %dma_start3A_1267 : memref<1x256xi32, #tpu.memory_space<hbm>> -> memref<256xi32, #tpu.memory_space<hbm>>
          tpu.enqueue_dma source(%dma_start3A_1268 : memref<256xi32, #tpu.memory_space<hbm>>) target(%dma_start3A_1265 : memref<256xi32, #tpu.memory_space<vmem>>) target_semaphore(%arg19 : memref<!tpu.dma_semaphore, #tpu.memory_space<semaphore_mem>>)
          %dma_start3A_1269 = arith.constant 0 : i32
          %dma_start3A_1270 = tpu.memref_slice %arg11[%dma_start3A_1269] : memref<1024xi32, #tpu.memory_space<vmem>> -> memref<256xi32, #tpu.memory_space<vmem>>
          %dma_start3A_1271 = arith.constant 0 : i32
          %dma_start3A_1272 = tpu.memref_slice %arg3[%add3A_1258, %dma_start3A_1271] : memref<4096x256xi32, #tpu.memory_space<hbm>> -> memref<1x256xi32, #tpu.memory_space<hbm>>
          %dma_start3A_1273 = tpu.memref_squeeze %dma_start3A_1272 : memref<1x256xi32, #tpu.memory_space<hbm>> -> memref<256xi32, #tpu.memory_space<hbm>>
          %dma_start3A_1274 = arith.constant 0 : i32
          %dma_start3A_1275 = tpu.memref_slice %arg11[%dma_start3A_1274] : memref<1024xi32, #tpu.memory_space<vmem>> -> memref<256xi32, #tpu.memory_space<vmem>>
          %dma_start3A_1276 = arith.constant 0 : i32
          %dma_start3A_1277 = tpu.memref_slice %arg3[%add3A_1258, %dma_start3A_1276] : memref<4096x256xi32, #tpu.memory_space<hbm>> -> memref<1x256xi32, #tpu.memory_space<hbm>>
          %dma_start3A_1278 = tpu.memref_squeeze %dma_start3A_1277 : memref<1x256xi32, #tpu.memory_space<hbm>> -> memref<256xi32, #tpu.memory_space<hbm>>
          tpu.enqueue_dma source(%dma_start3A_1278 : memref<256xi32, #tpu.memory_space<hbm>>) target(%dma_start3A_1275 : memref<256xi32, #tpu.memory_space<vmem>>) target_semaphore(%arg19 : memref<!tpu.dma_semaphore, #tpu.memory_space<semaphore_mem>>)
        } else {
        }
        %scan3A_1216 = arith.constant 0 : i32
        %scan3A_1217 = arith.constant 200 : i32
        %scan3A_1218 = arith.addi %scan3A_1216, %scan3A_1217 : i32
        %scan3A_1219 = arith.constant 1 : i32
        scf.for %scan3A_1256 = %scan3A_1216 to %scan3A_1218 step %scan3A_1219  : i32 {
          %mul3A_1257 = arith.constant 1 : i32
          %mul3A_1258 = arith.muli %scan3A_1256, %mul3A_1257 : i32
          %add3A_1259 = arith.constant 0 : i32
          %add3A_1260 = arith.addi %add3A_1259, %mul3A_1258 : i32
          %get3A_1261 = arith.constant 0 : i32
          %get3A_1262 = arith.index_cast %get3A_1261 : i32 to index
          %get3A_1263 = arith.index_cast %add3A_1260 : i32 to index
          %get3A_1264 = arith.constant 0 : index
          %get3A_1265 = tpu.vector_load %arg13[%get3A_1262, %get3A_1263, %get3A_1264] {strides = array<i32>} : memref<4x200x64xf32, #tpu.memory_space<vmem>>, vector<1x1x16xf32>,
          %get3A_1266 = vector.shape_cast %get3A_1265 : vector<1x1x16xf32> to vector<16xf32>
          %get3A_1267 = arith.index_cast %add3A_1260 : i32 to index
          %get3A_1268 = arith.constant 0 : index
          %get3A_1269 = tpu.vector_load %arg15[%get3A_1267, %get3A_1268] {strides = array<i32>} : memref<200x64xf32, #tpu.memory_space<vmem>>, vector<1x16xf32>,
          %get3A_1270 = vector.shape_cast %get3A_1269 : vector<1x16xf32> to vector<16xf32>
          %add3A_1271 = arith.addf %get3A_1266, %get3A_1270 : vector<16xf32>
          %swap3A_1272 = arith.constant 0 : i32
          %swap3A_1273 = arith.index_cast %swap3A_1272 : i32 to index
          %swap3A_1274 = arith.index_cast %add3A_1260 : i32 to index
          %swap3A_1275 = arith.constant 0 : index
          %swap3A_1276 = tpu.vector_load %arg13[%swap3A_1273, %swap3A_1274, %swap3A_1275] {strides = array<i32>} : memref<4x200x64xf32, #tpu.memory_space<vmem>>, vector<1x1x16xf32>,
          %swap3A_1277 = vector.shape_cast %swap3A_1276 : vector<1x1x16xf32> to vector<16xf32>
          %swap3A_1278 = vector.shape_cast %add3A_1271 : vector<16xf32> to vector<1x1x16xf32>
          tpu.vector_store %arg13[%swap3A_1273, %swap3A_1274, %swap3A_1275], %swap3A_1278 {strides = array<i32>} : memref<4x200x64xf32, #tpu.memory_space<vmem>>, vector<1x1x16xf32>,
          %get3A_1279 = arith.constant 0 : i32
          %get3A_1280 = arith.index_cast %get3A_1279 : i32 to index
          %get3A_1281 = arith.index_cast %add3A_1260 : i32 to index
          %get3A_1282 = arith.constant 16 : index
          %get3A_1283 = tpu.vector_load %arg13[%get3A_1280, %get3A_1281, %get3A_1282] {strides = array<i32>} : memref<4x200x64xf32, #tpu.memory_space<vmem>>, vector<1x1x16xf32>,
          %get3A_1284 = vector.shape_cast %get3A_1283 : vector<1x1x16xf32> to vector<16xf32>
          %get3A_1285 = arith.index_cast %add3A_1260 : i32 to index
          %get3A_1286 = arith.constant 16 : index
          %get3A_1287 = tpu.vector_load %arg15[%get3A_1285, %get3A_1286] {strides = array<i32>} : memref<200x64xf32, #tpu.memory_space<vmem>>, vector<1x16xf32>,
          %get3A_1288 = vector.shape_cast %get3A_1287 : vector<1x16xf32> to vector<16xf32>
          %add3A_1289 = arith.addf %get3A_1284, %get3A_1288 : vector<16xf32>
          %swap3A_1290 = arith.constant 0 : i32
          %swap3A_1291 = arith.index_cast %swap3A_1290 : i32 to index
          %swap3A_1292 = arith.index_cast %add3A_1260 : i32 to index
          %swap3A_1293 = arith.constant 16 : index
          %swap3A_1294 = tpu.vector_load %arg13[%swap3A_1291, %swap3A_1292, %swap3A_1293] {strides = array<i32>} : memref<4x200x64xf32, #tpu.memory_space<vmem>>, vector<1x1x16xf32>,
          %swap3A_1295 = vector.shape_cast %swap3A_1294 : vector<1x1x16xf32> to vector<16xf32>
          %swap3A_1296 = vector.shape_cast %add3A_1289 : vector<16xf32> to vector<1x1x16xf32>
          tpu.vector_store %arg13[%swap3A_1291, %swap3A_1292, %swap3A_1293], %swap3A_1296 {strides = array<i32>} : memref<4x200x64xf32, #tpu.memory_space<vmem>>, vector<1x1x16xf32>,
          %get3A_1297 = arith.constant 0 : i32
          %get3A_1298 = arith.index_cast %get3A_1297 : i32 to index
          %get3A_1299 = arith.index_cast %add3A_1260 : i32 to index
          %get3A_1300 = arith.constant 32 : index
          %get3A_1301 = tpu.vector_load %arg13[%get3A_1298, %get3A_1299, %get3A_1300] {strides = array<i32>} : memref<4x200x64xf32, #tpu.memory_space<vmem>>, vector<1x1x16xf32>,
          %get3A_1302 = vector.shape_cast %get3A_1301 : vector<1x1x16xf32> to vector<16xf32>
          %get3A_1303 = arith.index_cast %add3A_1260 : i32 to index
          %get3A_1304 = arith.constant 32 : index
          %get3A_1305 = tpu.vector_load %arg15[%get3A_1303, %get3A_1304] {strides = array<i32>} : memref<200x64xf32, #tpu.memory_space<vmem>>, vector<1x16xf32>,
          %get3A_1306 = vector.shape_cast %get3A_1305 : vector<1x16xf32> to vector<16xf32>
          %add3A_1307 = arith.addf %get3A_1302, %get3A_1306 : vector<16xf32>
          %swap3A_1308 = arith.constant 0 : i32
          %swap3A_1309 = arith.index_cast %swap3A_1308 : i32 to index
          %swap3A_1310 = arith.index_cast %add3A_1260 : i32 to index
          %swap3A_1311 = arith.constant 32 : index
          %swap3A_1312 = tpu.vector_load %arg13[%swap3A_1309, %swap3A_1310, %swap3A_1311] {strides = array<i32>} : memref<4x200x64xf32, #tpu.memory_space<vmem>>, vector<1x1x16xf32>,
          %swap3A_1313 = vector.shape_cast %swap3A_1312 : vector<1x1x16xf32> to vector<16xf32>
          %swap3A_1314 = vector.shape_cast %add3A_1307 : vector<16xf32> to vector<1x1x16xf32>
          tpu.vector_store %arg13[%swap3A_1309, %swap3A_1310, %swap3A_1311], %swap3A_1314 {strides = array<i32>} : memref<4x200x64xf32, #tpu.memory_space<vmem>>, vector<1x1x16xf32>,
          %get3A_1315 = arith.constant 0 : i32
          %get3A_1316 = arith.index_cast %get3A_1315 : i32 to index
          %get3A_1317 = arith.index_cast %add3A_1260 : i32 to index
          %get3A_1318 = arith.constant 48 : index
          %get3A_1319 = tpu.vector_load %arg13[%get3A_1316, %get3A_1317, %get3A_1318] {strides = array<i32>} : memref<4x200x64xf32, #tpu.memory_space<vmem>>, vector<1x1x16xf32>,
          %get3A_1320 = vector.shape_cast %get3A_1319 : vector<1x1x16xf32> to vector<16xf32>
          %get3A_1321 = arith.index_cast %add3A_1260 : i32 to index
          %get3A_1322 = arith.constant 48 : index
          %get3A_1323 = tpu.vector_load %arg15[%get3A_1321, %get3A_1322] {strides = array<i32>} : memref<200x64xf32, #tpu.memory_space<vmem>>, vector<1x16xf32>,
          %get3A_1324 = vector.shape_cast %get3A_1323 : vector<1x16xf32> to vector<16xf32>
          %add3A_1325 = arith.addf %get3A_1320, %get3A_1324 : vector<16xf32>
          %swap3A_1326 = arith.constant 0 : i32
          %swap3A_1327 = arith.index_cast %swap3A_1326 : i32 to index
          %swap3A_1328 = arith.index_cast %add3A_1260 : i32 to index
          %swap3A_1329 = arith.constant 48 : index
          %swap3A_1330 = tpu.vector_load %arg13[%swap3A_1327, %swap3A_1328, %swap3A_1329] {strides = array<i32>} : memref<4x200x64xf32, #tpu.memory_space<vmem>>, vector<1x1x16xf32>,
          %swap3A_1331 = vector.shape_cast %swap3A_1330 : vector<1x1x16xf32> to vector<16xf32>
          %swap3A_1332 = vector.shape_cast %add3A_1325 : vector<16xf32> to vector<1x1x16xf32>
          tpu.vector_store %arg13[%swap3A_1327, %swap3A_1328, %swap3A_1329], %swap3A_1332 {strides = array<i32>} : memref<4x200x64xf32, #tpu.memory_space<vmem>>, vector<1x1x16xf32>,
        }
        %scan3A_1220 = arith.constant 200 : i32
        %add3A_1221 = arith.addi %mul3A_2, %add3A_1115 : i32
        %dma_start3A_1222 = arith.constant 0 : i32
        %dma_start3A_1223 = arith.constant 0 : i32
        %dma_start3A_1224 = arith.constant 0 : i32
        %dma_start3A_1225 = tpu.memref_slice %arg13[%dma_start3A_1222, %dma_start3A_1223, %dma_start3A_1224] : memref<4x200x64xf32, #tpu.memory_space<vmem>> -> memref<1x200x64xf32, #tpu.memory_space<vmem>>
        %dma_start3A_1226 = tpu.memref_squeeze %dma_start3A_1225 : memref<1x200x64xf32, #tpu.memory_space<vmem>> -> memref<200x64xf32, #tpu.memory_space<vmem>>
        %dma_start3A_1227 = arith.constant 0 : i32
        %dma_start3A_1228 = arith.constant 0 : i32
        %dma_start3A_1229 = tpu.memref_slice %arg7[%add3A_1221, %dma_start3A_1227, %dma_start3A_1228] : memref<4096x200x64xf32, #tpu.memory_space<hbm>> -> memref<1x200x64xf32, #tpu.memory_space<hbm>>
        %dma_start3A_1230 = tpu.memref_squeeze %dma_start3A_1229 : memref<1x200x64xf32, #tpu.memory_space<hbm>> -> memref<200x64xf32, #tpu.memory_space<hbm>>
        %dma_start3A_1231 = arith.constant 0 : i32
        %dma_start3A_1232 = arith.constant 0 : i32
        %dma_start3A_1233 = tpu.memref_slice %arg7[%add3A_1221, %dma_start3A_1231, %dma_start3A_1232] : memref<4096x200x64xf32, #tpu.memory_space<hbm>> -> memref<1x200x64xf32, #tpu.memory_space<hbm>>
        %dma_start3A_1234 = tpu.memref_squeeze %dma_start3A_1233 : memref<1x200x64xf32, #tpu.memory_space<hbm>> -> memref<200x64xf32, #tpu.memory_space<hbm>>
        %dma_start3A_1235 = arith.constant 0 : i32
        %dma_start3A_1236 = arith.constant 0 : i32
        %dma_start3A_1237 = tpu.memref_slice %arg13[%dma_start3A_1222, %dma_start3A_1235, %dma_start3A_1236] : memref<4x200x64xf32, #tpu.memory_space<vmem>> -> memref<1x200x64xf32, #tpu.memory_space<vmem>>
        %dma_start3A_1238 = tpu.memref_squeeze %dma_start3A_1237 : memref<1x200x64xf32, #tpu.memory_space<vmem>> -> memref<200x64xf32, #tpu.memory_space<vmem>>
        tpu.enqueue_dma source(%dma_start3A_1238 : memref<200x64xf32, #tpu.memory_space<vmem>>) target(%dma_start3A_1234 : memref<200x64xf32, #tpu.memory_space<hbm>>) target_semaphore(%arg27 : memref<!tpu.dma_semaphore, #tpu.memory_space<semaphore_mem>>)
        %dma_start3A_1239 = arith.constant 0 : i32
        %dma_start3A_1240 = arith.constant 0 : i32
        %dma_start3A_1241 = arith.constant 0 : i32
        %dma_start3A_1242 = tpu.memref_slice %arg14[%dma_start3A_1239, %dma_start3A_1240, %dma_start3A_1241] : memref<4x200x64xf32, #tpu.memory_space<vmem>> -> memref<1x200x64xf32, #tpu.memory_space<vmem>>
        %dma_start3A_1243 = tpu.memref_squeeze %dma_start3A_1242 : memref<1x200x64xf32, #tpu.memory_space<vmem>> -> memref<200x64xf32, #tpu.memory_space<vmem>>
        %dma_start3A_1244 = arith.constant 0 : i32
        %dma_start3A_1245 = arith.constant 0 : i32
        %dma_start3A_1246 = tpu.memref_slice %arg8[%add3A_1221, %dma_start3A_1244, %dma_start3A_1245] : memref<4096x200x64xf32, #tpu.memory_space<hbm>> -> memref<1x200x64xf32, #tpu.memory_space<hbm>>
        %dma_start3A_1247 = tpu.memref_squeeze %dma_start3A_1246 : memref<1x200x64xf32, #tpu.memory_space<hbm>> -> memref<200x64xf32, #tpu.memory_space<hbm>>
        %dma_start3A_1248 = arith.constant 0 : i32
        %dma_start3A_1249 = arith.constant 0 : i32
        %dma_start3A_1250 = tpu.memref_slice %arg8[%add3A_1221, %dma_start3A_1248, %dma_start3A_1249] : memref<4096x200x64xf32, #tpu.memory_space<hbm>> -> memref<1x200x64xf32, #tpu.memory_space<hbm>>
        %dma_start3A_1251 = tpu.memref_squeeze %dma_start3A_1250 : memref<1x200x64xf32, #tpu.memory_space<hbm>> -> memref<200x64xf32, #tpu.memory_space<hbm>>
        %dma_start3A_1252 = arith.constant 0 : i32
        %dma_start3A_1253 = arith.constant 0 : i32
        %dma_start3A_1254 = tpu.memref_slice %arg14[%dma_start3A_1239, %dma_start3A_1252, %dma_start3A_1253] : memref<4x200x64xf32, #tpu.memory_space<vmem>> -> memref<1x200x64xf32, #tpu.memory_space<vmem>>
        %dma_start3A_1255 = tpu.memref_squeeze %dma_start3A_1254 : memref<1x200x64xf32, #tpu.memory_space<vmem>> -> memref<200x64xf32, #tpu.memory_space<vmem>>
        tpu.enqueue_dma source(%dma_start3A_1255 : memref<200x64xf32, #tpu.memory_space<vmem>>) target(%dma_start3A_1251 : memref<200x64xf32, #tpu.memory_space<hbm>>) target_semaphore(%arg27 : memref<!tpu.dma_semaphore, #tpu.memory_space<semaphore_mem>>)
      } else {
      }
      %rem3A_1121 = arith.constant 4 : i32
      %rem3A_1122 = arith.remsi %add3A_1115, %rem3A_1121 : i32
      %eq3A_1123 = arith.constant 1 : i32
      %eq3A_1124 = arith.cmpi eq, %rem3A_1122, %eq3A_1123 : i32
      %convert_element_type3A_1125 = arith.extui %eq3A_1124 : i1 to i32
      %cond3A_1126 = arith.constant 0 : i32
      %cond3A_1127 = arith.cmpi ne, %convert_element_type3A_1125, %cond3A_1126 : i32
      scf.if %cond3A_1127 {
        %add3A_1142 = arith.constant 2 : i32
        %add3A_1143 = arith.addi %add3A_1115, %add3A_1142 : i32
        %lt3A_1144 = arith.constant 128 : i32
        %lt3A_1145 = arith.cmpi slt, %add3A_1143, %lt3A_1144 : i32
        %convert_element_type3A_1146 = arith.extui %lt3A_1145 : i1 to i32
        %cond3A_1147 = arith.constant 0 : i32
        %cond3A_1148 = arith.cmpi ne, %convert_element_type3A_1146, %cond3A_1147 : i32
        scf.if %cond3A_1148 {
          %add3A_1256 = arith.constant 2 : i32
          %add3A_1257 = arith.addi %add3A_1115, %add3A_1256 : i32
          %add3A_1258 = arith.addi %mul3A_2, %add3A_1257 : i32
          %dma_wait3A_1259 = arith.constant 768 : i32
          %dma_wait3A_1260 = tpu.memref_slice %arg10[%dma_wait3A_1259] : memref<1024xi32, #tpu.memory_space<vmem>> -> memref<256xi32, #tpu.memory_space<vmem>>
          %dma_wait3A_1261 = arith.constant 0 : i32
          %dma_wait3A_1262 = tpu.memref_slice %arg2[%add3A_1258, %dma_wait3A_1261] : memref<4096x256xi32, #tpu.memory_space<hbm>> -> memref<1x256xi32, #tpu.memory_space<hbm>>
          %dma_wait3A_1263 = tpu.memref_squeeze %dma_wait3A_1262 : memref<1x256xi32, #tpu.memory_space<hbm>> -> memref<256xi32, #tpu.memory_space<hbm>>
          %dma_wait3A_1264 = arith.constant 768 : i32
          %dma_wait3A_1265 = tpu.memref_slice %arg10[%dma_wait3A_1264] : memref<1024xi32, #tpu.memory_space<vmem>> -> memref<256xi32, #tpu.memory_space<vmem>>
          %dma_wait3A_1266 = arith.constant 0 : i32
          %dma_wait3A_1267 = tpu.memref_slice %arg2[%add3A_1258, %dma_wait3A_1266] : memref<4096x256xi32, #tpu.memory_space<hbm>> -> memref<1x256xi32, #tpu.memory_space<hbm>>
          %dma_wait3A_1268 = tpu.memref_squeeze %dma_wait3A_1267 : memref<1x256xi32, #tpu.memory_space<hbm>> -> memref<256xi32, #tpu.memory_space<hbm>>
          tpu.wait_dma2 semaphore(%arg22 : memref<!tpu.dma_semaphore, #tpu.memory_space<semaphore_mem>>) src(%dma_wait3A_1268 : memref<256xi32, #tpu.memory_space<hbm>>) dst(%dma_wait3A_1265 : memref<256xi32, #tpu.memory_space<vmem>>)
          %dma_wait3A_1269 = arith.constant 768 : i32
          %dma_wait3A_1270 = tpu.memref_slice %arg11[%dma_wait3A_1269] : memref<1024xi32, #tpu.memory_space<vmem>> -> memref<256xi32, #tpu.memory_space<vmem>>
          %dma_wait3A_1271 = arith.constant 0 : i32
          %dma_wait3A_1272 = tpu.memref_slice %arg3[%add3A_1258, %dma_wait3A_1271] : memref<4096x256xi32, #tpu.memory_space<hbm>> -> memref<1x256xi32, #tpu.memory_space<hbm>>
          %dma_wait3A_1273 = tpu.memref_squeeze %dma_wait3A_1272 : memref<1x256xi32, #tpu.memory_space<hbm>> -> memref<256xi32, #tpu.memory_space<hbm>>
          %dma_wait3A_1274 = arith.constant 768 : i32
          %dma_wait3A_1275 = tpu.memref_slice %arg11[%dma_wait3A_1274] : memref<1024xi32, #tpu.memory_space<vmem>> -> memref<256xi32, #tpu.memory_space<vmem>>
          %dma_wait3A_1276 = arith.constant 0 : i32
          %dma_wait3A_1277 = tpu.memref_slice %arg3[%add3A_1258, %dma_wait3A_1276] : memref<4096x256xi32, #tpu.memory_space<hbm>> -> memref<1x256xi32, #tpu.memory_space<hbm>>
          %dma_wait3A_1278 = tpu.memref_squeeze %dma_wait3A_1277 : memref<1x256xi32, #tpu.memory_space<hbm>> -> memref<256xi32, #tpu.memory_space<hbm>>
          tpu.wait_dma2 semaphore(%arg22 : memref<!tpu.dma_semaphore, #tpu.memory_space<semaphore_mem>>) src(%dma_wait3A_1278 : memref<256xi32, #tpu.memory_space<hbm>>) dst(%dma_wait3A_1275 : memref<256xi32, #tpu.memory_space<vmem>>)
          %get3A_1279 = arith.constant 768 : index
          %get3A_1280 = tpu.vector_load %arg11[%get3A_1279] {strides = array<i32>} : memref<1024xi32, #tpu.memory_space<vmem>>, vector<16xi32>,
          %get3A_1281 = vector.shape_cast %get3A_1280 : vector<16xi32> to vector<16xi32>
          %mul3A_1282 = arith.constant 200 : i32
          %mul3A_1283 = vector.broadcast %mul3A_1282 : i32 to vector<16xi32>
          %mul3A_1284 = arith.muli %get3A_1281, %mul3A_1283 : vector<16xi32>
          %get3A_1285 = arith.constant 0 : index
          %get3A_1286 = tpu.vector_load %arg16[%get3A_1285] {strides = array<i32>} : memref<256xi32, #tpu.memory_space<vmem>>, vector<16xi32>,
          %get3A_1287 = vector.shape_cast %get3A_1286 : vector<16xi32> to vector<16xi32>
          %add3A_1288 = arith.addi %mul3A_1284, %get3A_1287 : vector<16xi32>
          %swap3A_1289 = arith.constant 768 : index
          %swap3A_1290 = tpu.vector_load %arg12[%swap3A_1289] {strides = array<i32>} : memref<1024xi32, #tpu.memory_space<vmem>>, vector<16xi32>,
          %swap3A_1291 = vector.shape_cast %swap3A_1290 : vector<16xi32> to vector<16xi32>
          %swap3A_1292 = vector.shape_cast %add3A_1288 : vector<16xi32> to vector<16xi32>
          tpu.vector_store %arg12[%swap3A_1289], %swap3A_1292 {strides = array<i32>} : memref<1024xi32, #tpu.memory_space<vmem>>, vector<16xi32>,
          %get3A_1293 = arith.constant 784 : index
          %get3A_1294 = tpu.vector_load %arg11[%get3A_1293] {strides = array<i32>} : memref<1024xi32, #tpu.memory_space<vmem>>, vector<16xi32>,
          %get3A_1295 = vector.shape_cast %get3A_1294 : vector<16xi32> to vector<16xi32>
          %mul3A_1296 = arith.constant 200 : i32
          %mul3A_1297 = vector.broadcast %mul3A_1296 : i32 to vector<16xi32>
          %mul3A_1298 = arith.muli %get3A_1295, %mul3A_1297 : vector<16xi32>
          %get3A_1299 = arith.constant 16 : index
          %get3A_1300 = tpu.vector_load %arg16[%get3A_1299] {strides = array<i32>} : memref<256xi32, #tpu.memory_space<vmem>>, vector<16xi32>,
          %get3A_1301 = vector.shape_cast %get3A_1300 : vector<16xi32> to vector<16xi32>
          %add3A_1302 = arith.addi %mul3A_1298, %get3A_1301 : vector<16xi32>
          %swap3A_1303 = arith.constant 784 : index
          %swap3A_1304 = tpu.vector_load %arg12[%swap3A_1303] {strides = array<i32>} : memref<1024xi32, #tpu.memory_space<vmem>>, vector<16xi32>,
          %swap3A_1305 = vector.shape_cast %swap3A_1304 : vector<16xi32> to vector<16xi32>
          %swap3A_1306 = vector.shape_cast %add3A_1302 : vector<16xi32> to vector<16xi32>
          tpu.vector_store %arg12[%swap3A_1303], %swap3A_1306 {strides = array<i32>} : memref<1024xi32, #tpu.memory_space<vmem>>, vector<16xi32>,
          %get3A_1307 = arith.constant 800 : index
          %get3A_1308 = tpu.vector_load %arg11[%get3A_1307] {strides = array<i32>} : memref<1024xi32, #tpu.memory_space<vmem>>, vector<16xi32>,
          %get3A_1309 = vector.shape_cast %get3A_1308 : vector<16xi32> to vector<16xi32>
          %mul3A_1310 = arith.constant 200 : i32
          %mul3A_1311 = vector.broadcast %mul3A_1310 : i32 to vector<16xi32>
          %mul3A_1312 = arith.muli %get3A_1309, %mul3A_1311 : vector<16xi32>
          %get3A_1313 = arith.constant 32 : index
          %get3A_1314 = tpu.vector_load %arg16[%get3A_1313] {strides = array<i32>} : memref<256xi32, #tpu.memory_space<vmem>>, vector<16xi32>,
          %get3A_1315 = vector.shape_cast %get3A_1314 : vector<16xi32> to vector<16xi32>
          %add3A_1316 = arith.addi %mul3A_1312, %get3A_1315 : vector<16xi32>
          %swap3A_1317 = arith.constant 800 : index
          %swap3A_1318 = tpu.vector_load %arg12[%swap3A_1317] {strides = array<i32>} : memref<1024xi32, #tpu.memory_space<vmem>>, vector<16xi32>,
          %swap3A_1319 = vector.shape_cast %swap3A_1318 : vector<16xi32> to vector<16xi32>
          %swap3A_1320 = vector.shape_cast %add3A_1316 : vector<16xi32> to vector<16xi32>
          tpu.vector_store %arg12[%swap3A_1317], %swap3A_1320 {strides = array<i32>} : memref<1024xi32, #tpu.memory_space<vmem>>, vector<16xi32>,
          %get3A_1321 = arith.constant 816 : index
          %get3A_1322 = tpu.vector_load %arg11[%get3A_1321] {strides = array<i32>} : memref<1024xi32, #tpu.memory_space<vmem>>, vector<16xi32>,
          %get3A_1323 = vector.shape_cast %get3A_1322 : vector<16xi32> to vector<16xi32>
          %mul3A_1324 = arith.constant 200 : i32
          %mul3A_1325 = vector.broadcast %mul3A_1324 : i32 to vector<16xi32>
          %mul3A_1326 = arith.muli %get3A_1323, %mul3A_1325 : vector<16xi32>
          %get3A_1327 = arith.constant 48 : index
          %get3A_1328 = tpu.vector_load %arg16[%get3A_1327] {strides = array<i32>} : memref<256xi32, #tpu.memory_space<vmem>>, vector<16xi32>,
          %get3A_1329 = vector.shape_cast %get3A_1328 : vector<16xi32> to vector<16xi32>
          %add3A_1330 = arith.addi %mul3A_1326, %get3A_1329 : vector<16xi32>
          %swap3A_1331 = arith.constant 816 : index
          %swap3A_1332 = tpu.vector_load %arg12[%swap3A_1331] {strides = array<i32>} : memref<1024xi32, #tpu.memory_space<vmem>>, vector<16xi32>,
          %swap3A_1333 = vector.shape_cast %swap3A_1332 : vector<16xi32> to vector<16xi32>
          %swap3A_1334 = vector.shape_cast %add3A_1330 : vector<16xi32> to vector<16xi32>
          tpu.vector_store %arg12[%swap3A_1331], %swap3A_1334 {strides = array<i32>} : memref<1024xi32, #tpu.memory_space<vmem>>, vector<16xi32>,
          %get3A_1335 = arith.constant 832 : index
          %get3A_1336 = tpu.vector_load %arg11[%get3A_1335] {strides = array<i32>} : memref<1024xi32, #tpu.memory_space<vmem>>, vector<16xi32>,
          %get3A_1337 = vector.shape_cast %get3A_1336 : vector<16xi32> to vector<16xi32>
          %mul3A_1338 = arith.constant 200 : i32
          %mul3A_1339 = vector.broadcast %mul3A_1338 : i32 to vector<16xi32>
          %mul3A_1340 = arith.muli %get3A_1337, %mul3A_1339 : vector<16xi32>
          %get3A_1341 = arith.constant 64 : index
          %get3A_1342 = tpu.vector_load %arg16[%get3A_1341] {strides = array<i32>} : memref<256xi32, #tpu.memory_space<vmem>>, vector<16xi32>,
          %get3A_1343 = vector.shape_cast %get3A_1342 : vector<16xi32> to vector<16xi32>
          %add3A_1344 = arith.addi %mul3A_1340, %get3A_1343 : vector<16xi32>
          %swap3A_1345 = arith.constant 832 : index
          %swap3A_1346 = tpu.vector_load %arg12[%swap3A_1345] {strides = array<i32>} : memref<1024xi32, #tpu.memory_space<vmem>>, vector<16xi32>,
          %swap3A_1347 = vector.shape_cast %swap3A_1346 : vector<16xi32> to vector<16xi32>
          %swap3A_1348 = vector.shape_cast %add3A_1344 : vector<16xi32> to vector<16xi32>
          tpu.vector_store %arg12[%swap3A_1345], %swap3A_1348 {strides = array<i32>} : memref<1024xi32, #tpu.memory_space<vmem>>, vector<16xi32>,
          %get3A_1349 = arith.constant 848 : index
          %get3A_1350 = tpu.vector_load %arg11[%get3A_1349] {strides = array<i32>} : memref<1024xi32, #tpu.memory_space<vmem>>, vector<16xi32>,
          %get3A_1351 = vector.shape_cast %get3A_1350 : vector<16xi32> to vector<16xi32>
          %mul3A_1352 = arith.constant 200 : i32
          %mul3A_1353 = vector.broadcast %mul3A_1352 : i32 to vector<16xi32>
          %mul3A_1354 = arith.muli %get3A_1351, %mul3A_1353 : vector<16xi32>
          %get3A_1355 = arith.constant 80 : index
          %get3A_1356 = tpu.vector_load %arg16[%get3A_1355] {strides = array<i32>} : memref<256xi32, #tpu.memory_space<vmem>>, vector<16xi32>,
          %get3A_1357 = vector.shape_cast %get3A_1356 : vector<16xi32> to vector<16xi32>
          %add3A_1358 = arith.addi %mul3A_1354, %get3A_1357 : vector<16xi32>
          %swap3A_1359 = arith.constant 848 : index
          %swap3A_1360 = tpu.vector_load %arg12[%swap3A_1359] {strides = array<i32>} : memref<1024xi32, #tpu.memory_space<vmem>>, vector<16xi32>,
          %swap3A_1361 = vector.shape_cast %swap3A_1360 : vector<16xi32> to vector<16xi32>
          %swap3A_1362 = vector.shape_cast %add3A_1358 : vector<16xi32> to vector<16xi32>
          tpu.vector_store %arg12[%swap3A_1359], %swap3A_1362 {strides = array<i32>} : memref<1024xi32, #tpu.memory_space<vmem>>, vector<16xi32>,
          %get3A_1363 = arith.constant 864 : index
          %get3A_1364 = tpu.vector_load %arg11[%get3A_1363] {strides = array<i32>} : memref<1024xi32, #tpu.memory_space<vmem>>, vector<16xi32>,
          %get3A_1365 = vector.shape_cast %get3A_1364 : vector<16xi32> to vector<16xi32>
          %mul3A_1366 = arith.constant 200 : i32
          %mul3A_1367 = vector.broadcast %mul3A_1366 : i32 to vector<16xi32>
          %mul3A_1368 = arith.muli %get3A_1365, %mul3A_1367 : vector<16xi32>
          %get3A_1369 = arith.constant 96 : index
          %get3A_1370 = tpu.vector_load %arg16[%get3A_1369] {strides = array<i32>} : memref<256xi32, #tpu.memory_space<vmem>>, vector<16xi32>,
          %get3A_1371 = vector.shape_cast %get3A_1370 : vector<16xi32> to vector<16xi32>
          %add3A_1372 = arith.addi %mul3A_1368, %get3A_1371 : vector<16xi32>
          %swap3A_1373 = arith.constant 864 : index
          %swap3A_1374 = tpu.vector_load %arg12[%swap3A_1373] {strides = array<i32>} : memref<1024xi32, #tpu.memory_space<vmem>>, vector<16xi32>,
          %swap3A_1375 = vector.shape_cast %swap3A_1374 : vector<16xi32> to vector<16xi32>
          %swap3A_1376 = vector.shape_cast %add3A_1372 : vector<16xi32> to vector<16xi32>
          tpu.vector_store %arg12[%swap3A_1373], %swap3A_1376 {strides = array<i32>} : memref<1024xi32, #tpu.memory_space<vmem>>, vector<16xi32>,
          %get3A_1377 = arith.constant 880 : index
          %get3A_1378 = tpu.vector_load %arg11[%get3A_1377] {strides = array<i32>} : memref<1024xi32, #tpu.memory_space<vmem>>, vector<16xi32>,
          %get3A_1379 = vector.shape_cast %get3A_1378 : vector<16xi32> to vector<16xi32>
          %mul3A_1380 = arith.constant 200 : i32
          %mul3A_1381 = vector.broadcast %mul3A_1380 : i32 to vector<16xi32>
          %mul3A_1382 = arith.muli %get3A_1379, %mul3A_1381 : vector<16xi32>
          %get3A_1383 = arith.constant 112 : index
          %get3A_1384 = tpu.vector_load %arg16[%get3A_1383] {strides = array<i32>} : memref<256xi32, #tpu.memory_space<vmem>>, vector<16xi32>,
          %get3A_1385 = vector.shape_cast %get3A_1384 : vector<16xi32> to vector<16xi32>
          %add3A_1386 = arith.addi %mul3A_1382, %get3A_1385 : vector<16xi32>
          %swap3A_1387 = arith.constant 880 : index
          %swap3A_1388 = tpu.vector_load %arg12[%swap3A_1387] {strides = array<i32>} : memref<1024xi32, #tpu.memory_space<vmem>>, vector<16xi32>,
          %swap3A_1389 = vector.shape_cast %swap3A_1388 : vector<16xi32> to vector<16xi32>
          %swap3A_1390 = vector.shape_cast %add3A_1386 : vector<16xi32> to vector<16xi32>
          tpu.vector_store %arg12[%swap3A_1387], %swap3A_1390 {strides = array<i32>} : memref<1024xi32, #tpu.memory_space<vmem>>, vector<16xi32>,
          %get3A_1391 = arith.constant 896 : index
          %get3A_1392 = tpu.vector_load %arg11[%get3A_1391] {strides = array<i32>} : memref<1024xi32, #tpu.memory_space<vmem>>, vector<16xi32>,
          %get3A_1393 = vector.shape_cast %get3A_1392 : vector<16xi32> to vector<16xi32>
          %mul3A_1394 = arith.constant 200 : i32
          %mul3A_1395 = vector.broadcast %mul3A_1394 : i32 to vector<16xi32>
          %mul3A_1396 = arith.muli %get3A_1393, %mul3A_1395 : vector<16xi32>
          %get3A_1397 = arith.constant 128 : index
          %get3A_1398 = tpu.vector_load %arg16[%get3A_1397] {strides = array<i32>} : memref<256xi32, #tpu.memory_space<vmem>>, vector<16xi32>,
          %get3A_1399 = vector.shape_cast %get3A_1398 : vector<16xi32> to vector<16xi32>
          %add3A_1400 = arith.addi %mul3A_1396, %get3A_1399 : vector<16xi32>
          %swap3A_1401 = arith.constant 896 : index
          %swap3A_1402 = tpu.vector_load %arg12[%swap3A_1401] {strides = array<i32>} : memref<1024xi32, #tpu.memory_space<vmem>>, vector<16xi32>,
          %swap3A_1403 = vector.shape_cast %swap3A_1402 : vector<16xi32> to vector<16xi32>
          %swap3A_1404 = vector.shape_cast %add3A_1400 : vector<16xi32> to vector<16xi32>
          tpu.vector_store %arg12[%swap3A_1401], %swap3A_1404 {strides = array<i32>} : memref<1024xi32, #tpu.memory_space<vmem>>, vector<16xi32>,
          %get3A_1405 = arith.constant 912 : index
          %get3A_1406 = tpu.vector_load %arg11[%get3A_1405] {strides = array<i32>} : memref<1024xi32, #tpu.memory_space<vmem>>, vector<16xi32>,
          %get3A_1407 = vector.shape_cast %get3A_1406 : vector<16xi32> to vector<16xi32>
          %mul3A_1408 = arith.constant 200 : i32
          %mul3A_1409 = vector.broadcast %mul3A_1408 : i32 to vector<16xi32>
          %mul3A_1410 = arith.muli %get3A_1407, %mul3A_1409 : vector<16xi32>
          %get3A_1411 = arith.constant 144 : index
          %get3A_1412 = tpu.vector_load %arg16[%get3A_1411] {strides = array<i32>} : memref<256xi32, #tpu.memory_space<vmem>>, vector<16xi32>,
          %get3A_1413 = vector.shape_cast %get3A_1412 : vector<16xi32> to vector<16xi32>
          %add3A_1414 = arith.addi %mul3A_1410, %get3A_1413 : vector<16xi32>
          %swap3A_1415 = arith.constant 912 : index
          %swap3A_1416 = tpu.vector_load %arg12[%swap3A_1415] {strides = array<i32>} : memref<1024xi32, #tpu.memory_space<vmem>>, vector<16xi32>,
          %swap3A_1417 = vector.shape_cast %swap3A_1416 : vector<16xi32> to vector<16xi32>
          %swap3A_1418 = vector.shape_cast %add3A_1414 : vector<16xi32> to vector<16xi32>
          tpu.vector_store %arg12[%swap3A_1415], %swap3A_1418 {strides = array<i32>} : memref<1024xi32, #tpu.memory_space<vmem>>, vector<16xi32>,
          %get3A_1419 = arith.constant 928 : index
          %get3A_1420 = tpu.vector_load %arg11[%get3A_1419] {strides = array<i32>} : memref<1024xi32, #tpu.memory_space<vmem>>, vector<16xi32>,
          %get3A_1421 = vector.shape_cast %get3A_1420 : vector<16xi32> to vector<16xi32>
          %mul3A_1422 = arith.constant 200 : i32
          %mul3A_1423 = vector.broadcast %mul3A_1422 : i32 to vector<16xi32>
          %mul3A_1424 = arith.muli %get3A_1421, %mul3A_1423 : vector<16xi32>
          %get3A_1425 = arith.constant 160 : index
          %get3A_1426 = tpu.vector_load %arg16[%get3A_1425] {strides = array<i32>} : memref<256xi32, #tpu.memory_space<vmem>>, vector<16xi32>,
          %get3A_1427 = vector.shape_cast %get3A_1426 : vector<16xi32> to vector<16xi32>
          %add3A_1428 = arith.addi %mul3A_1424, %get3A_1427 : vector<16xi32>
          %swap3A_1429 = arith.constant 928 : index
          %swap3A_1430 = tpu.vector_load %arg12[%swap3A_1429] {strides = array<i32>} : memref<1024xi32, #tpu.memory_space<vmem>>, vector<16xi32>,
          %swap3A_1431 = vector.shape_cast %swap3A_1430 : vector<16xi32> to vector<16xi32>
          %swap3A_1432 = vector.shape_cast %add3A_1428 : vector<16xi32> to vector<16xi32>
          tpu.vector_store %arg12[%swap3A_1429], %swap3A_1432 {strides = array<i32>} : memref<1024xi32, #tpu.memory_space<vmem>>, vector<16xi32>,
          %get3A_1433 = arith.constant 944 : index
          %get3A_1434 = tpu.vector_load %arg11[%get3A_1433] {strides = array<i32>} : memref<1024xi32, #tpu.memory_space<vmem>>, vector<16xi32>,
          %get3A_1435 = vector.shape_cast %get3A_1434 : vector<16xi32> to vector<16xi32>
          %mul3A_1436 = arith.constant 200 : i32
          %mul3A_1437 = vector.broadcast %mul3A_1436 : i32 to vector<16xi32>
          %mul3A_1438 = arith.muli %get3A_1435, %mul3A_1437 : vector<16xi32>
          %get3A_1439 = arith.constant 176 : index
          %get3A_1440 = tpu.vector_load %arg16[%get3A_1439] {strides = array<i32>} : memref<256xi32, #tpu.memory_space<vmem>>, vector<16xi32>,
          %get3A_1441 = vector.shape_cast %get3A_1440 : vector<16xi32> to vector<16xi32>
          %add3A_1442 = arith.addi %mul3A_1438, %get3A_1441 : vector<16xi32>
          %swap3A_1443 = arith.constant 944 : index
          %swap3A_1444 = tpu.vector_load %arg12[%swap3A_1443] {strides = array<i32>} : memref<1024xi32, #tpu.memory_space<vmem>>, vector<16xi32>,
          %swap3A_1445 = vector.shape_cast %swap3A_1444 : vector<16xi32> to vector<16xi32>
          %swap3A_1446 = vector.shape_cast %add3A_1442 : vector<16xi32> to vector<16xi32>
          tpu.vector_store %arg12[%swap3A_1443], %swap3A_1446 {strides = array<i32>} : memref<1024xi32, #tpu.memory_space<vmem>>, vector<16xi32>,
          %get3A_1447 = arith.constant 960 : index
          %get3A_1448 = tpu.vector_load %arg11[%get3A_1447] {strides = array<i32>} : memref<1024xi32, #tpu.memory_space<vmem>>, vector<16xi32>,
          %get3A_1449 = vector.shape_cast %get3A_1448 : vector<16xi32> to vector<16xi32>
          %mul3A_1450 = arith.constant 200 : i32
          %mul3A_1451 = vector.broadcast %mul3A_1450 : i32 to vector<16xi32>
          %mul3A_1452 = arith.muli %get3A_1449, %mul3A_1451 : vector<16xi32>
          %get3A_1453 = arith.constant 192 : index
          %get3A_1454 = tpu.vector_load %arg16[%get3A_1453] {strides = array<i32>} : memref<256xi32, #tpu.memory_space<vmem>>, vector<16xi32>,
          %get3A_1455 = vector.shape_cast %get3A_1454 : vector<16xi32> to vector<16xi32>
          %add3A_1456 = arith.addi %mul3A_1452, %get3A_1455 : vector<16xi32>
          %swap3A_1457 = arith.constant 960 : index
          %swap3A_1458 = tpu.vector_load %arg12[%swap3A_1457] {strides = array<i32>} : memref<1024xi32, #tpu.memory_space<vmem>>, vector<16xi32>,
          %swap3A_1459 = vector.shape_cast %swap3A_1458 : vector<16xi32> to vector<16xi32>
          %swap3A_1460 = vector.shape_cast %add3A_1456 : vector<16xi32> to vector<16xi32>
          tpu.vector_store %arg12[%swap3A_1457], %swap3A_1460 {strides = array<i32>} : memref<1024xi32, #tpu.memory_space<vmem>>, vector<16xi32>,
          %get3A_1461 = arith.constant 976 : index
          %get3A_1462 = tpu.vector_load %arg11[%get3A_1461] {strides = array<i32>} : memref<1024xi32, #tpu.memory_space<vmem>>, vector<16xi32>,
          %get3A_1463 = vector.shape_cast %get3A_1462 : vector<16xi32> to vector<16xi32>
          %mul3A_1464 = arith.constant 200 : i32
          %mul3A_1465 = vector.broadcast %mul3A_1464 : i32 to vector<16xi32>
          %mul3A_1466 = arith.muli %get3A_1463, %mul3A_1465 : vector<16xi32>
          %get3A_1467 = arith.constant 208 : index
          %get3A_1468 = tpu.vector_load %arg16[%get3A_1467] {strides = array<i32>} : memref<256xi32, #tpu.memory_space<vmem>>, vector<16xi32>,
          %get3A_1469 = vector.shape_cast %get3A_1468 : vector<16xi32> to vector<16xi32>
          %add3A_1470 = arith.addi %mul3A_1466, %get3A_1469 : vector<16xi32>
          %swap3A_1471 = arith.constant 976 : index
          %swap3A_1472 = tpu.vector_load %arg12[%swap3A_1471] {strides = array<i32>} : memref<1024xi32, #tpu.memory_space<vmem>>, vector<16xi32>,
          %swap3A_1473 = vector.shape_cast %swap3A_1472 : vector<16xi32> to vector<16xi32>
          %swap3A_1474 = vector.shape_cast %add3A_1470 : vector<16xi32> to vector<16xi32>
          tpu.vector_store %arg12[%swap3A_1471], %swap3A_1474 {strides = array<i32>} : memref<1024xi32, #tpu.memory_space<vmem>>, vector<16xi32>,
          %get3A_1475 = arith.constant 992 : index
          %get3A_1476 = tpu.vector_load %arg11[%get3A_1475] {strides = array<i32>} : memref<1024xi32, #tpu.memory_space<vmem>>, vector<16xi32>,
          %get3A_1477 = vector.shape_cast %get3A_1476 : vector<16xi32> to vector<16xi32>
          %mul3A_1478 = arith.constant 200 : i32
          %mul3A_1479 = vector.broadcast %mul3A_1478 : i32 to vector<16xi32>
          %mul3A_1480 = arith.muli %get3A_1477, %mul3A_1479 : vector<16xi32>
          %get3A_1481 = arith.constant 224 : index
          %get3A_1482 = tpu.vector_load %arg16[%get3A_1481] {strides = array<i32>} : memref<256xi32, #tpu.memory_space<vmem>>, vector<16xi32>,
          %get3A_1483 = vector.shape_cast %get3A_1482 : vector<16xi32> to vector<16xi32>
          %add3A_1484 = arith.addi %mul3A_1480, %get3A_1483 : vector<16xi32>
          %swap3A_1485 = arith.constant 992 : index
          %swap3A_1486 = tpu.vector_load %arg12[%swap3A_1485] {strides = array<i32>} : memref<1024xi32, #tpu.memory_space<vmem>>, vector<16xi32>,
          %swap3A_1487 = vector.shape_cast %swap3A_1486 : vector<16xi32> to vector<16xi32>
          %swap3A_1488 = vector.shape_cast %add3A_1484 : vector<16xi32> to vector<16xi32>
          tpu.vector_store %arg12[%swap3A_1485], %swap3A_1488 {strides = array<i32>} : memref<1024xi32, #tpu.memory_space<vmem>>, vector<16xi32>,
          %get3A_1489 = arith.constant 1008 : index
          %get3A_1490 = tpu.vector_load %arg11[%get3A_1489] {strides = array<i32>} : memref<1024xi32, #tpu.memory_space<vmem>>, vector<16xi32>,
          %get3A_1491 = vector.shape_cast %get3A_1490 : vector<16xi32> to vector<16xi32>
          %mul3A_1492 = arith.constant 200 : i32
          %mul3A_1493 = vector.broadcast %mul3A_1492 : i32 to vector<16xi32>
          %mul3A_1494 = arith.muli %get3A_1491, %mul3A_1493 : vector<16xi32>
          %get3A_1495 = arith.constant 240 : index
          %get3A_1496 = tpu.vector_load %arg16[%get3A_1495] {strides = array<i32>} : memref<256xi32, #tpu.memory_space<vmem>>, vector<16xi32>,
          %get3A_1497 = vector.shape_cast %get3A_1496 : vector<16xi32> to vector<16xi32>
          %add3A_1498 = arith.addi %mul3A_1494, %get3A_1497 : vector<16xi32>
          %swap3A_1499 = arith.constant 1008 : index
          %swap3A_1500 = tpu.vector_load %arg12[%swap3A_1499] {strides = array<i32>} : memref<1024xi32, #tpu.memory_space<vmem>>, vector<16xi32>,
          %swap3A_1501 = vector.shape_cast %swap3A_1500 : vector<16xi32> to vector<16xi32>
          %swap3A_1502 = vector.shape_cast %add3A_1498 : vector<16xi32> to vector<16xi32>
          tpu.vector_store %arg12[%swap3A_1499], %swap3A_1502 {strides = array<i32>} : memref<1024xi32, #tpu.memory_space<vmem>>, vector<16xi32>,
          %ge3A = arith.constant 2 : i32
          %ge3A_1503 = arith.cmpi sge, %add3A_1115, %ge3A : i32
          %convert_element_type3A_1504 = arith.extui %ge3A_1503 : i1 to i32
          %cond3A_1505 = arith.constant 0 : i32
          %cond3A_1506 = arith.cmpi ne, %convert_element_type3A_1504, %cond3A_1505 : i32
          scf.if %cond3A_1506 {
            %sub3A_1567 = arith.constant 2 : i32
            %sub3A_1568 = arith.subi %add3A_1115, %sub3A_1567 : i32
            %add3A_1569 = arith.addi %mul3A_2, %sub3A_1568 : i32
            %dma_wait3A_1570 = arith.constant 3 : i32
            %dma_wait3A_1571 = arith.constant 0 : i32
            %dma_wait3A_1572 = arith.constant 0 : i32
            %dma_wait3A_1573 = tpu.memref_slice %arg13[%dma_wait3A_1570, %dma_wait3A_1571, %dma_wait3A_1572] : memref<4x200x64xf32, #tpu.memory_space<vmem>> -> memref<1x200x64xf32, #tpu.memory_space<vmem>>
            %dma_wait3A_1574 = tpu.memref_squeeze %dma_wait3A_1573 : memref<1x200x64xf32, #tpu.memory_space<vmem>> -> memref<200x64xf32, #tpu.memory_space<vmem>>
            %dma_wait3A_1575 = arith.constant 0 : i32
            %dma_wait3A_1576 = arith.constant 0 : i32
            %dma_wait3A_1577 = tpu.memref_slice %arg7[%add3A_1569, %dma_wait3A_1575, %dma_wait3A_1576] : memref<4096x200x64xf32, #tpu.memory_space<hbm>> -> memref<1x200x64xf32, #tpu.memory_space<hbm>>
            %dma_wait3A_1578 = tpu.memref_squeeze %dma_wait3A_1577 : memref<1x200x64xf32, #tpu.memory_space<hbm>> -> memref<200x64xf32, #tpu.memory_space<hbm>>
            %dma_wait3A_1579 = arith.constant 0 : i32
            %dma_wait3A_1580 = arith.constant 0 : i32
            %dma_wait3A_1581 = tpu.memref_slice %arg7[%add3A_1569, %dma_wait3A_1579, %dma_wait3A_1580] : memref<4096x200x64xf32, #tpu.memory_space<hbm>> -> memref<1x200x64xf32, #tpu.memory_space<hbm>>
            %dma_wait3A_1582 = tpu.memref_squeeze %dma_wait3A_1581 : memref<1x200x64xf32, #tpu.memory_space<hbm>> -> memref<200x64xf32, #tpu.memory_space<hbm>>
            %dma_wait3A_1583 = arith.constant 0 : i32
            %dma_wait3A_1584 = arith.constant 0 : i32
            %dma_wait3A_1585 = tpu.memref_slice %arg13[%dma_wait3A_1570, %dma_wait3A_1583, %dma_wait3A_1584] : memref<4x200x64xf32, #tpu.memory_space<vmem>> -> memref<1x200x64xf32, #tpu.memory_space<vmem>>
            %dma_wait3A_1586 = tpu.memref_squeeze %dma_wait3A_1585 : memref<1x200x64xf32, #tpu.memory_space<vmem>> -> memref<200x64xf32, #tpu.memory_space<vmem>>
            tpu.wait_dma2 semaphore(%arg30 : memref<!tpu.dma_semaphore, #tpu.memory_space<semaphore_mem>>) src(%dma_wait3A_1586 : memref<200x64xf32, #tpu.memory_space<vmem>>) dst(%dma_wait3A_1582 : memref<200x64xf32, #tpu.memory_space<hbm>>)
            %dma_wait3A_1587 = arith.constant 3 : i32
            %dma_wait3A_1588 = arith.constant 0 : i32
            %dma_wait3A_1589 = arith.constant 0 : i32
            %dma_wait3A_1590 = tpu.memref_slice %arg14[%dma_wait3A_1587, %dma_wait3A_1588, %dma_wait3A_1589] : memref<4x200x64xf32, #tpu.memory_space<vmem>> -> memref<1x200x64xf32, #tpu.memory_space<vmem>>
            %dma_wait3A_1591 = tpu.memref_squeeze %dma_wait3A_1590 : memref<1x200x64xf32, #tpu.memory_space<vmem>> -> memref<200x64xf32, #tpu.memory_space<vmem>>
            %dma_wait3A_1592 = arith.constant 0 : i32
            %dma_wait3A_1593 = arith.constant 0 : i32
            %dma_wait3A_1594 = tpu.memref_slice %arg8[%add3A_1569, %dma_wait3A_1592, %dma_wait3A_1593] : memref<4096x200x64xf32, #tpu.memory_space<hbm>> -> memref<1x200x64xf32, #tpu.memory_space<hbm>>
            %dma_wait3A_1595 = tpu.memref_squeeze %dma_wait3A_1594 : memref<1x200x64xf32, #tpu.memory_space<hbm>> -> memref<200x64xf32, #tpu.memory_space<hbm>>
            %dma_wait3A_1596 = arith.constant 0 : i32
            %dma_wait3A_1597 = arith.constant 0 : i32
            %dma_wait3A_1598 = tpu.memref_slice %arg8[%add3A_1569, %dma_wait3A_1596, %dma_wait3A_1597] : memref<4096x200x64xf32, #tpu.memory_space<hbm>> -> memref<1x200x64xf32, #tpu.memory_space<hbm>>
            %dma_wait3A_1599 = tpu.memref_squeeze %dma_wait3A_1598 : memref<1x200x64xf32, #tpu.memory_space<hbm>> -> memref<200x64xf32, #tpu.memory_space<hbm>>
            %dma_wait3A_1600 = arith.constant 0 : i32
            %dma_wait3A_1601 = arith.constant 0 : i32
            %dma_wait3A_1602 = tpu.memref_slice %arg14[%dma_wait3A_1587, %dma_wait3A_1600, %dma_wait3A_1601] : memref<4x200x64xf32, #tpu.memory_space<vmem>> -> memref<1x200x64xf32, #tpu.memory_space<vmem>>
            %dma_wait3A_1603 = tpu.memref_squeeze %dma_wait3A_1602 : memref<1x200x64xf32, #tpu.memory_space<vmem>> -> memref<200x64xf32, #tpu.memory_space<vmem>>
            tpu.wait_dma2 semaphore(%arg30 : memref<!tpu.dma_semaphore, #tpu.memory_space<semaphore_mem>>) src(%dma_wait3A_1603 : memref<200x64xf32, #tpu.memory_space<vmem>>) dst(%dma_wait3A_1599 : memref<200x64xf32, #tpu.memory_space<hbm>>)
          } else {
          }
          %dma_start3A_1507 = arith.constant 3 : i32
          %dma_start3A_1508 = arith.constant 0 : i32
          %dma_start3A_1509 = arith.constant 0 : i32
          %dma_start3A_1510 = tpu.memref_slice %arg13[%dma_start3A_1507, %dma_start3A_1508, %dma_start3A_1509] : memref<4x200x64xf32, #tpu.memory_space<vmem>> -> memref<1x80x64xf32, #tpu.memory_space<vmem>>
          %dma_start3A_1511 = tpu.memref_squeeze %dma_start3A_1510 : memref<1x80x64xf32, #tpu.memory_space<vmem>> -> memref<80x64xf32, #tpu.memory_space<vmem>>
          %dma_start3A_1512 = arith.constant 768 : i32
          %dma_start3A_1513 = tpu.memref_slice %arg10[%dma_start3A_1512] : memref<1024xi32, #tpu.memory_space<vmem>> -> memref<80xi32, #tpu.memory_space<vmem>>
          %dma_start3A_1514 = arith.constant 0 : i32
          %dma_start3A_1515 = arith.constant 0 : i32
          %dma_start3A_1516 = tpu.memref_slice %arg4[%dma_start3A_1514, %dma_start3A_1515] : memref<100000x64xf32, #tpu.memory_space<hbm>> -> memref<100000x64xf32, #tpu.memory_space<hbm>>
          tpu.enqueue_indirect_dma source(%dma_start3A_1516 : memref<100000x64xf32, #tpu.memory_space<hbm>>) target(%dma_start3A_1511 : memref<80x64xf32, #tpu.memory_space<vmem>>) offsets(%dma_start3A_1513 : memref<80xi32, #tpu.memory_space<vmem>>) semaphore(%arg26 : memref<!tpu.dma_semaphore, #tpu.memory_space<semaphore_mem>>)
          %dma_start3A_1517 = arith.constant 3 : i32
          %dma_start3A_1518 = arith.constant 0 : i32
          %dma_start3A_1519 = arith.constant 0 : i32
          %dma_start3A_1520 = tpu.memref_slice %arg14[%dma_start3A_1517, %dma_start3A_1518, %dma_start3A_1519] : memref<4x200x64xf32, #tpu.memory_space<vmem>> -> memref<1x80x64xf32, #tpu.memory_space<vmem>>
          %dma_start3A_1521 = tpu.memref_squeeze %dma_start3A_1520 : memref<1x80x64xf32, #tpu.memory_space<vmem>> -> memref<80x64xf32, #tpu.memory_space<vmem>>
          %dma_start3A_1522 = arith.constant 768 : i32
          %dma_start3A_1523 = tpu.memref_slice %arg12[%dma_start3A_1522] : memref<1024xi32, #tpu.memory_space<vmem>> -> memref<80xi32, #tpu.memory_space<vmem>>
          %dma_start3A_1524 = arith.constant 0 : i32
          %dma_start3A_1525 = arith.constant 0 : i32
          %dma_start3A_1526 = tpu.memref_slice %arg9[%dma_start3A_1524, %dma_start3A_1525] : memref<1600x64xf32, #tpu.memory_space<hbm>> -> memref<1600x64xf32, #tpu.memory_space<hbm>>
          tpu.enqueue_indirect_dma source(%dma_start3A_1526 : memref<1600x64xf32, #tpu.memory_space<hbm>>) target(%dma_start3A_1521 : memref<80x64xf32, #tpu.memory_space<vmem>>) offsets(%dma_start3A_1523 : memref<80xi32, #tpu.memory_space<vmem>>) semaphore(%arg26 : memref<!tpu.dma_semaphore, #tpu.memory_space<semaphore_mem>>)
          %dma_start3A_1527 = arith.constant 3 : i32
          %dma_start3A_1528 = arith.constant 80 : i32
          %dma_start3A_1529 = arith.constant 0 : i32
          %dma_start3A_1530 = tpu.memref_slice %arg13[%dma_start3A_1527, %dma_start3A_1528, %dma_start3A_1529] : memref<4x200x64xf32, #tpu.memory_space<vmem>> -> memref<1x80x64xf32, #tpu.memory_space<vmem>>
          %dma_start3A_1531 = tpu.memref_squeeze %dma_start3A_1530 : memref<1x80x64xf32, #tpu.memory_space<vmem>> -> memref<80x64xf32, #tpu.memory_space<vmem>>
          %dma_start3A_1532 = arith.constant 848 : i32
          %dma_start3A_1533 = tpu.memref_slice %arg10[%dma_start3A_1532] : memref<1024xi32, #tpu.memory_space<vmem>> -> memref<80xi32, #tpu.memory_space<vmem>>
          %dma_start3A_1534 = arith.constant 0 : i32
          %dma_start3A_1535 = arith.constant 0 : i32
          %dma_start3A_1536 = tpu.memref_slice %arg4[%dma_start3A_1534, %dma_start3A_1535] : memref<100000x64xf32, #tpu.memory_space<hbm>> -> memref<100000x64xf32, #tpu.memory_space<hbm>>
          tpu.enqueue_indirect_dma source(%dma_start3A_1536 : memref<100000x64xf32, #tpu.memory_space<hbm>>) target(%dma_start3A_1531 : memref<80x64xf32, #tpu.memory_space<vmem>>) offsets(%dma_start3A_1533 : memref<80xi32, #tpu.memory_space<vmem>>) semaphore(%arg26 : memref<!tpu.dma_semaphore, #tpu.memory_space<semaphore_mem>>)
          %dma_start3A_1537 = arith.constant 3 : i32
          %dma_start3A_1538 = arith.constant 80 : i32
          %dma_start3A_1539 = arith.constant 0 : i32
          %dma_start3A_1540 = tpu.memref_slice %arg14[%dma_start3A_1537, %dma_start3A_1538, %dma_start3A_1539] : memref<4x200x64xf32, #tpu.memory_space<vmem>> -> memref<1x80x64xf32, #tpu.memory_space<vmem>>
          %dma_start3A_1541 = tpu.memref_squeeze %dma_start3A_1540 : memref<1x80x64xf32, #tpu.memory_space<vmem>> -> memref<80x64xf32, #tpu.memory_space<vmem>>
          %dma_start3A_1542 = arith.constant 848 : i32
          %dma_start3A_1543 = tpu.memref_slice %arg12[%dma_start3A_1542] : memref<1024xi32, #tpu.memory_space<vmem>> -> memref<80xi32, #tpu.memory_space<vmem>>
          %dma_start3A_1544 = arith.constant 0 : i32
          %dma_start3A_1545 = arith.constant 0 : i32
          %dma_start3A_1546 = tpu.memref_slice %arg9[%dma_start3A_1544, %dma_start3A_1545] : memref<1600x64xf32, #tpu.memory_space<hbm>> -> memref<1600x64xf32, #tpu.memory_space<hbm>>
          tpu.enqueue_indirect_dma source(%dma_start3A_1546 : memref<1600x64xf32, #tpu.memory_space<hbm>>) target(%dma_start3A_1541 : memref<80x64xf32, #tpu.memory_space<vmem>>) offsets(%dma_start3A_1543 : memref<80xi32, #tpu.memory_space<vmem>>) semaphore(%arg26 : memref<!tpu.dma_semaphore, #tpu.memory_space<semaphore_mem>>)
          %dma_start3A_1547 = arith.constant 3 : i32
          %dma_start3A_1548 = arith.constant 160 : i32
          %dma_start3A_1549 = arith.constant 0 : i32
          %dma_start3A_1550 = tpu.memref_slice %arg13[%dma_start3A_1547, %dma_start3A_1548, %dma_start3A_1549] : memref<4x200x64xf32, #tpu.memory_space<vmem>> -> memref<1x40x64xf32, #tpu.memory_space<vmem>>
          %dma_start3A_1551 = tpu.memref_squeeze %dma_start3A_1550 : memref<1x40x64xf32, #tpu.memory_space<vmem>> -> memref<40x64xf32, #tpu.memory_space<vmem>>
          %dma_start3A_1552 = arith.constant 928 : i32
          %dma_start3A_1553 = tpu.memref_slice %arg10[%dma_start3A_1552] : memref<1024xi32, #tpu.memory_space<vmem>> -> memref<40xi32, #tpu.memory_space<vmem>>
          %dma_start3A_1554 = arith.constant 0 : i32
          %dma_start3A_1555 = arith.constant 0 : i32
          %dma_start3A_1556 = tpu.memref_slice %arg4[%dma_start3A_1554, %dma_start3A_1555] : memref<100000x64xf32, #tpu.memory_space<hbm>> -> memref<100000x64xf32, #tpu.memory_space<hbm>>
          tpu.enqueue_indirect_dma source(%dma_start3A_1556 : memref<100000x64xf32, #tpu.memory_space<hbm>>) target(%dma_start3A_1551 : memref<40x64xf32, #tpu.memory_space<vmem>>) offsets(%dma_start3A_1553 : memref<40xi32, #tpu.memory_space<vmem>>) semaphore(%arg26 : memref<!tpu.dma_semaphore, #tpu.memory_space<semaphore_mem>>)
          %dma_start3A_1557 = arith.constant 3 : i32
          %dma_start3A_1558 = arith.constant 160 : i32
          %dma_start3A_1559 = arith.constant 0 : i32
          %dma_start3A_1560 = tpu.memref_slice %arg14[%dma_start3A_1557, %dma_start3A_1558, %dma_start3A_1559] : memref<4x200x64xf32, #tpu.memory_space<vmem>> -> memref<1x40x64xf32, #tpu.memory_space<vmem>>
          %dma_start3A_1561 = tpu.memref_squeeze %dma_start3A_1560 : memref<1x40x64xf32, #tpu.memory_space<vmem>> -> memref<40x64xf32, #tpu.memory_space<vmem>>
          %dma_start3A_1562 = arith.constant 928 : i32
          %dma_start3A_1563 = tpu.memref_slice %arg12[%dma_start3A_1562] : memref<1024xi32, #tpu.memory_space<vmem>> -> memref<40xi32, #tpu.memory_space<vmem>>
          %dma_start3A_1564 = arith.constant 0 : i32
          %dma_start3A_1565 = arith.constant 0 : i32
          %dma_start3A_1566 = tpu.memref_slice %arg9[%dma_start3A_1564, %dma_start3A_1565] : memref<1600x64xf32, #tpu.memory_space<hbm>> -> memref<1600x64xf32, #tpu.memory_space<hbm>>
          tpu.enqueue_indirect_dma source(%dma_start3A_1566 : memref<1600x64xf32, #tpu.memory_space<hbm>>) target(%dma_start3A_1561 : memref<40x64xf32, #tpu.memory_space<vmem>>) offsets(%dma_start3A_1563 : memref<40xi32, #tpu.memory_space<vmem>>) semaphore(%arg26 : memref<!tpu.dma_semaphore, #tpu.memory_space<semaphore_mem>>)
        } else {
        }
        %dma_wait3A_1149 = arith.constant 1 : i32
        %dma_wait3A_1150 = arith.constant 0 : i32
        %dma_wait3A_1151 = arith.constant 0 : i32
        %dma_wait3A_1152 = tpu.memref_slice %arg13[%dma_wait3A_1149, %dma_wait3A_1150, %dma_wait3A_1151] : memref<4x200x64xf32, #tpu.memory_space<vmem>> -> memref<1x80x64xf32, #tpu.memory_space<vmem>>
        %dma_wait3A_1153 = tpu.memref_squeeze %dma_wait3A_1152 : memref<1x80x64xf32, #tpu.memory_space<vmem>> -> memref<80x64xf32, #tpu.memory_space<vmem>>
        %dma_wait3A_1154 = arith.constant 256 : i32
        %dma_wait3A_1155 = tpu.memref_slice %arg10[%dma_wait3A_1154] : memref<1024xi32, #tpu.memory_space<vmem>> -> memref<80xi32, #tpu.memory_space<vmem>>
        %dma_wait3A_1156 = arith.constant 0 : i32
        %dma_wait3A_1157 = arith.constant 0 : i32
        %dma_wait3A_1158 = tpu.memref_slice %arg4[%dma_wait3A_1156, %dma_wait3A_1157] : memref<100000x64xf32, #tpu.memory_space<hbm>> -> memref<100000x64xf32, #tpu.memory_space<hbm>>
        tpu.wait_indirect_dma semaphore(%arg24 : memref<!tpu.dma_semaphore, #tpu.memory_space<semaphore_mem>>) src(%dma_wait3A_1158 : memref<100000x64xf32, #tpu.memory_space<hbm>>) dst(%dma_wait3A_1153 : memref<80x64xf32, #tpu.memory_space<vmem>>)
        %dma_wait3A_1159 = arith.constant 1 : i32
        %dma_wait3A_1160 = arith.constant 0 : i32
        %dma_wait3A_1161 = arith.constant 0 : i32
        %dma_wait3A_1162 = tpu.memref_slice %arg14[%dma_wait3A_1159, %dma_wait3A_1160, %dma_wait3A_1161] : memref<4x200x64xf32, #tpu.memory_space<vmem>> -> memref<1x80x64xf32, #tpu.memory_space<vmem>>
        %dma_wait3A_1163 = tpu.memref_squeeze %dma_wait3A_1162 : memref<1x80x64xf32, #tpu.memory_space<vmem>> -> memref<80x64xf32, #tpu.memory_space<vmem>>
        %dma_wait3A_1164 = arith.constant 256 : i32
        %dma_wait3A_1165 = tpu.memref_slice %arg12[%dma_wait3A_1164] : memref<1024xi32, #tpu.memory_space<vmem>> -> memref<80xi32, #tpu.memory_space<vmem>>
        %dma_wait3A_1166 = arith.constant 0 : i32
        %dma_wait3A_1167 = arith.constant 0 : i32
        %dma_wait3A_1168 = tpu.memref_slice %arg9[%dma_wait3A_1166, %dma_wait3A_1167] : memref<1600x64xf32, #tpu.memory_space<hbm>> -> memref<1600x64xf32, #tpu.memory_space<hbm>>
        tpu.wait_indirect_dma semaphore(%arg24 : memref<!tpu.dma_semaphore, #tpu.memory_space<semaphore_mem>>) src(%dma_wait3A_1168 : memref<1600x64xf32, #tpu.memory_space<hbm>>) dst(%dma_wait3A_1163 : memref<80x64xf32, #tpu.memory_space<vmem>>)
        %dma_wait3A_1169 = arith.constant 1 : i32
        %dma_wait3A_1170 = arith.constant 80 : i32
        %dma_wait3A_1171 = arith.constant 0 : i32
        %dma_wait3A_1172 = tpu.memref_slice %arg13[%dma_wait3A_1169, %dma_wait3A_1170, %dma_wait3A_1171] : memref<4x200x64xf32, #tpu.memory_space<vmem>> -> memref<1x80x64xf32, #tpu.memory_space<vmem>>
        %dma_wait3A_1173 = tpu.memref_squeeze %dma_wait3A_1172 : memref<1x80x64xf32, #tpu.memory_space<vmem>> -> memref<80x64xf32, #tpu.memory_space<vmem>>
        %dma_wait3A_1174 = arith.constant 336 : i32
        %dma_wait3A_1175 = tpu.memref_slice %arg10[%dma_wait3A_1174] : memref<1024xi32, #tpu.memory_space<vmem>> -> memref<80xi32, #tpu.memory_space<vmem>>
        %dma_wait3A_1176 = arith.constant 0 : i32
        %dma_wait3A_1177 = arith.constant 0 : i32
        %dma_wait3A_1178 = tpu.memref_slice %arg4[%dma_wait3A_1176, %dma_wait3A_1177] : memref<100000x64xf32, #tpu.memory_space<hbm>> -> memref<100000x64xf32, #tpu.memory_space<hbm>>
        tpu.wait_indirect_dma semaphore(%arg24 : memref<!tpu.dma_semaphore, #tpu.memory_space<semaphore_mem>>) src(%dma_wait3A_1178 : memref<100000x64xf32, #tpu.memory_space<hbm>>) dst(%dma_wait3A_1173 : memref<80x64xf32, #tpu.memory_space<vmem>>)
        %dma_wait3A_1179 = arith.constant 1 : i32
        %dma_wait3A_1180 = arith.constant 80 : i32
        %dma_wait3A_1181 = arith.constant 0 : i32
        %dma_wait3A_1182 = tpu.memref_slice %arg14[%dma_wait3A_1179, %dma_wait3A_1180, %dma_wait3A_1181] : memref<4x200x64xf32, #tpu.memory_space<vmem>> -> memref<1x80x64xf32, #tpu.memory_space<vmem>>
        %dma_wait3A_1183 = tpu.memref_squeeze %dma_wait3A_1182 : memref<1x80x64xf32, #tpu.memory_space<vmem>> -> memref<80x64xf32, #tpu.memory_space<vmem>>
        %dma_wait3A_1184 = arith.constant 336 : i32
        %dma_wait3A_1185 = tpu.memref_slice %arg12[%dma_wait3A_1184] : memref<1024xi32, #tpu.memory_space<vmem>> -> memref<80xi32, #tpu.memory_space<vmem>>
        %dma_wait3A_1186 = arith.constant 0 : i32
        %dma_wait3A_1187 = arith.constant 0 : i32
        %dma_wait3A_1188 = tpu.memref_slice %arg9[%dma_wait3A_1186, %dma_wait3A_1187] : memref<1600x64xf32, #tpu.memory_space<hbm>> -> memref<1600x64xf32, #tpu.memory_space<hbm>>
        tpu.wait_indirect_dma semaphore(%arg24 : memref<!tpu.dma_semaphore, #tpu.memory_space<semaphore_mem>>) src(%dma_wait3A_1188 : memref<1600x64xf32, #tpu.memory_space<hbm>>) dst(%dma_wait3A_1183 : memref<80x64xf32, #tpu.memory_space<vmem>>)
        %dma_wait3A_1189 = arith.constant 1 : i32
        %dma_wait3A_1190 = arith.constant 160 : i32
        %dma_wait3A_1191 = arith.constant 0 : i32
        %dma_wait3A_1192 = tpu.memref_slice %arg13[%dma_wait3A_1189, %dma_wait3A_1190, %dma_wait3A_1191] : memref<4x200x64xf32, #tpu.memory_space<vmem>> -> memref<1x40x64xf32, #tpu.memory_space<vmem>>
        %dma_wait3A_1193 = tpu.memref_squeeze %dma_wait3A_1192 : memref<1x40x64xf32, #tpu.memory_space<vmem>> -> memref<40x64xf32, #tpu.memory_space<vmem>>
        %dma_wait3A_1194 = arith.constant 416 : i32
        %dma_wait3A_1195 = tpu.memref_slice %arg10[%dma_wait3A_1194] : memref<1024xi32, #tpu.memory_space<vmem>> -> memref<40xi32, #tpu.memory_space<vmem>>
        %dma_wait3A_1196 = arith.constant 0 : i32
        %dma_wait3A_1197 = arith.constant 0 : i32
        %dma_wait3A_1198 = tpu.memref_slice %arg4[%dma_wait3A_1196, %dma_wait3A_1197] : memref<100000x64xf32, #tpu.memory_space<hbm>> -> memref<100000x64xf32, #tpu.memory_space<hbm>>
        tpu.wait_indirect_dma semaphore(%arg24 : memref<!tpu.dma_semaphore, #tpu.memory_space<semaphore_mem>>) src(%dma_wait3A_1198 : memref<100000x64xf32, #tpu.memory_space<hbm>>) dst(%dma_wait3A_1193 : memref<40x64xf32, #tpu.memory_space<vmem>>)
        %dma_wait3A_1199 = arith.constant 1 : i32
        %dma_wait3A_1200 = arith.constant 160 : i32
        %dma_wait3A_1201 = arith.constant 0 : i32
        %dma_wait3A_1202 = tpu.memref_slice %arg14[%dma_wait3A_1199, %dma_wait3A_1200, %dma_wait3A_1201] : memref<4x200x64xf32, #tpu.memory_space<vmem>> -> memref<1x40x64xf32, #tpu.memory_space<vmem>>
        %dma_wait3A_1203 = tpu.memref_squeeze %dma_wait3A_1202 : memref<1x40x64xf32, #tpu.memory_space<vmem>> -> memref<40x64xf32, #tpu.memory_space<vmem>>
        %dma_wait3A_1204 = arith.constant 416 : i32
        %dma_wait3A_1205 = tpu.memref_slice %arg12[%dma_wait3A_1204] : memref<1024xi32, #tpu.memory_space<vmem>> -> memref<40xi32, #tpu.memory_space<vmem>>
        %dma_wait3A_1206 = arith.constant 0 : i32
        %dma_wait3A_1207 = arith.constant 0 : i32
        %dma_wait3A_1208 = tpu.memref_slice %arg9[%dma_wait3A_1206, %dma_wait3A_1207] : memref<1600x64xf32, #tpu.memory_space<hbm>> -> memref<1600x64xf32, #tpu.memory_space<hbm>>
        tpu.wait_indirect_dma semaphore(%arg24 : memref<!tpu.dma_semaphore, #tpu.memory_space<semaphore_mem>>) src(%dma_wait3A_1208 : memref<1600x64xf32, #tpu.memory_space<hbm>>) dst(%dma_wait3A_1203 : memref<40x64xf32, #tpu.memory_space<vmem>>)
        %add3A_1209 = arith.constant 4 : i32
        %add3A_1210 = arith.addi %add3A_1115, %add3A_1209 : i32
        %lt3A_1211 = arith.constant 128 : i32
        %lt3A_1212 = arith.cmpi slt, %add3A_1210, %lt3A_1211 : i32
        %convert_element_type3A_1213 = arith.extui %lt3A_1212 : i1 to i32
        %cond3A_1214 = arith.constant 0 : i32
        %cond3A_1215 = arith.cmpi ne, %convert_element_type3A_1213, %cond3A_1214 : i32
        scf.if %cond3A_1215 {
          %add3A_1256 = arith.constant 4 : i32
          %add3A_1257 = arith.addi %add3A_1115, %add3A_1256 : i32
          %add3A_1258 = arith.addi %mul3A_2, %add3A_1257 : i32
          %dma_start3A_1259 = arith.constant 256 : i32
          %dma_start3A_1260 = tpu.memref_slice %arg10[%dma_start3A_1259] : memref<1024xi32, #tpu.memory_space<vmem>> -> memref<256xi32, #tpu.memory_space<vmem>>
          %dma_start3A_1261 = arith.constant 0 : i32
          %dma_start3A_1262 = tpu.memref_slice %arg2[%add3A_1258, %dma_start3A_1261] : memref<4096x256xi32, #tpu.memory_space<hbm>> -> memref<1x256xi32, #tpu.memory_space<hbm>>
          %dma_start3A_1263 = tpu.memref_squeeze %dma_start3A_1262 : memref<1x256xi32, #tpu.memory_space<hbm>> -> memref<256xi32, #tpu.memory_space<hbm>>
          %dma_start3A_1264 = arith.constant 256 : i32
          %dma_start3A_1265 = tpu.memref_slice %arg10[%dma_start3A_1264] : memref<1024xi32, #tpu.memory_space<vmem>> -> memref<256xi32, #tpu.memory_space<vmem>>
          %dma_start3A_1266 = arith.constant 0 : i32
          %dma_start3A_1267 = tpu.memref_slice %arg2[%add3A_1258, %dma_start3A_1266] : memref<4096x256xi32, #tpu.memory_space<hbm>> -> memref<1x256xi32, #tpu.memory_space<hbm>>
          %dma_start3A_1268 = tpu.memref_squeeze %dma_start3A_1267 : memref<1x256xi32, #tpu.memory_space<hbm>> -> memref<256xi32, #tpu.memory_space<hbm>>
          tpu.enqueue_dma source(%dma_start3A_1268 : memref<256xi32, #tpu.memory_space<hbm>>) target(%dma_start3A_1265 : memref<256xi32, #tpu.memory_space<vmem>>) target_semaphore(%arg20 : memref<!tpu.dma_semaphore, #tpu.memory_space<semaphore_mem>>)
          %dma_start3A_1269 = arith.constant 256 : i32
          %dma_start3A_1270 = tpu.memref_slice %arg11[%dma_start3A_1269] : memref<1024xi32, #tpu.memory_space<vmem>> -> memref<256xi32, #tpu.memory_space<vmem>>
          %dma_start3A_1271 = arith.constant 0 : i32
          %dma_start3A_1272 = tpu.memref_slice %arg3[%add3A_1258, %dma_start3A_1271] : memref<4096x256xi32, #tpu.memory_space<hbm>> -> memref<1x256xi32, #tpu.memory_space<hbm>>
          %dma_start3A_1273 = tpu.memref_squeeze %dma_start3A_1272 : memref<1x256xi32, #tpu.memory_space<hbm>> -> memref<256xi32, #tpu.memory_space<hbm>>
          %dma_start3A_1274 = arith.constant 256 : i32
          %dma_start3A_1275 = tpu.memref_slice %arg11[%dma_start3A_1274] : memref<1024xi32, #tpu.memory_space<vmem>> -> memref<256xi32, #tpu.memory_space<vmem>>
          %dma_start3A_1276 = arith.constant 0 : i32
          %dma_start3A_1277 = tpu.memref_slice %arg3[%add3A_1258, %dma_start3A_1276] : memref<4096x256xi32, #tpu.memory_space<hbm>> -> memref<1x256xi32, #tpu.memory_space<hbm>>
          %dma_start3A_1278 = tpu.memref_squeeze %dma_start3A_1277 : memref<1x256xi32, #tpu.memory_space<hbm>> -> memref<256xi32, #tpu.memory_space<hbm>>
          tpu.enqueue_dma source(%dma_start3A_1278 : memref<256xi32, #tpu.memory_space<hbm>>) target(%dma_start3A_1275 : memref<256xi32, #tpu.memory_space<vmem>>) target_semaphore(%arg20 : memref<!tpu.dma_semaphore, #tpu.memory_space<semaphore_mem>>)
        } else {
        }
        %scan3A_1216 = arith.constant 0 : i32
        %scan3A_1217 = arith.constant 200 : i32
        %scan3A_1218 = arith.addi %scan3A_1216, %scan3A_1217 : i32
        %scan3A_1219 = arith.constant 1 : i32
        scf.for %scan3A_1256 = %scan3A_1216 to %scan3A_1218 step %scan3A_1219  : i32 {
          %mul3A_1257 = arith.constant 1 : i32
          %mul3A_1258 = arith.muli %scan3A_1256, %mul3A_1257 : i32
          %add3A_1259 = arith.constant 0 : i32
          %add3A_1260 = arith.addi %add3A_1259, %mul3A_1258 : i32
          %get3A_1261 = arith.constant 1 : i32
          %get3A_1262 = arith.index_cast %get3A_1261 : i32 to index
          %get3A_1263 = arith.index_cast %add3A_1260 : i32 to index
          %get3A_1264 = arith.constant 0 : index
          %get3A_1265 = tpu.vector_load %arg13[%get3A_1262, %get3A_1263, %get3A_1264] {strides = array<i32>} : memref<4x200x64xf32, #tpu.memory_space<vmem>>, vector<1x1x16xf32>,
          %get3A_1266 = vector.shape_cast %get3A_1265 : vector<1x1x16xf32> to vector<16xf32>
          %get3A_1267 = arith.index_cast %add3A_1260 : i32 to index
          %get3A_1268 = arith.constant 0 : index
          %get3A_1269 = tpu.vector_load %arg15[%get3A_1267, %get3A_1268] {strides = array<i32>} : memref<200x64xf32, #tpu.memory_space<vmem>>, vector<1x16xf32>,
          %get3A_1270 = vector.shape_cast %get3A_1269 : vector<1x16xf32> to vector<16xf32>
          %add3A_1271 = arith.addf %get3A_1266, %get3A_1270 : vector<16xf32>
          %swap3A_1272 = arith.constant 1 : i32
          %swap3A_1273 = arith.index_cast %swap3A_1272 : i32 to index
          %swap3A_1274 = arith.index_cast %add3A_1260 : i32 to index
          %swap3A_1275 = arith.constant 0 : index
          %swap3A_1276 = tpu.vector_load %arg13[%swap3A_1273, %swap3A_1274, %swap3A_1275] {strides = array<i32>} : memref<4x200x64xf32, #tpu.memory_space<vmem>>, vector<1x1x16xf32>,
          %swap3A_1277 = vector.shape_cast %swap3A_1276 : vector<1x1x16xf32> to vector<16xf32>
          %swap3A_1278 = vector.shape_cast %add3A_1271 : vector<16xf32> to vector<1x1x16xf32>
          tpu.vector_store %arg13[%swap3A_1273, %swap3A_1274, %swap3A_1275], %swap3A_1278 {strides = array<i32>} : memref<4x200x64xf32, #tpu.memory_space<vmem>>, vector<1x1x16xf32>,
          %get3A_1279 = arith.constant 1 : i32
          %get3A_1280 = arith.index_cast %get3A_1279 : i32 to index
          %get3A_1281 = arith.index_cast %add3A_1260 : i32 to index
          %get3A_1282 = arith.constant 16 : index
          %get3A_1283 = tpu.vector_load %arg13[%get3A_1280, %get3A_1281, %get3A_1282] {strides = array<i32>} : memref<4x200x64xf32, #tpu.memory_space<vmem>>, vector<1x1x16xf32>,
          %get3A_1284 = vector.shape_cast %get3A_1283 : vector<1x1x16xf32> to vector<16xf32>
          %get3A_1285 = arith.index_cast %add3A_1260 : i32 to index
          %get3A_1286 = arith.constant 16 : index
          %get3A_1287 = tpu.vector_load %arg15[%get3A_1285, %get3A_1286] {strides = array<i32>} : memref<200x64xf32, #tpu.memory_space<vmem>>, vector<1x16xf32>,
          %get3A_1288 = vector.shape_cast %get3A_1287 : vector<1x16xf32> to vector<16xf32>
          %add3A_1289 = arith.addf %get3A_1284, %get3A_1288 : vector<16xf32>
          %swap3A_1290 = arith.constant 1 : i32
          %swap3A_1291 = arith.index_cast %swap3A_1290 : i32 to index
          %swap3A_1292 = arith.index_cast %add3A_1260 : i32 to index
          %swap3A_1293 = arith.constant 16 : index
          %swap3A_1294 = tpu.vector_load %arg13[%swap3A_1291, %swap3A_1292, %swap3A_1293] {strides = array<i32>} : memref<4x200x64xf32, #tpu.memory_space<vmem>>, vector<1x1x16xf32>,
          %swap3A_1295 = vector.shape_cast %swap3A_1294 : vector<1x1x16xf32> to vector<16xf32>
          %swap3A_1296 = vector.shape_cast %add3A_1289 : vector<16xf32> to vector<1x1x16xf32>
          tpu.vector_store %arg13[%swap3A_1291, %swap3A_1292, %swap3A_1293], %swap3A_1296 {strides = array<i32>} : memref<4x200x64xf32, #tpu.memory_space<vmem>>, vector<1x1x16xf32>,
          %get3A_1297 = arith.constant 1 : i32
          %get3A_1298 = arith.index_cast %get3A_1297 : i32 to index
          %get3A_1299 = arith.index_cast %add3A_1260 : i32 to index
          %get3A_1300 = arith.constant 32 : index
          %get3A_1301 = tpu.vector_load %arg13[%get3A_1298, %get3A_1299, %get3A_1300] {strides = array<i32>} : memref<4x200x64xf32, #tpu.memory_space<vmem>>, vector<1x1x16xf32>,
          %get3A_1302 = vector.shape_cast %get3A_1301 : vector<1x1x16xf32> to vector<16xf32>
          %get3A_1303 = arith.index_cast %add3A_1260 : i32 to index
          %get3A_1304 = arith.constant 32 : index
          %get3A_1305 = tpu.vector_load %arg15[%get3A_1303, %get3A_1304] {strides = array<i32>} : memref<200x64xf32, #tpu.memory_space<vmem>>, vector<1x16xf32>,
          %get3A_1306 = vector.shape_cast %get3A_1305 : vector<1x16xf32> to vector<16xf32>
          %add3A_1307 = arith.addf %get3A_1302, %get3A_1306 : vector<16xf32>
          %swap3A_1308 = arith.constant 1 : i32
          %swap3A_1309 = arith.index_cast %swap3A_1308 : i32 to index
          %swap3A_1310 = arith.index_cast %add3A_1260 : i32 to index
          %swap3A_1311 = arith.constant 32 : index
          %swap3A_1312 = tpu.vector_load %arg13[%swap3A_1309, %swap3A_1310, %swap3A_1311] {strides = array<i32>} : memref<4x200x64xf32, #tpu.memory_space<vmem>>, vector<1x1x16xf32>,
          %swap3A_1313 = vector.shape_cast %swap3A_1312 : vector<1x1x16xf32> to vector<16xf32>
          %swap3A_1314 = vector.shape_cast %add3A_1307 : vector<16xf32> to vector<1x1x16xf32>
          tpu.vector_store %arg13[%swap3A_1309, %swap3A_1310, %swap3A_1311], %swap3A_1314 {strides = array<i32>} : memref<4x200x64xf32, #tpu.memory_space<vmem>>, vector<1x1x16xf32>,
          %get3A_1315 = arith.constant 1 : i32
          %get3A_1316 = arith.index_cast %get3A_1315 : i32 to index
          %get3A_1317 = arith.index_cast %add3A_1260 : i32 to index
          %get3A_1318 = arith.constant 48 : index
          %get3A_1319 = tpu.vector_load %arg13[%get3A_1316, %get3A_1317, %get3A_1318] {strides = array<i32>} : memref<4x200x64xf32, #tpu.memory_space<vmem>>, vector<1x1x16xf32>,
          %get3A_1320 = vector.shape_cast %get3A_1319 : vector<1x1x16xf32> to vector<16xf32>
          %get3A_1321 = arith.index_cast %add3A_1260 : i32 to index
          %get3A_1322 = arith.constant 48 : index
          %get3A_1323 = tpu.vector_load %arg15[%get3A_1321, %get3A_1322] {strides = array<i32>} : memref<200x64xf32, #tpu.memory_space<vmem>>, vector<1x16xf32>,
          %get3A_1324 = vector.shape_cast %get3A_1323 : vector<1x16xf32> to vector<16xf32>
          %add3A_1325 = arith.addf %get3A_1320, %get3A_1324 : vector<16xf32>
          %swap3A_1326 = arith.constant 1 : i32
          %swap3A_1327 = arith.index_cast %swap3A_1326 : i32 to index
          %swap3A_1328 = arith.index_cast %add3A_1260 : i32 to index
          %swap3A_1329 = arith.constant 48 : index
          %swap3A_1330 = tpu.vector_load %arg13[%swap3A_1327, %swap3A_1328, %swap3A_1329] {strides = array<i32>} : memref<4x200x64xf32, #tpu.memory_space<vmem>>, vector<1x1x16xf32>,
          %swap3A_1331 = vector.shape_cast %swap3A_1330 : vector<1x1x16xf32> to vector<16xf32>
          %swap3A_1332 = vector.shape_cast %add3A_1325 : vector<16xf32> to vector<1x1x16xf32>
          tpu.vector_store %arg13[%swap3A_1327, %swap3A_1328, %swap3A_1329], %swap3A_1332 {strides = array<i32>} : memref<4x200x64xf32, #tpu.memory_space<vmem>>, vector<1x1x16xf32>,
        }
        %scan3A_1220 = arith.constant 200 : i32
        %add3A_1221 = arith.addi %mul3A_2, %add3A_1115 : i32
        %dma_start3A_1222 = arith.constant 1 : i32
        %dma_start3A_1223 = arith.constant 0 : i32
        %dma_start3A_1224 = arith.constant 0 : i32
        %dma_start3A_1225 = tpu.memref_slice %arg13[%dma_start3A_1222, %dma_start3A_1223, %dma_start3A_1224] : memref<4x200x64xf32, #tpu.memory_space<vmem>> -> memref<1x200x64xf32, #tpu.memory_space<vmem>>
        %dma_start3A_1226 = tpu.memref_squeeze %dma_start3A_1225 : memref<1x200x64xf32, #tpu.memory_space<vmem>> -> memref<200x64xf32, #tpu.memory_space<vmem>>
        %dma_start3A_1227 = arith.constant 0 : i32
        %dma_start3A_1228 = arith.constant 0 : i32
        %dma_start3A_1229 = tpu.memref_slice %arg7[%add3A_1221, %dma_start3A_1227, %dma_start3A_1228] : memref<4096x200x64xf32, #tpu.memory_space<hbm>> -> memref<1x200x64xf32, #tpu.memory_space<hbm>>
        %dma_start3A_1230 = tpu.memref_squeeze %dma_start3A_1229 : memref<1x200x64xf32, #tpu.memory_space<hbm>> -> memref<200x64xf32, #tpu.memory_space<hbm>>
        %dma_start3A_1231 = arith.constant 0 : i32
        %dma_start3A_1232 = arith.constant 0 : i32
        %dma_start3A_1233 = tpu.memref_slice %arg7[%add3A_1221, %dma_start3A_1231, %dma_start3A_1232] : memref<4096x200x64xf32, #tpu.memory_space<hbm>> -> memref<1x200x64xf32, #tpu.memory_space<hbm>>
        %dma_start3A_1234 = tpu.memref_squeeze %dma_start3A_1233 : memref<1x200x64xf32, #tpu.memory_space<hbm>> -> memref<200x64xf32, #tpu.memory_space<hbm>>
        %dma_start3A_1235 = arith.constant 0 : i32
        %dma_start3A_1236 = arith.constant 0 : i32
        %dma_start3A_1237 = tpu.memref_slice %arg13[%dma_start3A_1222, %dma_start3A_1235, %dma_start3A_1236] : memref<4x200x64xf32, #tpu.memory_space<vmem>> -> memref<1x200x64xf32, #tpu.memory_space<vmem>>
        %dma_start3A_1238 = tpu.memref_squeeze %dma_start3A_1237 : memref<1x200x64xf32, #tpu.memory_space<vmem>> -> memref<200x64xf32, #tpu.memory_space<vmem>>
        tpu.enqueue_dma source(%dma_start3A_1238 : memref<200x64xf32, #tpu.memory_space<vmem>>) target(%dma_start3A_1234 : memref<200x64xf32, #tpu.memory_space<hbm>>) target_semaphore(%arg28 : memref<!tpu.dma_semaphore, #tpu.memory_space<semaphore_mem>>)
        %dma_start3A_1239 = arith.constant 1 : i32
        %dma_start3A_1240 = arith.constant 0 : i32
        %dma_start3A_1241 = arith.constant 0 : i32
        %dma_start3A_1242 = tpu.memref_slice %arg14[%dma_start3A_1239, %dma_start3A_1240, %dma_start3A_1241] : memref<4x200x64xf32, #tpu.memory_space<vmem>> -> memref<1x200x64xf32, #tpu.memory_space<vmem>>
        %dma_start3A_1243 = tpu.memref_squeeze %dma_start3A_1242 : memref<1x200x64xf32, #tpu.memory_space<vmem>> -> memref<200x64xf32, #tpu.memory_space<vmem>>
        %dma_start3A_1244 = arith.constant 0 : i32
        %dma_start3A_1245 = arith.constant 0 : i32
        %dma_start3A_1246 = tpu.memref_slice %arg8[%add3A_1221, %dma_start3A_1244, %dma_start3A_1245] : memref<4096x200x64xf32, #tpu.memory_space<hbm>> -> memref<1x200x64xf32, #tpu.memory_space<hbm>>
        %dma_start3A_1247 = tpu.memref_squeeze %dma_start3A_1246 : memref<1x200x64xf32, #tpu.memory_space<hbm>> -> memref<200x64xf32, #tpu.memory_space<hbm>>
        %dma_start3A_1248 = arith.constant 0 : i32
        %dma_start3A_1249 = arith.constant 0 : i32
        %dma_start3A_1250 = tpu.memref_slice %arg8[%add3A_1221, %dma_start3A_1248, %dma_start3A_1249] : memref<4096x200x64xf32, #tpu.memory_space<hbm>> -> memref<1x200x64xf32, #tpu.memory_space<hbm>>
        %dma_start3A_1251 = tpu.memref_squeeze %dma_start3A_1250 : memref<1x200x64xf32, #tpu.memory_space<hbm>> -> memref<200x64xf32, #tpu.memory_space<hbm>>
        %dma_start3A_1252 = arith.constant 0 : i32
        %dma_start3A_1253 = arith.constant 0 : i32
        %dma_start3A_1254 = tpu.memref_slice %arg14[%dma_start3A_1239, %dma_start3A_1252, %dma_start3A_1253] : memref<4x200x64xf32, #tpu.memory_space<vmem>> -> memref<1x200x64xf32, #tpu.memory_space<vmem>>
        %dma_start3A_1255 = tpu.memref_squeeze %dma_start3A_1254 : memref<1x200x64xf32, #tpu.memory_space<vmem>> -> memref<200x64xf32, #tpu.memory_space<vmem>>
        tpu.enqueue_dma source(%dma_start3A_1255 : memref<200x64xf32, #tpu.memory_space<vmem>>) target(%dma_start3A_1251 : memref<200x64xf32, #tpu.memory_space<hbm>>) target_semaphore(%arg28 : memref<!tpu.dma_semaphore, #tpu.memory_space<semaphore_mem>>)
      } else {
      }
      %rem3A_1128 = arith.constant 4 : i32
      %rem3A_1129 = arith.remsi %add3A_1115, %rem3A_1128 : i32
      %eq3A_1130 = arith.constant 2 : i32
      %eq3A_1131 = arith.cmpi eq, %rem3A_1129, %eq3A_1130 : i32
      %convert_element_type3A_1132 = arith.extui %eq3A_1131 : i1 to i32
      %cond3A_1133 = arith.constant 0 : i32
      %cond3A_1134 = arith.cmpi ne, %convert_element_type3A_1132, %cond3A_1133 : i32
      scf.if %cond3A_1134 {
        %add3A_1142 = arith.constant 2 : i32
        %add3A_1143 = arith.addi %add3A_1115, %add3A_1142 : i32
        %lt3A_1144 = arith.constant 128 : i32
        %lt3A_1145 = arith.cmpi slt, %add3A_1143, %lt3A_1144 : i32
        %convert_element_type3A_1146 = arith.extui %lt3A_1145 : i1 to i32
        %cond3A_1147 = arith.constant 0 : i32
        %cond3A_1148 = arith.cmpi ne, %convert_element_type3A_1146, %cond3A_1147 : i32
        scf.if %cond3A_1148 {
          %add3A_1256 = arith.constant 2 : i32
          %add3A_1257 = arith.addi %add3A_1115, %add3A_1256 : i32
          %add3A_1258 = arith.addi %mul3A_2, %add3A_1257 : i32
          %dma_wait3A_1259 = arith.constant 0 : i32
          %dma_wait3A_1260 = tpu.memref_slice %arg10[%dma_wait3A_1259] : memref<1024xi32, #tpu.memory_space<vmem>> -> memref<256xi32, #tpu.memory_space<vmem>>
          %dma_wait3A_1261 = arith.constant 0 : i32
          %dma_wait3A_1262 = tpu.memref_slice %arg2[%add3A_1258, %dma_wait3A_1261] : memref<4096x256xi32, #tpu.memory_space<hbm>> -> memref<1x256xi32, #tpu.memory_space<hbm>>
          %dma_wait3A_1263 = tpu.memref_squeeze %dma_wait3A_1262 : memref<1x256xi32, #tpu.memory_space<hbm>> -> memref<256xi32, #tpu.memory_space<hbm>>
          %dma_wait3A_1264 = arith.constant 0 : i32
          %dma_wait3A_1265 = tpu.memref_slice %arg10[%dma_wait3A_1264] : memref<1024xi32, #tpu.memory_space<vmem>> -> memref<256xi32, #tpu.memory_space<vmem>>
          %dma_wait3A_1266 = arith.constant 0 : i32
          %dma_wait3A_1267 = tpu.memref_slice %arg2[%add3A_1258, %dma_wait3A_1266] : memref<4096x256xi32, #tpu.memory_space<hbm>> -> memref<1x256xi32, #tpu.memory_space<hbm>>
          %dma_wait3A_1268 = tpu.memref_squeeze %dma_wait3A_1267 : memref<1x256xi32, #tpu.memory_space<hbm>> -> memref<256xi32, #tpu.memory_space<hbm>>
          tpu.wait_dma2 semaphore(%arg19 : memref<!tpu.dma_semaphore, #tpu.memory_space<semaphore_mem>>) src(%dma_wait3A_1268 : memref<256xi32, #tpu.memory_space<hbm>>) dst(%dma_wait3A_1265 : memref<256xi32, #tpu.memory_space<vmem>>)
          %dma_wait3A_1269 = arith.constant 0 : i32
          %dma_wait3A_1270 = tpu.memref_slice %arg11[%dma_wait3A_1269] : memref<1024xi32, #tpu.memory_space<vmem>> -> memref<256xi32, #tpu.memory_space<vmem>>
          %dma_wait3A_1271 = arith.constant 0 : i32
          %dma_wait3A_1272 = tpu.memref_slice %arg3[%add3A_1258, %dma_wait3A_1271] : memref<4096x256xi32, #tpu.memory_space<hbm>> -> memref<1x256xi32, #tpu.memory_space<hbm>>
          %dma_wait3A_1273 = tpu.memref_squeeze %dma_wait3A_1272 : memref<1x256xi32, #tpu.memory_space<hbm>> -> memref<256xi32, #tpu.memory_space<hbm>>
          %dma_wait3A_1274 = arith.constant 0 : i32
          %dma_wait3A_1275 = tpu.memref_slice %arg11[%dma_wait3A_1274] : memref<1024xi32, #tpu.memory_space<vmem>> -> memref<256xi32, #tpu.memory_space<vmem>>
          %dma_wait3A_1276 = arith.constant 0 : i32
          %dma_wait3A_1277 = tpu.memref_slice %arg3[%add3A_1258, %dma_wait3A_1276] : memref<4096x256xi32, #tpu.memory_space<hbm>> -> memref<1x256xi32, #tpu.memory_space<hbm>>
          %dma_wait3A_1278 = tpu.memref_squeeze %dma_wait3A_1277 : memref<1x256xi32, #tpu.memory_space<hbm>> -> memref<256xi32, #tpu.memory_space<hbm>>
          tpu.wait_dma2 semaphore(%arg19 : memref<!tpu.dma_semaphore, #tpu.memory_space<semaphore_mem>>) src(%dma_wait3A_1278 : memref<256xi32, #tpu.memory_space<hbm>>) dst(%dma_wait3A_1275 : memref<256xi32, #tpu.memory_space<vmem>>)
          %get3A_1279 = arith.constant 0 : index
          %get3A_1280 = tpu.vector_load %arg11[%get3A_1279] {strides = array<i32>} : memref<1024xi32, #tpu.memory_space<vmem>>, vector<16xi32>,
          %get3A_1281 = vector.shape_cast %get3A_1280 : vector<16xi32> to vector<16xi32>
          %mul3A_1282 = arith.constant 200 : i32
          %mul3A_1283 = vector.broadcast %mul3A_1282 : i32 to vector<16xi32>
          %mul3A_1284 = arith.muli %get3A_1281, %mul3A_1283 : vector<16xi32>
          %get3A_1285 = arith.constant 0 : index
          %get3A_1286 = tpu.vector_load %arg16[%get3A_1285] {strides = array<i32>} : memref<256xi32, #tpu.memory_space<vmem>>, vector<16xi32>,
          %get3A_1287 = vector.shape_cast %get3A_1286 : vector<16xi32> to vector<16xi32>
          %add3A_1288 = arith.addi %mul3A_1284, %get3A_1287 : vector<16xi32>
          %swap3A_1289 = arith.constant 0 : index
          %swap3A_1290 = tpu.vector_load %arg12[%swap3A_1289] {strides = array<i32>} : memref<1024xi32, #tpu.memory_space<vmem>>, vector<16xi32>,
          %swap3A_1291 = vector.shape_cast %swap3A_1290 : vector<16xi32> to vector<16xi32>
          %swap3A_1292 = vector.shape_cast %add3A_1288 : vector<16xi32> to vector<16xi32>
          tpu.vector_store %arg12[%swap3A_1289], %swap3A_1292 {strides = array<i32>} : memref<1024xi32, #tpu.memory_space<vmem>>, vector<16xi32>,
          %get3A_1293 = arith.constant 16 : index
          %get3A_1294 = tpu.vector_load %arg11[%get3A_1293] {strides = array<i32>} : memref<1024xi32, #tpu.memory_space<vmem>>, vector<16xi32>,
          %get3A_1295 = vector.shape_cast %get3A_1294 : vector<16xi32> to vector<16xi32>
          %mul3A_1296 = arith.constant 200 : i32
          %mul3A_1297 = vector.broadcast %mul3A_1296 : i32 to vector<16xi32>
          %mul3A_1298 = arith.muli %get3A_1295, %mul3A_1297 : vector<16xi32>
          %get3A_1299 = arith.constant 16 : index
          %get3A_1300 = tpu.vector_load %arg16[%get3A_1299] {strides = array<i32>} : memref<256xi32, #tpu.memory_space<vmem>>, vector<16xi32>,
          %get3A_1301 = vector.shape_cast %get3A_1300 : vector<16xi32> to vector<16xi32>
          %add3A_1302 = arith.addi %mul3A_1298, %get3A_1301 : vector<16xi32>
          %swap3A_1303 = arith.constant 16 : index
          %swap3A_1304 = tpu.vector_load %arg12[%swap3A_1303] {strides = array<i32>} : memref<1024xi32, #tpu.memory_space<vmem>>, vector<16xi32>,
          %swap3A_1305 = vector.shape_cast %swap3A_1304 : vector<16xi32> to vector<16xi32>
          %swap3A_1306 = vector.shape_cast %add3A_1302 : vector<16xi32> to vector<16xi32>
          tpu.vector_store %arg12[%swap3A_1303], %swap3A_1306 {strides = array<i32>} : memref<1024xi32, #tpu.memory_space<vmem>>, vector<16xi32>,
          %get3A_1307 = arith.constant 32 : index
          %get3A_1308 = tpu.vector_load %arg11[%get3A_1307] {strides = array<i32>} : memref<1024xi32, #tpu.memory_space<vmem>>, vector<16xi32>,
          %get3A_1309 = vector.shape_cast %get3A_1308 : vector<16xi32> to vector<16xi32>
          %mul3A_1310 = arith.constant 200 : i32
          %mul3A_1311 = vector.broadcast %mul3A_1310 : i32 to vector<16xi32>
          %mul3A_1312 = arith.muli %get3A_1309, %mul3A_1311 : vector<16xi32>
          %get3A_1313 = arith.constant 32 : index
          %get3A_1314 = tpu.vector_load %arg16[%get3A_1313] {strides = array<i32>} : memref<256xi32, #tpu.memory_space<vmem>>, vector<16xi32>,
          %get3A_1315 = vector.shape_cast %get3A_1314 : vector<16xi32> to vector<16xi32>
          %add3A_1316 = arith.addi %mul3A_1312, %get3A_1315 : vector<16xi32>
          %swap3A_1317 = arith.constant 32 : index
          %swap3A_1318 = tpu.vector_load %arg12[%swap3A_1317] {strides = array<i32>} : memref<1024xi32, #tpu.memory_space<vmem>>, vector<16xi32>,
          %swap3A_1319 = vector.shape_cast %swap3A_1318 : vector<16xi32> to vector<16xi32>
          %swap3A_1320 = vector.shape_cast %add3A_1316 : vector<16xi32> to vector<16xi32>
          tpu.vector_store %arg12[%swap3A_1317], %swap3A_1320 {strides = array<i32>} : memref<1024xi32, #tpu.memory_space<vmem>>, vector<16xi32>,
          %get3A_1321 = arith.constant 48 : index
          %get3A_1322 = tpu.vector_load %arg11[%get3A_1321] {strides = array<i32>} : memref<1024xi32, #tpu.memory_space<vmem>>, vector<16xi32>,
          %get3A_1323 = vector.shape_cast %get3A_1322 : vector<16xi32> to vector<16xi32>
          %mul3A_1324 = arith.constant 200 : i32
          %mul3A_1325 = vector.broadcast %mul3A_1324 : i32 to vector<16xi32>
          %mul3A_1326 = arith.muli %get3A_1323, %mul3A_1325 : vector<16xi32>
          %get3A_1327 = arith.constant 48 : index
          %get3A_1328 = tpu.vector_load %arg16[%get3A_1327] {strides = array<i32>} : memref<256xi32, #tpu.memory_space<vmem>>, vector<16xi32>,
          %get3A_1329 = vector.shape_cast %get3A_1328 : vector<16xi32> to vector<16xi32>
          %add3A_1330 = arith.addi %mul3A_1326, %get3A_1329 : vector<16xi32>
          %swap3A_1331 = arith.constant 48 : index
          %swap3A_1332 = tpu.vector_load %arg12[%swap3A_1331] {strides = array<i32>} : memref<1024xi32, #tpu.memory_space<vmem>>, vector<16xi32>,
          %swap3A_1333 = vector.shape_cast %swap3A_1332 : vector<16xi32> to vector<16xi32>
          %swap3A_1334 = vector.shape_cast %add3A_1330 : vector<16xi32> to vector<16xi32>
          tpu.vector_store %arg12[%swap3A_1331], %swap3A_1334 {strides = array<i32>} : memref<1024xi32, #tpu.memory_space<vmem>>, vector<16xi32>,
          %get3A_1335 = arith.constant 64 : index
          %get3A_1336 = tpu.vector_load %arg11[%get3A_1335] {strides = array<i32>} : memref<1024xi32, #tpu.memory_space<vmem>>, vector<16xi32>,
          %get3A_1337 = vector.shape_cast %get3A_1336 : vector<16xi32> to vector<16xi32>
          %mul3A_1338 = arith.constant 200 : i32
          %mul3A_1339 = vector.broadcast %mul3A_1338 : i32 to vector<16xi32>
          %mul3A_1340 = arith.muli %get3A_1337, %mul3A_1339 : vector<16xi32>
          %get3A_1341 = arith.constant 64 : index
          %get3A_1342 = tpu.vector_load %arg16[%get3A_1341] {strides = array<i32>} : memref<256xi32, #tpu.memory_space<vmem>>, vector<16xi32>,
          %get3A_1343 = vector.shape_cast %get3A_1342 : vector<16xi32> to vector<16xi32>
          %add3A_1344 = arith.addi %mul3A_1340, %get3A_1343 : vector<16xi32>
          %swap3A_1345 = arith.constant 64 : index
          %swap3A_1346 = tpu.vector_load %arg12[%swap3A_1345] {strides = array<i32>} : memref<1024xi32, #tpu.memory_space<vmem>>, vector<16xi32>,
          %swap3A_1347 = vector.shape_cast %swap3A_1346 : vector<16xi32> to vector<16xi32>
          %swap3A_1348 = vector.shape_cast %add3A_1344 : vector<16xi32> to vector<16xi32>
          tpu.vector_store %arg12[%swap3A_1345], %swap3A_1348 {strides = array<i32>} : memref<1024xi32, #tpu.memory_space<vmem>>, vector<16xi32>,
          %get3A_1349 = arith.constant 80 : index
          %get3A_1350 = tpu.vector_load %arg11[%get3A_1349] {strides = array<i32>} : memref<1024xi32, #tpu.memory_space<vmem>>, vector<16xi32>,
          %get3A_1351 = vector.shape_cast %get3A_1350 : vector<16xi32> to vector<16xi32>
          %mul3A_1352 = arith.constant 200 : i32
          %mul3A_1353 = vector.broadcast %mul3A_1352 : i32 to vector<16xi32>
          %mul3A_1354 = arith.muli %get3A_1351, %mul3A_1353 : vector<16xi32>
          %get3A_1355 = arith.constant 80 : index
          %get3A_1356 = tpu.vector_load %arg16[%get3A_1355] {strides = array<i32>} : memref<256xi32, #tpu.memory_space<vmem>>, vector<16xi32>,
          %get3A_1357 = vector.shape_cast %get3A_1356 : vector<16xi32> to vector<16xi32>
          %add3A_1358 = arith.addi %mul3A_1354, %get3A_1357 : vector<16xi32>
          %swap3A_1359 = arith.constant 80 : index
          %swap3A_1360 = tpu.vector_load %arg12[%swap3A_1359] {strides = array<i32>} : memref<1024xi32, #tpu.memory_space<vmem>>, vector<16xi32>,
          %swap3A_1361 = vector.shape_cast %swap3A_1360 : vector<16xi32> to vector<16xi32>
          %swap3A_1362 = vector.shape_cast %add3A_1358 : vector<16xi32> to vector<16xi32>
          tpu.vector_store %arg12[%swap3A_1359], %swap3A_1362 {strides = array<i32>} : memref<1024xi32, #tpu.memory_space<vmem>>, vector<16xi32>,
          %get3A_1363 = arith.constant 96 : index
          %get3A_1364 = tpu.vector_load %arg11[%get3A_1363] {strides = array<i32>} : memref<1024xi32, #tpu.memory_space<vmem>>, vector<16xi32>,
          %get3A_1365 = vector.shape_cast %get3A_1364 : vector<16xi32> to vector<16xi32>
          %mul3A_1366 = arith.constant 200 : i32
          %mul3A_1367 = vector.broadcast %mul3A_1366 : i32 to vector<16xi32>
          %mul3A_1368 = arith.muli %get3A_1365, %mul3A_1367 : vector<16xi32>
          %get3A_1369 = arith.constant 96 : index
          %get3A_1370 = tpu.vector_load %arg16[%get3A_1369] {strides = array<i32>} : memref<256xi32, #tpu.memory_space<vmem>>, vector<16xi32>,
          %get3A_1371 = vector.shape_cast %get3A_1370 : vector<16xi32> to vector<16xi32>
          %add3A_1372 = arith.addi %mul3A_1368, %get3A_1371 : vector<16xi32>
          %swap3A_1373 = arith.constant 96 : index
          %swap3A_1374 = tpu.vector_load %arg12[%swap3A_1373] {strides = array<i32>} : memref<1024xi32, #tpu.memory_space<vmem>>, vector<16xi32>,
          %swap3A_1375 = vector.shape_cast %swap3A_1374 : vector<16xi32> to vector<16xi32>
          %swap3A_1376 = vector.shape_cast %add3A_1372 : vector<16xi32> to vector<16xi32>
          tpu.vector_store %arg12[%swap3A_1373], %swap3A_1376 {strides = array<i32>} : memref<1024xi32, #tpu.memory_space<vmem>>, vector<16xi32>,
          %get3A_1377 = arith.constant 112 : index
          %get3A_1378 = tpu.vector_load %arg11[%get3A_1377] {strides = array<i32>} : memref<1024xi32, #tpu.memory_space<vmem>>, vector<16xi32>,
          %get3A_1379 = vector.shape_cast %get3A_1378 : vector<16xi32> to vector<16xi32>
          %mul3A_1380 = arith.constant 200 : i32
          %mul3A_1381 = vector.broadcast %mul3A_1380 : i32 to vector<16xi32>
          %mul3A_1382 = arith.muli %get3A_1379, %mul3A_1381 : vector<16xi32>
          %get3A_1383 = arith.constant 112 : index
          %get3A_1384 = tpu.vector_load %arg16[%get3A_1383] {strides = array<i32>} : memref<256xi32, #tpu.memory_space<vmem>>, vector<16xi32>,
          %get3A_1385 = vector.shape_cast %get3A_1384 : vector<16xi32> to vector<16xi32>
          %add3A_1386 = arith.addi %mul3A_1382, %get3A_1385 : vector<16xi32>
          %swap3A_1387 = arith.constant 112 : index
          %swap3A_1388 = tpu.vector_load %arg12[%swap3A_1387] {strides = array<i32>} : memref<1024xi32, #tpu.memory_space<vmem>>, vector<16xi32>,
          %swap3A_1389 = vector.shape_cast %swap3A_1388 : vector<16xi32> to vector<16xi32>
          %swap3A_1390 = vector.shape_cast %add3A_1386 : vector<16xi32> to vector<16xi32>
          tpu.vector_store %arg12[%swap3A_1387], %swap3A_1390 {strides = array<i32>} : memref<1024xi32, #tpu.memory_space<vmem>>, vector<16xi32>,
          %get3A_1391 = arith.constant 128 : index
          %get3A_1392 = tpu.vector_load %arg11[%get3A_1391] {strides = array<i32>} : memref<1024xi32, #tpu.memory_space<vmem>>, vector<16xi32>,
          %get3A_1393 = vector.shape_cast %get3A_1392 : vector<16xi32> to vector<16xi32>
          %mul3A_1394 = arith.constant 200 : i32
          %mul3A_1395 = vector.broadcast %mul3A_1394 : i32 to vector<16xi32>
          %mul3A_1396 = arith.muli %get3A_1393, %mul3A_1395 : vector<16xi32>
          %get3A_1397 = arith.constant 128 : index
          %get3A_1398 = tpu.vector_load %arg16[%get3A_1397] {strides = array<i32>} : memref<256xi32, #tpu.memory_space<vmem>>, vector<16xi32>,
          %get3A_1399 = vector.shape_cast %get3A_1398 : vector<16xi32> to vector<16xi32>
          %add3A_1400 = arith.addi %mul3A_1396, %get3A_1399 : vector<16xi32>
          %swap3A_1401 = arith.constant 128 : index
          %swap3A_1402 = tpu.vector_load %arg12[%swap3A_1401] {strides = array<i32>} : memref<1024xi32, #tpu.memory_space<vmem>>, vector<16xi32>,
          %swap3A_1403 = vector.shape_cast %swap3A_1402 : vector<16xi32> to vector<16xi32>
          %swap3A_1404 = vector.shape_cast %add3A_1400 : vector<16xi32> to vector<16xi32>
          tpu.vector_store %arg12[%swap3A_1401], %swap3A_1404 {strides = array<i32>} : memref<1024xi32, #tpu.memory_space<vmem>>, vector<16xi32>,
          %get3A_1405 = arith.constant 144 : index
          %get3A_1406 = tpu.vector_load %arg11[%get3A_1405] {strides = array<i32>} : memref<1024xi32, #tpu.memory_space<vmem>>, vector<16xi32>,
          %get3A_1407 = vector.shape_cast %get3A_1406 : vector<16xi32> to vector<16xi32>
          %mul3A_1408 = arith.constant 200 : i32
          %mul3A_1409 = vector.broadcast %mul3A_1408 : i32 to vector<16xi32>
          %mul3A_1410 = arith.muli %get3A_1407, %mul3A_1409 : vector<16xi32>
          %get3A_1411 = arith.constant 144 : index
          %get3A_1412 = tpu.vector_load %arg16[%get3A_1411] {strides = array<i32>} : memref<256xi32, #tpu.memory_space<vmem>>, vector<16xi32>,
          %get3A_1413 = vector.shape_cast %get3A_1412 : vector<16xi32> to vector<16xi32>
          %add3A_1414 = arith.addi %mul3A_1410, %get3A_1413 : vector<16xi32>
          %swap3A_1415 = arith.constant 144 : index
          %swap3A_1416 = tpu.vector_load %arg12[%swap3A_1415] {strides = array<i32>} : memref<1024xi32, #tpu.memory_space<vmem>>, vector<16xi32>,
          %swap3A_1417 = vector.shape_cast %swap3A_1416 : vector<16xi32> to vector<16xi32>
          %swap3A_1418 = vector.shape_cast %add3A_1414 : vector<16xi32> to vector<16xi32>
          tpu.vector_store %arg12[%swap3A_1415], %swap3A_1418 {strides = array<i32>} : memref<1024xi32, #tpu.memory_space<vmem>>, vector<16xi32>,
          %get3A_1419 = arith.constant 160 : index
          %get3A_1420 = tpu.vector_load %arg11[%get3A_1419] {strides = array<i32>} : memref<1024xi32, #tpu.memory_space<vmem>>, vector<16xi32>,
          %get3A_1421 = vector.shape_cast %get3A_1420 : vector<16xi32> to vector<16xi32>
          %mul3A_1422 = arith.constant 200 : i32
          %mul3A_1423 = vector.broadcast %mul3A_1422 : i32 to vector<16xi32>
          %mul3A_1424 = arith.muli %get3A_1421, %mul3A_1423 : vector<16xi32>
          %get3A_1425 = arith.constant 160 : index
          %get3A_1426 = tpu.vector_load %arg16[%get3A_1425] {strides = array<i32>} : memref<256xi32, #tpu.memory_space<vmem>>, vector<16xi32>,
          %get3A_1427 = vector.shape_cast %get3A_1426 : vector<16xi32> to vector<16xi32>
          %add3A_1428 = arith.addi %mul3A_1424, %get3A_1427 : vector<16xi32>
          %swap3A_1429 = arith.constant 160 : index
          %swap3A_1430 = tpu.vector_load %arg12[%swap3A_1429] {strides = array<i32>} : memref<1024xi32, #tpu.memory_space<vmem>>, vector<16xi32>,
          %swap3A_1431 = vector.shape_cast %swap3A_1430 : vector<16xi32> to vector<16xi32>
          %swap3A_1432 = vector.shape_cast %add3A_1428 : vector<16xi32> to vector<16xi32>
          tpu.vector_store %arg12[%swap3A_1429], %swap3A_1432 {strides = array<i32>} : memref<1024xi32, #tpu.memory_space<vmem>>, vector<16xi32>,
          %get3A_1433 = arith.constant 176 : index
          %get3A_1434 = tpu.vector_load %arg11[%get3A_1433] {strides = array<i32>} : memref<1024xi32, #tpu.memory_space<vmem>>, vector<16xi32>,
          %get3A_1435 = vector.shape_cast %get3A_1434 : vector<16xi32> to vector<16xi32>
          %mul3A_1436 = arith.constant 200 : i32
          %mul3A_1437 = vector.broadcast %mul3A_1436 : i32 to vector<16xi32>
          %mul3A_1438 = arith.muli %get3A_1435, %mul3A_1437 : vector<16xi32>
          %get3A_1439 = arith.constant 176 : index
          %get3A_1440 = tpu.vector_load %arg16[%get3A_1439] {strides = array<i32>} : memref<256xi32, #tpu.memory_space<vmem>>, vector<16xi32>,
          %get3A_1441 = vector.shape_cast %get3A_1440 : vector<16xi32> to vector<16xi32>
          %add3A_1442 = arith.addi %mul3A_1438, %get3A_1441 : vector<16xi32>
          %swap3A_1443 = arith.constant 176 : index
          %swap3A_1444 = tpu.vector_load %arg12[%swap3A_1443] {strides = array<i32>} : memref<1024xi32, #tpu.memory_space<vmem>>, vector<16xi32>,
          %swap3A_1445 = vector.shape_cast %swap3A_1444 : vector<16xi32> to vector<16xi32>
          %swap3A_1446 = vector.shape_cast %add3A_1442 : vector<16xi32> to vector<16xi32>
          tpu.vector_store %arg12[%swap3A_1443], %swap3A_1446 {strides = array<i32>} : memref<1024xi32, #tpu.memory_space<vmem>>, vector<16xi32>,
          %get3A_1447 = arith.constant 192 : index
          %get3A_1448 = tpu.vector_load %arg11[%get3A_1447] {strides = array<i32>} : memref<1024xi32, #tpu.memory_space<vmem>>, vector<16xi32>,
          %get3A_1449 = vector.shape_cast %get3A_1448 : vector<16xi32> to vector<16xi32>
          %mul3A_1450 = arith.constant 200 : i32
          %mul3A_1451 = vector.broadcast %mul3A_1450 : i32 to vector<16xi32>
          %mul3A_1452 = arith.muli %get3A_1449, %mul3A_1451 : vector<16xi32>
          %get3A_1453 = arith.constant 192 : index
          %get3A_1454 = tpu.vector_load %arg16[%get3A_1453] {strides = array<i32>} : memref<256xi32, #tpu.memory_space<vmem>>, vector<16xi32>,
          %get3A_1455 = vector.shape_cast %get3A_1454 : vector<16xi32> to vector<16xi32>
          %add3A_1456 = arith.addi %mul3A_1452, %get3A_1455 : vector<16xi32>
          %swap3A_1457 = arith.constant 192 : index
          %swap3A_1458 = tpu.vector_load %arg12[%swap3A_1457] {strides = array<i32>} : memref<1024xi32, #tpu.memory_space<vmem>>, vector<16xi32>,
          %swap3A_1459 = vector.shape_cast %swap3A_1458 : vector<16xi32> to vector<16xi32>
          %swap3A_1460 = vector.shape_cast %add3A_1456 : vector<16xi32> to vector<16xi32>
          tpu.vector_store %arg12[%swap3A_1457], %swap3A_1460 {strides = array<i32>} : memref<1024xi32, #tpu.memory_space<vmem>>, vector<16xi32>,
          %get3A_1461 = arith.constant 208 : index
          %get3A_1462 = tpu.vector_load %arg11[%get3A_1461] {strides = array<i32>} : memref<1024xi32, #tpu.memory_space<vmem>>, vector<16xi32>,
          %get3A_1463 = vector.shape_cast %get3A_1462 : vector<16xi32> to vector<16xi32>
          %mul3A_1464 = arith.constant 200 : i32
          %mul3A_1465 = vector.broadcast %mul3A_1464 : i32 to vector<16xi32>
          %mul3A_1466 = arith.muli %get3A_1463, %mul3A_1465 : vector<16xi32>
          %get3A_1467 = arith.constant 208 : index
          %get3A_1468 = tpu.vector_load %arg16[%get3A_1467] {strides = array<i32>} : memref<256xi32, #tpu.memory_space<vmem>>, vector<16xi32>,
          %get3A_1469 = vector.shape_cast %get3A_1468 : vector<16xi32> to vector<16xi32>
          %add3A_1470 = arith.addi %mul3A_1466, %get3A_1469 : vector<16xi32>
          %swap3A_1471 = arith.constant 208 : index
          %swap3A_1472 = tpu.vector_load %arg12[%swap3A_1471] {strides = array<i32>} : memref<1024xi32, #tpu.memory_space<vmem>>, vector<16xi32>,
          %swap3A_1473 = vector.shape_cast %swap3A_1472 : vector<16xi32> to vector<16xi32>
          %swap3A_1474 = vector.shape_cast %add3A_1470 : vector<16xi32> to vector<16xi32>
          tpu.vector_store %arg12[%swap3A_1471], %swap3A_1474 {strides = array<i32>} : memref<1024xi32, #tpu.memory_space<vmem>>, vector<16xi32>,
          %get3A_1475 = arith.constant 224 : index
          %get3A_1476 = tpu.vector_load %arg11[%get3A_1475] {strides = array<i32>} : memref<1024xi32, #tpu.memory_space<vmem>>, vector<16xi32>,
          %get3A_1477 = vector.shape_cast %get3A_1476 : vector<16xi32> to vector<16xi32>
          %mul3A_1478 = arith.constant 200 : i32
          %mul3A_1479 = vector.broadcast %mul3A_1478 : i32 to vector<16xi32>
          %mul3A_1480 = arith.muli %get3A_1477, %mul3A_1479 : vector<16xi32>
          %get3A_1481 = arith.constant 224 : index
          %get3A_1482 = tpu.vector_load %arg16[%get3A_1481] {strides = array<i32>} : memref<256xi32, #tpu.memory_space<vmem>>, vector<16xi32>,
          %get3A_1483 = vector.shape_cast %get3A_1482 : vector<16xi32> to vector<16xi32>
          %add3A_1484 = arith.addi %mul3A_1480, %get3A_1483 : vector<16xi32>
          %swap3A_1485 = arith.constant 224 : index
          %swap3A_1486 = tpu.vector_load %arg12[%swap3A_1485] {strides = array<i32>} : memref<1024xi32, #tpu.memory_space<vmem>>, vector<16xi32>,
          %swap3A_1487 = vector.shape_cast %swap3A_1486 : vector<16xi32> to vector<16xi32>
          %swap3A_1488 = vector.shape_cast %add3A_1484 : vector<16xi32> to vector<16xi32>
          tpu.vector_store %arg12[%swap3A_1485], %swap3A_1488 {strides = array<i32>} : memref<1024xi32, #tpu.memory_space<vmem>>, vector<16xi32>,
          %get3A_1489 = arith.constant 240 : index
          %get3A_1490 = tpu.vector_load %arg11[%get3A_1489] {strides = array<i32>} : memref<1024xi32, #tpu.memory_space<vmem>>, vector<16xi32>,
          %get3A_1491 = vector.shape_cast %get3A_1490 : vector<16xi32> to vector<16xi32>
          %mul3A_1492 = arith.constant 200 : i32
          %mul3A_1493 = vector.broadcast %mul3A_1492 : i32 to vector<16xi32>
          %mul3A_1494 = arith.muli %get3A_1491, %mul3A_1493 : vector<16xi32>
          %get3A_1495 = arith.constant 240 : index
          %get3A_1496 = tpu.vector_load %arg16[%get3A_1495] {strides = array<i32>} : memref<256xi32, #tpu.memory_space<vmem>>, vector<16xi32>,
          %get3A_1497 = vector.shape_cast %get3A_1496 : vector<16xi32> to vector<16xi32>
          %add3A_1498 = arith.addi %mul3A_1494, %get3A_1497 : vector<16xi32>
          %swap3A_1499 = arith.constant 240 : index
          %swap3A_1500 = tpu.vector_load %arg12[%swap3A_1499] {strides = array<i32>} : memref<1024xi32, #tpu.memory_space<vmem>>, vector<16xi32>,
          %swap3A_1501 = vector.shape_cast %swap3A_1500 : vector<16xi32> to vector<16xi32>
          %swap3A_1502 = vector.shape_cast %add3A_1498 : vector<16xi32> to vector<16xi32>
          tpu.vector_store %arg12[%swap3A_1499], %swap3A_1502 {strides = array<i32>} : memref<1024xi32, #tpu.memory_space<vmem>>, vector<16xi32>,
          %ge3A = arith.constant 2 : i32
          %ge3A_1503 = arith.cmpi sge, %add3A_1115, %ge3A : i32
          %convert_element_type3A_1504 = arith.extui %ge3A_1503 : i1 to i32
          %cond3A_1505 = arith.constant 0 : i32
          %cond3A_1506 = arith.cmpi ne, %convert_element_type3A_1504, %cond3A_1505 : i32
          scf.if %cond3A_1506 {
            %sub3A_1567 = arith.constant 2 : i32
            %sub3A_1568 = arith.subi %add3A_1115, %sub3A_1567 : i32
            %add3A_1569 = arith.addi %mul3A_2, %sub3A_1568 : i32
            %dma_wait3A_1570 = arith.constant 0 : i32
            %dma_wait3A_1571 = arith.constant 0 : i32
            %dma_wait3A_1572 = arith.constant 0 : i32
            %dma_wait3A_1573 = tpu.memref_slice %arg13[%dma_wait3A_1570, %dma_wait3A_1571, %dma_wait3A_1572] : memref<4x200x64xf32, #tpu.memory_space<vmem>> -> memref<1x200x64xf32, #tpu.memory_space<vmem>>
            %dma_wait3A_1574 = tpu.memref_squeeze %dma_wait3A_1573 : memref<1x200x64xf32, #tpu.memory_space<vmem>> -> memref<200x64xf32, #tpu.memory_space<vmem>>
            %dma_wait3A_1575 = arith.constant 0 : i32
            %dma_wait3A_1576 = arith.constant 0 : i32
            %dma_wait3A_1577 = tpu.memref_slice %arg7[%add3A_1569, %dma_wait3A_1575, %dma_wait3A_1576] : memref<4096x200x64xf32, #tpu.memory_space<hbm>> -> memref<1x200x64xf32, #tpu.memory_space<hbm>>
            %dma_wait3A_1578 = tpu.memref_squeeze %dma_wait3A_1577 : memref<1x200x64xf32, #tpu.memory_space<hbm>> -> memref<200x64xf32, #tpu.memory_space<hbm>>
            %dma_wait3A_1579 = arith.constant 0 : i32
            %dma_wait3A_1580 = arith.constant 0 : i32
            %dma_wait3A_1581 = tpu.memref_slice %arg7[%add3A_1569, %dma_wait3A_1579, %dma_wait3A_1580] : memref<4096x200x64xf32, #tpu.memory_space<hbm>> -> memref<1x200x64xf32, #tpu.memory_space<hbm>>
            %dma_wait3A_1582 = tpu.memref_squeeze %dma_wait3A_1581 : memref<1x200x64xf32, #tpu.memory_space<hbm>> -> memref<200x64xf32, #tpu.memory_space<hbm>>
            %dma_wait3A_1583 = arith.constant 0 : i32
            %dma_wait3A_1584 = arith.constant 0 : i32
            %dma_wait3A_1585 = tpu.memref_slice %arg13[%dma_wait3A_1570, %dma_wait3A_1583, %dma_wait3A_1584] : memref<4x200x64xf32, #tpu.memory_space<vmem>> -> memref<1x200x64xf32, #tpu.memory_space<vmem>>
            %dma_wait3A_1586 = tpu.memref_squeeze %dma_wait3A_1585 : memref<1x200x64xf32, #tpu.memory_space<vmem>> -> memref<200x64xf32, #tpu.memory_space<vmem>>
            tpu.wait_dma2 semaphore(%arg27 : memref<!tpu.dma_semaphore, #tpu.memory_space<semaphore_mem>>) src(%dma_wait3A_1586 : memref<200x64xf32, #tpu.memory_space<vmem>>) dst(%dma_wait3A_1582 : memref<200x64xf32, #tpu.memory_space<hbm>>)
            %dma_wait3A_1587 = arith.constant 0 : i32
            %dma_wait3A_1588 = arith.constant 0 : i32
            %dma_wait3A_1589 = arith.constant 0 : i32
            %dma_wait3A_1590 = tpu.memref_slice %arg14[%dma_wait3A_1587, %dma_wait3A_1588, %dma_wait3A_1589] : memref<4x200x64xf32, #tpu.memory_space<vmem>> -> memref<1x200x64xf32, #tpu.memory_space<vmem>>
            %dma_wait3A_1591 = tpu.memref_squeeze %dma_wait3A_1590 : memref<1x200x64xf32, #tpu.memory_space<vmem>> -> memref<200x64xf32, #tpu.memory_space<vmem>>
            %dma_wait3A_1592 = arith.constant 0 : i32
            %dma_wait3A_1593 = arith.constant 0 : i32
            %dma_wait3A_1594 = tpu.memref_slice %arg8[%add3A_1569, %dma_wait3A_1592, %dma_wait3A_1593] : memref<4096x200x64xf32, #tpu.memory_space<hbm>> -> memref<1x200x64xf32, #tpu.memory_space<hbm>>
            %dma_wait3A_1595 = tpu.memref_squeeze %dma_wait3A_1594 : memref<1x200x64xf32, #tpu.memory_space<hbm>> -> memref<200x64xf32, #tpu.memory_space<hbm>>
            %dma_wait3A_1596 = arith.constant 0 : i32
            %dma_wait3A_1597 = arith.constant 0 : i32
            %dma_wait3A_1598 = tpu.memref_slice %arg8[%add3A_1569, %dma_wait3A_1596, %dma_wait3A_1597] : memref<4096x200x64xf32, #tpu.memory_space<hbm>> -> memref<1x200x64xf32, #tpu.memory_space<hbm>>
            %dma_wait3A_1599 = tpu.memref_squeeze %dma_wait3A_1598 : memref<1x200x64xf32, #tpu.memory_space<hbm>> -> memref<200x64xf32, #tpu.memory_space<hbm>>
            %dma_wait3A_1600 = arith.constant 0 : i32
            %dma_wait3A_1601 = arith.constant 0 : i32
            %dma_wait3A_1602 = tpu.memref_slice %arg14[%dma_wait3A_1587, %dma_wait3A_1600, %dma_wait3A_1601] : memref<4x200x64xf32, #tpu.memory_space<vmem>> -> memref<1x200x64xf32, #tpu.memory_space<vmem>>
            %dma_wait3A_1603 = tpu.memref_squeeze %dma_wait3A_1602 : memref<1x200x64xf32, #tpu.memory_space<vmem>> -> memref<200x64xf32, #tpu.memory_space<vmem>>
            tpu.wait_dma2 semaphore(%arg27 : memref<!tpu.dma_semaphore, #tpu.memory_space<semaphore_mem>>) src(%dma_wait3A_1603 : memref<200x64xf32, #tpu.memory_space<vmem>>) dst(%dma_wait3A_1599 : memref<200x64xf32, #tpu.memory_space<hbm>>)
          } else {
          }
          %dma_start3A_1507 = arith.constant 0 : i32
          %dma_start3A_1508 = arith.constant 0 : i32
          %dma_start3A_1509 = arith.constant 0 : i32
          %dma_start3A_1510 = tpu.memref_slice %arg13[%dma_start3A_1507, %dma_start3A_1508, %dma_start3A_1509] : memref<4x200x64xf32, #tpu.memory_space<vmem>> -> memref<1x80x64xf32, #tpu.memory_space<vmem>>
          %dma_start3A_1511 = tpu.memref_squeeze %dma_start3A_1510 : memref<1x80x64xf32, #tpu.memory_space<vmem>> -> memref<80x64xf32, #tpu.memory_space<vmem>>
          %dma_start3A_1512 = arith.constant 0 : i32
          %dma_start3A_1513 = tpu.memref_slice %arg10[%dma_start3A_1512] : memref<1024xi32, #tpu.memory_space<vmem>> -> memref<80xi32, #tpu.memory_space<vmem>>
          %dma_start3A_1514 = arith.constant 0 : i32
          %dma_start3A_1515 = arith.constant 0 : i32
          %dma_start3A_1516 = tpu.memref_slice %arg4[%dma_start3A_1514, %dma_start3A_1515] : memref<100000x64xf32, #tpu.memory_space<hbm>> -> memref<100000x64xf32, #tpu.memory_space<hbm>>
          tpu.enqueue_indirect_dma source(%dma_start3A_1516 : memref<100000x64xf32, #tpu.memory_space<hbm>>) target(%dma_start3A_1511 : memref<80x64xf32, #tpu.memory_space<vmem>>) offsets(%dma_start3A_1513 : memref<80xi32, #tpu.memory_space<vmem>>) semaphore(%arg23 : memref<!tpu.dma_semaphore, #tpu.memory_space<semaphore_mem>>)
          %dma_start3A_1517 = arith.constant 0 : i32
          %dma_start3A_1518 = arith.constant 0 : i32
          %dma_start3A_1519 = arith.constant 0 : i32
          %dma_start3A_1520 = tpu.memref_slice %arg14[%dma_start3A_1517, %dma_start3A_1518, %dma_start3A_1519] : memref<4x200x64xf32, #tpu.memory_space<vmem>> -> memref<1x80x64xf32, #tpu.memory_space<vmem>>
          %dma_start3A_1521 = tpu.memref_squeeze %dma_start3A_1520 : memref<1x80x64xf32, #tpu.memory_space<vmem>> -> memref<80x64xf32, #tpu.memory_space<vmem>>
          %dma_start3A_1522 = arith.constant 0 : i32
          %dma_start3A_1523 = tpu.memref_slice %arg12[%dma_start3A_1522] : memref<1024xi32, #tpu.memory_space<vmem>> -> memref<80xi32, #tpu.memory_space<vmem>>
          %dma_start3A_1524 = arith.constant 0 : i32
          %dma_start3A_1525 = arith.constant 0 : i32
          %dma_start3A_1526 = tpu.memref_slice %arg9[%dma_start3A_1524, %dma_start3A_1525] : memref<1600x64xf32, #tpu.memory_space<hbm>> -> memref<1600x64xf32, #tpu.memory_space<hbm>>
          tpu.enqueue_indirect_dma source(%dma_start3A_1526 : memref<1600x64xf32, #tpu.memory_space<hbm>>) target(%dma_start3A_1521 : memref<80x64xf32, #tpu.memory_space<vmem>>) offsets(%dma_start3A_1523 : memref<80xi32, #tpu.memory_space<vmem>>) semaphore(%arg23 : memref<!tpu.dma_semaphore, #tpu.memory_space<semaphore_mem>>)
          %dma_start3A_1527 = arith.constant 0 : i32
          %dma_start3A_1528 = arith.constant 80 : i32
          %dma_start3A_1529 = arith.constant 0 : i32
          %dma_start3A_1530 = tpu.memref_slice %arg13[%dma_start3A_1527, %dma_start3A_1528, %dma_start3A_1529] : memref<4x200x64xf32, #tpu.memory_space<vmem>> -> memref<1x80x64xf32, #tpu.memory_space<vmem>>
          %dma_start3A_1531 = tpu.memref_squeeze %dma_start3A_1530 : memref<1x80x64xf32, #tpu.memory_space<vmem>> -> memref<80x64xf32, #tpu.memory_space<vmem>>
          %dma_start3A_1532 = arith.constant 80 : i32
          %dma_start3A_1533 = tpu.memref_slice %arg10[%dma_start3A_1532] : memref<1024xi32, #tpu.memory_space<vmem>> -> memref<80xi32, #tpu.memory_space<vmem>>
          %dma_start3A_1534 = arith.constant 0 : i32
          %dma_start3A_1535 = arith.constant 0 : i32
          %dma_start3A_1536 = tpu.memref_slice %arg4[%dma_start3A_1534, %dma_start3A_1535] : memref<100000x64xf32, #tpu.memory_space<hbm>> -> memref<100000x64xf32, #tpu.memory_space<hbm>>
          tpu.enqueue_indirect_dma source(%dma_start3A_1536 : memref<100000x64xf32, #tpu.memory_space<hbm>>) target(%dma_start3A_1531 : memref<80x64xf32, #tpu.memory_space<vmem>>) offsets(%dma_start3A_1533 : memref<80xi32, #tpu.memory_space<vmem>>) semaphore(%arg23 : memref<!tpu.dma_semaphore, #tpu.memory_space<semaphore_mem>>)
          %dma_start3A_1537 = arith.constant 0 : i32
          %dma_start3A_1538 = arith.constant 80 : i32
          %dma_start3A_1539 = arith.constant 0 : i32
          %dma_start3A_1540 = tpu.memref_slice %arg14[%dma_start3A_1537, %dma_start3A_1538, %dma_start3A_1539] : memref<4x200x64xf32, #tpu.memory_space<vmem>> -> memref<1x80x64xf32, #tpu.memory_space<vmem>>
          %dma_start3A_1541 = tpu.memref_squeeze %dma_start3A_1540 : memref<1x80x64xf32, #tpu.memory_space<vmem>> -> memref<80x64xf32, #tpu.memory_space<vmem>>
          %dma_start3A_1542 = arith.constant 80 : i32
          %dma_start3A_1543 = tpu.memref_slice %arg12[%dma_start3A_1542] : memref<1024xi32, #tpu.memory_space<vmem>> -> memref<80xi32, #tpu.memory_space<vmem>>
          %dma_start3A_1544 = arith.constant 0 : i32
          %dma_start3A_1545 = arith.constant 0 : i32
          %dma_start3A_1546 = tpu.memref_slice %arg9[%dma_start3A_1544, %dma_start3A_1545] : memref<1600x64xf32, #tpu.memory_space<hbm>> -> memref<1600x64xf32, #tpu.memory_space<hbm>>
          tpu.enqueue_indirect_dma source(%dma_start3A_1546 : memref<1600x64xf32, #tpu.memory_space<hbm>>) target(%dma_start3A_1541 : memref<80x64xf32, #tpu.memory_space<vmem>>) offsets(%dma_start3A_1543 : memref<80xi32, #tpu.memory_space<vmem>>) semaphore(%arg23 : memref<!tpu.dma_semaphore, #tpu.memory_space<semaphore_mem>>)
          %dma_start3A_1547 = arith.constant 0 : i32
          %dma_start3A_1548 = arith.constant 160 : i32
          %dma_start3A_1549 = arith.constant 0 : i32
          %dma_start3A_1550 = tpu.memref_slice %arg13[%dma_start3A_1547, %dma_start3A_1548, %dma_start3A_1549] : memref<4x200x64xf32, #tpu.memory_space<vmem>> -> memref<1x40x64xf32, #tpu.memory_space<vmem>>
          %dma_start3A_1551 = tpu.memref_squeeze %dma_start3A_1550 : memref<1x40x64xf32, #tpu.memory_space<vmem>> -> memref<40x64xf32, #tpu.memory_space<vmem>>
          %dma_start3A_1552 = arith.constant 160 : i32
          %dma_start3A_1553 = tpu.memref_slice %arg10[%dma_start3A_1552] : memref<1024xi32, #tpu.memory_space<vmem>> -> memref<40xi32, #tpu.memory_space<vmem>>
          %dma_start3A_1554 = arith.constant 0 : i32
          %dma_start3A_1555 = arith.constant 0 : i32
          %dma_start3A_1556 = tpu.memref_slice %arg4[%dma_start3A_1554, %dma_start3A_1555] : memref<100000x64xf32, #tpu.memory_space<hbm>> -> memref<100000x64xf32, #tpu.memory_space<hbm>>
          tpu.enqueue_indirect_dma source(%dma_start3A_1556 : memref<100000x64xf32, #tpu.memory_space<hbm>>) target(%dma_start3A_1551 : memref<40x64xf32, #tpu.memory_space<vmem>>) offsets(%dma_start3A_1553 : memref<40xi32, #tpu.memory_space<vmem>>) semaphore(%arg23 : memref<!tpu.dma_semaphore, #tpu.memory_space<semaphore_mem>>)
          %dma_start3A_1557 = arith.constant 0 : i32
          %dma_start3A_1558 = arith.constant 160 : i32
          %dma_start3A_1559 = arith.constant 0 : i32
          %dma_start3A_1560 = tpu.memref_slice %arg14[%dma_start3A_1557, %dma_start3A_1558, %dma_start3A_1559] : memref<4x200x64xf32, #tpu.memory_space<vmem>> -> memref<1x40x64xf32, #tpu.memory_space<vmem>>
          %dma_start3A_1561 = tpu.memref_squeeze %dma_start3A_1560 : memref<1x40x64xf32, #tpu.memory_space<vmem>> -> memref<40x64xf32, #tpu.memory_space<vmem>>
          %dma_start3A_1562 = arith.constant 160 : i32
          %dma_start3A_1563 = tpu.memref_slice %arg12[%dma_start3A_1562] : memref<1024xi32, #tpu.memory_space<vmem>> -> memref<40xi32, #tpu.memory_space<vmem>>
          %dma_start3A_1564 = arith.constant 0 : i32
          %dma_start3A_1565 = arith.constant 0 : i32
          %dma_start3A_1566 = tpu.memref_slice %arg9[%dma_start3A_1564, %dma_start3A_1565] : memref<1600x64xf32, #tpu.memory_space<hbm>> -> memref<1600x64xf32, #tpu.memory_space<hbm>>
          tpu.enqueue_indirect_dma source(%dma_start3A_1566 : memref<1600x64xf32, #tpu.memory_space<hbm>>) target(%dma_start3A_1561 : memref<40x64xf32, #tpu.memory_space<vmem>>) offsets(%dma_start3A_1563 : memref<40xi32, #tpu.memory_space<vmem>>) semaphore(%arg23 : memref<!tpu.dma_semaphore, #tpu.memory_space<semaphore_mem>>)
        } else {
        }
        %dma_wait3A_1149 = arith.constant 2 : i32
        %dma_wait3A_1150 = arith.constant 0 : i32
        %dma_wait3A_1151 = arith.constant 0 : i32
        %dma_wait3A_1152 = tpu.memref_slice %arg13[%dma_wait3A_1149, %dma_wait3A_1150, %dma_wait3A_1151] : memref<4x200x64xf32, #tpu.memory_space<vmem>> -> memref<1x80x64xf32, #tpu.memory_space<vmem>>
        %dma_wait3A_1153 = tpu.memref_squeeze %dma_wait3A_1152 : memref<1x80x64xf32, #tpu.memory_space<vmem>> -> memref<80x64xf32, #tpu.memory_space<vmem>>
        %dma_wait3A_1154 = arith.constant 512 : i32
        %dma_wait3A_1155 = tpu.memref_slice %arg10[%dma_wait3A_1154] : memref<1024xi32, #tpu.memory_space<vmem>> -> memref<80xi32, #tpu.memory_space<vmem>>
        %dma_wait3A_1156 = arith.constant 0 : i32
        %dma_wait3A_1157 = arith.constant 0 : i32
        %dma_wait3A_1158 = tpu.memref_slice %arg4[%dma_wait3A_1156, %dma_wait3A_1157] : memref<100000x64xf32, #tpu.memory_space<hbm>> -> memref<100000x64xf32, #tpu.memory_space<hbm>>
        tpu.wait_indirect_dma semaphore(%arg25 : memref<!tpu.dma_semaphore, #tpu.memory_space<semaphore_mem>>) src(%dma_wait3A_1158 : memref<100000x64xf32, #tpu.memory_space<hbm>>) dst(%dma_wait3A_1153 : memref<80x64xf32, #tpu.memory_space<vmem>>)
        %dma_wait3A_1159 = arith.constant 2 : i32
        %dma_wait3A_1160 = arith.constant 0 : i32
        %dma_wait3A_1161 = arith.constant 0 : i32
        %dma_wait3A_1162 = tpu.memref_slice %arg14[%dma_wait3A_1159, %dma_wait3A_1160, %dma_wait3A_1161] : memref<4x200x64xf32, #tpu.memory_space<vmem>> -> memref<1x80x64xf32, #tpu.memory_space<vmem>>
        %dma_wait3A_1163 = tpu.memref_squeeze %dma_wait3A_1162 : memref<1x80x64xf32, #tpu.memory_space<vmem>> -> memref<80x64xf32, #tpu.memory_space<vmem>>
        %dma_wait3A_1164 = arith.constant 512 : i32
        %dma_wait3A_1165 = tpu.memref_slice %arg12[%dma_wait3A_1164] : memref<1024xi32, #tpu.memory_space<vmem>> -> memref<80xi32, #tpu.memory_space<vmem>>
        %dma_wait3A_1166 = arith.constant 0 : i32
        %dma_wait3A_1167 = arith.constant 0 : i32
        %dma_wait3A_1168 = tpu.memref_slice %arg9[%dma_wait3A_1166, %dma_wait3A_1167] : memref<1600x64xf32, #tpu.memory_space<hbm>> -> memref<1600x64xf32, #tpu.memory_space<hbm>>
        tpu.wait_indirect_dma semaphore(%arg25 : memref<!tpu.dma_semaphore, #tpu.memory_space<semaphore_mem>>) src(%dma_wait3A_1168 : memref<1600x64xf32, #tpu.memory_space<hbm>>) dst(%dma_wait3A_1163 : memref<80x64xf32, #tpu.memory_space<vmem>>)
        %dma_wait3A_1169 = arith.constant 2 : i32
        %dma_wait3A_1170 = arith.constant 80 : i32
        %dma_wait3A_1171 = arith.constant 0 : i32
        %dma_wait3A_1172 = tpu.memref_slice %arg13[%dma_wait3A_1169, %dma_wait3A_1170, %dma_wait3A_1171] : memref<4x200x64xf32, #tpu.memory_space<vmem>> -> memref<1x80x64xf32, #tpu.memory_space<vmem>>
        %dma_wait3A_1173 = tpu.memref_squeeze %dma_wait3A_1172 : memref<1x80x64xf32, #tpu.memory_space<vmem>> -> memref<80x64xf32, #tpu.memory_space<vmem>>
        %dma_wait3A_1174 = arith.constant 592 : i32
        %dma_wait3A_1175 = tpu.memref_slice %arg10[%dma_wait3A_1174] : memref<1024xi32, #tpu.memory_space<vmem>> -> memref<80xi32, #tpu.memory_space<vmem>>
        %dma_wait3A_1176 = arith.constant 0 : i32
        %dma_wait3A_1177 = arith.constant 0 : i32
        %dma_wait3A_1178 = tpu.memref_slice %arg4[%dma_wait3A_1176, %dma_wait3A_1177] : memref<100000x64xf32, #tpu.memory_space<hbm>> -> memref<100000x64xf32, #tpu.memory_space<hbm>>
        tpu.wait_indirect_dma semaphore(%arg25 : memref<!tpu.dma_semaphore, #tpu.memory_space<semaphore_mem>>) src(%dma_wait3A_1178 : memref<100000x64xf32, #tpu.memory_space<hbm>>) dst(%dma_wait3A_1173 : memref<80x64xf32, #tpu.memory_space<vmem>>)
        %dma_wait3A_1179 = arith.constant 2 : i32
        %dma_wait3A_1180 = arith.constant 80 : i32
        %dma_wait3A_1181 = arith.constant 0 : i32
        %dma_wait3A_1182 = tpu.memref_slice %arg14[%dma_wait3A_1179, %dma_wait3A_1180, %dma_wait3A_1181] : memref<4x200x64xf32, #tpu.memory_space<vmem>> -> memref<1x80x64xf32, #tpu.memory_space<vmem>>
        %dma_wait3A_1183 = tpu.memref_squeeze %dma_wait3A_1182 : memref<1x80x64xf32, #tpu.memory_space<vmem>> -> memref<80x64xf32, #tpu.memory_space<vmem>>
        %dma_wait3A_1184 = arith.constant 592 : i32
        %dma_wait3A_1185 = tpu.memref_slice %arg12[%dma_wait3A_1184] : memref<1024xi32, #tpu.memory_space<vmem>> -> memref<80xi32, #tpu.memory_space<vmem>>
        %dma_wait3A_1186 = arith.constant 0 : i32
        %dma_wait3A_1187 = arith.constant 0 : i32
        %dma_wait3A_1188 = tpu.memref_slice %arg9[%dma_wait3A_1186, %dma_wait3A_1187] : memref<1600x64xf32, #tpu.memory_space<hbm>> -> memref<1600x64xf32, #tpu.memory_space<hbm>>
        tpu.wait_indirect_dma semaphore(%arg25 : memref<!tpu.dma_semaphore, #tpu.memory_space<semaphore_mem>>) src(%dma_wait3A_1188 : memref<1600x64xf32, #tpu.memory_space<hbm>>) dst(%dma_wait3A_1183 : memref<80x64xf32, #tpu.memory_space<vmem>>)
        %dma_wait3A_1189 = arith.constant 2 : i32
        %dma_wait3A_1190 = arith.constant 160 : i32
        %dma_wait3A_1191 = arith.constant 0 : i32
        %dma_wait3A_1192 = tpu.memref_slice %arg13[%dma_wait3A_1189, %dma_wait3A_1190, %dma_wait3A_1191] : memref<4x200x64xf32, #tpu.memory_space<vmem>> -> memref<1x40x64xf32, #tpu.memory_space<vmem>>
        %dma_wait3A_1193 = tpu.memref_squeeze %dma_wait3A_1192 : memref<1x40x64xf32, #tpu.memory_space<vmem>> -> memref<40x64xf32, #tpu.memory_space<vmem>>
        %dma_wait3A_1194 = arith.constant 672 : i32
        %dma_wait3A_1195 = tpu.memref_slice %arg10[%dma_wait3A_1194] : memref<1024xi32, #tpu.memory_space<vmem>> -> memref<40xi32, #tpu.memory_space<vmem>>
        %dma_wait3A_1196 = arith.constant 0 : i32
        %dma_wait3A_1197 = arith.constant 0 : i32
        %dma_wait3A_1198 = tpu.memref_slice %arg4[%dma_wait3A_1196, %dma_wait3A_1197] : memref<100000x64xf32, #tpu.memory_space<hbm>> -> memref<100000x64xf32, #tpu.memory_space<hbm>>
        tpu.wait_indirect_dma semaphore(%arg25 : memref<!tpu.dma_semaphore, #tpu.memory_space<semaphore_mem>>) src(%dma_wait3A_1198 : memref<100000x64xf32, #tpu.memory_space<hbm>>) dst(%dma_wait3A_1193 : memref<40x64xf32, #tpu.memory_space<vmem>>)
        %dma_wait3A_1199 = arith.constant 2 : i32
        %dma_wait3A_1200 = arith.constant 160 : i32
        %dma_wait3A_1201 = arith.constant 0 : i32
        %dma_wait3A_1202 = tpu.memref_slice %arg14[%dma_wait3A_1199, %dma_wait3A_1200, %dma_wait3A_1201] : memref<4x200x64xf32, #tpu.memory_space<vmem>> -> memref<1x40x64xf32, #tpu.memory_space<vmem>>
        %dma_wait3A_1203 = tpu.memref_squeeze %dma_wait3A_1202 : memref<1x40x64xf32, #tpu.memory_space<vmem>> -> memref<40x64xf32, #tpu.memory_space<vmem>>
        %dma_wait3A_1204 = arith.constant 672 : i32
        %dma_wait3A_1205 = tpu.memref_slice %arg12[%dma_wait3A_1204] : memref<1024xi32, #tpu.memory_space<vmem>> -> memref<40xi32, #tpu.memory_space<vmem>>
        %dma_wait3A_1206 = arith.constant 0 : i32
        %dma_wait3A_1207 = arith.constant 0 : i32
        %dma_wait3A_1208 = tpu.memref_slice %arg9[%dma_wait3A_1206, %dma_wait3A_1207] : memref<1600x64xf32, #tpu.memory_space<hbm>> -> memref<1600x64xf32, #tpu.memory_space<hbm>>
        tpu.wait_indirect_dma semaphore(%arg25 : memref<!tpu.dma_semaphore, #tpu.memory_space<semaphore_mem>>) src(%dma_wait3A_1208 : memref<1600x64xf32, #tpu.memory_space<hbm>>) dst(%dma_wait3A_1203 : memref<40x64xf32, #tpu.memory_space<vmem>>)
        %add3A_1209 = arith.constant 4 : i32
        %add3A_1210 = arith.addi %add3A_1115, %add3A_1209 : i32
        %lt3A_1211 = arith.constant 128 : i32
        %lt3A_1212 = arith.cmpi slt, %add3A_1210, %lt3A_1211 : i32
        %convert_element_type3A_1213 = arith.extui %lt3A_1212 : i1 to i32
        %cond3A_1214 = arith.constant 0 : i32
        %cond3A_1215 = arith.cmpi ne, %convert_element_type3A_1213, %cond3A_1214 : i32
        scf.if %cond3A_1215 {
          %add3A_1256 = arith.constant 4 : i32
          %add3A_1257 = arith.addi %add3A_1115, %add3A_1256 : i32
          %add3A_1258 = arith.addi %mul3A_2, %add3A_1257 : i32
          %dma_start3A_1259 = arith.constant 512 : i32
          %dma_start3A_1260 = tpu.memref_slice %arg10[%dma_start3A_1259] : memref<1024xi32, #tpu.memory_space<vmem>> -> memref<256xi32, #tpu.memory_space<vmem>>
          %dma_start3A_1261 = arith.constant 0 : i32
          %dma_start3A_1262 = tpu.memref_slice %arg2[%add3A_1258, %dma_start3A_1261] : memref<4096x256xi32, #tpu.memory_space<hbm>> -> memref<1x256xi32, #tpu.memory_space<hbm>>
          %dma_start3A_1263 = tpu.memref_squeeze %dma_start3A_1262 : memref<1x256xi32, #tpu.memory_space<hbm>> -> memref<256xi32, #tpu.memory_space<hbm>>
          %dma_start3A_1264 = arith.constant 512 : i32
          %dma_start3A_1265 = tpu.memref_slice %arg10[%dma_start3A_1264] : memref<1024xi32, #tpu.memory_space<vmem>> -> memref<256xi32, #tpu.memory_space<vmem>>
          %dma_start3A_1266 = arith.constant 0 : i32
          %dma_start3A_1267 = tpu.memref_slice %arg2[%add3A_1258, %dma_start3A_1266] : memref<4096x256xi32, #tpu.memory_space<hbm>> -> memref<1x256xi32, #tpu.memory_space<hbm>>
          %dma_start3A_1268 = tpu.memref_squeeze %dma_start3A_1267 : memref<1x256xi32, #tpu.memory_space<hbm>> -> memref<256xi32, #tpu.memory_space<hbm>>
          tpu.enqueue_dma source(%dma_start3A_1268 : memref<256xi32, #tpu.memory_space<hbm>>) target(%dma_start3A_1265 : memref<256xi32, #tpu.memory_space<vmem>>) target_semaphore(%arg21 : memref<!tpu.dma_semaphore, #tpu.memory_space<semaphore_mem>>)
          %dma_start3A_1269 = arith.constant 512 : i32
          %dma_start3A_1270 = tpu.memref_slice %arg11[%dma_start3A_1269] : memref<1024xi32, #tpu.memory_space<vmem>> -> memref<256xi32, #tpu.memory_space<vmem>>
          %dma_start3A_1271 = arith.constant 0 : i32
          %dma_start3A_1272 = tpu.memref_slice %arg3[%add3A_1258, %dma_start3A_1271] : memref<4096x256xi32, #tpu.memory_space<hbm>> -> memref<1x256xi32, #tpu.memory_space<hbm>>
          %dma_start3A_1273 = tpu.memref_squeeze %dma_start3A_1272 : memref<1x256xi32, #tpu.memory_space<hbm>> -> memref<256xi32, #tpu.memory_space<hbm>>
          %dma_start3A_1274 = arith.constant 512 : i32
          %dma_start3A_1275 = tpu.memref_slice %arg11[%dma_start3A_1274] : memref<1024xi32, #tpu.memory_space<vmem>> -> memref<256xi32, #tpu.memory_space<vmem>>
          %dma_start3A_1276 = arith.constant 0 : i32
          %dma_start3A_1277 = tpu.memref_slice %arg3[%add3A_1258, %dma_start3A_1276] : memref<4096x256xi32, #tpu.memory_space<hbm>> -> memref<1x256xi32, #tpu.memory_space<hbm>>
          %dma_start3A_1278 = tpu.memref_squeeze %dma_start3A_1277 : memref<1x256xi32, #tpu.memory_space<hbm>> -> memref<256xi32, #tpu.memory_space<hbm>>
          tpu.enqueue_dma source(%dma_start3A_1278 : memref<256xi32, #tpu.memory_space<hbm>>) target(%dma_start3A_1275 : memref<256xi32, #tpu.memory_space<vmem>>) target_semaphore(%arg21 : memref<!tpu.dma_semaphore, #tpu.memory_space<semaphore_mem>>)
        } else {
        }
        %scan3A_1216 = arith.constant 0 : i32
        %scan3A_1217 = arith.constant 200 : i32
        %scan3A_1218 = arith.addi %scan3A_1216, %scan3A_1217 : i32
        %scan3A_1219 = arith.constant 1 : i32
        scf.for %scan3A_1256 = %scan3A_1216 to %scan3A_1218 step %scan3A_1219  : i32 {
          %mul3A_1257 = arith.constant 1 : i32
          %mul3A_1258 = arith.muli %scan3A_1256, %mul3A_1257 : i32
          %add3A_1259 = arith.constant 0 : i32
          %add3A_1260 = arith.addi %add3A_1259, %mul3A_1258 : i32
          %get3A_1261 = arith.constant 2 : i32
          %get3A_1262 = arith.index_cast %get3A_1261 : i32 to index
          %get3A_1263 = arith.index_cast %add3A_1260 : i32 to index
          %get3A_1264 = arith.constant 0 : index
          %get3A_1265 = tpu.vector_load %arg13[%get3A_1262, %get3A_1263, %get3A_1264] {strides = array<i32>} : memref<4x200x64xf32, #tpu.memory_space<vmem>>, vector<1x1x16xf32>,
          %get3A_1266 = vector.shape_cast %get3A_1265 : vector<1x1x16xf32> to vector<16xf32>
          %get3A_1267 = arith.index_cast %add3A_1260 : i32 to index
          %get3A_1268 = arith.constant 0 : index
          %get3A_1269 = tpu.vector_load %arg15[%get3A_1267, %get3A_1268] {strides = array<i32>} : memref<200x64xf32, #tpu.memory_space<vmem>>, vector<1x16xf32>,
          %get3A_1270 = vector.shape_cast %get3A_1269 : vector<1x16xf32> to vector<16xf32>
          %add3A_1271 = arith.addf %get3A_1266, %get3A_1270 : vector<16xf32>
          %swap3A_1272 = arith.constant 2 : i32
          %swap3A_1273 = arith.index_cast %swap3A_1272 : i32 to index
          %swap3A_1274 = arith.index_cast %add3A_1260 : i32 to index
          %swap3A_1275 = arith.constant 0 : index
          %swap3A_1276 = tpu.vector_load %arg13[%swap3A_1273, %swap3A_1274, %swap3A_1275] {strides = array<i32>} : memref<4x200x64xf32, #tpu.memory_space<vmem>>, vector<1x1x16xf32>,
          %swap3A_1277 = vector.shape_cast %swap3A_1276 : vector<1x1x16xf32> to vector<16xf32>
          %swap3A_1278 = vector.shape_cast %add3A_1271 : vector<16xf32> to vector<1x1x16xf32>
          tpu.vector_store %arg13[%swap3A_1273, %swap3A_1274, %swap3A_1275], %swap3A_1278 {strides = array<i32>} : memref<4x200x64xf32, #tpu.memory_space<vmem>>, vector<1x1x16xf32>,
          %get3A_1279 = arith.constant 2 : i32
          %get3A_1280 = arith.index_cast %get3A_1279 : i32 to index
          %get3A_1281 = arith.index_cast %add3A_1260 : i32 to index
          %get3A_1282 = arith.constant 16 : index
          %get3A_1283 = tpu.vector_load %arg13[%get3A_1280, %get3A_1281, %get3A_1282] {strides = array<i32>} : memref<4x200x64xf32, #tpu.memory_space<vmem>>, vector<1x1x16xf32>,
          %get3A_1284 = vector.shape_cast %get3A_1283 : vector<1x1x16xf32> to vector<16xf32>
          %get3A_1285 = arith.index_cast %add3A_1260 : i32 to index
          %get3A_1286 = arith.constant 16 : index
          %get3A_1287 = tpu.vector_load %arg15[%get3A_1285, %get3A_1286] {strides = array<i32>} : memref<200x64xf32, #tpu.memory_space<vmem>>, vector<1x16xf32>,
          %get3A_1288 = vector.shape_cast %get3A_1287 : vector<1x16xf32> to vector<16xf32>
          %add3A_1289 = arith.addf %get3A_1284, %get3A_1288 : vector<16xf32>
          %swap3A_1290 = arith.constant 2 : i32
          %swap3A_1291 = arith.index_cast %swap3A_1290 : i32 to index
          %swap3A_1292 = arith.index_cast %add3A_1260 : i32 to index
          %swap3A_1293 = arith.constant 16 : index
          %swap3A_1294 = tpu.vector_load %arg13[%swap3A_1291, %swap3A_1292, %swap3A_1293] {strides = array<i32>} : memref<4x200x64xf32, #tpu.memory_space<vmem>>, vector<1x1x16xf32>,
          %swap3A_1295 = vector.shape_cast %swap3A_1294 : vector<1x1x16xf32> to vector<16xf32>
          %swap3A_1296 = vector.shape_cast %add3A_1289 : vector<16xf32> to vector<1x1x16xf32>
          tpu.vector_store %arg13[%swap3A_1291, %swap3A_1292, %swap3A_1293], %swap3A_1296 {strides = array<i32>} : memref<4x200x64xf32, #tpu.memory_space<vmem>>, vector<1x1x16xf32>,
          %get3A_1297 = arith.constant 2 : i32
          %get3A_1298 = arith.index_cast %get3A_1297 : i32 to index
          %get3A_1299 = arith.index_cast %add3A_1260 : i32 to index
          %get3A_1300 = arith.constant 32 : index
          %get3A_1301 = tpu.vector_load %arg13[%get3A_1298, %get3A_1299, %get3A_1300] {strides = array<i32>} : memref<4x200x64xf32, #tpu.memory_space<vmem>>, vector<1x1x16xf32>,
          %get3A_1302 = vector.shape_cast %get3A_1301 : vector<1x1x16xf32> to vector<16xf32>
          %get3A_1303 = arith.index_cast %add3A_1260 : i32 to index
          %get3A_1304 = arith.constant 32 : index
          %get3A_1305 = tpu.vector_load %arg15[%get3A_1303, %get3A_1304] {strides = array<i32>} : memref<200x64xf32, #tpu.memory_space<vmem>>, vector<1x16xf32>,
          %get3A_1306 = vector.shape_cast %get3A_1305 : vector<1x16xf32> to vector<16xf32>
          %add3A_1307 = arith.addf %get3A_1302, %get3A_1306 : vector<16xf32>
          %swap3A_1308 = arith.constant 2 : i32
          %swap3A_1309 = arith.index_cast %swap3A_1308 : i32 to index
          %swap3A_1310 = arith.index_cast %add3A_1260 : i32 to index
          %swap3A_1311 = arith.constant 32 : index
          %swap3A_1312 = tpu.vector_load %arg13[%swap3A_1309, %swap3A_1310, %swap3A_1311] {strides = array<i32>} : memref<4x200x64xf32, #tpu.memory_space<vmem>>, vector<1x1x16xf32>,
          %swap3A_1313 = vector.shape_cast %swap3A_1312 : vector<1x1x16xf32> to vector<16xf32>
          %swap3A_1314 = vector.shape_cast %add3A_1307 : vector<16xf32> to vector<1x1x16xf32>
          tpu.vector_store %arg13[%swap3A_1309, %swap3A_1310, %swap3A_1311], %swap3A_1314 {strides = array<i32>} : memref<4x200x64xf32, #tpu.memory_space<vmem>>, vector<1x1x16xf32>,
          %get3A_1315 = arith.constant 2 : i32
          %get3A_1316 = arith.index_cast %get3A_1315 : i32 to index
          %get3A_1317 = arith.index_cast %add3A_1260 : i32 to index
          %get3A_1318 = arith.constant 48 : index
          %get3A_1319 = tpu.vector_load %arg13[%get3A_1316, %get3A_1317, %get3A_1318] {strides = array<i32>} : memref<4x200x64xf32, #tpu.memory_space<vmem>>, vector<1x1x16xf32>,
          %get3A_1320 = vector.shape_cast %get3A_1319 : vector<1x1x16xf32> to vector<16xf32>
          %get3A_1321 = arith.index_cast %add3A_1260 : i32 to index
          %get3A_1322 = arith.constant 48 : index
          %get3A_1323 = tpu.vector_load %arg15[%get3A_1321, %get3A_1322] {strides = array<i32>} : memref<200x64xf32, #tpu.memory_space<vmem>>, vector<1x16xf32>,
          %get3A_1324 = vector.shape_cast %get3A_1323 : vector<1x16xf32> to vector<16xf32>
          %add3A_1325 = arith.addf %get3A_1320, %get3A_1324 : vector<16xf32>
          %swap3A_1326 = arith.constant 2 : i32
          %swap3A_1327 = arith.index_cast %swap3A_1326 : i32 to index
          %swap3A_1328 = arith.index_cast %add3A_1260 : i32 to index
          %swap3A_1329 = arith.constant 48 : index
          %swap3A_1330 = tpu.vector_load %arg13[%swap3A_1327, %swap3A_1328, %swap3A_1329] {strides = array<i32>} : memref<4x200x64xf32, #tpu.memory_space<vmem>>, vector<1x1x16xf32>,
          %swap3A_1331 = vector.shape_cast %swap3A_1330 : vector<1x1x16xf32> to vector<16xf32>
          %swap3A_1332 = vector.shape_cast %add3A_1325 : vector<16xf32> to vector<1x1x16xf32>
          tpu.vector_store %arg13[%swap3A_1327, %swap3A_1328, %swap3A_1329], %swap3A_1332 {strides = array<i32>} : memref<4x200x64xf32, #tpu.memory_space<vmem>>, vector<1x1x16xf32>,
        }
        %scan3A_1220 = arith.constant 200 : i32
        %add3A_1221 = arith.addi %mul3A_2, %add3A_1115 : i32
        %dma_start3A_1222 = arith.constant 2 : i32
        %dma_start3A_1223 = arith.constant 0 : i32
        %dma_start3A_1224 = arith.constant 0 : i32
        %dma_start3A_1225 = tpu.memref_slice %arg13[%dma_start3A_1222, %dma_start3A_1223, %dma_start3A_1224] : memref<4x200x64xf32, #tpu.memory_space<vmem>> -> memref<1x200x64xf32, #tpu.memory_space<vmem>>
        %dma_start3A_1226 = tpu.memref_squeeze %dma_start3A_1225 : memref<1x200x64xf32, #tpu.memory_space<vmem>> -> memref<200x64xf32, #tpu.memory_space<vmem>>
        %dma_start3A_1227 = arith.constant 0 : i32
        %dma_start3A_1228 = arith.constant 0 : i32
        %dma_start3A_1229 = tpu.memref_slice %arg7[%add3A_1221, %dma_start3A_1227, %dma_start3A_1228] : memref<4096x200x64xf32, #tpu.memory_space<hbm>> -> memref<1x200x64xf32, #tpu.memory_space<hbm>>
        %dma_start3A_1230 = tpu.memref_squeeze %dma_start3A_1229 : memref<1x200x64xf32, #tpu.memory_space<hbm>> -> memref<200x64xf32, #tpu.memory_space<hbm>>
        %dma_start3A_1231 = arith.constant 0 : i32
        %dma_start3A_1232 = arith.constant 0 : i32
        %dma_start3A_1233 = tpu.memref_slice %arg7[%add3A_1221, %dma_start3A_1231, %dma_start3A_1232] : memref<4096x200x64xf32, #tpu.memory_space<hbm>> -> memref<1x200x64xf32, #tpu.memory_space<hbm>>
        %dma_start3A_1234 = tpu.memref_squeeze %dma_start3A_1233 : memref<1x200x64xf32, #tpu.memory_space<hbm>> -> memref<200x64xf32, #tpu.memory_space<hbm>>
        %dma_start3A_1235 = arith.constant 0 : i32
        %dma_start3A_1236 = arith.constant 0 : i32
        %dma_start3A_1237 = tpu.memref_slice %arg13[%dma_start3A_1222, %dma_start3A_1235, %dma_start3A_1236] : memref<4x200x64xf32, #tpu.memory_space<vmem>> -> memref<1x200x64xf32, #tpu.memory_space<vmem>>
        %dma_start3A_1238 = tpu.memref_squeeze %dma_start3A_1237 : memref<1x200x64xf32, #tpu.memory_space<vmem>> -> memref<200x64xf32, #tpu.memory_space<vmem>>
        tpu.enqueue_dma source(%dma_start3A_1238 : memref<200x64xf32, #tpu.memory_space<vmem>>) target(%dma_start3A_1234 : memref<200x64xf32, #tpu.memory_space<hbm>>) target_semaphore(%arg29 : memref<!tpu.dma_semaphore, #tpu.memory_space<semaphore_mem>>)
        %dma_start3A_1239 = arith.constant 2 : i32
        %dma_start3A_1240 = arith.constant 0 : i32
        %dma_start3A_1241 = arith.constant 0 : i32
        %dma_start3A_1242 = tpu.memref_slice %arg14[%dma_start3A_1239, %dma_start3A_1240, %dma_start3A_1241] : memref<4x200x64xf32, #tpu.memory_space<vmem>> -> memref<1x200x64xf32, #tpu.memory_space<vmem>>
        %dma_start3A_1243 = tpu.memref_squeeze %dma_start3A_1242 : memref<1x200x64xf32, #tpu.memory_space<vmem>> -> memref<200x64xf32, #tpu.memory_space<vmem>>
        %dma_start3A_1244 = arith.constant 0 : i32
        %dma_start3A_1245 = arith.constant 0 : i32
        %dma_start3A_1246 = tpu.memref_slice %arg8[%add3A_1221, %dma_start3A_1244, %dma_start3A_1245] : memref<4096x200x64xf32, #tpu.memory_space<hbm>> -> memref<1x200x64xf32, #tpu.memory_space<hbm>>
        %dma_start3A_1247 = tpu.memref_squeeze %dma_start3A_1246 : memref<1x200x64xf32, #tpu.memory_space<hbm>> -> memref<200x64xf32, #tpu.memory_space<hbm>>
        %dma_start3A_1248 = arith.constant 0 : i32
        %dma_start3A_1249 = arith.constant 0 : i32
        %dma_start3A_1250 = tpu.memref_slice %arg8[%add3A_1221, %dma_start3A_1248, %dma_start3A_1249] : memref<4096x200x64xf32, #tpu.memory_space<hbm>> -> memref<1x200x64xf32, #tpu.memory_space<hbm>>
        %dma_start3A_1251 = tpu.memref_squeeze %dma_start3A_1250 : memref<1x200x64xf32, #tpu.memory_space<hbm>> -> memref<200x64xf32, #tpu.memory_space<hbm>>
        %dma_start3A_1252 = arith.constant 0 : i32
        %dma_start3A_1253 = arith.constant 0 : i32
        %dma_start3A_1254 = tpu.memref_slice %arg14[%dma_start3A_1239, %dma_start3A_1252, %dma_start3A_1253] : memref<4x200x64xf32, #tpu.memory_space<vmem>> -> memref<1x200x64xf32, #tpu.memory_space<vmem>>
        %dma_start3A_1255 = tpu.memref_squeeze %dma_start3A_1254 : memref<1x200x64xf32, #tpu.memory_space<vmem>> -> memref<200x64xf32, #tpu.memory_space<vmem>>
        tpu.enqueue_dma source(%dma_start3A_1255 : memref<200x64xf32, #tpu.memory_space<vmem>>) target(%dma_start3A_1251 : memref<200x64xf32, #tpu.memory_space<hbm>>) target_semaphore(%arg29 : memref<!tpu.dma_semaphore, #tpu.memory_space<semaphore_mem>>)
      } else {
      }
      %rem3A_1135 = arith.constant 4 : i32
      %rem3A_1136 = arith.remsi %add3A_1115, %rem3A_1135 : i32
      %eq3A_1137 = arith.constant 3 : i32
      %eq3A_1138 = arith.cmpi eq, %rem3A_1136, %eq3A_1137 : i32
      %convert_element_type3A_1139 = arith.extui %eq3A_1138 : i1 to i32
      %cond3A_1140 = arith.constant 0 : i32
      %cond3A_1141 = arith.cmpi ne, %convert_element_type3A_1139, %cond3A_1140 : i32
      scf.if %cond3A_1141 {
        %add3A_1142 = arith.constant 2 : i32
        %add3A_1143 = arith.addi %add3A_1115, %add3A_1142 : i32
        %lt3A_1144 = arith.constant 128 : i32
        %lt3A_1145 = arith.cmpi slt, %add3A_1143, %lt3A_1144 : i32
        %convert_element_type3A_1146 = arith.extui %lt3A_1145 : i1 to i32
        %cond3A_1147 = arith.constant 0 : i32
        %cond3A_1148 = arith.cmpi ne, %convert_element_type3A_1146, %cond3A_1147 : i32
        scf.if %cond3A_1148 {
          %add3A_1256 = arith.constant 2 : i32
          %add3A_1257 = arith.addi %add3A_1115, %add3A_1256 : i32
          %add3A_1258 = arith.addi %mul3A_2, %add3A_1257 : i32
          %dma_wait3A_1259 = arith.constant 256 : i32
          %dma_wait3A_1260 = tpu.memref_slice %arg10[%dma_wait3A_1259] : memref<1024xi32, #tpu.memory_space<vmem>> -> memref<256xi32, #tpu.memory_space<vmem>>
          %dma_wait3A_1261 = arith.constant 0 : i32
          %dma_wait3A_1262 = tpu.memref_slice %arg2[%add3A_1258, %dma_wait3A_1261] : memref<4096x256xi32, #tpu.memory_space<hbm>> -> memref<1x256xi32, #tpu.memory_space<hbm>>
          %dma_wait3A_1263 = tpu.memref_squeeze %dma_wait3A_1262 : memref<1x256xi32, #tpu.memory_space<hbm>> -> memref<256xi32, #tpu.memory_space<hbm>>
          %dma_wait3A_1264 = arith.constant 256 : i32
          %dma_wait3A_1265 = tpu.memref_slice %arg10[%dma_wait3A_1264] : memref<1024xi32, #tpu.memory_space<vmem>> -> memref<256xi32, #tpu.memory_space<vmem>>
          %dma_wait3A_1266 = arith.constant 0 : i32
          %dma_wait3A_1267 = tpu.memref_slice %arg2[%add3A_1258, %dma_wait3A_1266] : memref<4096x256xi32, #tpu.memory_space<hbm>> -> memref<1x256xi32, #tpu.memory_space<hbm>>
          %dma_wait3A_1268 = tpu.memref_squeeze %dma_wait3A_1267 : memref<1x256xi32, #tpu.memory_space<hbm>> -> memref<256xi32, #tpu.memory_space<hbm>>
          tpu.wait_dma2 semaphore(%arg20 : memref<!tpu.dma_semaphore, #tpu.memory_space<semaphore_mem>>) src(%dma_wait3A_1268 : memref<256xi32, #tpu.memory_space<hbm>>) dst(%dma_wait3A_1265 : memref<256xi32, #tpu.memory_space<vmem>>)
          %dma_wait3A_1269 = arith.constant 256 : i32
          %dma_wait3A_1270 = tpu.memref_slice %arg11[%dma_wait3A_1269] : memref<1024xi32, #tpu.memory_space<vmem>> -> memref<256xi32, #tpu.memory_space<vmem>>
          %dma_wait3A_1271 = arith.constant 0 : i32
          %dma_wait3A_1272 = tpu.memref_slice %arg3[%add3A_1258, %dma_wait3A_1271] : memref<4096x256xi32, #tpu.memory_space<hbm>> -> memref<1x256xi32, #tpu.memory_space<hbm>>
          %dma_wait3A_1273 = tpu.memref_squeeze %dma_wait3A_1272 : memref<1x256xi32, #tpu.memory_space<hbm>> -> memref<256xi32, #tpu.memory_space<hbm>>
          %dma_wait3A_1274 = arith.constant 256 : i32
          %dma_wait3A_1275 = tpu.memref_slice %arg11[%dma_wait3A_1274] : memref<1024xi32, #tpu.memory_space<vmem>> -> memref<256xi32, #tpu.memory_space<vmem>>
          %dma_wait3A_1276 = arith.constant 0 : i32
          %dma_wait3A_1277 = tpu.memref_slice %arg3[%add3A_1258, %dma_wait3A_1276] : memref<4096x256xi32, #tpu.memory_space<hbm>> -> memref<1x256xi32, #tpu.memory_space<hbm>>
          %dma_wait3A_1278 = tpu.memref_squeeze %dma_wait3A_1277 : memref<1x256xi32, #tpu.memory_space<hbm>> -> memref<256xi32, #tpu.memory_space<hbm>>
          tpu.wait_dma2 semaphore(%arg20 : memref<!tpu.dma_semaphore, #tpu.memory_space<semaphore_mem>>) src(%dma_wait3A_1278 : memref<256xi32, #tpu.memory_space<hbm>>) dst(%dma_wait3A_1275 : memref<256xi32, #tpu.memory_space<vmem>>)
          %get3A_1279 = arith.constant 256 : index
          %get3A_1280 = tpu.vector_load %arg11[%get3A_1279] {strides = array<i32>} : memref<1024xi32, #tpu.memory_space<vmem>>, vector<16xi32>,
          %get3A_1281 = vector.shape_cast %get3A_1280 : vector<16xi32> to vector<16xi32>
          %mul3A_1282 = arith.constant 200 : i32
          %mul3A_1283 = vector.broadcast %mul3A_1282 : i32 to vector<16xi32>
          %mul3A_1284 = arith.muli %get3A_1281, %mul3A_1283 : vector<16xi32>
          %get3A_1285 = arith.constant 0 : index
          %get3A_1286 = tpu.vector_load %arg16[%get3A_1285] {strides = array<i32>} : memref<256xi32, #tpu.memory_space<vmem>>, vector<16xi32>,
          %get3A_1287 = vector.shape_cast %get3A_1286 : vector<16xi32> to vector<16xi32>
          %add3A_1288 = arith.addi %mul3A_1284, %get3A_1287 : vector<16xi32>
          %swap3A_1289 = arith.constant 256 : index
          %swap3A_1290 = tpu.vector_load %arg12[%swap3A_1289] {strides = array<i32>} : memref<1024xi32, #tpu.memory_space<vmem>>, vector<16xi32>,
          %swap3A_1291 = vector.shape_cast %swap3A_1290 : vector<16xi32> to vector<16xi32>
          %swap3A_1292 = vector.shape_cast %add3A_1288 : vector<16xi32> to vector<16xi32>
          tpu.vector_store %arg12[%swap3A_1289], %swap3A_1292 {strides = array<i32>} : memref<1024xi32, #tpu.memory_space<vmem>>, vector<16xi32>,
          %get3A_1293 = arith.constant 272 : index
          %get3A_1294 = tpu.vector_load %arg11[%get3A_1293] {strides = array<i32>} : memref<1024xi32, #tpu.memory_space<vmem>>, vector<16xi32>,
          %get3A_1295 = vector.shape_cast %get3A_1294 : vector<16xi32> to vector<16xi32>
          %mul3A_1296 = arith.constant 200 : i32
          %mul3A_1297 = vector.broadcast %mul3A_1296 : i32 to vector<16xi32>
          %mul3A_1298 = arith.muli %get3A_1295, %mul3A_1297 : vector<16xi32>
          %get3A_1299 = arith.constant 16 : index
          %get3A_1300 = tpu.vector_load %arg16[%get3A_1299] {strides = array<i32>} : memref<256xi32, #tpu.memory_space<vmem>>, vector<16xi32>,
          %get3A_1301 = vector.shape_cast %get3A_1300 : vector<16xi32> to vector<16xi32>
          %add3A_1302 = arith.addi %mul3A_1298, %get3A_1301 : vector<16xi32>
          %swap3A_1303 = arith.constant 272 : index
          %swap3A_1304 = tpu.vector_load %arg12[%swap3A_1303] {strides = array<i32>} : memref<1024xi32, #tpu.memory_space<vmem>>, vector<16xi32>,
          %swap3A_1305 = vector.shape_cast %swap3A_1304 : vector<16xi32> to vector<16xi32>
          %swap3A_1306 = vector.shape_cast %add3A_1302 : vector<16xi32> to vector<16xi32>
          tpu.vector_store %arg12[%swap3A_1303], %swap3A_1306 {strides = array<i32>} : memref<1024xi32, #tpu.memory_space<vmem>>, vector<16xi32>,
          %get3A_1307 = arith.constant 288 : index
          %get3A_1308 = tpu.vector_load %arg11[%get3A_1307] {strides = array<i32>} : memref<1024xi32, #tpu.memory_space<vmem>>, vector<16xi32>,
          %get3A_1309 = vector.shape_cast %get3A_1308 : vector<16xi32> to vector<16xi32>
          %mul3A_1310 = arith.constant 200 : i32
          %mul3A_1311 = vector.broadcast %mul3A_1310 : i32 to vector<16xi32>
          %mul3A_1312 = arith.muli %get3A_1309, %mul3A_1311 : vector<16xi32>
          %get3A_1313 = arith.constant 32 : index
          %get3A_1314 = tpu.vector_load %arg16[%get3A_1313] {strides = array<i32>} : memref<256xi32, #tpu.memory_space<vmem>>, vector<16xi32>,
          %get3A_1315 = vector.shape_cast %get3A_1314 : vector<16xi32> to vector<16xi32>
          %add3A_1316 = arith.addi %mul3A_1312, %get3A_1315 : vector<16xi32>
          %swap3A_1317 = arith.constant 288 : index
          %swap3A_1318 = tpu.vector_load %arg12[%swap3A_1317] {strides = array<i32>} : memref<1024xi32, #tpu.memory_space<vmem>>, vector<16xi32>,
          %swap3A_1319 = vector.shape_cast %swap3A_1318 : vector<16xi32> to vector<16xi32>
          %swap3A_1320 = vector.shape_cast %add3A_1316 : vector<16xi32> to vector<16xi32>
          tpu.vector_store %arg12[%swap3A_1317], %swap3A_1320 {strides = array<i32>} : memref<1024xi32, #tpu.memory_space<vmem>>, vector<16xi32>,
          %get3A_1321 = arith.constant 304 : index
          %get3A_1322 = tpu.vector_load %arg11[%get3A_1321] {strides = array<i32>} : memref<1024xi32, #tpu.memory_space<vmem>>, vector<16xi32>,
          %get3A_1323 = vector.shape_cast %get3A_1322 : vector<16xi32> to vector<16xi32>
          %mul3A_1324 = arith.constant 200 : i32
          %mul3A_1325 = vector.broadcast %mul3A_1324 : i32 to vector<16xi32>
          %mul3A_1326 = arith.muli %get3A_1323, %mul3A_1325 : vector<16xi32>
          %get3A_1327 = arith.constant 48 : index
          %get3A_1328 = tpu.vector_load %arg16[%get3A_1327] {strides = array<i32>} : memref<256xi32, #tpu.memory_space<vmem>>, vector<16xi32>,
          %get3A_1329 = vector.shape_cast %get3A_1328 : vector<16xi32> to vector<16xi32>
          %add3A_1330 = arith.addi %mul3A_1326, %get3A_1329 : vector<16xi32>
          %swap3A_1331 = arith.constant 304 : index
          %swap3A_1332 = tpu.vector_load %arg12[%swap3A_1331] {strides = array<i32>} : memref<1024xi32, #tpu.memory_space<vmem>>, vector<16xi32>,
          %swap3A_1333 = vector.shape_cast %swap3A_1332 : vector<16xi32> to vector<16xi32>
          %swap3A_1334 = vector.shape_cast %add3A_1330 : vector<16xi32> to vector<16xi32>
          tpu.vector_store %arg12[%swap3A_1331], %swap3A_1334 {strides = array<i32>} : memref<1024xi32, #tpu.memory_space<vmem>>, vector<16xi32>,
          %get3A_1335 = arith.constant 320 : index
          %get3A_1336 = tpu.vector_load %arg11[%get3A_1335] {strides = array<i32>} : memref<1024xi32, #tpu.memory_space<vmem>>, vector<16xi32>,
          %get3A_1337 = vector.shape_cast %get3A_1336 : vector<16xi32> to vector<16xi32>
          %mul3A_1338 = arith.constant 200 : i32
          %mul3A_1339 = vector.broadcast %mul3A_1338 : i32 to vector<16xi32>
          %mul3A_1340 = arith.muli %get3A_1337, %mul3A_1339 : vector<16xi32>
          %get3A_1341 = arith.constant 64 : index
          %get3A_1342 = tpu.vector_load %arg16[%get3A_1341] {strides = array<i32>} : memref<256xi32, #tpu.memory_space<vmem>>, vector<16xi32>,
          %get3A_1343 = vector.shape_cast %get3A_1342 : vector<16xi32> to vector<16xi32>
          %add3A_1344 = arith.addi %mul3A_1340, %get3A_1343 : vector<16xi32>
          %swap3A_1345 = arith.constant 320 : index
          %swap3A_1346 = tpu.vector_load %arg12[%swap3A_1345] {strides = array<i32>} : memref<1024xi32, #tpu.memory_space<vmem>>, vector<16xi32>,
          %swap3A_1347 = vector.shape_cast %swap3A_1346 : vector<16xi32> to vector<16xi32>
          %swap3A_1348 = vector.shape_cast %add3A_1344 : vector<16xi32> to vector<16xi32>
          tpu.vector_store %arg12[%swap3A_1345], %swap3A_1348 {strides = array<i32>} : memref<1024xi32, #tpu.memory_space<vmem>>, vector<16xi32>,
          %get3A_1349 = arith.constant 336 : index
          %get3A_1350 = tpu.vector_load %arg11[%get3A_1349] {strides = array<i32>} : memref<1024xi32, #tpu.memory_space<vmem>>, vector<16xi32>,
          %get3A_1351 = vector.shape_cast %get3A_1350 : vector<16xi32> to vector<16xi32>
          %mul3A_1352 = arith.constant 200 : i32
          %mul3A_1353 = vector.broadcast %mul3A_1352 : i32 to vector<16xi32>
          %mul3A_1354 = arith.muli %get3A_1351, %mul3A_1353 : vector<16xi32>
          %get3A_1355 = arith.constant 80 : index
          %get3A_1356 = tpu.vector_load %arg16[%get3A_1355] {strides = array<i32>} : memref<256xi32, #tpu.memory_space<vmem>>, vector<16xi32>,
          %get3A_1357 = vector.shape_cast %get3A_1356 : vector<16xi32> to vector<16xi32>
          %add3A_1358 = arith.addi %mul3A_1354, %get3A_1357 : vector<16xi32>
          %swap3A_1359 = arith.constant 336 : index
          %swap3A_1360 = tpu.vector_load %arg12[%swap3A_1359] {strides = array<i32>} : memref<1024xi32, #tpu.memory_space<vmem>>, vector<16xi32>,
          %swap3A_1361 = vector.shape_cast %swap3A_1360 : vector<16xi32> to vector<16xi32>
          %swap3A_1362 = vector.shape_cast %add3A_1358 : vector<16xi32> to vector<16xi32>
          tpu.vector_store %arg12[%swap3A_1359], %swap3A_1362 {strides = array<i32>} : memref<1024xi32, #tpu.memory_space<vmem>>, vector<16xi32>,
          %get3A_1363 = arith.constant 352 : index
          %get3A_1364 = tpu.vector_load %arg11[%get3A_1363] {strides = array<i32>} : memref<1024xi32, #tpu.memory_space<vmem>>, vector<16xi32>,
          %get3A_1365 = vector.shape_cast %get3A_1364 : vector<16xi32> to vector<16xi32>
          %mul3A_1366 = arith.constant 200 : i32
          %mul3A_1367 = vector.broadcast %mul3A_1366 : i32 to vector<16xi32>
          %mul3A_1368 = arith.muli %get3A_1365, %mul3A_1367 : vector<16xi32>
          %get3A_1369 = arith.constant 96 : index
          %get3A_1370 = tpu.vector_load %arg16[%get3A_1369] {strides = array<i32>} : memref<256xi32, #tpu.memory_space<vmem>>, vector<16xi32>,
          %get3A_1371 = vector.shape_cast %get3A_1370 : vector<16xi32> to vector<16xi32>
          %add3A_1372 = arith.addi %mul3A_1368, %get3A_1371 : vector<16xi32>
          %swap3A_1373 = arith.constant 352 : index
          %swap3A_1374 = tpu.vector_load %arg12[%swap3A_1373] {strides = array<i32>} : memref<1024xi32, #tpu.memory_space<vmem>>, vector<16xi32>,
          %swap3A_1375 = vector.shape_cast %swap3A_1374 : vector<16xi32> to vector<16xi32>
          %swap3A_1376 = vector.shape_cast %add3A_1372 : vector<16xi32> to vector<16xi32>
          tpu.vector_store %arg12[%swap3A_1373], %swap3A_1376 {strides = array<i32>} : memref<1024xi32, #tpu.memory_space<vmem>>, vector<16xi32>,
          %get3A_1377 = arith.constant 368 : index
          %get3A_1378 = tpu.vector_load %arg11[%get3A_1377] {strides = array<i32>} : memref<1024xi32, #tpu.memory_space<vmem>>, vector<16xi32>,
          %get3A_1379 = vector.shape_cast %get3A_1378 : vector<16xi32> to vector<16xi32>
          %mul3A_1380 = arith.constant 200 : i32
          %mul3A_1381 = vector.broadcast %mul3A_1380 : i32 to vector<16xi32>
          %mul3A_1382 = arith.muli %get3A_1379, %mul3A_1381 : vector<16xi32>
          %get3A_1383 = arith.constant 112 : index
          %get3A_1384 = tpu.vector_load %arg16[%get3A_1383] {strides = array<i32>} : memref<256xi32, #tpu.memory_space<vmem>>, vector<16xi32>,
          %get3A_1385 = vector.shape_cast %get3A_1384 : vector<16xi32> to vector<16xi32>
          %add3A_1386 = arith.addi %mul3A_1382, %get3A_1385 : vector<16xi32>
          %swap3A_1387 = arith.constant 368 : index
          %swap3A_1388 = tpu.vector_load %arg12[%swap3A_1387] {strides = array<i32>} : memref<1024xi32, #tpu.memory_space<vmem>>, vector<16xi32>,
          %swap3A_1389 = vector.shape_cast %swap3A_1388 : vector<16xi32> to vector<16xi32>
          %swap3A_1390 = vector.shape_cast %add3A_1386 : vector<16xi32> to vector<16xi32>
          tpu.vector_store %arg12[%swap3A_1387], %swap3A_1390 {strides = array<i32>} : memref<1024xi32, #tpu.memory_space<vmem>>, vector<16xi32>,
          %get3A_1391 = arith.constant 384 : index
          %get3A_1392 = tpu.vector_load %arg11[%get3A_1391] {strides = array<i32>} : memref<1024xi32, #tpu.memory_space<vmem>>, vector<16xi32>,
          %get3A_1393 = vector.shape_cast %get3A_1392 : vector<16xi32> to vector<16xi32>
          %mul3A_1394 = arith.constant 200 : i32
          %mul3A_1395 = vector.broadcast %mul3A_1394 : i32 to vector<16xi32>
          %mul3A_1396 = arith.muli %get3A_1393, %mul3A_1395 : vector<16xi32>
          %get3A_1397 = arith.constant 128 : index
          %get3A_1398 = tpu.vector_load %arg16[%get3A_1397] {strides = array<i32>} : memref<256xi32, #tpu.memory_space<vmem>>, vector<16xi32>,
          %get3A_1399 = vector.shape_cast %get3A_1398 : vector<16xi32> to vector<16xi32>
          %add3A_1400 = arith.addi %mul3A_1396, %get3A_1399 : vector<16xi32>
          %swap3A_1401 = arith.constant 384 : index
          %swap3A_1402 = tpu.vector_load %arg12[%swap3A_1401] {strides = array<i32>} : memref<1024xi32, #tpu.memory_space<vmem>>, vector<16xi32>,
          %swap3A_1403 = vector.shape_cast %swap3A_1402 : vector<16xi32> to vector<16xi32>
          %swap3A_1404 = vector.shape_cast %add3A_1400 : vector<16xi32> to vector<16xi32>
          tpu.vector_store %arg12[%swap3A_1401], %swap3A_1404 {strides = array<i32>} : memref<1024xi32, #tpu.memory_space<vmem>>, vector<16xi32>,
          %get3A_1405 = arith.constant 400 : index
          %get3A_1406 = tpu.vector_load %arg11[%get3A_1405] {strides = array<i32>} : memref<1024xi32, #tpu.memory_space<vmem>>, vector<16xi32>,
          %get3A_1407 = vector.shape_cast %get3A_1406 : vector<16xi32> to vector<16xi32>
          %mul3A_1408 = arith.constant 200 : i32
          %mul3A_1409 = vector.broadcast %mul3A_1408 : i32 to vector<16xi32>
          %mul3A_1410 = arith.muli %get3A_1407, %mul3A_1409 : vector<16xi32>
          %get3A_1411 = arith.constant 144 : index
          %get3A_1412 = tpu.vector_load %arg16[%get3A_1411] {strides = array<i32>} : memref<256xi32, #tpu.memory_space<vmem>>, vector<16xi32>,
          %get3A_1413 = vector.shape_cast %get3A_1412 : vector<16xi32> to vector<16xi32>
          %add3A_1414 = arith.addi %mul3A_1410, %get3A_1413 : vector<16xi32>
          %swap3A_1415 = arith.constant 400 : index
          %swap3A_1416 = tpu.vector_load %arg12[%swap3A_1415] {strides = array<i32>} : memref<1024xi32, #tpu.memory_space<vmem>>, vector<16xi32>,
          %swap3A_1417 = vector.shape_cast %swap3A_1416 : vector<16xi32> to vector<16xi32>
          %swap3A_1418 = vector.shape_cast %add3A_1414 : vector<16xi32> to vector<16xi32>
          tpu.vector_store %arg12[%swap3A_1415], %swap3A_1418 {strides = array<i32>} : memref<1024xi32, #tpu.memory_space<vmem>>, vector<16xi32>,
          %get3A_1419 = arith.constant 416 : index
          %get3A_1420 = tpu.vector_load %arg11[%get3A_1419] {strides = array<i32>} : memref<1024xi32, #tpu.memory_space<vmem>>, vector<16xi32>,
          %get3A_1421 = vector.shape_cast %get3A_1420 : vector<16xi32> to vector<16xi32>
          %mul3A_1422 = arith.constant 200 : i32
          %mul3A_1423 = vector.broadcast %mul3A_1422 : i32 to vector<16xi32>
          %mul3A_1424 = arith.muli %get3A_1421, %mul3A_1423 : vector<16xi32>
          %get3A_1425 = arith.constant 160 : index
          %get3A_1426 = tpu.vector_load %arg16[%get3A_1425] {strides = array<i32>} : memref<256xi32, #tpu.memory_space<vmem>>, vector<16xi32>,
          %get3A_1427 = vector.shape_cast %get3A_1426 : vector<16xi32> to vector<16xi32>
          %add3A_1428 = arith.addi %mul3A_1424, %get3A_1427 : vector<16xi32>
          %swap3A_1429 = arith.constant 416 : index
          %swap3A_1430 = tpu.vector_load %arg12[%swap3A_1429] {strides = array<i32>} : memref<1024xi32, #tpu.memory_space<vmem>>, vector<16xi32>,
          %swap3A_1431 = vector.shape_cast %swap3A_1430 : vector<16xi32> to vector<16xi32>
          %swap3A_1432 = vector.shape_cast %add3A_1428 : vector<16xi32> to vector<16xi32>
          tpu.vector_store %arg12[%swap3A_1429], %swap3A_1432 {strides = array<i32>} : memref<1024xi32, #tpu.memory_space<vmem>>, vector<16xi32>,
          %get3A_1433 = arith.constant 432 : index
          %get3A_1434 = tpu.vector_load %arg11[%get3A_1433] {strides = array<i32>} : memref<1024xi32, #tpu.memory_space<vmem>>, vector<16xi32>,
          %get3A_1435 = vector.shape_cast %get3A_1434 : vector<16xi32> to vector<16xi32>
          %mul3A_1436 = arith.constant 200 : i32
          %mul3A_1437 = vector.broadcast %mul3A_1436 : i32 to vector<16xi32>
          %mul3A_1438 = arith.muli %get3A_1435, %mul3A_1437 : vector<16xi32>
          %get3A_1439 = arith.constant 176 : index
          %get3A_1440 = tpu.vector_load %arg16[%get3A_1439] {strides = array<i32>} : memref<256xi32, #tpu.memory_space<vmem>>, vector<16xi32>,
          %get3A_1441 = vector.shape_cast %get3A_1440 : vector<16xi32> to vector<16xi32>
          %add3A_1442 = arith.addi %mul3A_1438, %get3A_1441 : vector<16xi32>
          %swap3A_1443 = arith.constant 432 : index
          %swap3A_1444 = tpu.vector_load %arg12[%swap3A_1443] {strides = array<i32>} : memref<1024xi32, #tpu.memory_space<vmem>>, vector<16xi32>,
          %swap3A_1445 = vector.shape_cast %swap3A_1444 : vector<16xi32> to vector<16xi32>
          %swap3A_1446 = vector.shape_cast %add3A_1442 : vector<16xi32> to vector<16xi32>
          tpu.vector_store %arg12[%swap3A_1443], %swap3A_1446 {strides = array<i32>} : memref<1024xi32, #tpu.memory_space<vmem>>, vector<16xi32>,
          %get3A_1447 = arith.constant 448 : index
          %get3A_1448 = tpu.vector_load %arg11[%get3A_1447] {strides = array<i32>} : memref<1024xi32, #tpu.memory_space<vmem>>, vector<16xi32>,
          %get3A_1449 = vector.shape_cast %get3A_1448 : vector<16xi32> to vector<16xi32>
          %mul3A_1450 = arith.constant 200 : i32
          %mul3A_1451 = vector.broadcast %mul3A_1450 : i32 to vector<16xi32>
          %mul3A_1452 = arith.muli %get3A_1449, %mul3A_1451 : vector<16xi32>
          %get3A_1453 = arith.constant 192 : index
          %get3A_1454 = tpu.vector_load %arg16[%get3A_1453] {strides = array<i32>} : memref<256xi32, #tpu.memory_space<vmem>>, vector<16xi32>,
          %get3A_1455 = vector.shape_cast %get3A_1454 : vector<16xi32> to vector<16xi32>
          %add3A_1456 = arith.addi %mul3A_1452, %get3A_1455 : vector<16xi32>
          %swap3A_1457 = arith.constant 448 : index
          %swap3A_1458 = tpu.vector_load %arg12[%swap3A_1457] {strides = array<i32>} : memref<1024xi32, #tpu.memory_space<vmem>>, vector<16xi32>,
          %swap3A_1459 = vector.shape_cast %swap3A_1458 : vector<16xi32> to vector<16xi32>
          %swap3A_1460 = vector.shape_cast %add3A_1456 : vector<16xi32> to vector<16xi32>
          tpu.vector_store %arg12[%swap3A_1457], %swap3A_1460 {strides = array<i32>} : memref<1024xi32, #tpu.memory_space<vmem>>, vector<16xi32>,
          %get3A_1461 = arith.constant 464 : index
          %get3A_1462 = tpu.vector_load %arg11[%get3A_1461] {strides = array<i32>} : memref<1024xi32, #tpu.memory_space<vmem>>, vector<16xi32>,
          %get3A_1463 = vector.shape_cast %get3A_1462 : vector<16xi32> to vector<16xi32>
          %mul3A_1464 = arith.constant 200 : i32
          %mul3A_1465 = vector.broadcast %mul3A_1464 : i32 to vector<16xi32>
          %mul3A_1466 = arith.muli %get3A_1463, %mul3A_1465 : vector<16xi32>
          %get3A_1467 = arith.constant 208 : index
          %get3A_1468 = tpu.vector_load %arg16[%get3A_1467] {strides = array<i32>} : memref<256xi32, #tpu.memory_space<vmem>>, vector<16xi32>,
          %get3A_1469 = vector.shape_cast %get3A_1468 : vector<16xi32> to vector<16xi32>
          %add3A_1470 = arith.addi %mul3A_1466, %get3A_1469 : vector<16xi32>
          %swap3A_1471 = arith.constant 464 : index
          %swap3A_1472 = tpu.vector_load %arg12[%swap3A_1471] {strides = array<i32>} : memref<1024xi32, #tpu.memory_space<vmem>>, vector<16xi32>,
          %swap3A_1473 = vector.shape_cast %swap3A_1472 : vector<16xi32> to vector<16xi32>
          %swap3A_1474 = vector.shape_cast %add3A_1470 : vector<16xi32> to vector<16xi32>
          tpu.vector_store %arg12[%swap3A_1471], %swap3A_1474 {strides = array<i32>} : memref<1024xi32, #tpu.memory_space<vmem>>, vector<16xi32>,
          %get3A_1475 = arith.constant 480 : index
          %get3A_1476 = tpu.vector_load %arg11[%get3A_1475] {strides = array<i32>} : memref<1024xi32, #tpu.memory_space<vmem>>, vector<16xi32>,
          %get3A_1477 = vector.shape_cast %get3A_1476 : vector<16xi32> to vector<16xi32>
          %mul3A_1478 = arith.constant 200 : i32
          %mul3A_1479 = vector.broadcast %mul3A_1478 : i32 to vector<16xi32>
          %mul3A_1480 = arith.muli %get3A_1477, %mul3A_1479 : vector<16xi32>
          %get3A_1481 = arith.constant 224 : index
          %get3A_1482 = tpu.vector_load %arg16[%get3A_1481] {strides = array<i32>} : memref<256xi32, #tpu.memory_space<vmem>>, vector<16xi32>,
          %get3A_1483 = vector.shape_cast %get3A_1482 : vector<16xi32> to vector<16xi32>
          %add3A_1484 = arith.addi %mul3A_1480, %get3A_1483 : vector<16xi32>
          %swap3A_1485 = arith.constant 480 : index
          %swap3A_1486 = tpu.vector_load %arg12[%swap3A_1485] {strides = array<i32>} : memref<1024xi32, #tpu.memory_space<vmem>>, vector<16xi32>,
          %swap3A_1487 = vector.shape_cast %swap3A_1486 : vector<16xi32> to vector<16xi32>
          %swap3A_1488 = vector.shape_cast %add3A_1484 : vector<16xi32> to vector<16xi32>
          tpu.vector_store %arg12[%swap3A_1485], %swap3A_1488 {strides = array<i32>} : memref<1024xi32, #tpu.memory_space<vmem>>, vector<16xi32>,
          %get3A_1489 = arith.constant 496 : index
          %get3A_1490 = tpu.vector_load %arg11[%get3A_1489] {strides = array<i32>} : memref<1024xi32, #tpu.memory_space<vmem>>, vector<16xi32>,
          %get3A_1491 = vector.shape_cast %get3A_1490 : vector<16xi32> to vector<16xi32>
          %mul3A_1492 = arith.constant 200 : i32
          %mul3A_1493 = vector.broadcast %mul3A_1492 : i32 to vector<16xi32>
          %mul3A_1494 = arith.muli %get3A_1491, %mul3A_1493 : vector<16xi32>
          %get3A_1495 = arith.constant 240 : index
          %get3A_1496 = tpu.vector_load %arg16[%get3A_1495] {strides = array<i32>} : memref<256xi32, #tpu.memory_space<vmem>>, vector<16xi32>,
          %get3A_1497 = vector.shape_cast %get3A_1496 : vector<16xi32> to vector<16xi32>
          %add3A_1498 = arith.addi %mul3A_1494, %get3A_1497 : vector<16xi32>
          %swap3A_1499 = arith.constant 496 : index
          %swap3A_1500 = tpu.vector_load %arg12[%swap3A_1499] {strides = array<i32>} : memref<1024xi32, #tpu.memory_space<vmem>>, vector<16xi32>,
          %swap3A_1501 = vector.shape_cast %swap3A_1500 : vector<16xi32> to vector<16xi32>
          %swap3A_1502 = vector.shape_cast %add3A_1498 : vector<16xi32> to vector<16xi32>
          tpu.vector_store %arg12[%swap3A_1499], %swap3A_1502 {strides = array<i32>} : memref<1024xi32, #tpu.memory_space<vmem>>, vector<16xi32>,
          %ge3A = arith.constant 2 : i32
          %ge3A_1503 = arith.cmpi sge, %add3A_1115, %ge3A : i32
          %convert_element_type3A_1504 = arith.extui %ge3A_1503 : i1 to i32
          %cond3A_1505 = arith.constant 0 : i32
          %cond3A_1506 = arith.cmpi ne, %convert_element_type3A_1504, %cond3A_1505 : i32
          scf.if %cond3A_1506 {
            %sub3A_1567 = arith.constant 2 : i32
            %sub3A_1568 = arith.subi %add3A_1115, %sub3A_1567 : i32
            %add3A_1569 = arith.addi %mul3A_2, %sub3A_1568 : i32
            %dma_wait3A_1570 = arith.constant 1 : i32
            %dma_wait3A_1571 = arith.constant 0 : i32
            %dma_wait3A_1572 = arith.constant 0 : i32
            %dma_wait3A_1573 = tpu.memref_slice %arg13[%dma_wait3A_1570, %dma_wait3A_1571, %dma_wait3A_1572] : memref<4x200x64xf32, #tpu.memory_space<vmem>> -> memref<1x200x64xf32, #tpu.memory_space<vmem>>
            %dma_wait3A_1574 = tpu.memref_squeeze %dma_wait3A_1573 : memref<1x200x64xf32, #tpu.memory_space<vmem>> -> memref<200x64xf32, #tpu.memory_space<vmem>>
            %dma_wait3A_1575 = arith.constant 0 : i32
            %dma_wait3A_1576 = arith.constant 0 : i32
            %dma_wait3A_1577 = tpu.memref_slice %arg7[%add3A_1569, %dma_wait3A_1575, %dma_wait3A_1576] : memref<4096x200x64xf32, #tpu.memory_space<hbm>> -> memref<1x200x64xf32, #tpu.memory_space<hbm>>
            %dma_wait3A_1578 = tpu.memref_squeeze %dma_wait3A_1577 : memref<1x200x64xf32, #tpu.memory_space<hbm>> -> memref<200x64xf32, #tpu.memory_space<hbm>>
            %dma_wait3A_1579 = arith.constant 0 : i32
            %dma_wait3A_1580 = arith.constant 0 : i32
            %dma_wait3A_1581 = tpu.memref_slice %arg7[%add3A_1569, %dma_wait3A_1579, %dma_wait3A_1580] : memref<4096x200x64xf32, #tpu.memory_space<hbm>> -> memref<1x200x64xf32, #tpu.memory_space<hbm>>
            %dma_wait3A_1582 = tpu.memref_squeeze %dma_wait3A_1581 : memref<1x200x64xf32, #tpu.memory_space<hbm>> -> memref<200x64xf32, #tpu.memory_space<hbm>>
            %dma_wait3A_1583 = arith.constant 0 : i32
            %dma_wait3A_1584 = arith.constant 0 : i32
            %dma_wait3A_1585 = tpu.memref_slice %arg13[%dma_wait3A_1570, %dma_wait3A_1583, %dma_wait3A_1584] : memref<4x200x64xf32, #tpu.memory_space<vmem>> -> memref<1x200x64xf32, #tpu.memory_space<vmem>>
            %dma_wait3A_1586 = tpu.memref_squeeze %dma_wait3A_1585 : memref<1x200x64xf32, #tpu.memory_space<vmem>> -> memref<200x64xf32, #tpu.memory_space<vmem>>
            tpu.wait_dma2 semaphore(%arg28 : memref<!tpu.dma_semaphore, #tpu.memory_space<semaphore_mem>>) src(%dma_wait3A_1586 : memref<200x64xf32, #tpu.memory_space<vmem>>) dst(%dma_wait3A_1582 : memref<200x64xf32, #tpu.memory_space<hbm>>)
            %dma_wait3A_1587 = arith.constant 1 : i32
            %dma_wait3A_1588 = arith.constant 0 : i32
            %dma_wait3A_1589 = arith.constant 0 : i32
            %dma_wait3A_1590 = tpu.memref_slice %arg14[%dma_wait3A_1587, %dma_wait3A_1588, %dma_wait3A_1589] : memref<4x200x64xf32, #tpu.memory_space<vmem>> -> memref<1x200x64xf32, #tpu.memory_space<vmem>>
            %dma_wait3A_1591 = tpu.memref_squeeze %dma_wait3A_1590 : memref<1x200x64xf32, #tpu.memory_space<vmem>> -> memref<200x64xf32, #tpu.memory_space<vmem>>
            %dma_wait3A_1592 = arith.constant 0 : i32
            %dma_wait3A_1593 = arith.constant 0 : i32
            %dma_wait3A_1594 = tpu.memref_slice %arg8[%add3A_1569, %dma_wait3A_1592, %dma_wait3A_1593] : memref<4096x200x64xf32, #tpu.memory_space<hbm>> -> memref<1x200x64xf32, #tpu.memory_space<hbm>>
            %dma_wait3A_1595 = tpu.memref_squeeze %dma_wait3A_1594 : memref<1x200x64xf32, #tpu.memory_space<hbm>> -> memref<200x64xf32, #tpu.memory_space<hbm>>
            %dma_wait3A_1596 = arith.constant 0 : i32
            %dma_wait3A_1597 = arith.constant 0 : i32
            %dma_wait3A_1598 = tpu.memref_slice %arg8[%add3A_1569, %dma_wait3A_1596, %dma_wait3A_1597] : memref<4096x200x64xf32, #tpu.memory_space<hbm>> -> memref<1x200x64xf32, #tpu.memory_space<hbm>>
            %dma_wait3A_1599 = tpu.memref_squeeze %dma_wait3A_1598 : memref<1x200x64xf32, #tpu.memory_space<hbm>> -> memref<200x64xf32, #tpu.memory_space<hbm>>
            %dma_wait3A_1600 = arith.constant 0 : i32
            %dma_wait3A_1601 = arith.constant 0 : i32
            %dma_wait3A_1602 = tpu.memref_slice %arg14[%dma_wait3A_1587, %dma_wait3A_1600, %dma_wait3A_1601] : memref<4x200x64xf32, #tpu.memory_space<vmem>> -> memref<1x200x64xf32, #tpu.memory_space<vmem>>
            %dma_wait3A_1603 = tpu.memref_squeeze %dma_wait3A_1602 : memref<1x200x64xf32, #tpu.memory_space<vmem>> -> memref<200x64xf32, #tpu.memory_space<vmem>>
            tpu.wait_dma2 semaphore(%arg28 : memref<!tpu.dma_semaphore, #tpu.memory_space<semaphore_mem>>) src(%dma_wait3A_1603 : memref<200x64xf32, #tpu.memory_space<vmem>>) dst(%dma_wait3A_1599 : memref<200x64xf32, #tpu.memory_space<hbm>>)
          } else {
          }
          %dma_start3A_1507 = arith.constant 1 : i32
          %dma_start3A_1508 = arith.constant 0 : i32
          %dma_start3A_1509 = arith.constant 0 : i32
          %dma_start3A_1510 = tpu.memref_slice %arg13[%dma_start3A_1507, %dma_start3A_1508, %dma_start3A_1509] : memref<4x200x64xf32, #tpu.memory_space<vmem>> -> memref<1x80x64xf32, #tpu.memory_space<vmem>>
          %dma_start3A_1511 = tpu.memref_squeeze %dma_start3A_1510 : memref<1x80x64xf32, #tpu.memory_space<vmem>> -> memref<80x64xf32, #tpu.memory_space<vmem>>
          %dma_start3A_1512 = arith.constant 256 : i32
          %dma_start3A_1513 = tpu.memref_slice %arg10[%dma_start3A_1512] : memref<1024xi32, #tpu.memory_space<vmem>> -> memref<80xi32, #tpu.memory_space<vmem>>
          %dma_start3A_1514 = arith.constant 0 : i32
          %dma_start3A_1515 = arith.constant 0 : i32
          %dma_start3A_1516 = tpu.memref_slice %arg4[%dma_start3A_1514, %dma_start3A_1515] : memref<100000x64xf32, #tpu.memory_space<hbm>> -> memref<100000x64xf32, #tpu.memory_space<hbm>>
          tpu.enqueue_indirect_dma source(%dma_start3A_1516 : memref<100000x64xf32, #tpu.memory_space<hbm>>) target(%dma_start3A_1511 : memref<80x64xf32, #tpu.memory_space<vmem>>) offsets(%dma_start3A_1513 : memref<80xi32, #tpu.memory_space<vmem>>) semaphore(%arg24 : memref<!tpu.dma_semaphore, #tpu.memory_space<semaphore_mem>>)
          %dma_start3A_1517 = arith.constant 1 : i32
          %dma_start3A_1518 = arith.constant 0 : i32
          %dma_start3A_1519 = arith.constant 0 : i32
          %dma_start3A_1520 = tpu.memref_slice %arg14[%dma_start3A_1517, %dma_start3A_1518, %dma_start3A_1519] : memref<4x200x64xf32, #tpu.memory_space<vmem>> -> memref<1x80x64xf32, #tpu.memory_space<vmem>>
          %dma_start3A_1521 = tpu.memref_squeeze %dma_start3A_1520 : memref<1x80x64xf32, #tpu.memory_space<vmem>> -> memref<80x64xf32, #tpu.memory_space<vmem>>
          %dma_start3A_1522 = arith.constant 256 : i32
          %dma_start3A_1523 = tpu.memref_slice %arg12[%dma_start3A_1522] : memref<1024xi32, #tpu.memory_space<vmem>> -> memref<80xi32, #tpu.memory_space<vmem>>
          %dma_start3A_1524 = arith.constant 0 : i32
          %dma_start3A_1525 = arith.constant 0 : i32
          %dma_start3A_1526 = tpu.memref_slice %arg9[%dma_start3A_1524, %dma_start3A_1525] : memref<1600x64xf32, #tpu.memory_space<hbm>> -> memref<1600x64xf32, #tpu.memory_space<hbm>>
          tpu.enqueue_indirect_dma source(%dma_start3A_1526 : memref<1600x64xf32, #tpu.memory_space<hbm>>) target(%dma_start3A_1521 : memref<80x64xf32, #tpu.memory_space<vmem>>) offsets(%dma_start3A_1523 : memref<80xi32, #tpu.memory_space<vmem>>) semaphore(%arg24 : memref<!tpu.dma_semaphore, #tpu.memory_space<semaphore_mem>>)
          %dma_start3A_1527 = arith.constant 1 : i32
          %dma_start3A_1528 = arith.constant 80 : i32
          %dma_start3A_1529 = arith.constant 0 : i32
          %dma_start3A_1530 = tpu.memref_slice %arg13[%dma_start3A_1527, %dma_start3A_1528, %dma_start3A_1529] : memref<4x200x64xf32, #tpu.memory_space<vmem>> -> memref<1x80x64xf32, #tpu.memory_space<vmem>>
          %dma_start3A_1531 = tpu.memref_squeeze %dma_start3A_1530 : memref<1x80x64xf32, #tpu.memory_space<vmem>> -> memref<80x64xf32, #tpu.memory_space<vmem>>
          %dma_start3A_1532 = arith.constant 336 : i32
          %dma_start3A_1533 = tpu.memref_slice %arg10[%dma_start3A_1532] : memref<1024xi32, #tpu.memory_space<vmem>> -> memref<80xi32, #tpu.memory_space<vmem>>
          %dma_start3A_1534 = arith.constant 0 : i32
          %dma_start3A_1535 = arith.constant 0 : i32
          %dma_start3A_1536 = tpu.memref_slice %arg4[%dma_start3A_1534, %dma_start3A_1535] : memref<100000x64xf32, #tpu.memory_space<hbm>> -> memref<100000x64xf32, #tpu.memory_space<hbm>>
          tpu.enqueue_indirect_dma source(%dma_start3A_1536 : memref<100000x64xf32, #tpu.memory_space<hbm>>) target(%dma_start3A_1531 : memref<80x64xf32, #tpu.memory_space<vmem>>) offsets(%dma_start3A_1533 : memref<80xi32, #tpu.memory_space<vmem>>) semaphore(%arg24 : memref<!tpu.dma_semaphore, #tpu.memory_space<semaphore_mem>>)
          %dma_start3A_1537 = arith.constant 1 : i32
          %dma_start3A_1538 = arith.constant 80 : i32
          %dma_start3A_1539 = arith.constant 0 : i32
          %dma_start3A_1540 = tpu.memref_slice %arg14[%dma_start3A_1537, %dma_start3A_1538, %dma_start3A_1539] : memref<4x200x64xf32, #tpu.memory_space<vmem>> -> memref<1x80x64xf32, #tpu.memory_space<vmem>>
          %dma_start3A_1541 = tpu.memref_squeeze %dma_start3A_1540 : memref<1x80x64xf32, #tpu.memory_space<vmem>> -> memref<80x64xf32, #tpu.memory_space<vmem>>
          %dma_start3A_1542 = arith.constant 336 : i32
          %dma_start3A_1543 = tpu.memref_slice %arg12[%dma_start3A_1542] : memref<1024xi32, #tpu.memory_space<vmem>> -> memref<80xi32, #tpu.memory_space<vmem>>
          %dma_start3A_1544 = arith.constant 0 : i32
          %dma_start3A_1545 = arith.constant 0 : i32
          %dma_start3A_1546 = tpu.memref_slice %arg9[%dma_start3A_1544, %dma_start3A_1545] : memref<1600x64xf32, #tpu.memory_space<hbm>> -> memref<1600x64xf32, #tpu.memory_space<hbm>>
          tpu.enqueue_indirect_dma source(%dma_start3A_1546 : memref<1600x64xf32, #tpu.memory_space<hbm>>) target(%dma_start3A_1541 : memref<80x64xf32, #tpu.memory_space<vmem>>) offsets(%dma_start3A_1543 : memref<80xi32, #tpu.memory_space<vmem>>) semaphore(%arg24 : memref<!tpu.dma_semaphore, #tpu.memory_space<semaphore_mem>>)
          %dma_start3A_1547 = arith.constant 1 : i32
          %dma_start3A_1548 = arith.constant 160 : i32
          %dma_start3A_1549 = arith.constant 0 : i32
          %dma_start3A_1550 = tpu.memref_slice %arg13[%dma_start3A_1547, %dma_start3A_1548, %dma_start3A_1549] : memref<4x200x64xf32, #tpu.memory_space<vmem>> -> memref<1x40x64xf32, #tpu.memory_space<vmem>>
          %dma_start3A_1551 = tpu.memref_squeeze %dma_start3A_1550 : memref<1x40x64xf32, #tpu.memory_space<vmem>> -> memref<40x64xf32, #tpu.memory_space<vmem>>
          %dma_start3A_1552 = arith.constant 416 : i32
          %dma_start3A_1553 = tpu.memref_slice %arg10[%dma_start3A_1552] : memref<1024xi32, #tpu.memory_space<vmem>> -> memref<40xi32, #tpu.memory_space<vmem>>
          %dma_start3A_1554 = arith.constant 0 : i32
          %dma_start3A_1555 = arith.constant 0 : i32
          %dma_start3A_1556 = tpu.memref_slice %arg4[%dma_start3A_1554, %dma_start3A_1555] : memref<100000x64xf32, #tpu.memory_space<hbm>> -> memref<100000x64xf32, #tpu.memory_space<hbm>>
          tpu.enqueue_indirect_dma source(%dma_start3A_1556 : memref<100000x64xf32, #tpu.memory_space<hbm>>) target(%dma_start3A_1551 : memref<40x64xf32, #tpu.memory_space<vmem>>) offsets(%dma_start3A_1553 : memref<40xi32, #tpu.memory_space<vmem>>) semaphore(%arg24 : memref<!tpu.dma_semaphore, #tpu.memory_space<semaphore_mem>>)
          %dma_start3A_1557 = arith.constant 1 : i32
          %dma_start3A_1558 = arith.constant 160 : i32
          %dma_start3A_1559 = arith.constant 0 : i32
          %dma_start3A_1560 = tpu.memref_slice %arg14[%dma_start3A_1557, %dma_start3A_1558, %dma_start3A_1559] : memref<4x200x64xf32, #tpu.memory_space<vmem>> -> memref<1x40x64xf32, #tpu.memory_space<vmem>>
          %dma_start3A_1561 = tpu.memref_squeeze %dma_start3A_1560 : memref<1x40x64xf32, #tpu.memory_space<vmem>> -> memref<40x64xf32, #tpu.memory_space<vmem>>
          %dma_start3A_1562 = arith.constant 416 : i32
          %dma_start3A_1563 = tpu.memref_slice %arg12[%dma_start3A_1562] : memref<1024xi32, #tpu.memory_space<vmem>> -> memref<40xi32, #tpu.memory_space<vmem>>
          %dma_start3A_1564 = arith.constant 0 : i32
          %dma_start3A_1565 = arith.constant 0 : i32
          %dma_start3A_1566 = tpu.memref_slice %arg9[%dma_start3A_1564, %dma_start3A_1565] : memref<1600x64xf32, #tpu.memory_space<hbm>> -> memref<1600x64xf32, #tpu.memory_space<hbm>>
          tpu.enqueue_indirect_dma source(%dma_start3A_1566 : memref<1600x64xf32, #tpu.memory_space<hbm>>) target(%dma_start3A_1561 : memref<40x64xf32, #tpu.memory_space<vmem>>) offsets(%dma_start3A_1563 : memref<40xi32, #tpu.memory_space<vmem>>) semaphore(%arg24 : memref<!tpu.dma_semaphore, #tpu.memory_space<semaphore_mem>>)
        } else {
        }
        %dma_wait3A_1149 = arith.constant 3 : i32
        %dma_wait3A_1150 = arith.constant 0 : i32
        %dma_wait3A_1151 = arith.constant 0 : i32
        %dma_wait3A_1152 = tpu.memref_slice %arg13[%dma_wait3A_1149, %dma_wait3A_1150, %dma_wait3A_1151] : memref<4x200x64xf32, #tpu.memory_space<vmem>> -> memref<1x80x64xf32, #tpu.memory_space<vmem>>
        %dma_wait3A_1153 = tpu.memref_squeeze %dma_wait3A_1152 : memref<1x80x64xf32, #tpu.memory_space<vmem>> -> memref<80x64xf32, #tpu.memory_space<vmem>>
        %dma_wait3A_1154 = arith.constant 768 : i32
        %dma_wait3A_1155 = tpu.memref_slice %arg10[%dma_wait3A_1154] : memref<1024xi32, #tpu.memory_space<vmem>> -> memref<80xi32, #tpu.memory_space<vmem>>
        %dma_wait3A_1156 = arith.constant 0 : i32
        %dma_wait3A_1157 = arith.constant 0 : i32
        %dma_wait3A_1158 = tpu.memref_slice %arg4[%dma_wait3A_1156, %dma_wait3A_1157] : memref<100000x64xf32, #tpu.memory_space<hbm>> -> memref<100000x64xf32, #tpu.memory_space<hbm>>
        tpu.wait_indirect_dma semaphore(%arg26 : memref<!tpu.dma_semaphore, #tpu.memory_space<semaphore_mem>>) src(%dma_wait3A_1158 : memref<100000x64xf32, #tpu.memory_space<hbm>>) dst(%dma_wait3A_1153 : memref<80x64xf32, #tpu.memory_space<vmem>>)
        %dma_wait3A_1159 = arith.constant 3 : i32
        %dma_wait3A_1160 = arith.constant 0 : i32
        %dma_wait3A_1161 = arith.constant 0 : i32
        %dma_wait3A_1162 = tpu.memref_slice %arg14[%dma_wait3A_1159, %dma_wait3A_1160, %dma_wait3A_1161] : memref<4x200x64xf32, #tpu.memory_space<vmem>> -> memref<1x80x64xf32, #tpu.memory_space<vmem>>
        %dma_wait3A_1163 = tpu.memref_squeeze %dma_wait3A_1162 : memref<1x80x64xf32, #tpu.memory_space<vmem>> -> memref<80x64xf32, #tpu.memory_space<vmem>>
        %dma_wait3A_1164 = arith.constant 768 : i32
        %dma_wait3A_1165 = tpu.memref_slice %arg12[%dma_wait3A_1164] : memref<1024xi32, #tpu.memory_space<vmem>> -> memref<80xi32, #tpu.memory_space<vmem>>
        %dma_wait3A_1166 = arith.constant 0 : i32
        %dma_wait3A_1167 = arith.constant 0 : i32
        %dma_wait3A_1168 = tpu.memref_slice %arg9[%dma_wait3A_1166, %dma_wait3A_1167] : memref<1600x64xf32, #tpu.memory_space<hbm>> -> memref<1600x64xf32, #tpu.memory_space<hbm>>
        tpu.wait_indirect_dma semaphore(%arg26 : memref<!tpu.dma_semaphore, #tpu.memory_space<semaphore_mem>>) src(%dma_wait3A_1168 : memref<1600x64xf32, #tpu.memory_space<hbm>>) dst(%dma_wait3A_1163 : memref<80x64xf32, #tpu.memory_space<vmem>>)
        %dma_wait3A_1169 = arith.constant 3 : i32
        %dma_wait3A_1170 = arith.constant 80 : i32
        %dma_wait3A_1171 = arith.constant 0 : i32
        %dma_wait3A_1172 = tpu.memref_slice %arg13[%dma_wait3A_1169, %dma_wait3A_1170, %dma_wait3A_1171] : memref<4x200x64xf32, #tpu.memory_space<vmem>> -> memref<1x80x64xf32, #tpu.memory_space<vmem>>
        %dma_wait3A_1173 = tpu.memref_squeeze %dma_wait3A_1172 : memref<1x80x64xf32, #tpu.memory_space<vmem>> -> memref<80x64xf32, #tpu.memory_space<vmem>>
        %dma_wait3A_1174 = arith.constant 848 : i32
        %dma_wait3A_1175 = tpu.memref_slice %arg10[%dma_wait3A_1174] : memref<1024xi32, #tpu.memory_space<vmem>> -> memref<80xi32, #tpu.memory_space<vmem>>
        %dma_wait3A_1176 = arith.constant 0 : i32
        %dma_wait3A_1177 = arith.constant 0 : i32
        %dma_wait3A_1178 = tpu.memref_slice %arg4[%dma_wait3A_1176, %dma_wait3A_1177] : memref<100000x64xf32, #tpu.memory_space<hbm>> -> memref<100000x64xf32, #tpu.memory_space<hbm>>
        tpu.wait_indirect_dma semaphore(%arg26 : memref<!tpu.dma_semaphore, #tpu.memory_space<semaphore_mem>>) src(%dma_wait3A_1178 : memref<100000x64xf32, #tpu.memory_space<hbm>>) dst(%dma_wait3A_1173 : memref<80x64xf32, #tpu.memory_space<vmem>>)
        %dma_wait3A_1179 = arith.constant 3 : i32
        %dma_wait3A_1180 = arith.constant 80 : i32
        %dma_wait3A_1181 = arith.constant 0 : i32
        %dma_wait3A_1182 = tpu.memref_slice %arg14[%dma_wait3A_1179, %dma_wait3A_1180, %dma_wait3A_1181] : memref<4x200x64xf32, #tpu.memory_space<vmem>> -> memref<1x80x64xf32, #tpu.memory_space<vmem>>
        %dma_wait3A_1183 = tpu.memref_squeeze %dma_wait3A_1182 : memref<1x80x64xf32, #tpu.memory_space<vmem>> -> memref<80x64xf32, #tpu.memory_space<vmem>>
        %dma_wait3A_1184 = arith.constant 848 : i32
        %dma_wait3A_1185 = tpu.memref_slice %arg12[%dma_wait3A_1184] : memref<1024xi32, #tpu.memory_space<vmem>> -> memref<80xi32, #tpu.memory_space<vmem>>
        %dma_wait3A_1186 = arith.constant 0 : i32
        %dma_wait3A_1187 = arith.constant 0 : i32
        %dma_wait3A_1188 = tpu.memref_slice %arg9[%dma_wait3A_1186, %dma_wait3A_1187] : memref<1600x64xf32, #tpu.memory_space<hbm>> -> memref<1600x64xf32, #tpu.memory_space<hbm>>
        tpu.wait_indirect_dma semaphore(%arg26 : memref<!tpu.dma_semaphore, #tpu.memory_space<semaphore_mem>>) src(%dma_wait3A_1188 : memref<1600x64xf32, #tpu.memory_space<hbm>>) dst(%dma_wait3A_1183 : memref<80x64xf32, #tpu.memory_space<vmem>>)
        %dma_wait3A_1189 = arith.constant 3 : i32
        %dma_wait3A_1190 = arith.constant 160 : i32
        %dma_wait3A_1191 = arith.constant 0 : i32
        %dma_wait3A_1192 = tpu.memref_slice %arg13[%dma_wait3A_1189, %dma_wait3A_1190, %dma_wait3A_1191] : memref<4x200x64xf32, #tpu.memory_space<vmem>> -> memref<1x40x64xf32, #tpu.memory_space<vmem>>
        %dma_wait3A_1193 = tpu.memref_squeeze %dma_wait3A_1192 : memref<1x40x64xf32, #tpu.memory_space<vmem>> -> memref<40x64xf32, #tpu.memory_space<vmem>>
        %dma_wait3A_1194 = arith.constant 928 : i32
        %dma_wait3A_1195 = tpu.memref_slice %arg10[%dma_wait3A_1194] : memref<1024xi32, #tpu.memory_space<vmem>> -> memref<40xi32, #tpu.memory_space<vmem>>
        %dma_wait3A_1196 = arith.constant 0 : i32
        %dma_wait3A_1197 = arith.constant 0 : i32
        %dma_wait3A_1198 = tpu.memref_slice %arg4[%dma_wait3A_1196, %dma_wait3A_1197] : memref<100000x64xf32, #tpu.memory_space<hbm>> -> memref<100000x64xf32, #tpu.memory_space<hbm>>
        tpu.wait_indirect_dma semaphore(%arg26 : memref<!tpu.dma_semaphore, #tpu.memory_space<semaphore_mem>>) src(%dma_wait3A_1198 : memref<100000x64xf32, #tpu.memory_space<hbm>>) dst(%dma_wait3A_1193 : memref<40x64xf32, #tpu.memory_space<vmem>>)
        %dma_wait3A_1199 = arith.constant 3 : i32
        %dma_wait3A_1200 = arith.constant 160 : i32
        %dma_wait3A_1201 = arith.constant 0 : i32
        %dma_wait3A_1202 = tpu.memref_slice %arg14[%dma_wait3A_1199, %dma_wait3A_1200, %dma_wait3A_1201] : memref<4x200x64xf32, #tpu.memory_space<vmem>> -> memref<1x40x64xf32, #tpu.memory_space<vmem>>
        %dma_wait3A_1203 = tpu.memref_squeeze %dma_wait3A_1202 : memref<1x40x64xf32, #tpu.memory_space<vmem>> -> memref<40x64xf32, #tpu.memory_space<vmem>>
        %dma_wait3A_1204 = arith.constant 928 : i32
        %dma_wait3A_1205 = tpu.memref_slice %arg12[%dma_wait3A_1204] : memref<1024xi32, #tpu.memory_space<vmem>> -> memref<40xi32, #tpu.memory_space<vmem>>
        %dma_wait3A_1206 = arith.constant 0 : i32
        %dma_wait3A_1207 = arith.constant 0 : i32
        %dma_wait3A_1208 = tpu.memref_slice %arg9[%dma_wait3A_1206, %dma_wait3A_1207] : memref<1600x64xf32, #tpu.memory_space<hbm>> -> memref<1600x64xf32, #tpu.memory_space<hbm>>
        tpu.wait_indirect_dma semaphore(%arg26 : memref<!tpu.dma_semaphore, #tpu.memory_space<semaphore_mem>>) src(%dma_wait3A_1208 : memref<1600x64xf32, #tpu.memory_space<hbm>>) dst(%dma_wait3A_1203 : memref<40x64xf32, #tpu.memory_space<vmem>>)
        %add3A_1209 = arith.constant 4 : i32
        %add3A_1210 = arith.addi %add3A_1115, %add3A_1209 : i32
        %lt3A_1211 = arith.constant 128 : i32
        %lt3A_1212 = arith.cmpi slt, %add3A_1210, %lt3A_1211 : i32
        %convert_element_type3A_1213 = arith.extui %lt3A_1212 : i1 to i32
        %cond3A_1214 = arith.constant 0 : i32
        %cond3A_1215 = arith.cmpi ne, %convert_element_type3A_1213, %cond3A_1214 : i32
        scf.if %cond3A_1215 {
          %add3A_1256 = arith.constant 4 : i32
          %add3A_1257 = arith.addi %add3A_1115, %add3A_1256 : i32
          %add3A_1258 = arith.addi %mul3A_2, %add3A_1257 : i32
          %dma_start3A_1259 = arith.constant 768 : i32
          %dma_start3A_1260 = tpu.memref_slice %arg10[%dma_start3A_1259] : memref<1024xi32, #tpu.memory_space<vmem>> -> memref<256xi32, #tpu.memory_space<vmem>>
          %dma_start3A_1261 = arith.constant 0 : i32
          %dma_start3A_1262 = tpu.memref_slice %arg2[%add3A_1258, %dma_start3A_1261] : memref<4096x256xi32, #tpu.memory_space<hbm>> -> memref<1x256xi32, #tpu.memory_space<hbm>>
          %dma_start3A_1263 = tpu.memref_squeeze %dma_start3A_1262 : memref<1x256xi32, #tpu.memory_space<hbm>> -> memref<256xi32, #tpu.memory_space<hbm>>
          %dma_start3A_1264 = arith.constant 768 : i32
          %dma_start3A_1265 = tpu.memref_slice %arg10[%dma_start3A_1264] : memref<1024xi32, #tpu.memory_space<vmem>> -> memref<256xi32, #tpu.memory_space<vmem>>
          %dma_start3A_1266 = arith.constant 0 : i32
          %dma_start3A_1267 = tpu.memref_slice %arg2[%add3A_1258, %dma_start3A_1266] : memref<4096x256xi32, #tpu.memory_space<hbm>> -> memref<1x256xi32, #tpu.memory_space<hbm>>
          %dma_start3A_1268 = tpu.memref_squeeze %dma_start3A_1267 : memref<1x256xi32, #tpu.memory_space<hbm>> -> memref<256xi32, #tpu.memory_space<hbm>>
          tpu.enqueue_dma source(%dma_start3A_1268 : memref<256xi32, #tpu.memory_space<hbm>>) target(%dma_start3A_1265 : memref<256xi32, #tpu.memory_space<vmem>>) target_semaphore(%arg22 : memref<!tpu.dma_semaphore, #tpu.memory_space<semaphore_mem>>)
          %dma_start3A_1269 = arith.constant 768 : i32
          %dma_start3A_1270 = tpu.memref_slice %arg11[%dma_start3A_1269] : memref<1024xi32, #tpu.memory_space<vmem>> -> memref<256xi32, #tpu.memory_space<vmem>>
          %dma_start3A_1271 = arith.constant 0 : i32
          %dma_start3A_1272 = tpu.memref_slice %arg3[%add3A_1258, %dma_start3A_1271] : memref<4096x256xi32, #tpu.memory_space<hbm>> -> memref<1x256xi32, #tpu.memory_space<hbm>>
          %dma_start3A_1273 = tpu.memref_squeeze %dma_start3A_1272 : memref<1x256xi32, #tpu.memory_space<hbm>> -> memref<256xi32, #tpu.memory_space<hbm>>
          %dma_start3A_1274 = arith.constant 768 : i32
          %dma_start3A_1275 = tpu.memref_slice %arg11[%dma_start3A_1274] : memref<1024xi32, #tpu.memory_space<vmem>> -> memref<256xi32, #tpu.memory_space<vmem>>
          %dma_start3A_1276 = arith.constant 0 : i32
          %dma_start3A_1277 = tpu.memref_slice %arg3[%add3A_1258, %dma_start3A_1276] : memref<4096x256xi32, #tpu.memory_space<hbm>> -> memref<1x256xi32, #tpu.memory_space<hbm>>
          %dma_start3A_1278 = tpu.memref_squeeze %dma_start3A_1277 : memref<1x256xi32, #tpu.memory_space<hbm>> -> memref<256xi32, #tpu.memory_space<hbm>>
          tpu.enqueue_dma source(%dma_start3A_1278 : memref<256xi32, #tpu.memory_space<hbm>>) target(%dma_start3A_1275 : memref<256xi32, #tpu.memory_space<vmem>>) target_semaphore(%arg22 : memref<!tpu.dma_semaphore, #tpu.memory_space<semaphore_mem>>)
        } else {
        }
        %scan3A_1216 = arith.constant 0 : i32
        %scan3A_1217 = arith.constant 200 : i32
        %scan3A_1218 = arith.addi %scan3A_1216, %scan3A_1217 : i32
        %scan3A_1219 = arith.constant 1 : i32
        scf.for %scan3A_1256 = %scan3A_1216 to %scan3A_1218 step %scan3A_1219  : i32 {
          %mul3A_1257 = arith.constant 1 : i32
          %mul3A_1258 = arith.muli %scan3A_1256, %mul3A_1257 : i32
          %add3A_1259 = arith.constant 0 : i32
          %add3A_1260 = arith.addi %add3A_1259, %mul3A_1258 : i32
          %get3A_1261 = arith.constant 3 : i32
          %get3A_1262 = arith.index_cast %get3A_1261 : i32 to index
          %get3A_1263 = arith.index_cast %add3A_1260 : i32 to index
          %get3A_1264 = arith.constant 0 : index
          %get3A_1265 = tpu.vector_load %arg13[%get3A_1262, %get3A_1263, %get3A_1264] {strides = array<i32>} : memref<4x200x64xf32, #tpu.memory_space<vmem>>, vector<1x1x16xf32>,
          %get3A_1266 = vector.shape_cast %get3A_1265 : vector<1x1x16xf32> to vector<16xf32>
          %get3A_1267 = arith.index_cast %add3A_1260 : i32 to index
          %get3A_1268 = arith.constant 0 : index
          %get3A_1269 = tpu.vector_load %arg15[%get3A_1267, %get3A_1268] {strides = array<i32>} : memref<200x64xf32, #tpu.memory_space<vmem>>, vector<1x16xf32>,
          %get3A_1270 = vector.shape_cast %get3A_1269 : vector<1x16xf32> to vector<16xf32>
          %add3A_1271 = arith.addf %get3A_1266, %get3A_1270 : vector<16xf32>
          %swap3A_1272 = arith.constant 3 : i32
          %swap3A_1273 = arith.index_cast %swap3A_1272 : i32 to index
          %swap3A_1274 = arith.index_cast %add3A_1260 : i32 to index
          %swap3A_1275 = arith.constant 0 : index
          %swap3A_1276 = tpu.vector_load %arg13[%swap3A_1273, %swap3A_1274, %swap3A_1275] {strides = array<i32>} : memref<4x200x64xf32, #tpu.memory_space<vmem>>, vector<1x1x16xf32>,
          %swap3A_1277 = vector.shape_cast %swap3A_1276 : vector<1x1x16xf32> to vector<16xf32>
          %swap3A_1278 = vector.shape_cast %add3A_1271 : vector<16xf32> to vector<1x1x16xf32>
          tpu.vector_store %arg13[%swap3A_1273, %swap3A_1274, %swap3A_1275], %swap3A_1278 {strides = array<i32>} : memref<4x200x64xf32, #tpu.memory_space<vmem>>, vector<1x1x16xf32>,
          %get3A_1279 = arith.constant 3 : i32
          %get3A_1280 = arith.index_cast %get3A_1279 : i32 to index
          %get3A_1281 = arith.index_cast %add3A_1260 : i32 to index
          %get3A_1282 = arith.constant 16 : index
          %get3A_1283 = tpu.vector_load %arg13[%get3A_1280, %get3A_1281, %get3A_1282] {strides = array<i32>} : memref<4x200x64xf32, #tpu.memory_space<vmem>>, vector<1x1x16xf32>,
          %get3A_1284 = vector.shape_cast %get3A_1283 : vector<1x1x16xf32> to vector<16xf32>
          %get3A_1285 = arith.index_cast %add3A_1260 : i32 to index
          %get3A_1286 = arith.constant 16 : index
          %get3A_1287 = tpu.vector_load %arg15[%get3A_1285, %get3A_1286] {strides = array<i32>} : memref<200x64xf32, #tpu.memory_space<vmem>>, vector<1x16xf32>,
          %get3A_1288 = vector.shape_cast %get3A_1287 : vector<1x16xf32> to vector<16xf32>
          %add3A_1289 = arith.addf %get3A_1284, %get3A_1288 : vector<16xf32>
          %swap3A_1290 = arith.constant 3 : i32
          %swap3A_1291 = arith.index_cast %swap3A_1290 : i32 to index
          %swap3A_1292 = arith.index_cast %add3A_1260 : i32 to index
          %swap3A_1293 = arith.constant 16 : index
          %swap3A_1294 = tpu.vector_load %arg13[%swap3A_1291, %swap3A_1292, %swap3A_1293] {strides = array<i32>} : memref<4x200x64xf32, #tpu.memory_space<vmem>>, vector<1x1x16xf32>,
          %swap3A_1295 = vector.shape_cast %swap3A_1294 : vector<1x1x16xf32> to vector<16xf32>
          %swap3A_1296 = vector.shape_cast %add3A_1289 : vector<16xf32> to vector<1x1x16xf32>
          tpu.vector_store %arg13[%swap3A_1291, %swap3A_1292, %swap3A_1293], %swap3A_1296 {strides = array<i32>} : memref<4x200x64xf32, #tpu.memory_space<vmem>>, vector<1x1x16xf32>,
          %get3A_1297 = arith.constant 3 : i32
          %get3A_1298 = arith.index_cast %get3A_1297 : i32 to index
          %get3A_1299 = arith.index_cast %add3A_1260 : i32 to index
          %get3A_1300 = arith.constant 32 : index
          %get3A_1301 = tpu.vector_load %arg13[%get3A_1298, %get3A_1299, %get3A_1300] {strides = array<i32>} : memref<4x200x64xf32, #tpu.memory_space<vmem>>, vector<1x1x16xf32>,
          %get3A_1302 = vector.shape_cast %get3A_1301 : vector<1x1x16xf32> to vector<16xf32>
          %get3A_1303 = arith.index_cast %add3A_1260 : i32 to index
          %get3A_1304 = arith.constant 32 : index
          %get3A_1305 = tpu.vector_load %arg15[%get3A_1303, %get3A_1304] {strides = array<i32>} : memref<200x64xf32, #tpu.memory_space<vmem>>, vector<1x16xf32>,
          %get3A_1306 = vector.shape_cast %get3A_1305 : vector<1x16xf32> to vector<16xf32>
          %add3A_1307 = arith.addf %get3A_1302, %get3A_1306 : vector<16xf32>
          %swap3A_1308 = arith.constant 3 : i32
          %swap3A_1309 = arith.index_cast %swap3A_1308 : i32 to index
          %swap3A_1310 = arith.index_cast %add3A_1260 : i32 to index
          %swap3A_1311 = arith.constant 32 : index
          %swap3A_1312 = tpu.vector_load %arg13[%swap3A_1309, %swap3A_1310, %swap3A_1311] {strides = array<i32>} : memref<4x200x64xf32, #tpu.memory_space<vmem>>, vector<1x1x16xf32>,
          %swap3A_1313 = vector.shape_cast %swap3A_1312 : vector<1x1x16xf32> to vector<16xf32>
          %swap3A_1314 = vector.shape_cast %add3A_1307 : vector<16xf32> to vector<1x1x16xf32>
          tpu.vector_store %arg13[%swap3A_1309, %swap3A_1310, %swap3A_1311], %swap3A_1314 {strides = array<i32>} : memref<4x200x64xf32, #tpu.memory_space<vmem>>, vector<1x1x16xf32>,
          %get3A_1315 = arith.constant 3 : i32
          %get3A_1316 = arith.index_cast %get3A_1315 : i32 to index
          %get3A_1317 = arith.index_cast %add3A_1260 : i32 to index
          %get3A_1318 = arith.constant 48 : index
          %get3A_1319 = tpu.vector_load %arg13[%get3A_1316, %get3A_1317, %get3A_1318] {strides = array<i32>} : memref<4x200x64xf32, #tpu.memory_space<vmem>>, vector<1x1x16xf32>,
          %get3A_1320 = vector.shape_cast %get3A_1319 : vector<1x1x16xf32> to vector<16xf32>
          %get3A_1321 = arith.index_cast %add3A_1260 : i32 to index
          %get3A_1322 = arith.constant 48 : index
          %get3A_1323 = tpu.vector_load %arg15[%get3A_1321, %get3A_1322] {strides = array<i32>} : memref<200x64xf32, #tpu.memory_space<vmem>>, vector<1x16xf32>,
          %get3A_1324 = vector.shape_cast %get3A_1323 : vector<1x16xf32> to vector<16xf32>
          %add3A_1325 = arith.addf %get3A_1320, %get3A_1324 : vector<16xf32>
          %swap3A_1326 = arith.constant 3 : i32
          %swap3A_1327 = arith.index_cast %swap3A_1326 : i32 to index
          %swap3A_1328 = arith.index_cast %add3A_1260 : i32 to index
          %swap3A_1329 = arith.constant 48 : index
          %swap3A_1330 = tpu.vector_load %arg13[%swap3A_1327, %swap3A_1328, %swap3A_1329] {strides = array<i32>} : memref<4x200x64xf32, #tpu.memory_space<vmem>>, vector<1x1x16xf32>,
          %swap3A_1331 = vector.shape_cast %swap3A_1330 : vector<1x1x16xf32> to vector<16xf32>
          %swap3A_1332 = vector.shape_cast %add3A_1325 : vector<16xf32> to vector<1x1x16xf32>
          tpu.vector_store %arg13[%swap3A_1327, %swap3A_1328, %swap3A_1329], %swap3A_1332 {strides = array<i32>} : memref<4x200x64xf32, #tpu.memory_space<vmem>>, vector<1x1x16xf32>,
        }
        %scan3A_1220 = arith.constant 200 : i32
        %add3A_1221 = arith.addi %mul3A_2, %add3A_1115 : i32
        %dma_start3A_1222 = arith.constant 3 : i32
        %dma_start3A_1223 = arith.constant 0 : i32
        %dma_start3A_1224 = arith.constant 0 : i32
        %dma_start3A_1225 = tpu.memref_slice %arg13[%dma_start3A_1222, %dma_start3A_1223, %dma_start3A_1224] : memref<4x200x64xf32, #tpu.memory_space<vmem>> -> memref<1x200x64xf32, #tpu.memory_space<vmem>>
        %dma_start3A_1226 = tpu.memref_squeeze %dma_start3A_1225 : memref<1x200x64xf32, #tpu.memory_space<vmem>> -> memref<200x64xf32, #tpu.memory_space<vmem>>
        %dma_start3A_1227 = arith.constant 0 : i32
        %dma_start3A_1228 = arith.constant 0 : i32
        %dma_start3A_1229 = tpu.memref_slice %arg7[%add3A_1221, %dma_start3A_1227, %dma_start3A_1228] : memref<4096x200x64xf32, #tpu.memory_space<hbm>> -> memref<1x200x64xf32, #tpu.memory_space<hbm>>
        %dma_start3A_1230 = tpu.memref_squeeze %dma_start3A_1229 : memref<1x200x64xf32, #tpu.memory_space<hbm>> -> memref<200x64xf32, #tpu.memory_space<hbm>>
        %dma_start3A_1231 = arith.constant 0 : i32
        %dma_start3A_1232 = arith.constant 0 : i32
        %dma_start3A_1233 = tpu.memref_slice %arg7[%add3A_1221, %dma_start3A_1231, %dma_start3A_1232] : memref<4096x200x64xf32, #tpu.memory_space<hbm>> -> memref<1x200x64xf32, #tpu.memory_space<hbm>>
        %dma_start3A_1234 = tpu.memref_squeeze %dma_start3A_1233 : memref<1x200x64xf32, #tpu.memory_space<hbm>> -> memref<200x64xf32, #tpu.memory_space<hbm>>
        %dma_start3A_1235 = arith.constant 0 : i32
        %dma_start3A_1236 = arith.constant 0 : i32
        %dma_start3A_1237 = tpu.memref_slice %arg13[%dma_start3A_1222, %dma_start3A_1235, %dma_start3A_1236] : memref<4x200x64xf32, #tpu.memory_space<vmem>> -> memref<1x200x64xf32, #tpu.memory_space<vmem>>
        %dma_start3A_1238 = tpu.memref_squeeze %dma_start3A_1237 : memref<1x200x64xf32, #tpu.memory_space<vmem>> -> memref<200x64xf32, #tpu.memory_space<vmem>>
        tpu.enqueue_dma source(%dma_start3A_1238 : memref<200x64xf32, #tpu.memory_space<vmem>>) target(%dma_start3A_1234 : memref<200x64xf32, #tpu.memory_space<hbm>>) target_semaphore(%arg30 : memref<!tpu.dma_semaphore, #tpu.memory_space<semaphore_mem>>)
        %dma_start3A_1239 = arith.constant 3 : i32
        %dma_start3A_1240 = arith.constant 0 : i32
        %dma_start3A_1241 = arith.constant 0 : i32
        %dma_start3A_1242 = tpu.memref_slice %arg14[%dma_start3A_1239, %dma_start3A_1240, %dma_start3A_1241] : memref<4x200x64xf32, #tpu.memory_space<vmem>> -> memref<1x200x64xf32, #tpu.memory_space<vmem>>
        %dma_start3A_1243 = tpu.memref_squeeze %dma_start3A_1242 : memref<1x200x64xf32, #tpu.memory_space<vmem>> -> memref<200x64xf32, #tpu.memory_space<vmem>>
        %dma_start3A_1244 = arith.constant 0 : i32
        %dma_start3A_1245 = arith.constant 0 : i32
        %dma_start3A_1246 = tpu.memref_slice %arg8[%add3A_1221, %dma_start3A_1244, %dma_start3A_1245] : memref<4096x200x64xf32, #tpu.memory_space<hbm>> -> memref<1x200x64xf32, #tpu.memory_space<hbm>>
        %dma_start3A_1247 = tpu.memref_squeeze %dma_start3A_1246 : memref<1x200x64xf32, #tpu.memory_space<hbm>> -> memref<200x64xf32, #tpu.memory_space<hbm>>
        %dma_start3A_1248 = arith.constant 0 : i32
        %dma_start3A_1249 = arith.constant 0 : i32
        %dma_start3A_1250 = tpu.memref_slice %arg8[%add3A_1221, %dma_start3A_1248, %dma_start3A_1249] : memref<4096x200x64xf32, #tpu.memory_space<hbm>> -> memref<1x200x64xf32, #tpu.memory_space<hbm>>
        %dma_start3A_1251 = tpu.memref_squeeze %dma_start3A_1250 : memref<1x200x64xf32, #tpu.memory_space<hbm>> -> memref<200x64xf32, #tpu.memory_space<hbm>>
        %dma_start3A_1252 = arith.constant 0 : i32
        %dma_start3A_1253 = arith.constant 0 : i32
        %dma_start3A_1254 = tpu.memref_slice %arg14[%dma_start3A_1239, %dma_start3A_1252, %dma_start3A_1253] : memref<4x200x64xf32, #tpu.memory_space<vmem>> -> memref<1x200x64xf32, #tpu.memory_space<vmem>>
        %dma_start3A_1255 = tpu.memref_squeeze %dma_start3A_1254 : memref<1x200x64xf32, #tpu.memory_space<vmem>> -> memref<200x64xf32, #tpu.memory_space<vmem>>
        tpu.enqueue_dma source(%dma_start3A_1255 : memref<200x64xf32, #tpu.memory_space<vmem>>) target(%dma_start3A_1251 : memref<200x64xf32, #tpu.memory_space<hbm>>) target_semaphore(%arg30 : memref<!tpu.dma_semaphore, #tpu.memory_space<semaphore_mem>>)
      } else {
      }
    }
    %scan3A_966 = arith.constant 128 : i32
    %add3A_967 = arith.constant 124 : i32
    %add3A_968 = arith.addi %mul3A_2, %add3A_967 : i32
    %dma_wait3A_969 = arith.constant 0 : i32
    %dma_wait3A_970 = arith.constant 0 : i32
    %dma_wait3A_971 = arith.constant 0 : i32
    %dma_wait3A_972 = tpu.memref_slice %arg13[%dma_wait3A_969, %dma_wait3A_970, %dma_wait3A_971] : memref<4x200x64xf32, #tpu.memory_space<vmem>> -> memref<1x200x64xf32, #tpu.memory_space<vmem>>
    %dma_wait3A_973 = tpu.memref_squeeze %dma_wait3A_972 : memref<1x200x64xf32, #tpu.memory_space<vmem>> -> memref<200x64xf32, #tpu.memory_space<vmem>>
    %dma_wait3A_974 = arith.constant 0 : i32
    %dma_wait3A_975 = arith.constant 0 : i32
    %dma_wait3A_976 = tpu.memref_slice %arg7[%add3A_968, %dma_wait3A_974, %dma_wait3A_975] : memref<4096x200x64xf32, #tpu.memory_space<hbm>> -> memref<1x200x64xf32, #tpu.memory_space<hbm>>
    %dma_wait3A_977 = tpu.memref_squeeze %dma_wait3A_976 : memref<1x200x64xf32, #tpu.memory_space<hbm>> -> memref<200x64xf32, #tpu.memory_space<hbm>>
    %dma_wait3A_978 = arith.constant 0 : i32
    %dma_wait3A_979 = arith.constant 0 : i32
    %dma_wait3A_980 = tpu.memref_slice %arg7[%add3A_968, %dma_wait3A_978, %dma_wait3A_979] : memref<4096x200x64xf32, #tpu.memory_space<hbm>> -> memref<1x200x64xf32, #tpu.memory_space<hbm>>
    %dma_wait3A_981 = tpu.memref_squeeze %dma_wait3A_980 : memref<1x200x64xf32, #tpu.memory_space<hbm>> -> memref<200x64xf32, #tpu.memory_space<hbm>>
    %dma_wait3A_982 = arith.constant 0 : i32
    %dma_wait3A_983 = arith.constant 0 : i32
    %dma_wait3A_984 = tpu.memref_slice %arg13[%dma_wait3A_969, %dma_wait3A_982, %dma_wait3A_983] : memref<4x200x64xf32, #tpu.memory_space<vmem>> -> memref<1x200x64xf32, #tpu.memory_space<vmem>>
    %dma_wait3A_985 = tpu.memref_squeeze %dma_wait3A_984 : memref<1x200x64xf32, #tpu.memory_space<vmem>> -> memref<200x64xf32, #tpu.memory_space<vmem>>
    tpu.wait_dma2 semaphore(%arg27 : memref<!tpu.dma_semaphore, #tpu.memory_space<semaphore_mem>>) src(%dma_wait3A_985 : memref<200x64xf32, #tpu.memory_space<vmem>>) dst(%dma_wait3A_981 : memref<200x64xf32, #tpu.memory_space<hbm>>)
    %dma_wait3A_986 = arith.constant 0 : i32
    %dma_wait3A_987 = arith.constant 0 : i32
    %dma_wait3A_988 = arith.constant 0 : i32
    %dma_wait3A_989 = tpu.memref_slice %arg14[%dma_wait3A_986, %dma_wait3A_987, %dma_wait3A_988] : memref<4x200x64xf32, #tpu.memory_space<vmem>> -> memref<1x200x64xf32, #tpu.memory_space<vmem>>
    %dma_wait3A_990 = tpu.memref_squeeze %dma_wait3A_989 : memref<1x200x64xf32, #tpu.memory_space<vmem>> -> memref<200x64xf32, #tpu.memory_space<vmem>>
    %dma_wait3A_991 = arith.constant 0 : i32
    %dma_wait3A_992 = arith.constant 0 : i32
    %dma_wait3A_993 = tpu.memref_slice %arg8[%add3A_968, %dma_wait3A_991, %dma_wait3A_992] : memref<4096x200x64xf32, #tpu.memory_space<hbm>> -> memref<1x200x64xf32, #tpu.memory_space<hbm>>
    %dma_wait3A_994 = tpu.memref_squeeze %dma_wait3A_993 : memref<1x200x64xf32, #tpu.memory_space<hbm>> -> memref<200x64xf32, #tpu.memory_space<hbm>>
    %dma_wait3A_995 = arith.constant 0 : i32
    %dma_wait3A_996 = arith.constant 0 : i32
    %dma_wait3A_997 = tpu.memref_slice %arg8[%add3A_968, %dma_wait3A_995, %dma_wait3A_996] : memref<4096x200x64xf32, #tpu.memory_space<hbm>> -> memref<1x200x64xf32, #tpu.memory_space<hbm>>
    %dma_wait3A_998 = tpu.memref_squeeze %dma_wait3A_997 : memref<1x200x64xf32, #tpu.memory_space<hbm>> -> memref<200x64xf32, #tpu.memory_space<hbm>>
    %dma_wait3A_999 = arith.constant 0 : i32
    %dma_wait3A_1000 = arith.constant 0 : i32
    %dma_wait3A_1001 = tpu.memref_slice %arg14[%dma_wait3A_986, %dma_wait3A_999, %dma_wait3A_1000] : memref<4x200x64xf32, #tpu.memory_space<vmem>> -> memref<1x200x64xf32, #tpu.memory_space<vmem>>
    %dma_wait3A_1002 = tpu.memref_squeeze %dma_wait3A_1001 : memref<1x200x64xf32, #tpu.memory_space<vmem>> -> memref<200x64xf32, #tpu.memory_space<vmem>>
    tpu.wait_dma2 semaphore(%arg27 : memref<!tpu.dma_semaphore, #tpu.memory_space<semaphore_mem>>) src(%dma_wait3A_1002 : memref<200x64xf32, #tpu.memory_space<vmem>>) dst(%dma_wait3A_998 : memref<200x64xf32, #tpu.memory_space<hbm>>)
    %add3A_1003 = arith.constant 125 : i32
    %add3A_1004 = arith.addi %mul3A_2, %add3A_1003 : i32
    %dma_wait3A_1005 = arith.constant 1 : i32
    %dma_wait3A_1006 = arith.constant 0 : i32
    %dma_wait3A_1007 = arith.constant 0 : i32
    %dma_wait3A_1008 = tpu.memref_slice %arg13[%dma_wait3A_1005, %dma_wait3A_1006, %dma_wait3A_1007] : memref<4x200x64xf32, #tpu.memory_space<vmem>> -> memref<1x200x64xf32, #tpu.memory_space<vmem>>
    %dma_wait3A_1009 = tpu.memref_squeeze %dma_wait3A_1008 : memref<1x200x64xf32, #tpu.memory_space<vmem>> -> memref<200x64xf32, #tpu.memory_space<vmem>>
    %dma_wait3A_1010 = arith.constant 0 : i32
    %dma_wait3A_1011 = arith.constant 0 : i32
    %dma_wait3A_1012 = tpu.memref_slice %arg7[%add3A_1004, %dma_wait3A_1010, %dma_wait3A_1011] : memref<4096x200x64xf32, #tpu.memory_space<hbm>> -> memref<1x200x64xf32, #tpu.memory_space<hbm>>
    %dma_wait3A_1013 = tpu.memref_squeeze %dma_wait3A_1012 : memref<1x200x64xf32, #tpu.memory_space<hbm>> -> memref<200x64xf32, #tpu.memory_space<hbm>>
    %dma_wait3A_1014 = arith.constant 0 : i32
    %dma_wait3A_1015 = arith.constant 0 : i32
    %dma_wait3A_1016 = tpu.memref_slice %arg7[%add3A_1004, %dma_wait3A_1014, %dma_wait3A_1015] : memref<4096x200x64xf32, #tpu.memory_space<hbm>> -> memref<1x200x64xf32, #tpu.memory_space<hbm>>
    %dma_wait3A_1017 = tpu.memref_squeeze %dma_wait3A_1016 : memref<1x200x64xf32, #tpu.memory_space<hbm>> -> memref<200x64xf32, #tpu.memory_space<hbm>>
    %dma_wait3A_1018 = arith.constant 0 : i32
    %dma_wait3A_1019 = arith.constant 0 : i32
    %dma_wait3A_1020 = tpu.memref_slice %arg13[%dma_wait3A_1005, %dma_wait3A_1018, %dma_wait3A_1019] : memref<4x200x64xf32, #tpu.memory_space<vmem>> -> memref<1x200x64xf32, #tpu.memory_space<vmem>>
    %dma_wait3A_1021 = tpu.memref_squeeze %dma_wait3A_1020 : memref<1x200x64xf32, #tpu.memory_space<vmem>> -> memref<200x64xf32, #tpu.memory_space<vmem>>
    tpu.wait_dma2 semaphore(%arg28 : memref<!tpu.dma_semaphore, #tpu.memory_space<semaphore_mem>>) src(%dma_wait3A_1021 : memref<200x64xf32, #tpu.memory_space<vmem>>) dst(%dma_wait3A_1017 : memref<200x64xf32, #tpu.memory_space<hbm>>)
    %dma_wait3A_1022 = arith.constant 1 : i32
    %dma_wait3A_1023 = arith.constant 0 : i32
    %dma_wait3A_1024 = arith.constant 0 : i32
    %dma_wait3A_1025 = tpu.memref_slice %arg14[%dma_wait3A_1022, %dma_wait3A_1023, %dma_wait3A_1024] : memref<4x200x64xf32, #tpu.memory_space<vmem>> -> memref<1x200x64xf32, #tpu.memory_space<vmem>>
    %dma_wait3A_1026 = tpu.memref_squeeze %dma_wait3A_1025 : memref<1x200x64xf32, #tpu.memory_space<vmem>> -> memref<200x64xf32, #tpu.memory_space<vmem>>
    %dma_wait3A_1027 = arith.constant 0 : i32
    %dma_wait3A_1028 = arith.constant 0 : i32
    %dma_wait3A_1029 = tpu.memref_slice %arg8[%add3A_1004, %dma_wait3A_1027, %dma_wait3A_1028] : memref<4096x200x64xf32, #tpu.memory_space<hbm>> -> memref<1x200x64xf32, #tpu.memory_space<hbm>>
    %dma_wait3A_1030 = tpu.memref_squeeze %dma_wait3A_1029 : memref<1x200x64xf32, #tpu.memory_space<hbm>> -> memref<200x64xf32, #tpu.memory_space<hbm>>
    %dma_wait3A_1031 = arith.constant 0 : i32
    %dma_wait3A_1032 = arith.constant 0 : i32
    %dma_wait3A_1033 = tpu.memref_slice %arg8[%add3A_1004, %dma_wait3A_1031, %dma_wait3A_1032] : memref<4096x200x64xf32, #tpu.memory_space<hbm>> -> memref<1x200x64xf32, #tpu.memory_space<hbm>>
    %dma_wait3A_1034 = tpu.memref_squeeze %dma_wait3A_1033 : memref<1x200x64xf32, #tpu.memory_space<hbm>> -> memref<200x64xf32, #tpu.memory_space<hbm>>
    %dma_wait3A_1035 = arith.constant 0 : i32
    %dma_wait3A_1036 = arith.constant 0 : i32
    %dma_wait3A_1037 = tpu.memref_slice %arg14[%dma_wait3A_1022, %dma_wait3A_1035, %dma_wait3A_1036] : memref<4x200x64xf32, #tpu.memory_space<vmem>> -> memref<1x200x64xf32, #tpu.memory_space<vmem>>
    %dma_wait3A_1038 = tpu.memref_squeeze %dma_wait3A_1037 : memref<1x200x64xf32, #tpu.memory_space<vmem>> -> memref<200x64xf32, #tpu.memory_space<vmem>>
    tpu.wait_dma2 semaphore(%arg28 : memref<!tpu.dma_semaphore, #tpu.memory_space<semaphore_mem>>) src(%dma_wait3A_1038 : memref<200x64xf32, #tpu.memory_space<vmem>>) dst(%dma_wait3A_1034 : memref<200x64xf32, #tpu.memory_space<hbm>>)
    %add3A_1039 = arith.constant 126 : i32
    %add3A_1040 = arith.addi %mul3A_2, %add3A_1039 : i32
    %dma_wait3A_1041 = arith.constant 2 : i32
    %dma_wait3A_1042 = arith.constant 0 : i32
    %dma_wait3A_1043 = arith.constant 0 : i32
    %dma_wait3A_1044 = tpu.memref_slice %arg13[%dma_wait3A_1041, %dma_wait3A_1042, %dma_wait3A_1043] : memref<4x200x64xf32, #tpu.memory_space<vmem>> -> memref<1x200x64xf32, #tpu.memory_space<vmem>>
    %dma_wait3A_1045 = tpu.memref_squeeze %dma_wait3A_1044 : memref<1x200x64xf32, #tpu.memory_space<vmem>> -> memref<200x64xf32, #tpu.memory_space<vmem>>
    %dma_wait3A_1046 = arith.constant 0 : i32
    %dma_wait3A_1047 = arith.constant 0 : i32
    %dma_wait3A_1048 = tpu.memref_slice %arg7[%add3A_1040, %dma_wait3A_1046, %dma_wait3A_1047] : memref<4096x200x64xf32, #tpu.memory_space<hbm>> -> memref<1x200x64xf32, #tpu.memory_space<hbm>>
    %dma_wait3A_1049 = tpu.memref_squeeze %dma_wait3A_1048 : memref<1x200x64xf32, #tpu.memory_space<hbm>> -> memref<200x64xf32, #tpu.memory_space<hbm>>
    %dma_wait3A_1050 = arith.constant 0 : i32
    %dma_wait3A_1051 = arith.constant 0 : i32
    %dma_wait3A_1052 = tpu.memref_slice %arg7[%add3A_1040, %dma_wait3A_1050, %dma_wait3A_1051] : memref<4096x200x64xf32, #tpu.memory_space<hbm>> -> memref<1x200x64xf32, #tpu.memory_space<hbm>>
    %dma_wait3A_1053 = tpu.memref_squeeze %dma_wait3A_1052 : memref<1x200x64xf32, #tpu.memory_space<hbm>> -> memref<200x64xf32, #tpu.memory_space<hbm>>
    %dma_wait3A_1054 = arith.constant 0 : i32
    %dma_wait3A_1055 = arith.constant 0 : i32
    %dma_wait3A_1056 = tpu.memref_slice %arg13[%dma_wait3A_1041, %dma_wait3A_1054, %dma_wait3A_1055] : memref<4x200x64xf32, #tpu.memory_space<vmem>> -> memref<1x200x64xf32, #tpu.memory_space<vmem>>
    %dma_wait3A_1057 = tpu.memref_squeeze %dma_wait3A_1056 : memref<1x200x64xf32, #tpu.memory_space<vmem>> -> memref<200x64xf32, #tpu.memory_space<vmem>>
    tpu.wait_dma2 semaphore(%arg29 : memref<!tpu.dma_semaphore, #tpu.memory_space<semaphore_mem>>) src(%dma_wait3A_1057 : memref<200x64xf32, #tpu.memory_space<vmem>>) dst(%dma_wait3A_1053 : memref<200x64xf32, #tpu.memory_space<hbm>>)
    %dma_wait3A_1058 = arith.constant 2 : i32
    %dma_wait3A_1059 = arith.constant 0 : i32
    %dma_wait3A_1060 = arith.constant 0 : i32
    %dma_wait3A_1061 = tpu.memref_slice %arg14[%dma_wait3A_1058, %dma_wait3A_1059, %dma_wait3A_1060] : memref<4x200x64xf32, #tpu.memory_space<vmem>> -> memref<1x200x64xf32, #tpu.memory_space<vmem>>
    %dma_wait3A_1062 = tpu.memref_squeeze %dma_wait3A_1061 : memref<1x200x64xf32, #tpu.memory_space<vmem>> -> memref<200x64xf32, #tpu.memory_space<vmem>>
    %dma_wait3A_1063 = arith.constant 0 : i32
    %dma_wait3A_1064 = arith.constant 0 : i32
    %dma_wait3A_1065 = tpu.memref_slice %arg8[%add3A_1040, %dma_wait3A_1063, %dma_wait3A_1064] : memref<4096x200x64xf32, #tpu.memory_space<hbm>> -> memref<1x200x64xf32, #tpu.memory_space<hbm>>
    %dma_wait3A_1066 = tpu.memref_squeeze %dma_wait3A_1065 : memref<1x200x64xf32, #tpu.memory_space<hbm>> -> memref<200x64xf32, #tpu.memory_space<hbm>>
    %dma_wait3A_1067 = arith.constant 0 : i32
    %dma_wait3A_1068 = arith.constant 0 : i32
    %dma_wait3A_1069 = tpu.memref_slice %arg8[%add3A_1040, %dma_wait3A_1067, %dma_wait3A_1068] : memref<4096x200x64xf32, #tpu.memory_space<hbm>> -> memref<1x200x64xf32, #tpu.memory_space<hbm>>
    %dma_wait3A_1070 = tpu.memref_squeeze %dma_wait3A_1069 : memref<1x200x64xf32, #tpu.memory_space<hbm>> -> memref<200x64xf32, #tpu.memory_space<hbm>>
    %dma_wait3A_1071 = arith.constant 0 : i32
    %dma_wait3A_1072 = arith.constant 0 : i32
    %dma_wait3A_1073 = tpu.memref_slice %arg14[%dma_wait3A_1058, %dma_wait3A_1071, %dma_wait3A_1072] : memref<4x200x64xf32, #tpu.memory_space<vmem>> -> memref<1x200x64xf32, #tpu.memory_space<vmem>>
    %dma_wait3A_1074 = tpu.memref_squeeze %dma_wait3A_1073 : memref<1x200x64xf32, #tpu.memory_space<vmem>> -> memref<200x64xf32, #tpu.memory_space<vmem>>
    tpu.wait_dma2 semaphore(%arg29 : memref<!tpu.dma_semaphore, #tpu.memory_space<semaphore_mem>>) src(%dma_wait3A_1074 : memref<200x64xf32, #tpu.memory_space<vmem>>) dst(%dma_wait3A_1070 : memref<200x64xf32, #tpu.memory_space<hbm>>)
    %add3A_1075 = arith.constant 127 : i32
    %add3A_1076 = arith.addi %mul3A_2, %add3A_1075 : i32
    %dma_wait3A_1077 = arith.constant 3 : i32
    %dma_wait3A_1078 = arith.constant 0 : i32
    %dma_wait3A_1079 = arith.constant 0 : i32
    %dma_wait3A_1080 = tpu.memref_slice %arg13[%dma_wait3A_1077, %dma_wait3A_1078, %dma_wait3A_1079] : memref<4x200x64xf32, #tpu.memory_space<vmem>> -> memref<1x200x64xf32, #tpu.memory_space<vmem>>
    %dma_wait3A_1081 = tpu.memref_squeeze %dma_wait3A_1080 : memref<1x200x64xf32, #tpu.memory_space<vmem>> -> memref<200x64xf32, #tpu.memory_space<vmem>>
    %dma_wait3A_1082 = arith.constant 0 : i32
    %dma_wait3A_1083 = arith.constant 0 : i32
    %dma_wait3A_1084 = tpu.memref_slice %arg7[%add3A_1076, %dma_wait3A_1082, %dma_wait3A_1083] : memref<4096x200x64xf32, #tpu.memory_space<hbm>> -> memref<1x200x64xf32, #tpu.memory_space<hbm>>
    %dma_wait3A_1085 = tpu.memref_squeeze %dma_wait3A_1084 : memref<1x200x64xf32, #tpu.memory_space<hbm>> -> memref<200x64xf32, #tpu.memory_space<hbm>>
    %dma_wait3A_1086 = arith.constant 0 : i32
    %dma_wait3A_1087 = arith.constant 0 : i32
    %dma_wait3A_1088 = tpu.memref_slice %arg7[%add3A_1076, %dma_wait3A_1086, %dma_wait3A_1087] : memref<4096x200x64xf32, #tpu.memory_space<hbm>> -> memref<1x200x64xf32, #tpu.memory_space<hbm>>
    %dma_wait3A_1089 = tpu.memref_squeeze %dma_wait3A_1088 : memref<1x200x64xf32, #tpu.memory_space<hbm>> -> memref<200x64xf32, #tpu.memory_space<hbm>>
    %dma_wait3A_1090 = arith.constant 0 : i32
    %dma_wait3A_1091 = arith.constant 0 : i32
    %dma_wait3A_1092 = tpu.memref_slice %arg13[%dma_wait3A_1077, %dma_wait3A_1090, %dma_wait3A_1091] : memref<4x200x64xf32, #tpu.memory_space<vmem>> -> memref<1x200x64xf32, #tpu.memory_space<vmem>>
    %dma_wait3A_1093 = tpu.memref_squeeze %dma_wait3A_1092 : memref<1x200x64xf32, #tpu.memory_space<vmem>> -> memref<200x64xf32, #tpu.memory_space<vmem>>
    tpu.wait_dma2 semaphore(%arg30 : memref<!tpu.dma_semaphore, #tpu.memory_space<semaphore_mem>>) src(%dma_wait3A_1093 : memref<200x64xf32, #tpu.memory_space<vmem>>) dst(%dma_wait3A_1089 : memref<200x64xf32, #tpu.memory_space<hbm>>)
    %dma_wait3A_1094 = arith.constant 3 : i32
    %dma_wait3A_1095 = arith.constant 0 : i32
    %dma_wait3A_1096 = arith.constant 0 : i32
    %dma_wait3A_1097 = tpu.memref_slice %arg14[%dma_wait3A_1094, %dma_wait3A_1095, %dma_wait3A_1096] : memref<4x200x64xf32, #tpu.memory_space<vmem>> -> memref<1x200x64xf32, #tpu.memory_space<vmem>>
    %dma_wait3A_1098 = tpu.memref_squeeze %dma_wait3A_1097 : memref<1x200x64xf32, #tpu.memory_space<vmem>> -> memref<200x64xf32, #tpu.memory_space<vmem>>
    %dma_wait3A_1099 = arith.constant 0 : i32
    %dma_wait3A_1100 = arith.constant 0 : i32
    %dma_wait3A_1101 = tpu.memref_slice %arg8[%add3A_1076, %dma_wait3A_1099, %dma_wait3A_1100] : memref<4096x200x64xf32, #tpu.memory_space<hbm>> -> memref<1x200x64xf32, #tpu.memory_space<hbm>>
    %dma_wait3A_1102 = tpu.memref_squeeze %dma_wait3A_1101 : memref<1x200x64xf32, #tpu.memory_space<hbm>> -> memref<200x64xf32, #tpu.memory_space<hbm>>
    %dma_wait3A_1103 = arith.constant 0 : i32
    %dma_wait3A_1104 = arith.constant 0 : i32
    %dma_wait3A_1105 = tpu.memref_slice %arg8[%add3A_1076, %dma_wait3A_1103, %dma_wait3A_1104] : memref<4096x200x64xf32, #tpu.memory_space<hbm>> -> memref<1x200x64xf32, #tpu.memory_space<hbm>>
    %dma_wait3A_1106 = tpu.memref_squeeze %dma_wait3A_1105 : memref<1x200x64xf32, #tpu.memory_space<hbm>> -> memref<200x64xf32, #tpu.memory_space<hbm>>
    %dma_wait3A_1107 = arith.constant 0 : i32
    %dma_wait3A_1108 = arith.constant 0 : i32
    %dma_wait3A_1109 = tpu.memref_slice %arg14[%dma_wait3A_1094, %dma_wait3A_1107, %dma_wait3A_1108] : memref<4x200x64xf32, #tpu.memory_space<vmem>> -> memref<1x200x64xf32, #tpu.memory_space<vmem>>
    %dma_wait3A_1110 = tpu.memref_squeeze %dma_wait3A_1109 : memref<1x200x64xf32, #tpu.memory_space<vmem>> -> memref<200x64xf32, #tpu.memory_space<vmem>>
    tpu.wait_dma2 semaphore(%arg30 : memref<!tpu.dma_semaphore, #tpu.memory_space<semaphore_mem>>) src(%dma_wait3A_1110 : memref<200x64xf32, #tpu.memory_space<vmem>>) dst(%dma_wait3A_1106 : memref<200x64xf32, #tpu.memory_space<hbm>>)
    return
  }
}

</mosaic_0001>

<sc_bundles>
// kernel: kernel.3.cloned.1.call-start
scs
__scs_entry_jumppad:
0x0: {  	(pc) =	sbr.rel $0x88, $3  }
0x1: {  	(tag) =	ssettag $0x0;
	lr =	simm.s32 $0x1  }
0x2: {  	[smem:$0x3F9C] =	sst lr;
	_ =	strace $0xD0000000  }
0x3: {  	_ = 	snop  }
0x4: {  	_ = 	snop  }
0x5: {  	_ = 	snop  }
0x6: {  	_ = 	snop  }
0x7: {  	_ = 	snop  }
__scs_overlays_trampoline_lowered:
0x8: {  	[smem:$0x3FAB] =	sst s0  }
0x9: {  	[smem:$0x3FAC] =	sst s1  }
0xa: {  	[smem:$0x3FAD] =	sst s2  }
0xb: {  	[smem:$0x3FAE] =	sst s3  }
0xc: {  	[smem:$0x3FAF] =	sst s4  }
0xd: {  	[smem:$0x3FB0] =	sst s5  }
0xe: {  	[smem:$0x3FB1] =	sst s6  }
0xf: {  	[smem:$0x3FB2] =	sst s7  }
0x10: {  	[smem:$0x3FB3] =	sst s8  }
0x11: {  	[smem:$0x3FB4] =	sst s9;
	s0 =	simm.s32 @!p0 $0x0  }
0x12: {  	s1 =	sld [smem:$0x3F9A];
	s0 =	simm.s32 @p0 $0x1  }
0x13: {  	[smem:$0x3FB5] =	sst s0;
	s0 =	simm.s32 @!p1 $0x0  }
0x14: {  	s2 =	sld [smem:$0x3F99];
	s0 =	simm.s32 @p1 $0x1  }
0x15: {  	[smem:$0x3FB6] =	sst s0;
	s0 =	simm.s32 @!p2 $0x0  }
0x16: {  	s3 =	sld [smem:$0x3FDB];
	s0 =	simm.s32 @p2 $0x1  }
0x17: {  	s4 =	simm.s32 $0x1BF5;
	[smem:$0x3FB8] =	sst s0  }
0x18: {  	s0 =	sld [smem:$0x3F9B];
	_ =	swait.ge [sflag:s4], $0x0  }
0x19: {  	s7 =	sld [smem:$0x3F9C]  }
0x1a: {  	s8 =	sadd.s32 $0xFFFFE003, lr  }
0x1b: {  	s9 =	sadd.s32 $0xFFFFFEF7, lr;
	s5 =	simm.s32 $0xFFFFFFFF;
	p2 =	slt.u32 s8, $0xFFFFF086  }
0x1c: {  	p1 =	slt.u32 s9, $0xF7A;
	s5 =	simm.s32 @!p2 $0x0  }
0x1d: {  	s5 =	simm.s32 @p1 $0x1;
	p0 =	seq.s32 s7, s2  }
0x1e: {  	s7 =	smul.u32 @!p0 $0xF7A, s2;
	p2 =	seq.s32 @!p0 s5, $0x0  }
0x1f: {  	s9 =	smul.u32 $0xF7A, s1;
	s8 =	simm.s32 @!p0 $0x1BF5;
	p2 =	por !p2, p0  }
0x20: {  	[sflag:s8] =	ssyncset.s32 @!p0 $0xFFFFF086;
	s6 =	sadd.s32 @!p0 s3, s7;
	s7 =	simm.s32 @!p0 $0x108  }
0x21: {  	s3 =	sadd.s32 s3, s9;
	s6 =	sadd.s32 @!p0 $0x88, s6;
	s7 =	simm.s32 @p2 $0x1082  }
0x22: {  	[simem:s7], [sflag:s8] =	dma.local @!p0 [hbm:s6], $0xF7A  }
0x23: {  	s9 =	sor.u32 $0xD0000000, s2;
	s6 =	simm.s32 $0x108;
	_ =	swait.ge @!p0 [sflag:s8], $0x0  }
0x24: {  	s3 =	sadd.s32 $0x88, s3;
	s6 =	simm.s32 @!p1 $0x1082;
	[sflag:s4] =	ssyncset.s32 $0xFFFFF086  }
0x25: {  	[simem:s6], [sflag:s4] =	dma.local [hbm:s3], $0xF7A  }
0x26: {  	[smem:$0x3F9C] =	sst s1;
	(tag) =	ssettag s2;
	_ =	strace s9  }
0x27: {  	s1 =	sld [smem:$0x3FAC]  }
0x28: {  	s2 =	sld [smem:$0x3FAD]  }
0x29: {  	s4 =	sld [smem:$0x3FAF]  }
0x2a: {  	p0 =	seq.s32 s5, $0x0;
	s5 =	sld [smem:$0x3FB0]  }
0x2b: {  	s6 =	sld [smem:$0x3FB1]  }
0x2c: {  	s7 =	sld [smem:$0x3FB2]  }
0x2d: {  	s3 =	simm.s32 $0x108;
	s8 =	sld [smem:$0x3FB3]  }
0x2e: {  	s3 =	simm.s32 @!p0 $0x1082;
	s9 =	sld [smem:$0x3FB4]  }
0x2f: {  	lr =	sadd.s32 s0, s3;
	s0 =	sld [smem:$0x3FAB]  }
0x30: {  	s3 =	sld [smem:$0x3FAE]  }
0x31: {  	[smem:$0x3FB7] =	sst s10  }
0x32: {  	s10 =	sld [smem:$0x3FB5];
	_ =	sdelay $0x3  }
0x33: {  	p0 =	seq.s32 s10, $0x1;
	s10 =	sld [smem:$0x3FB7];
	_ =	sdelay $0x3  }
0x34: {  	[smem:$0x3FB7] =	sst s10  }
0x35: {  	s10 =	sld [smem:$0x3FB6];
	_ =	sdelay $0x3  }
0x36: {  	p1 =	seq.s32 s10, $0x1;
	s10 =	sld [smem:$0x3FB7];
	_ =	sdelay $0x3  }
0x37: {  	[smem:$0x3FB7] =	sst s10  }
0x38: {  	s10 =	sld [smem:$0x3FB8]  }
0x39: {  	_ = 	snop;
	(pc) =	sbr.ind lr, $3  }
0x3a: {  	_ = 	snop  }
0x3b: {  	_ = 	snop  }
0x3c: {  	p2 =	seq.s32 s10, $0x1;
	s10 =	sld [smem:$0x3FB7]  }
0x3d: {  	_ =	shalt  }
0x3e: {  	_ =	shalt  }
0x3f: {  	_ =	shalt  }
0x40: {  	_ =	shalt  }
0x41: {  	_ =	shalt  }
0x42: {  	_ =	shalt  }
0x43: {  	_ =	shalt  }
0x44: {  	_ =	shalt  }
0x45: {  	_ =	shalt  }
0x46: {  	_ =	shalt  }
0x47: {  	_ =	shalt  }
0x48: {  	_ =	shalt  }
0x49: {  	_ =	shalt  }
0x4a: {  	_ =	shalt  }
0x4b: {  	_ =	shalt  }
0x4c: {  	_ =	shalt  }
0x4d: {  	_ =	shalt  }
0x4e: {  	_ =	shalt  }
0x4f: {  	_ =	shalt  }
0x50: {  	_ =	shalt  }
0x51: {  	_ =	shalt  }
0x52: {  	_ =	shalt  }
0x53: {  	_ =	shalt  }
0x54: {  	_ =	shalt  }
0x55: {  	_ =	shalt  }
0x56: {  	_ =	shalt  }
0x57: {  	_ =	shalt  }
0x58: {  	_ =	shalt  }
0x59: {  	_ =	shalt  }
0x5a: {  	_ =	shalt  }
0x5b: {  	_ =	shalt  }
0x5c: {  	_ =	shalt  }
0x5d: {  	_ =	shalt  }
0x5e: {  	_ =	shalt  }
0x5f: {  	_ =	shalt  }
0x60: {  	_ =	shalt  }
0x61: {  	_ =	shalt  }
0x62: {  	_ =	shalt  }
0x63: {  	_ =	shalt  }
0x64: {  	_ =	shalt  }
0x65: {  	_ =	shalt  }
0x66: {  	_ =	shalt  }
0x67: {  	_ =	shalt  }
0x68: {  	_ =	shalt  }
0x69: {  	_ =	shalt  }
0x6a: {  	_ =	shalt  }
0x6b: {  	_ =	shalt  }
0x6c: {  	_ =	shalt  }
0x6d: {  	_ =	shalt  }
0x6e: {  	_ =	shalt  }
0x6f: {  	_ =	shalt  }
0x70: {  	_ =	shalt  }
0x71: {  	_ =	shalt  }
0x72: {  	_ =	shalt  }
0x73: {  	_ =	shalt  }
0x74: {  	_ =	shalt  }
0x75: {  	_ =	shalt  }
0x76: {  	_ =	shalt  }
0x77: {  	_ =	shalt  }
0x78: {  	_ =	shalt  }
0x79: {  	_ =	shalt  }
0x7a: {  	_ =	shalt  }
0x7b: {  	_ =	shalt  }
0x7c: {  	_ =	shalt  }
0x7d: {  	_ =	shalt  }
0x7e: {  	_ =	shalt  }
0x7f: {  	_ =	shalt  }
0x80: {  	_ =	shalt  }
0x81: {  	_ =	shalt  }
0x82: {  	_ =	shalt  }
0x83: {  	_ =	shalt  }
0x84: {  	_ =	shalt  }
0x85: {  	_ =	shalt  }
0x86: {  	_ =	shalt  }
0x87: {  	_ =	shalt  }
.Lfunc_end0:
.L_simem_size_0:
called_computation.2_lowered:
.L_overlay_start_0:
0x88: {  	s2 =	sld [smem:$0x3FD9]  }
0x89: {  	s3 =	sld [smem:$0x3FFE];
	_ =	sdelay $0x1  }
0x8a: {  	s1 =	srdreg.scid  }
0x8b: {  	s0 =	sand.u32 $0x1, s1  }
0x8c: {  	s14 =	sshll.u32 s0, $0xA;
	s2 =	sadd.s32 s3, s2  }
0x8d: {  	s2 =	sadd.s32 s2, s14  }
0x8e: {  	[smem:$0x3FC3] =	sst s2  }
0x8f: {  	_ = 	snop  }
0x90: {  	s2 =	sld [smem:$0x3FD0];
	_ =	sdelay $0x2  }
0x91: {  	s15 =	simm.s32 $0xB;
	s4 =	simm.s32 $0x10  }
0x92: {  	[smem:s4], [sflag:s15] =	dma.local [hbm:s2], $0x1  }
0x93: {  	_ =	swait.eq [sflag:s15], $0x1  }
0x94: {  	[sflag:s15] =	ssyncset.done $0x0  }
0x95: {  	s16 =	sld [smem:$0x10];
	[sflag:s15] =	ssyncadd.s32 $0xFFFFFFFF  }
0x96: {  	s17 =	sld [smem:$0x11];
	(tm) =	ssettm $0x1  }
0x97: {  	s18 =	sld [smem:$0x3FFB];
	_ =	sdelay $0x3  }
0x98: {  	_ =	strace s18  }
0x99: {  	s4 =	sld [smem:$0x3FFC];
	_ =	sdelay $0x3  }
0x9a: {  	_ =	strace s4  }
0x9b: {  	s4 =	sld [smem:$0x3FFD];
	_ =	sdelay $0x3  }
0x9c: {  	_ =	strace s4  }
0x9d: {  	_ =	strace $0x8FFFFFFF  }
0x9e: {  	s19 =	sld [smem:$0x3FDB];
	_ =	sdelay $0x1  }
0x9f: {  	s5 =	simm.s32 $_scs_section_size  }
0xa0: {  	s6 =	simm.s32 $_size__tile_overlayer_lowered;
	s7 =	simm.s32 $_tile_overlayer_lowered  }
0xa1: {  	s22 =	simm.s32 $0x1BFF;
	s21 =	sshll.u32 s7, $0x1;
	s4 =	sadd.s32 s5, s19  }
0xa2: {  	s8 =	simm.s32 $0x0;
	s20 =	sshll.u32 s6, $0x1;
	s6 =	sadd.s32 s21, s4  }
0xa3: {  	[timem:s8], [sflag:s22] =	dma.local [hbm:s6], s20  }
0xa4: {  	_ =	swait.ge [sflag:s22], s20  }
0xa5: {  	s5 =	ssub.s32 $0x0, s20;
	[sflag:s22] =	ssyncset.done $0x0  }
0xa6: {  	[sflag:s22] =	ssyncadd.s32 s5;
	_ =	sdelay $0x1  }
0xa7: {  	s23 =	simm.s32 $0x1B8B  }
0xa8: {  	_ =	swait.ge [sflag:s23], $0x1  }
0xa9: {  	[sflag:s23] =	ssyncset.done $0x0  }
0xaa: {  	s25 =	simm.s32 $0x1B8E;
	s24 =	sld [smem:$0x3FFE];
	[sflag:s23] =	ssyncadd.s32 $0xFFFFFFFF  }
0xab: {  	s26 =	simm.s32 $execute0_lowered;
	[smem:$0x3FD2] =	sst s25  }
0xac: {  	s6 =	sshll.u32 s26, $0x1;
	_ =	strace $0x80000046;
	[dreg:$0x1] =	wrdreg $0xFFFFFFFF  }
0xad: {  	s28 =	simm.s32 $_size_execute0_lowered;
	s4 =	sadd.s32 s4, s6;
	[dreg:$0x0] =	wrdreg $0x0  }
0xae: {  	s6 =	sshll.u32 s28, $0x1;
	[dreg:$0x2] =	wrdreg s4  }
0xaf: {  	[dreg:$0x3] =	wrdreg s6  }
0xb0: {  	[dreg:$0x4] =	wrdreg $0xC0  }
0xb1: {  	_ =	task [dreg:s8], $0x5FFFF  }
0xb2: {  	[dreg:$0x1] =	wrdreg $0xFFFFFFFF  }
0xb3: {  	[dreg:$0x0] =	wrdreg $0x60  }
0xb4: {  	[dreg:$0x2] =	wrdreg s24  }
0xb5: {  	[dreg:$0x3] =	wrdreg s16  }
0xb6: {  	[dreg:$0x4] =	wrdreg s17  }
0xb7: {  	[dreg:$0x5] =	wrdreg $0x9  }
0xb8: {  	_ =	task.clear_ibuf [dreg:s8], $0x6FFFF;
	_ =	strace $0x90000046  }
0xb9: {  	s29 =	simm.s32 $0x9;
	_ =	strace $0x80000048  }
0xba: {  	_ =	swait.ge [sflag:s29], $0x1  }
0xbb: {  	[sflag:s29] =	ssyncadd.s32 $0xFFFFFFFF  }
0xbc: {  	_ =	strace $0x90000048  }
0xbd: {  	_ =	sfence  }
0xbe: {  	s30 =	sld [smem:$0x0];
	_ =	sdelay $0x2  }
0xbf: {  	s31 =	sshll.u32 s1, $0xD;
	s1 =	sshrl.u32 s1, $0x2  }
0xc0: {  	s3 =	sand.u32 $0x4000, s31;
	s1 =	sadd.s32 s1, s30  }
0xc1: {  	s0 =	sor.u32 s3, s0;
	s1 =	sshll.u32 s1, $0x11  }
0xc2: {  	s0 =	sor.u32 s1, s0  }
0xc3: {  	s0 =	sadd.s32 $0x8F2B, s0  }
0xc4: {  	[sflag:s0] =	ssyncadd.remote.s32 $0x1  }
0xc5: {  	_ =	sfence.sel $0xFFFF  }
0xc6: {  	[dreg:$0x0] =	wrdreg $0xFFFFFFFF;
	(pc) =	sbr.abs _section_cstart, $3  }
0xc7: {  	[dreg:$0x1] =	wrdreg $0xFFFFFFFF  }
0xc8: {  	_ =	task.clear_ibuf [dreg:s8], $0x2FFFF;
	_ =	strace $0x9FFFFFFF  }
0xc9: {  	(tm) =	ssettm $0x7FFFFFFF  }
tec
execute0_lowered:
.L_overlay_start_1:
0x0: {  	(tag) =	ssettag $0x1  }
0x1: {  	s0 =	rddreg [dreg:$0x0]  }
0x2: {  	s1 =	rddreg [dreg:$0x1]  }
0x3: {  	s2 =	rddreg [dreg:$0x2];
	s3 =	simm.s32 $0x0;
	s7 =	srdreg.scid  }
0x4: {  	s13 =	stileid.u32;
	s30 =	simm.s32 $0x1;
	s29 =	simm.s32 $0x10600  }
0x5: {  	s28 =	simm.s32 $0xA200;
	s31 =	simm.s32 $0x7;
	[smem:$0x7FF] =	sst s3  }
0x6: {  	s4 =	sadd.s32 $0xE4E00, s0;
	s5 =	sadd.s32 $0xC4E00, s0;
	s6 =	sadd.s32 $0x1800, s0  }
0x7: {  	s7 =	sand.u32 $0x1, s7;
	s8 =	sadd.s32 $0x105600, s0;
	s24 =	sadd.s32 $0x104E00, s0  }
0x8: {  	s11 =	sshll.u32 s13, $0x8;
	s12 =	smul.u32 $0x32, s13;
	s10 =	sadd.s32 $0x105800, s0  }
0x9: {  	s26 =	sand.u32 $0x3, s13;
	_ =	strace $0x80000047;
	[dreg:$0x4] =	wrdreg s8  }
0xa: {  	s15 =	sshll.u32 s13, $0x4;
	s13 =	simm.s32 $0x6;
	[dreg:$0x5] =	wrdreg s24  }
0xb: {  	s25 =	ssub.s32 $0x2, s7;
	s14 =	smul.u32 $0x320, s7;
	s7 =	sshll.u32 s7, $0x7  }
0xc: {  	v14 =	vlaneseq.u32;
	v6 =	vimm.s32 $0xC3C2C1C0;
	v7 =	vimm.s32 $0x76543210;
	s8 =	sand.u32 $0xC0, s15;
	s15 =	simm.s32 $0x28;
	s9 =	sshrl.u32 s25, $0x1  }
0xd: {  	v8 =	vimm.s32 $0xC7C6C5C4;
	vm0 =	vcmask $0x1F10;
	v1 =	vor.u32 $0x10, v14;
	s11 =	sor.u32 s7, s11;
	[dreg:$0x6] =	wrdreg s8;
	s7 =	smul.u32 $0x3200, s26  }
0xe: {  	v2 =	vor.u32 $0x20, v14;
	v3 =	vor.u32 $0x30, v14;
	v4 =	vor.u32 $0x40, v14;
	s0 =	ssub.s32 s25, s9;
	s16 =	sadd.s32 s12, s14;
	s18 =	sshll.u32 s11, $0x5  }
0xf: {  	v5 =	vor.u32 $0x50, v14;
	v7 =	vunpack.c.l.s4.s8 v7;
	v9 =	vor.u32 $0x60, v14;
	s17 =	sshll.u32 s16, $0x3;
	s19 =	sadd.s32 s4, s18;
	s20 =	sor.u32 $0x20, s18  }
0x10: {  	v10 =	vunpack.c.0.s8.s32 v6;
	v8 =	vunpack.c.0.s8.s32 v8;
	v11 =	vor.u32 $0x70, v14;
	s21 =	sadd.s32 s5, s18;
	s23 =	sor.u32 $0x40, s18;
	s9 =	sor.u32 $0x60, s18  }
0x11: {  	v15 =	vadd.s32 $0x18, v14;
	v16 =	vadd.s32 $0x28, v14;
	v12 =	vunpack.c.0.s8.s32 v7;
	s7 =	sshrl.u32 s7, $0x2;
	s0 =	smax.u32 s0, $0x1;
	[dreg:$0x8] =	wrdreg s19  }
0x12: {  	v8 =	vsel vm0, v8, v10;
	v10 =	vor.u32 $0x90, v14;
	v6 =	vadd.s32 s14, v9;
	s18 =	simm.s32 $0x3;
	s8 =	sadd.s32 s10, s17;
	[dreg:$0x9] =	wrdreg s21  }
0x13: {  	v7 =	vadd.s32 s14, v11;
	v9 =	vor.u32 $0x80, v14;
	v11 =	vcombine.low v8, v12;
	s22 =	sadd.s32 s4, s20;
	s24 =	sadd.s32 s4, s23;
	[dreg:$0x10] =	wrdreg s0  }
0x14: {  	v0 =	vor.u32 s14, v14;
	v8 =	vadd.s32 s14, v9;
	v9 =	vadd.s32 s14, v10;
	s25 =	sadd.s32 s4, s9;
	s26 =	sadd.s32 s5, s9;
	[dreg:$0x7] =	wrdreg s8  }
0x15: {  	v10 =	vor.u32 $0xA0, v14;
	v12 =	vor.u32 $0xB0, v14;
	s16 =	sadd.s32 $0x19C20, s7;
	s0 =	simm.s32 $0x50;
	[dreg:$0xa] =	wrdreg s22;
	v13 =	vand.u32 $0xFF, v11  }
0x16: {  	s21 =	simm.s32 $0x3E00;
	s7 =	simm.s32 $0x5;
	[dreg:$0xc] =	wrdreg s24;
	v11 =	vadd.s32 s14, v12;
	v12 =	vadd.s32 s14, v13;
	v13 =	vadd.s32 $0x8, v14  }
.Ltmp0:
0x17: {  	s9 =	simm.s32 $0x16A00;
	[dreg:$0xe] =	wrdreg s25;
	v14 =	vadd.s32 s14, v15;
	v15 =	vadd.s32 s14, v16;
	v16 =	vmov s16;
	(pc) =	sbr.rel .LBB2_1-.Ltmp0, $4  }
0x18: {  	s8 =	sadd.s32 s5, s20;
	[dreg:$0xf] =	wrdreg s26;
	s22 =	sor.u32 $0x4, s11  }
0x19: {  	v1 =	vor.u32 s14, v1;
	s24 =	simm.s32 $0xC00;
	s20 =	simm.s32 $0x2;
	s25 =	simm.s32 $0x4  }
0x1a: {  	v2 =	vadd.s32 s14, v2;
	v3 =	vadd.s32 s14, v3;
	v4 =	vadd.s32 s14, v4;
	[dreg:$0xb] =	wrdreg s8;
	s8 =	sadd.s32 s5, s23;
	s16 =	simm.s32 $0x0  }
0x1b: {  	v5 =	vadd.s32 s14, v5;
	v10 =	vadd.s32 s14, v10;
	[dreg:$0xd] =	wrdreg s8;
	s8 =	simm.s32 $0xD400;
	v13 =	vor.u32 s14, v13;
	s14 =	simm.s32 $0x8  }
.LBB2_28:
0x1c: {  	s12 =	simm.s32 $0x9  }
0x1d: {  	_ =	swait.ge [sflag:s12], $0x3200  }
0x1e: {  	[sflag:s12] =	ssyncset.done $0x0  }
0x1f: {  	[sflag:s12] =	ssyncadd.s32 $0xFFFFCE00  }
0x20: {  	_ =	swait.ge [sflag:s12], $0x3200  }
0x21: {  	[sflag:s12] =	ssyncset.done $0x0  }
0x22: {  	s19 =	simm.s32 $0xA;
	[sflag:s12] =	ssyncadd.s32 $0xFFFFCE00  }
0x23: {  	_ =	swait.ge [sflag:s19], $0x3200  }
0x24: {  	[sflag:s19] =	ssyncset.done $0x0  }
0x25: {  	[sflag:s19] =	ssyncadd.s32 $0xFFFFCE00  }
0x26: {  	_ =	swait.ge [sflag:s19], $0x3200  }
0x27: {  	[sflag:s19] =	ssyncset.done $0x0  }
0x28: {  	s23 =	simm.s32 $0xB;
	[sflag:s19] =	ssyncadd.s32 $0xFFFFCE00  }
0x29: {  	_ =	swait.ge [sflag:s23], $0x3200  }
0x2a: {  	[sflag:s23] =	ssyncset.done $0x0  }
0x2b: {  	[sflag:s23] =	ssyncadd.s32 $0xFFFFCE00  }
0x2c: {  	_ =	swait.ge [sflag:s23], $0x3200  }
0x2d: {  	[sflag:s23] =	ssyncset.done $0x0  }
0x2e: {  	s17 =	simm.s32 $0xC;
	[sflag:s23] =	ssyncadd.s32 $0xFFFFCE00  }
0x2f: {  	_ =	swait.ge [sflag:s17], $0x3200  }
0x30: {  	[sflag:s17] =	ssyncset.done $0x0  }
0x31: {  	[sflag:s17] =	ssyncadd.s32 $0xFFFFCE00  }
0x32: {  	_ =	swait.ge [sflag:s17], $0x3200  }
0x33: {  	s16 =	sadd.s32 $0x1, s16;
	s26 =	rddreg [dreg:$0x10]  }
0x34: {  	p0 =	sne.s32 s16, s26  }
.Ltmp1:
0x35: {  	_ = 	snop;
	(pc) =	sbr.rel @!p0 .LBB2_29-.Ltmp1, $3  }
0x36: {  	_ =	sdelay $0x1  }
0x37: {  	[sflag:s17] =	ssyncset.done $0x0  }
0x38: {  	[sflag:s17] =	ssyncadd.s32 $0xFFFFCE00  }
.LBB2_1:
0x39: {  	s12 =	rddreg [dreg:$0x5];
	s17 =	simm.s32 $0x19C00  }
0x3a: {  	[tilespmem:s17], [sflag:$0xD] =	stream.linear.gather [hbm4b:s12+s3], $0x3200, $0x38;
	[tilespmem:$0x1DC80] =	vst v63  }
0x3b: {  	s19 =	simm.s32 $0x1CF00;
	s23 =	simm.s32 $0xD;
	s17 =	rddreg [dreg:$0x4]  }
0x3c: {  	[tilespmem:s19], [sflag:$0xD] =	stream.linear.gather [hbm4b:s17+s3], $0x100, $0x38;
	[tilespmem:$0x1DC80] =	vst v63  }
0x3d: {  	_ =	swait.ge [sflag:s23], $0x3200  }
0x3e: {  	[sflag:s23] =	ssyncset.done $0x0  }
0x3f: {  	[sflag:s23] =	ssyncadd.s32 $0xFFFFCE00  }
0x40: {  	_ =	swait.ge [sflag:s23], $0x100  }
0x41: {  	[sflag:s23] =	ssyncset.done $0x0  }
0x42: {  	[sflag:s23] =	ssyncadd.s32 $0xFFFFFF00  }
0x43: {  	[tilespmem:$0x1CE00] =	vst v0  }
0x44: {  	[tilespmem:$0x1CE10] =	vst v1  }
0x45: {  	[tilespmem:$0x1CE20] =	vst v2  }
0x46: {  	[tilespmem:$0x1CE30] =	vst v3  }
0x47: {  	[tilespmem:$0x1CE40] =	vst v4  }
0x48: {  	[tilespmem:$0x1CE50] =	vst v5  }
0x49: {  	[tilespmem:$0x1CE60] =	vst v6  }
0x4a: {  	[tilespmem:$0x1CE70] =	vst v7  }
0x4b: {  	[tilespmem:$0x1CE80] =	vst v8  }
0x4c: {  	[tilespmem:$0x1CE90] =	vst v9  }
0x4d: {  	[tilespmem:$0x1CEA0] =	vst v10  }
0x4e: {  	[tilespmem:$0x1CEB0] =	vst v11  }
0x4f: {  	[tilespmem:$0x1CEC0] =	vst v12  }
0x50: {  	[tilespmem:$0x1CED0] =	vst v13  }
0x51: {  	[tilespmem:$0x1CEE0] =	vst v14  }
0x52: {  	s26 =	rddreg [dreg:$0x6];
	[tilespmem:$0x1CEF0] =	vst v15  }
0x53: {  	v20 =	vld [tilespmem:s26+$0x1CF00]  }
0x54: {  	v19 =	vld [tilespmem:s26+$0x1CF10]  }
0x55: {  	v18 =	vld [tilespmem:s26+$0x1CF20]  }
0x56: {  	s17 =	simm.s32 $0x0;
	v17 =	vld [tilespmem:s26+$0x1CF30];
	s26 =	simm.s32 $0x100  }
.LBB2_2:
0x57: {  	p0 =	sne.s32 s26, $0x3100;
	v21 =	vld.idx.msk [tilespmem:v16+s17+$0xFFFFFFE0 ss:$0x1], $0xffff;
	_ =	sdelay $0x5  }
0x58: {  	v21 =	vadd.f32 v21, v20;
	_ =	sdelay $0x1  }
0x59: {  	[tilespmem:s17+$0x1D000] =	vst v21  }
0x5a: {  	v21 =	vld.idx.msk [tilespmem:v16+s17+$0xFFFFFFF0 ss:$0x1], $0xffff;
	_ =	sdelay $0x5  }
0x5b: {  	v21 =	vadd.f32 v21, v19;
	_ =	sdelay $0x1  }
0x5c: {  	[tilespmem:s17+$0x1D010] =	vst v21  }
0x5d: {  	v21 =	vld.idx.msk [tilespmem:v16+s17+$0x0 ss:$0x1], $0xffff;
	_ =	sdelay $0x5  }
0x5e: {  	v21 =	vadd.f32 v21, v18;
	_ =	sdelay $0x1  }
0x5f: {  	[tilespmem:s17+$0x1D020] =	vst v21  }
0x60: {  	v21 =	vld.idx.msk [tilespmem:v16+s17+$0x10 ss:$0x1], $0xffff;
	_ =	sdelay $0x3  }
.Ltmp2:
0x61: {  	(pc) =	sbr.rel @p0 .LBB2_2-.Ltmp2, $3  }
0x62: {  	_ = 	snop  }
0x63: {  	v21 =	vadd.f32 v21, v17;
	_ =	sdelay $0x1  }
0x64: {  	[tilespmem:s17+$0x1D030] =	vst v21;
	s17 =	sshra.s32 s26, $0x2;
	s26 =	sadd.s32 $0x100, s26  }
0x65: {  	_ =	sdelay $0x3  }
0x66: {  	v21 =	vld.idx.msk [tilespmem:v16+s17+$0xFFFFFFE0 ss:$0x1], $0xffff;
	_ =	sdelay $0x4  }
0x67: {  	v20 =	vadd.f32 v21, v20;
	_ =	sdelay $0x1  }
0x68: {  	[tilespmem:s17+$0x1D000] =	vst v20  }
0x69: {  	v20 =	vld.idx.msk [tilespmem:v16+s17+$0xFFFFFFF0 ss:$0x1], $0xffff;
	_ =	sdelay $0x4  }
0x6a: {  	v19 =	vadd.f32 v20, v19;
	_ =	sdelay $0x1  }
0x6b: {  	[tilespmem:s17+$0x1D010] =	vst v19  }
0x6c: {  	v19 =	vld.idx.msk [tilespmem:v16+s17+$0x0 ss:$0x1], $0xffff;
	_ =	sdelay $0x4  }
0x6d: {  	v18 =	vadd.f32 v19, v18;
	_ =	sdelay $0x1  }
0x6e: {  	[tilespmem:s17+$0x1D020] =	vst v18  }
0x6f: {  	v18 =	vld.idx.msk [tilespmem:v16+s17+$0x10 ss:$0x1], $0xffff;
	_ =	sdelay $0x4  }
0x70: {  	v17 =	vadd.f32 v18, v17  }
0x71: {  	s12 =	rddreg [dreg:$0x7]  }
0x72: {  	s19 =	simm.s32 $0x1D000;
	s26 =	simm.s32 $0xE;
	[tilespmem:s17+$0x1D030] =	vst v17;
	s17 =	simm.s32 $0x0  }
0x73: {  	[hbm4b:s12+s17] =	stream.linear.scatter [tilespmem:s19], [sflag:$0xE], $0xC80, $0x38;
	[tilespmem:$0x1DC80] =	vst v63  }
0x74: {  	_ =	swait.ge [sflag:s26], $0xC80  }
0x75: {  	[sflag:s26] =	ssyncset.done $0x0  }
0x76: {  	[sflag:s26] =	ssyncadd.s32 $0xFFFFF380  }
0x77: {  	[bflag:$0x0] =	sbarrier.arrive $0xFFFF  }
0x78: {  	s19 =	rddreg [dreg:$0x8]  }
0x79: {  	[tilespmem:s17], [sflag:$0x1] =	stream.linear.gather [hbm4b:s19+s17], $0x100, $0x38;
	[tilespmem:$0x1DC80] =	vst v63  }
0x7a: {  	s26 =	simm.s32 $0x400;
	s23 =	rddreg [dreg:$0x9]  }
0x7b: {  	[tilespmem:s26], [sflag:$0x1] =	stream.linear.gather [hbm4b:s23+s17], $0x100, $0x38;
	[tilespmem:$0x1DC80] =	vst v63  }
0x7c: {  	s19 =	simm.s32 $0x100;
	s23 =	rddreg [dreg:$0xa]  }
0x7d: {  	[tilespmem:s19], [sflag:$0x2] =	stream.linear.gather [hbm4b:s23+s17], $0x100, $0x38;
	[tilespmem:$0x1DC80] =	vst v63  }
0x7e: {  	s26 =	rddreg [dreg:$0xb];
	s23 =	simm.s32 $0x500  }
0x7f: {  	[tilespmem:s23], [sflag:$0x2] =	stream.linear.gather [hbm4b:s26+s17], $0x100, $0x38;
	[tilespmem:$0x1DC80] =	vst v63  }
0x80: {  	s23 =	rddreg [dreg:$0xc];
	s26 =	simm.s32 $0x200  }
0x81: {  	[tilespmem:s26], [sflag:$0x3] =	stream.linear.gather [hbm4b:s23+s17], $0x100, $0x38;
	[tilespmem:$0x1DC80] =	vst v63  }
0x82: {  	s23 =	rddreg [dreg:$0xd];
	s26 =	simm.s32 $0x600  }
0x83: {  	[tilespmem:s26], [sflag:$0x3] =	stream.linear.gather [hbm4b:s23+s17], $0x100, $0x38;
	[tilespmem:$0x1DC80] =	vst v63  }
0x84: {  	s23 =	rddreg [dreg:$0xe];
	s26 =	simm.s32 $0x300  }
0x85: {  	[tilespmem:s26], [sflag:$0x4] =	stream.linear.gather [hbm4b:s23+s17], $0x100, $0x38;
	[tilespmem:$0x1DC80] =	vst v63  }
0x86: {  	s23 =	rddreg [dreg:$0xf];
	s26 =	simm.s32 $0x700  }
0x87: {  	[tilespmem:s26], [sflag:$0x4] =	stream.linear.gather [hbm4b:s23+s17], $0x100, $0x38;
	[tilespmem:$0x1DC80] =	vst v63  }
0x88: {  	_ =	swait.ge [sflag:s30], $0x100  }
0x89: {  	[sflag:s30] =	ssyncset.done $0x0  }
0x8a: {  	[sflag:s30] =	ssyncadd.s32 $0xFFFFFF00  }
0x8b: {  	_ =	swait.ge [sflag:s30], $0x100  }
0x8c: {  	[sflag:s30] =	ssyncset.done $0x0  }
0x8d: {  	[sflag:s30] =	ssyncadd.s32 $0xFFFFFF00  }
0x8e: {  	v17 =	vld [tilespmem:$0x400]  }
0x8f: {  	v18 =	vld [tilespmem:$0x1CE00]  }
0x90: {  	v19 =	vld [tilespmem:$0x410]  }
0x91: {  	v46 =	vld [tilespmem:$0x1CE10]  }
0x92: {  	v47 =	vld [tilespmem:$0x420]  }
0x93: {  	v22 =	vld [tilespmem:$0x1CE20]  }
0x94: {  	v23 =	vld [tilespmem:$0x430]  }
0x95: {  	v24 =	vld [tilespmem:$0x1CE30]  }
0x96: {  	v25 =	vld [tilespmem:$0x440]  }
0x97: {  	v26 =	vld [tilespmem:$0x1CE40]  }
0x98: {  	v27 =	vld [tilespmem:$0x450]  }
0x99: {  	v28 =	vld [tilespmem:$0x1CE50]  }
0x9a: {  	v29 =	vld [tilespmem:$0x460]  }
0x9b: {  	v30 =	vld [tilespmem:$0x1CE60]  }
0x9c: {  	v31 =	vld [tilespmem:$0x470]  }
0x9d: {  	v32 =	vld [tilespmem:$0x1CE70]  }
0x9e: {  	v33 =	vld [tilespmem:$0x480]  }
0x9f: {  	v34 =	vld [tilespmem:$0x1CE80]  }
0xa0: {  	v35 =	vld [tilespmem:$0x490]  }
0xa1: {  	v36 =	vld [tilespmem:$0x1CE90];
	v17 =	vmul.u32 $0xC8, v17  }
0xa2: {  	v37 =	vld [tilespmem:$0x4A0];
	v19 =	vmul.u32 $0xC8, v19  }
0xa3: {  	v48 =	vld [tilespmem:$0x1CEA0];
	v17 =	vadd.s32 v18, v17;
	v18 =	vmul.u32 $0xC8, v47  }
0xa4: {  	v49 =	vld [tilespmem:$0x4B0];
	[tilespmem:$0x800] =	vst v17;
	v17 =	vadd.s32 v46, v19;
	v19 =	vmul.u32 $0xC8, v23  }
0xa5: {  	v50 =	vld [tilespmem:$0x1CEB0];
	[tilespmem:$0x810] =	vst v17;
	v17 =	vadd.s32 v22, v18;
	v18 =	vmul.u32 $0xC8, v25  }
0xa6: {  	v51 =	vld [tilespmem:$0x4C0];
	[tilespmem:$0x820] =	vst v17;
	v17 =	vadd.s32 v24, v19;
	v19 =	vmul.u32 $0xC8, v27  }
0xa7: {  	v52 =	vld [tilespmem:$0x1CEC0];
	[tilespmem:$0x830] =	vst v17;
	v17 =	vadd.s32 v26, v18;
	v18 =	vmul.u32 $0xC8, v29  }
0xa8: {  	v53 =	vld [tilespmem:$0x4D0];
	[tilespmem:$0x840] =	vst v17;
	v17 =	vadd.s32 v28, v19;
	v19 =	vmul.u32 $0xC8, v31  }
0xa9: {  	v54 =	vld [tilespmem:$0x1CED0];
	[tilespmem:$0x850] =	vst v17;
	v17 =	vadd.s32 v30, v18;
	v18 =	vmul.u32 $0xC8, v33  }
0xaa: {  	v55 =	vld [tilespmem:$0x4E0];
	[tilespmem:$0x860] =	vst v17;
	v17 =	vadd.s32 v32, v19;
	v19 =	vmul.u32 $0xC8, v35  }
0xab: {  	v56 =	vld [tilespmem:$0x4F0];
	[tilespmem:$0x870] =	vst v17;
	v17 =	vadd.s32 v34, v18;
	v18 =	vmul.u32 $0xC8, v37  }
0xac: {  	v57 =	vld [tilespmem:$0x1CEE0];
	[tilespmem:$0x880] =	vst v17;
	v17 =	vadd.s32 v36, v19;
	v19 =	vmul.u32 $0xC8, v49  }
0xad: {  	v58 =	vld [tilespmem:$0x1CEF0];
	[tilespmem:$0x890] =	vst v17;
	v17 =	vadd.s32 v48, v18;
	v18 =	vmul.u32 $0xC8, v51  }
0xae: {  	[tilespmem:$0x8A0] =	vst v17;
	v17 =	vadd.s32 v50, v19;
	v19 =	vmul.u32 $0xC8, v53  }
0xaf: {  	[tilespmem:$0x8B0] =	vst v17;
	v17 =	vadd.s32 v52, v18;
	v18 =	vmul.u32 $0xC8, v55  }
0xb0: {  	[tilespmem:$0x8C0] =	vst v17;
	v17 =	vadd.s32 v54, v19;
	v19 =	vmul.u32 $0xC8, v56  }
0xb1: {  	[tilespmem:$0x8D0] =	vst v17;
	v17 =	vadd.s32 v57, v18  }
0xb2: {  	[tilespmem:$0x8E0] =	vst v17;
	v17 =	vadd.s32 v58, v19  }
0xb3: {  	[tilespmem:$0x8F0] =	vst v17  }
0xb4: {  	[tilespmem:s24], [sflag:$0x5] =	stream.indirect.gather [hbm4b:s6+s0], $0x40, s17, s0, $0xb8;
	[tilespmem:$0x1DC80] =	vst v63  }
0xb5: {  	s23 =	simm.s32 $0x800  }
0xb6: {  	[tilespmem:s8], [sflag:$0x5] =	stream.indirect.gather [hbm4b:s10+s0], $0x40, s23, s0, $0xb8;
	[tilespmem:$0x1DC80] =	vst v63  }
0xb7: {  	s26 =	simm.s32 $0x2000  }
0xb8: {  	[tilespmem:s26], [sflag:$0x5] =	stream.indirect.gather [hbm4b:s6+s0], $0x40, s0, s0, $0xb8;
	[tilespmem:$0x1DC80] =	vst v63  }
0xb9: {  	s23 =	simm.s32 $0x850;
	s26 =	simm.s32 $0xE800  }
0xba: {  	[tilespmem:s26], [sflag:$0x5] =	stream.indirect.gather [hbm4b:s10+s0], $0x40, s23, s0, $0xb8;
	[tilespmem:$0x1DC80] =	vst v63  }
0xbb: {  	s23 =	simm.s32 $0xA0;
	s26 =	simm.s32 $0x3400  }
0xbc: {  	[tilespmem:s26], [sflag:$0x5] =	stream.indirect.gather [hbm4b:s6+s15], $0x40, s23, s15, $0xb8;
	[tilespmem:$0x1DC80] =	vst v63  }
0xbd: {  	s23 =	simm.s32 $0x8A0;
	s26 =	simm.s32 $0xFC00  }
0xbe: {  	[tilespmem:s26], [sflag:$0x5] =	stream.indirect.gather [hbm4b:s10+s15], $0x40, s23, s15, $0xb8;
	[tilespmem:$0x1DC80] =	vst v63  }
0xbf: {  	_ =	swait.ge [sflag:s20], $0x100  }
0xc0: {  	[sflag:s20] =	ssyncset.done $0x0  }
0xc1: {  	[sflag:s20] =	ssyncadd.s32 $0xFFFFFF00  }
0xc2: {  	_ =	swait.ge [sflag:s20], $0x100  }
0xc3: {  	[sflag:s20] =	ssyncset.done $0x0  }
0xc4: {  	[sflag:s20] =	ssyncadd.s32 $0xFFFFFF00  }
0xc5: {  	v17 =	vld [tilespmem:$0x500]  }
0xc6: {  	v18 =	vld [tilespmem:$0x1CE00]  }
0xc7: {  	v19 =	vld [tilespmem:$0x510]  }
0xc8: {  	v59 =	vld [tilespmem:$0x1CE10]  }
0xc9: {  	v60 =	vld [tilespmem:$0x520]  }
0xca: {  	v61 =	vld [tilespmem:$0x1CE20]  }
0xcb: {  	v62 =	vld [tilespmem:$0x530]  }
0xcc: {  	v63 =	vld [tilespmem:$0x1CE30]  }
0xcd: {  	v40 =	vld [tilespmem:$0x540]  }
0xce: {  	v41 =	vld [tilespmem:$0x1CE40]  }
0xcf: {  	v42 =	vld [tilespmem:$0x550]  }
0xd0: {  	v43 =	vld [tilespmem:$0x1CE50]  }
0xd1: {  	v44 =	vld [tilespmem:$0x560]  }
0xd2: {  	v45 =	vld [tilespmem:$0x1CE60]  }
0xd3: {  	v46 =	vld [tilespmem:$0x570]  }
0xd4: {  	v47 =	vld [tilespmem:$0x1CE70]  }
0xd5: {  	v48 =	vld [tilespmem:$0x580]  }
0xd6: {  	v49 =	vld [tilespmem:$0x1CE80]  }
0xd7: {  	v50 =	vld [tilespmem:$0x590]  }
0xd8: {  	v51 =	vld [tilespmem:$0x1CE90];
	v17 =	vmul.u32 $0xC8, v17  }
0xd9: {  	v52 =	vld [tilespmem:$0x5A0];
	v19 =	vmul.u32 $0xC8, v19  }
0xda: {  	v53 =	vld [tilespmem:$0x1CEA0];
	v17 =	vadd.s32 v18, v17;
	v18 =	vmul.u32 $0xC8, v60  }
0xdb: {  	v54 =	vld [tilespmem:$0x5B0];
	[tilespmem:$0x900] =	vst v17;
	v17 =	vadd.s32 v59, v19;
	v19 =	vmul.u32 $0xC8, v62  }
0xdc: {  	v55 =	vld [tilespmem:$0x1CEB0];
	[tilespmem:$0x910] =	vst v17;
	v17 =	vadd.s32 v61, v18;
	v18 =	vmul.u32 $0xC8, v40  }
0xdd: {  	v56 =	vld [tilespmem:$0x5C0];
	[tilespmem:$0x920] =	vst v17;
	v17 =	vadd.s32 v63, v19;
	v19 =	vmul.u32 $0xC8, v42  }
0xde: {  	v57 =	vld [tilespmem:$0x1CEC0];
	[tilespmem:$0x930] =	vst v17;
	v17 =	vadd.s32 v41, v18;
	v18 =	vmul.u32 $0xC8, v44  }
0xdf: {  	v58 =	vld [tilespmem:$0x5D0];
	[tilespmem:$0x940] =	vst v17;
	v17 =	vadd.s32 v43, v19;
	v19 =	vmul.u32 $0xC8, v46  }
0xe0: {  	v60 =	vld [tilespmem:$0x5E0];
	[tilespmem:$0x950] =	vst v17;
	v17 =	vadd.s32 v45, v18;
	v18 =	vmul.u32 $0xC8, v48  }
0xe1: {  	v59 =	vld [tilespmem:$0x1CED0];
	[tilespmem:$0x960] =	vst v17;
	v17 =	vadd.s32 v47, v19;
	v19 =	vmul.u32 $0xC8, v50  }
0xe2: {  	v61 =	vld [tilespmem:$0x5F0];
	[tilespmem:$0x970] =	vst v17;
	v17 =	vadd.s32 v49, v18;
	v18 =	vmul.u32 $0xC8, v52  }
0xe3: {  	v62 =	vld [tilespmem:$0x1CEE0];
	[tilespmem:$0x980] =	vst v17;
	v17 =	vadd.s32 v51, v19;
	v19 =	vmul.u32 $0xC8, v54  }
0xe4: {  	v63 =	vld [tilespmem:$0x1CEF0];
	[tilespmem:$0x990] =	vst v17;
	v17 =	vadd.s32 v53, v18;
	v18 =	vmul.u32 $0xC8, v56  }
0xe5: {  	[tilespmem:$0x9A0] =	vst v17;
	v17 =	vadd.s32 v55, v19;
	v19 =	vmul.u32 $0xC8, v58  }
0xe6: {  	[tilespmem:$0x9B0] =	vst v17;
	v17 =	vadd.s32 v57, v18;
	v18 =	vmul.u32 $0xC8, v60  }
0xe7: {  	[tilespmem:$0x9C0] =	vst v17;
	v17 =	vadd.s32 v59, v19;
	v19 =	vmul.u32 $0xC8, v61  }
0xe8: {  	[tilespmem:$0x9D0] =	vst v17;
	v17 =	vadd.s32 v62, v18  }
0xe9: {  	[tilespmem:$0x9E0] =	vst v17;
	v17 =	vadd.s32 v63, v19  }
0xea: {  	[tilespmem:$0x9F0] =	vst v17  }
0xeb: {  	[tilespmem:s21], [sflag:$0x6] =	stream.indirect.gather [hbm4b:s6+s0], $0x40, s19, s0, $0xb8;
	[tilespmem:$0x1DC80] =	vst v63  }
0xec: {  	s19 =	simm.s32 $0x900  }
0xed: {  	[tilespmem:s29], [sflag:$0x6] =	stream.indirect.gather [hbm4b:s10+s0], $0x40, s19, s0, $0xb8;
	[tilespmem:$0x1DC80] =	vst v63  }
0xee: {  	s23 =	simm.s32 $0x150;
	s26 =	simm.s32 $0x5200  }
0xef: {  	[tilespmem:s26], [sflag:$0x6] =	stream.indirect.gather [hbm4b:s6+s0], $0x40, s23, s0, $0xb8;
	[tilespmem:$0x1DC80] =	vst v63  }
0xf0: {  	s23 =	simm.s32 $0x950;
	s26 =	simm.s32 $0x11A00  }
0xf1: {  	[tilespmem:s26], [sflag:$0x6] =	stream.indirect.gather [hbm4b:s10+s0], $0x40, s23, s0, $0xb8;
	[tilespmem:$0x1DC80] =	vst v63  }
.Ltmp3:
0xf2: {  	_ = 	snop;
	(pc) =	sbr.rel .LBB2_4-.Ltmp3, $4  }
0xf3: {  	s23 =	simm.s32 $0x1A0;
	s26 =	simm.s32 $0x6600  }
0xf4: {  	[tilespmem:s26], [sflag:$0x6] =	stream.indirect.gather [hbm4b:s6+s15], $0x40, s23, s15, $0xb8;
	[tilespmem:$0x1DC80] =	vst v63  }
0xf5: {  	s23 =	simm.s32 $0x9A0;
	s26 =	simm.s32 $0x12E00  }
0xf6: {  	[tilespmem:s26], [sflag:$0x6] =	stream.indirect.gather [hbm4b:s10+s15], $0x40, s23, s15, $0xb8;
	[tilespmem:$0x1DC80] =	vst v63  }
.LBB2_26:
0xf7: {  	v24 =	vld [tilespmem:s26+$0xA230];
	_ =	sdelay $0x1  }
0xf8: {  	v19 =	vadd.f32 v22, v19  }
0xf9: {  	v21 =	vadd.f32 v23, v21  }
0xfa: {  	v18 =	vadd.f32 v18, v20;
	s12 =	sor.u32 s11, s17;
	[tilespmem:s26+$0xA200] =	vst v19  }
0xfb: {  	s12 =	smul.u32 $0x640, s12;
	[tilespmem:s26+$0xA210] =	vst v21;
	v17 =	vadd.f32 v17, v24  }
0xfc: {  	[tilespmem:s26+$0xA220] =	vst v18  }
0xfd: {  	s19 =	sadd.s32 s1, s12;
	[tilespmem:s26+$0xA230] =	vst v17  }
0xfe: {  	[hbm4b:s19+s3] =	stream.linear.scatter [tilespmem:s28], [sflag:$0xC], $0x3200, $0x38;
	[tilespmem:$0x1DC80] =	vst v63  }
0xff: {  	s12 =	sadd.s32 s2, s12  }
0x100: {  	[hbm4b:s12+s3] =	stream.linear.scatter [tilespmem:s9], [sflag:$0xC], $0x3200, $0x38;
	[tilespmem:$0x1DC80] =	vst v63  }
.LBB2_27:
0x101: {  	s17 =	sadd.s32 $0x1, s17  }
0x102: {  	p0 =	sne.s32 s17, $0x80  }
.Ltmp4:
0x103: {  	_ = 	snop;
	(pc) =	sbr.rel @!p0 .LBB2_28-.Ltmp4, $1  }
0x104: {  	_ =	sdelay $0x3  }
.LBB2_4:
0x105: {  	s12 =	sand.u32 $0x3, s17  }
0x106: {  	p0 =	sgt.s32 s12, $0x1  }
.Ltmp5:
0x107: {  	_ = 	snop;
	(pc) =	sbr.rel @p0 .LBB2_21-.Ltmp5, $1  }
0x108: {  	_ =	sdelay $0x3  }
0x109: {  	p0 =	seq.s32 s12, $0x0  }
.Ltmp6:
0x10a: {  	_ = 	snop;
	(pc) =	sbr.rel @!p0 .LBB2_11-.Ltmp6, $1  }
0x10b: {  	_ =	sdelay $0x3  }
0x10c: {  	p0 =	sgt.u32 s17, $0x7D  }
.Ltmp7:
0x10d: {  	_ = 	snop;
	(pc) =	sbr.rel @p0 .LBB2_8-.Ltmp7, $1  }
0x10e: {  	_ =	sdelay $0x3  }
0x10f: {  	_ =	swait.ge [sflag:s18], $0x100  }
0x110: {  	[sflag:s18] =	ssyncset.done $0x0  }
0x111: {  	[sflag:s18] =	ssyncadd.s32 $0xFFFFFF00  }
0x112: {  	_ =	swait.ge [sflag:s18], $0x100  }
0x113: {  	[sflag:s18] =	ssyncset.done $0x0  }
0x114: {  	[sflag:s18] =	ssyncadd.s32 $0xFFFFFF00  }
0x115: {  	v17 =	vld [tilespmem:$0x600]  }
0x116: {  	v18 =	vld [tilespmem:$0x1CE00]  }
0x117: {  	v19 =	vld [tilespmem:$0x610]  }
0x118: {  	v20 =	vld [tilespmem:$0x1CE10]  }
0x119: {  	v21 =	vld [tilespmem:$0x620]  }
0x11a: {  	v22 =	vld [tilespmem:$0x1CE20]  }
0x11b: {  	v23 =	vld [tilespmem:$0x630]  }
0x11c: {  	v24 =	vld [tilespmem:$0x1CE30]  }
0x11d: {  	v25 =	vld [tilespmem:$0x640]  }
0x11e: {  	v26 =	vld [tilespmem:$0x1CE40]  }
0x11f: {  	v27 =	vld [tilespmem:$0x650]  }
0x120: {  	v28 =	vld [tilespmem:$0x1CE50]  }
0x121: {  	v29 =	vld [tilespmem:$0x660]  }
0x122: {  	v30 =	vld [tilespmem:$0x1CE60]  }
0x123: {  	v31 =	vld [tilespmem:$0x670]  }
0x124: {  	v32 =	vld [tilespmem:$0x1CE70]  }
0x125: {  	v33 =	vld [tilespmem:$0x680]  }
0x126: {  	v34 =	vld [tilespmem:$0x1CE80]  }
0x127: {  	v35 =	vld [tilespmem:$0x690]  }
0x128: {  	v36 =	vld [tilespmem:$0x1CE90];
	v17 =	vmul.u32 $0xC8, v17  }
0x129: {  	v37 =	vld [tilespmem:$0x6A0];
	v19 =	vmul.u32 $0xC8, v19  }
0x12a: {  	v53 =	vld [tilespmem:$0x1CEA0];
	v17 =	vadd.s32 v18, v17;
	v18 =	vmul.u32 $0xC8, v21  }
0x12b: {  	v54 =	vld [tilespmem:$0x6B0];
	[tilespmem:$0xA00] =	vst v17;
	v17 =	vadd.s32 v20, v19;
	v19 =	vmul.u32 $0xC8, v23  }
0x12c: {  	v55 =	vld [tilespmem:$0x1CEB0];
	[tilespmem:$0xA10] =	vst v17;
	v17 =	vadd.s32 v22, v18;
	v18 =	vmul.u32 $0xC8, v25  }
0x12d: {  	v56 =	vld [tilespmem:$0x6C0];
	[tilespmem:$0xA20] =	vst v17;
	v17 =	vadd.s32 v24, v19;
	v19 =	vmul.u32 $0xC8, v27  }
0x12e: {  	v57 =	vld [tilespmem:$0x1CEC0];
	[tilespmem:$0xA30] =	vst v17;
	v17 =	vadd.s32 v26, v18;
	v18 =	vmul.u32 $0xC8, v29  }
0x12f: {  	v58 =	vld [tilespmem:$0x6D0];
	[tilespmem:$0xA40] =	vst v17;
	v17 =	vadd.s32 v28, v19;
	v19 =	vmul.u32 $0xC8, v31  }
0x130: {  	v59 =	vld [tilespmem:$0x1CED0];
	[tilespmem:$0xA50] =	vst v17;
	v17 =	vadd.s32 v30, v18;
	v18 =	vmul.u32 $0xC8, v33  }
0x131: {  	v60 =	vld [tilespmem:$0x6E0];
	[tilespmem:$0xA60] =	vst v17;
	v17 =	vadd.s32 v32, v19;
	v19 =	vmul.u32 $0xC8, v35  }
0x132: {  	v61 =	vld [tilespmem:$0x6F0];
	[tilespmem:$0xA70] =	vst v17;
	v17 =	vadd.s32 v34, v18;
	v18 =	vmul.u32 $0xC8, v37  }
0x133: {  	v62 =	vld [tilespmem:$0x1CEE0];
	[tilespmem:$0xA80] =	vst v17;
	v17 =	vadd.s32 v36, v19;
	v19 =	vmul.u32 $0xC8, v54  }
0x134: {  	v63 =	vld [tilespmem:$0x1CEF0];
	[tilespmem:$0xA90] =	vst v17;
	v17 =	vadd.s32 v53, v18;
	v18 =	vmul.u32 $0xC8, v56  }
0x135: {  	[tilespmem:$0xAA0] =	vst v17;
	v17 =	vadd.s32 v55, v19;
	v19 =	vmul.u32 $0xC8, v58  }
0x136: {  	[tilespmem:$0xAB0] =	vst v17;
	v17 =	vadd.s32 v57, v18;
	v18 =	vmul.u32 $0xC8, v60  }
0x137: {  	[tilespmem:$0xAC0] =	vst v17;
	v17 =	vadd.s32 v59, v19;
	v19 =	vmul.u32 $0xC8, v61  }
0x138: {  	[tilespmem:$0xAD0] =	vst v17;
	v17 =	vadd.s32 v62, v18  }
0x139: {  	p0 =	slt.u32 s17, $0x2;
	[tilespmem:$0xAE0] =	vst v17;
	v17 =	vadd.s32 v63, v19  }
0x13a: {  	s12 =	simm.s32 @!p0 $0xB;
	[tilespmem:$0xAF0] =	vst v17  }
0x13b: {  	_ =	swait.ge @!p0 [sflag:s12], $0x3200  }
0x13c: {  	[sflag:s12] =	ssyncset.done @!p0 $0x0  }
0x13d: {  	[sflag:s12] =	ssyncadd.s32 @!p0 $0xFFFFCE00  }
0x13e: {  	_ =	swait.ge @!p0 [sflag:s12], $0x3200  }
0x13f: {  	[sflag:s12] =	ssyncset.done @!p0 $0x0  }
0x140: {  	s26 =	simm.s32 $0x200;
	s19 =	simm.s32 $0x7000;
	[sflag:s12] =	ssyncadd.s32 @!p0 $0xFFFFCE00  }
0x141: {  	[tilespmem:s19], [sflag:$0x7] =	stream.indirect.gather [hbm4b:s6+s0], $0x40, s26, s0, $0xb8;
	[tilespmem:$0x1DC80] =	vst v63  }
0x142: {  	s23 =	simm.s32 $0xA00;
	s26 =	simm.s32 $0x13800  }
0x143: {  	[tilespmem:s26], [sflag:$0x7] =	stream.indirect.gather [hbm4b:s10+s0], $0x40, s23, s0, $0xb8;
	[tilespmem:$0x1DC80] =	vst v63  }
0x144: {  	s23 =	simm.s32 $0x250;
	s26 =	simm.s32 $0x8400  }
0x145: {  	[tilespmem:s26], [sflag:$0x7] =	stream.indirect.gather [hbm4b:s6+s0], $0x40, s23, s0, $0xb8;
	[tilespmem:$0x1DC80] =	vst v63  }
0x146: {  	s23 =	simm.s32 $0xA50;
	s26 =	simm.s32 $0x14C00  }
0x147: {  	[tilespmem:s26], [sflag:$0x7] =	stream.indirect.gather [hbm4b:s10+s0], $0x40, s23, s0, $0xb8;
	[tilespmem:$0x1DC80] =	vst v63  }
0x148: {  	s23 =	simm.s32 $0x2A0;
	s26 =	simm.s32 $0x9800  }
0x149: {  	[tilespmem:s26], [sflag:$0x7] =	stream.indirect.gather [hbm4b:s6+s15], $0x40, s23, s15, $0xb8;
	[tilespmem:$0x1DC80] =	vst v63  }
0x14a: {  	s23 =	simm.s32 $0xAA0;
	s26 =	simm.s32 $0x16000  }
0x14b: {  	[tilespmem:s26], [sflag:$0x7] =	stream.indirect.gather [hbm4b:s10+s15], $0x40, s23, s15, $0xb8;
	[tilespmem:$0x1DC80] =	vst v63  }
.LBB2_8:
0x14c: {  	_ =	swait.ge [sflag:s7], $0x1400  }
0x14d: {  	[sflag:s7] =	ssyncset.done $0x0  }
0x14e: {  	[sflag:s7] =	ssyncadd.s32 $0xFFFFEC00  }
0x14f: {  	_ =	swait.ge [sflag:s7], $0x1400  }
0x150: {  	[sflag:s7] =	ssyncset.done $0x0  }
0x151: {  	[sflag:s7] =	ssyncadd.s32 $0xFFFFEC00  }
0x152: {  	_ =	swait.ge [sflag:s7], $0x1400  }
0x153: {  	[sflag:s7] =	ssyncset.done $0x0  }
0x154: {  	[sflag:s7] =	ssyncadd.s32 $0xFFFFEC00  }
0x155: {  	_ =	swait.ge [sflag:s7], $0x1400  }
0x156: {  	[sflag:s7] =	ssyncset.done $0x0  }
0x157: {  	[sflag:s7] =	ssyncadd.s32 $0xFFFFEC00  }
0x158: {  	_ =	swait.ge [sflag:s7], $0xA00  }
0x159: {  	[sflag:s7] =	ssyncset.done $0x0  }
0x15a: {  	p0 =	sgt.u32 s17, $0x7B;
	[sflag:s7] =	ssyncadd.s32 $0xFFFFF600  }
0x15b: {  	s12 =	sadd.s32 @!p0 s17, s22;
	_ =	swait.ge [sflag:s7], $0xA00  }
0x15c: {  	s12 =	sshll.u32 @!p0 s12, $0x5;
	[sflag:s7] =	ssyncset.done $0x0  }
0x15d: {  	s19 =	simm.s32 @!p0 $0x0;
	s26 =	sadd.s32 @!p0 s4, s12;
	[sflag:s7] =	ssyncadd.s32 $0xFFFFF600  }
0x15e: {  	[tilespmem:s19], [sflag:$0x1] =	stream.linear.gather @!p0 [hbm4b:s26+s19], $0x100, $0x38;
	[tilespmem:$0x1DC80] =	vst v63  }
0x15f: {  	s12 =	sadd.s32 @!p0 s5, s12;
	s26 =	simm.s32 @!p0 $0x400  }
0x160: {  	[tilespmem:s26], [sflag:$0x1] =	stream.linear.gather @!p0 [hbm4b:s12+s19], $0x100, $0x38;
	[tilespmem:$0x1DC80] =	vst v63  }
0x161: {  	s26 =	simm.s32 $0x0  }
0x162: {  	v22 =	vld [tilespmem:s26+$0x19C00]  }
0x163: {  	v23 =	vld [tilespmem:s26+$0x19C10]  }
0x164: {  	v18 =	vld [tilespmem:s26+$0x19C20]  }
0x165: {  	v17 =	vld [tilespmem:s26+$0x19C30]  }
0x166: {  	v19 =	vld [tilespmem:s26+$0xC00]  }
0x167: {  	v21 =	vld [tilespmem:s26+$0xC10]  }
0x168: {  	s12 =	simm.s32 $0x100;
	v20 =	vld [tilespmem:s26+$0xC20]  }
.LBB2_9:
0x169: {  	s19 =	sshra.s32 s12, $0x2;
	p0 =	sne.s32 s12, $0xC700;
	v24 =	vld [tilespmem:s26+$0xC30];
	v25 =	vmov v18  }
0x16a: {  	v26 =	vld [tilespmem:s19+$0x19C00];
	v27 =	vmov v17  }
0x16b: {  	v28 =	vld [tilespmem:s19+$0x19C10];
	v19 =	vadd.f32 v22, v19  }
.Ltmp8:
0x16c: {  	v18 =	vld [tilespmem:s19+$0x19C20];
	v21 =	vadd.f32 v23, v21;
	(pc) =	sbr.rel @p0 .LBB2_9-.Ltmp8, $4  }
0x16d: {  	v17 =	vld [tilespmem:s19+$0x19C30];
	[tilespmem:s26+$0xC00] =	vst v19;
	v20 =	vadd.f32 v25, v20  }
0x16e: {  	v19 =	vld [tilespmem:s19+$0xC00];
	[tilespmem:s26+$0xC10] =	vst v21;
	v24 =	vadd.f32 v27, v24  }
0x16f: {  	v21 =	vld [tilespmem:s19+$0xC10];
	[tilespmem:s26+$0xC20] =	vst v20;
	v22 =	vmov v26  }
0x170: {  	s12 =	sadd.s32 $0x100, s12;
	v20 =	vld [tilespmem:s19+$0xC20];
	[tilespmem:s26+$0xC30] =	vst v24;
	v23 =	vmov v28;
	s26 =	smov.u32 s19  }
0x171: {  	v24 =	vld [tilespmem:s26+$0xC30];
	_ =	sdelay $0x1  }
0x172: {  	v19 =	vadd.f32 v22, v19  }
0x173: {  	v21 =	vadd.f32 v23, v21  }
0x174: {  	s12 =	sor.u32 s11, s17;
	[tilespmem:s26+$0xC00] =	vst v19;
	v18 =	vadd.f32 v18, v20  }
0x175: {  	s12 =	smul.u32 $0x640, s12;
	[tilespmem:s26+$0xC10] =	vst v21;
	v17 =	vadd.f32 v17, v24  }
.Ltmp9:
0x176: {  	[tilespmem:s26+$0xC20] =	vst v18;
	(pc) =	sbr.rel .LBB2_27-.Ltmp9, $4  }
0x177: {  	s19 =	sadd.s32 s1, s12;
	[tilespmem:s26+$0xC30] =	vst v17  }
0x178: {  	[hbm4b:s19+s3] =	stream.linear.scatter [tilespmem:s24], [sflag:$0x9], $0x3200, $0x38;
	[tilespmem:$0x1DC80] =	vst v63  }
0x179: {  	s12 =	sadd.s32 s2, s12  }
0x17a: {  	[hbm4b:s12+s3] =	stream.linear.scatter [tilespmem:s8], [sflag:$0x9], $0x3200, $0x38;
	[tilespmem:$0x1DC80] =	vst v63  }
.LBB2_21:
0x17b: {  	p1 =	seq.s32 s12, $0x2  }
.Ltmp10:
0x17c: {  	_ = 	snop;
	(pc) =	sbr.rel @!p1 .LBB2_22-.Ltmp10, $2  }
0x17d: {  	_ =	sdelay $0x2  }
0x17e: {  	p0 =	sgt.u32 s17, $0x7D  }
.Ltmp11:
0x17f: {  	(pc) =	sbr.rel @p0 .LBB2_18-.Ltmp11, $1  }
0x180: {  	_ =	sdelay $0x3  }
0x181: {  	_ =	swait.ge [sflag:s30], $0x100  }
0x182: {  	[sflag:s30] =	ssyncset.done $0x0  }
0x183: {  	[sflag:s30] =	ssyncadd.s32 $0xFFFFFF00  }
0x184: {  	_ =	swait.ge [sflag:s30], $0x100  }
0x185: {  	[sflag:s30] =	ssyncset.done $0x0  }
0x186: {  	[sflag:s30] =	ssyncadd.s32 $0xFFFFFF00  }
0x187: {  	v17 =	vld [tilespmem:$0x400]  }
0x188: {  	v18 =	vld [tilespmem:$0x1CE00]  }
0x189: {  	v19 =	vld [tilespmem:$0x410]  }
0x18a: {  	v20 =	vld [tilespmem:$0x1CE10]  }
0x18b: {  	v21 =	vld [tilespmem:$0x420]  }
0x18c: {  	v22 =	vld [tilespmem:$0x1CE20]  }
0x18d: {  	v23 =	vld [tilespmem:$0x430]  }
0x18e: {  	v24 =	vld [tilespmem:$0x1CE30]  }
0x18f: {  	v25 =	vld [tilespmem:$0x440]  }
0x190: {  	v26 =	vld [tilespmem:$0x1CE40]  }
0x191: {  	v27 =	vld [tilespmem:$0x450]  }
0x192: {  	v28 =	vld [tilespmem:$0x1CE50]  }
0x193: {  	v29 =	vld [tilespmem:$0x460]  }
0x194: {  	v30 =	vld [tilespmem:$0x1CE60]  }
0x195: {  	v31 =	vld [tilespmem:$0x470]  }
0x196: {  	v32 =	vld [tilespmem:$0x1CE70]  }
0x197: {  	v33 =	vld [tilespmem:$0x480]  }
0x198: {  	v34 =	vld [tilespmem:$0x1CE80]  }
0x199: {  	v35 =	vld [tilespmem:$0x490]  }
0x19a: {  	v36 =	vld [tilespmem:$0x1CE90];
	v17 =	vmul.u32 $0xC8, v17  }
0x19b: {  	v37 =	vld [tilespmem:$0x4A0];
	v19 =	vmul.u32 $0xC8, v19  }
0x19c: {  	v53 =	vld [tilespmem:$0x1CEA0];
	v17 =	vadd.s32 v18, v17;
	v18 =	vmul.u32 $0xC8, v21  }
0x19d: {  	v54 =	vld [tilespmem:$0x4B0];
	[tilespmem:$0x800] =	vst v17;
	v17 =	vadd.s32 v20, v19;
	v19 =	vmul.u32 $0xC8, v23  }
0x19e: {  	v55 =	vld [tilespmem:$0x1CEB0];
	[tilespmem:$0x810] =	vst v17;
	v17 =	vadd.s32 v22, v18;
	v18 =	vmul.u32 $0xC8, v25  }
0x19f: {  	v56 =	vld [tilespmem:$0x4C0];
	[tilespmem:$0x820] =	vst v17;
	v17 =	vadd.s32 v24, v19;
	v19 =	vmul.u32 $0xC8, v27  }
0x1a0: {  	v57 =	vld [tilespmem:$0x1CEC0];
	[tilespmem:$0x830] =	vst v17;
	v17 =	vadd.s32 v26, v18;
	v18 =	vmul.u32 $0xC8, v29  }
0x1a1: {  	v58 =	vld [tilespmem:$0x4D0];
	[tilespmem:$0x840] =	vst v17;
	v17 =	vadd.s32 v28, v19;
	v19 =	vmul.u32 $0xC8, v31  }
0x1a2: {  	v59 =	vld [tilespmem:$0x1CED0];
	[tilespmem:$0x850] =	vst v17;
	v17 =	vadd.s32 v30, v18;
	v18 =	vmul.u32 $0xC8, v33  }
0x1a3: {  	v60 =	vld [tilespmem:$0x4E0];
	[tilespmem:$0x860] =	vst v17;
	v17 =	vadd.s32 v32, v19;
	v19 =	vmul.u32 $0xC8, v35  }
0x1a4: {  	v61 =	vld [tilespmem:$0x4F0];
	[tilespmem:$0x870] =	vst v17;
	v17 =	vadd.s32 v34, v18;
	v18 =	vmul.u32 $0xC8, v37  }
0x1a5: {  	v62 =	vld [tilespmem:$0x1CEE0];
	[tilespmem:$0x880] =	vst v17;
	v17 =	vadd.s32 v36, v19;
	v19 =	vmul.u32 $0xC8, v54  }
0x1a6: {  	v63 =	vld [tilespmem:$0x1CEF0];
	[tilespmem:$0x890] =	vst v17;
	v17 =	vadd.s32 v53, v18;
	v18 =	vmul.u32 $0xC8, v56  }
0x1a7: {  	[tilespmem:$0x8A0] =	vst v17;
	v17 =	vadd.s32 v55, v19;
	v19 =	vmul.u32 $0xC8, v58  }
0x1a8: {  	[tilespmem:$0x8B0] =	vst v17;
	v17 =	vadd.s32 v57, v18;
	v18 =	vmul.u32 $0xC8, v60  }
0x1a9: {  	[tilespmem:$0x8C0] =	vst v17;
	v17 =	vadd.s32 v59, v19;
	v19 =	vmul.u32 $0xC8, v61  }
0x1aa: {  	[tilespmem:$0x8D0] =	vst v17;
	v17 =	vadd.s32 v62, v18  }
0x1ab: {  	p0 =	slt.u32 s17, $0x2;
	[tilespmem:$0x8E0] =	vst v17;
	v17 =	vadd.s32 v63, v19  }
0x1ac: {  	s12 =	simm.s32 @!p0 $0x9;
	[tilespmem:$0x8F0] =	vst v17  }
0x1ad: {  	_ =	swait.ge @!p0 [sflag:s12], $0x3200  }
0x1ae: {  	[sflag:s12] =	ssyncset.done @!p0 $0x0  }
0x1af: {  	[sflag:s12] =	ssyncadd.s32 @!p0 $0xFFFFCE00  }
0x1b0: {  	_ =	swait.ge @!p0 [sflag:s12], $0x3200  }
0x1b1: {  	[sflag:s12] =	ssyncset.done @!p0 $0x0  }
0x1b2: {  	[sflag:s12] =	ssyncadd.s32 @!p0 $0xFFFFCE00  }
0x1b3: {  	[tilespmem:s24], [sflag:$0x5] =	stream.indirect.gather [hbm4b:s6+s0], $0x40, s3, s0, $0xb8;
	[tilespmem:$0x1DC80] =	vst v63  }
0x1b4: {  	s19 =	simm.s32 $0x800  }
0x1b5: {  	[tilespmem:s8], [sflag:$0x5] =	stream.indirect.gather [hbm4b:s10+s0], $0x40, s19, s0, $0xb8;
	[tilespmem:$0x1DC80] =	vst v63  }
0x1b6: {  	s23 =	simm.s32 $0x2000  }
0x1b7: {  	[tilespmem:s23], [sflag:$0x5] =	stream.indirect.gather [hbm4b:s6+s0], $0x40, s0, s0, $0xb8;
	[tilespmem:$0x1DC80] =	vst v63  }
0x1b8: {  	s26 =	simm.s32 $0x850;
	s19 =	simm.s32 $0xE800  }
0x1b9: {  	[tilespmem:s19], [sflag:$0x5] =	stream.indirect.gather [hbm4b:s10+s0], $0x40, s26, s0, $0xb8;
	[tilespmem:$0x1DC80] =	vst v63  }
0x1ba: {  	s23 =	simm.s32 $0xA0;
	s26 =	simm.s32 $0x3400  }
0x1bb: {  	[tilespmem:s26], [sflag:$0x5] =	stream.indirect.gather [hbm4b:s6+s15], $0x40, s23, s15, $0xb8;
	[tilespmem:$0x1DC80] =	vst v63  }
0x1bc: {  	s23 =	simm.s32 $0x8A0;
	s26 =	simm.s32 $0xFC00  }
0x1bd: {  	[tilespmem:s26], [sflag:$0x5] =	stream.indirect.gather [hbm4b:s10+s15], $0x40, s23, s15, $0xb8;
	[tilespmem:$0x1DC80] =	vst v63  }
.LBB2_18:
0x1be: {  	_ =	swait.ge [sflag:s31], $0x1400  }
0x1bf: {  	[sflag:s31] =	ssyncset.done $0x0  }
0x1c0: {  	[sflag:s31] =	ssyncadd.s32 $0xFFFFEC00  }
0x1c1: {  	_ =	swait.ge [sflag:s31], $0x1400  }
0x1c2: {  	[sflag:s31] =	ssyncset.done $0x0  }
0x1c3: {  	[sflag:s31] =	ssyncadd.s32 $0xFFFFEC00  }
0x1c4: {  	_ =	swait.ge [sflag:s31], $0x1400  }
0x1c5: {  	[sflag:s31] =	ssyncset.done $0x0  }
0x1c6: {  	[sflag:s31] =	ssyncadd.s32 $0xFFFFEC00  }
0x1c7: {  	_ =	swait.ge [sflag:s31], $0x1400  }
0x1c8: {  	[sflag:s31] =	ssyncset.done $0x0  }
0x1c9: {  	[sflag:s31] =	ssyncadd.s32 $0xFFFFEC00  }
0x1ca: {  	_ =	swait.ge [sflag:s31], $0xA00  }
0x1cb: {  	[sflag:s31] =	ssyncset.done $0x0  }
0x1cc: {  	p0 =	sgt.u32 s17, $0x7B;
	[sflag:s31] =	ssyncadd.s32 $0xFFFFF600  }
0x1cd: {  	s12 =	sadd.s32 @!p0 s17, s22;
	_ =	swait.ge [sflag:s31], $0xA00  }
0x1ce: {  	s23 =	simm.s32 @!p0 $0x0;
	s12 =	sshll.u32 @!p0 s12, $0x5;
	[sflag:s31] =	ssyncset.done $0x0  }
0x1cf: {  	s26 =	simm.s32 @!p0 $0x200;
	s19 =	sadd.s32 @!p0 s4, s12;
	[sflag:s31] =	ssyncadd.s32 $0xFFFFF600  }
0x1d0: {  	[tilespmem:s26], [sflag:$0x3] =	stream.linear.gather @!p0 [hbm4b:s19+s23], $0x100, $0x38;
	[tilespmem:$0x1DC80] =	vst v63  }
0x1d1: {  	s12 =	sadd.s32 @!p0 s5, s12;
	s19 =	simm.s32 @!p0 $0x600;
	s26 =	simm.s32 $0x0  }
0x1d2: {  	[tilespmem:s19], [sflag:$0x3] =	stream.linear.gather @!p0 [hbm4b:s12+s23], $0x100, $0x38;
	[tilespmem:$0x1DC80] =	vst v63  }
0x1d3: {  	v22 =	vld [tilespmem:s26+$0x19C00]  }
0x1d4: {  	v23 =	vld [tilespmem:s26+$0x19C10]  }
0x1d5: {  	v18 =	vld [tilespmem:s26+$0x19C20]  }
0x1d6: {  	v17 =	vld [tilespmem:s26+$0x19C30]  }
0x1d7: {  	v19 =	vld [tilespmem:s26+$0x7000]  }
0x1d8: {  	v21 =	vld [tilespmem:s26+$0x7010]  }
0x1d9: {  	s12 =	simm.s32 $0x100;
	v20 =	vld [tilespmem:s26+$0x7020]  }
.LBB2_19:
0x1da: {  	s19 =	sshra.s32 s12, $0x2;
	p0 =	sne.s32 s12, $0xC700;
	v24 =	vld [tilespmem:s26+$0x7030];
	v25 =	vmov v18  }
0x1db: {  	v26 =	vld [tilespmem:s19+$0x19C00];
	v27 =	vmov v17  }
0x1dc: {  	v28 =	vld [tilespmem:s19+$0x19C10];
	v19 =	vadd.f32 v22, v19  }
.Ltmp12:
0x1dd: {  	v18 =	vld [tilespmem:s19+$0x19C20];
	v21 =	vadd.f32 v23, v21;
	(pc) =	sbr.rel @p0 .LBB2_19-.Ltmp12, $4  }
0x1de: {  	v17 =	vld [tilespmem:s19+$0x19C30];
	[tilespmem:s26+$0x7000] =	vst v19;
	v20 =	vadd.f32 v25, v20  }
0x1df: {  	v19 =	vld [tilespmem:s19+$0x7000];
	[tilespmem:s26+$0x7010] =	vst v21;
	v24 =	vadd.f32 v27, v24  }
0x1e0: {  	v21 =	vld [tilespmem:s19+$0x7010];
	[tilespmem:s26+$0x7020] =	vst v20;
	v22 =	vmov v26  }
0x1e1: {  	s12 =	sadd.s32 $0x100, s12;
	v20 =	vld [tilespmem:s19+$0x7020];
	[tilespmem:s26+$0x7030] =	vst v24;
	v23 =	vmov v28;
	s26 =	smov.u32 s19  }
0x1e2: {  	v24 =	vld [tilespmem:s26+$0x7030];
	_ =	sdelay $0x1  }
0x1e3: {  	v19 =	vadd.f32 v22, v19  }
0x1e4: {  	v21 =	vadd.f32 v23, v21  }
0x1e5: {  	s12 =	sor.u32 s11, s17;
	[tilespmem:s26+$0x7000] =	vst v19;
	v18 =	vadd.f32 v18, v20  }
0x1e6: {  	s12 =	smul.u32 $0x640, s12;
	[tilespmem:s26+$0x7010] =	vst v21;
	v17 =	vadd.f32 v17, v24  }
.Ltmp13:
0x1e7: {  	[tilespmem:s26+$0x7020] =	vst v18;
	(pc) =	sbr.rel .LBB2_27-.Ltmp13, $4  }
0x1e8: {  	s23 =	simm.s32 $0x7000;
	s19 =	sadd.s32 s1, s12;
	[tilespmem:s26+$0x7030] =	vst v17  }
0x1e9: {  	[hbm4b:s19+s3] =	stream.linear.scatter [tilespmem:s23], [sflag:$0xB], $0x3200, $0x38;
	[tilespmem:$0x1DC80] =	vst v63  }
0x1ea: {  	s12 =	sadd.s32 s2, s12;
	s26 =	simm.s32 $0x13800  }
0x1eb: {  	[hbm4b:s12+s3] =	stream.linear.scatter [tilespmem:s26], [sflag:$0xB], $0x3200, $0x38;
	[tilespmem:$0x1DC80] =	vst v63  }
.LBB2_11:
0x1ec: {  	p0 =	sgt.u32 s17, $0x7D  }
.Ltmp14:
0x1ed: {  	_ = 	snop;
	(pc) =	sbr.rel @p0 .LBB2_13-.Ltmp14, $1  }
0x1ee: {  	_ =	sdelay $0x3  }
0x1ef: {  	_ =	swait.ge [sflag:s25], $0x100  }
0x1f0: {  	[sflag:s25] =	ssyncset.done $0x0  }
0x1f1: {  	[sflag:s25] =	ssyncadd.s32 $0xFFFFFF00  }
0x1f2: {  	_ =	swait.ge [sflag:s25], $0x100  }
0x1f3: {  	[sflag:s25] =	ssyncset.done $0x0  }
0x1f4: {  	[sflag:s25] =	ssyncadd.s32 $0xFFFFFF00  }
0x1f5: {  	v17 =	vld [tilespmem:$0x700]  }
0x1f6: {  	v18 =	vld [tilespmem:$0x1CE00]  }
0x1f7: {  	v19 =	vld [tilespmem:$0x710]  }
0x1f8: {  	v20 =	vld [tilespmem:$0x1CE10]  }
0x1f9: {  	v21 =	vld [tilespmem:$0x720]  }
0x1fa: {  	v22 =	vld [tilespmem:$0x1CE20]  }
0x1fb: {  	v23 =	vld [tilespmem:$0x730]  }
0x1fc: {  	v24 =	vld [tilespmem:$0x1CE30]  }
0x1fd: {  	v25 =	vld [tilespmem:$0x740]  }
0x1fe: {  	v26 =	vld [tilespmem:$0x1CE40]  }
0x1ff: {  	v27 =	vld [tilespmem:$0x750]  }
0x200: {  	v28 =	vld [tilespmem:$0x1CE50]  }
0x201: {  	v29 =	vld [tilespmem:$0x760]  }
0x202: {  	v30 =	vld [tilespmem:$0x1CE60]  }
0x203: {  	v31 =	vld [tilespmem:$0x770]  }
0x204: {  	v32 =	vld [tilespmem:$0x1CE70]  }
0x205: {  	v33 =	vld [tilespmem:$0x780]  }
0x206: {  	v34 =	vld [tilespmem:$0x1CE80]  }
0x207: {  	v35 =	vld [tilespmem:$0x790]  }
0x208: {  	v36 =	vld [tilespmem:$0x1CE90];
	v17 =	vmul.u32 $0xC8, v17  }
0x209: {  	v37 =	vld [tilespmem:$0x7A0];
	v19 =	vmul.u32 $0xC8, v19  }
0x20a: {  	v53 =	vld [tilespmem:$0x1CEA0];
	v17 =	vadd.s32 v18, v17;
	v18 =	vmul.u32 $0xC8, v21  }
0x20b: {  	v54 =	vld [tilespmem:$0x7B0];
	[tilespmem:$0xB00] =	vst v17;
	v17 =	vadd.s32 v20, v19;
	v19 =	vmul.u32 $0xC8, v23  }
0x20c: {  	v55 =	vld [tilespmem:$0x1CEB0];
	[tilespmem:$0xB10] =	vst v17;
	v17 =	vadd.s32 v22, v18;
	v18 =	vmul.u32 $0xC8, v25  }
0x20d: {  	v56 =	vld [tilespmem:$0x7C0];
	[tilespmem:$0xB20] =	vst v17;
	v17 =	vadd.s32 v24, v19;
	v19 =	vmul.u32 $0xC8, v27  }
0x20e: {  	v57 =	vld [tilespmem:$0x1CEC0];
	[tilespmem:$0xB30] =	vst v17;
	v17 =	vadd.s32 v26, v18;
	v18 =	vmul.u32 $0xC8, v29  }
0x20f: {  	v58 =	vld [tilespmem:$0x7D0];
	[tilespmem:$0xB40] =	vst v17;
	v17 =	vadd.s32 v28, v19;
	v19 =	vmul.u32 $0xC8, v31  }
0x210: {  	v59 =	vld [tilespmem:$0x1CED0];
	[tilespmem:$0xB50] =	vst v17;
	v17 =	vadd.s32 v30, v18;
	v18 =	vmul.u32 $0xC8, v33  }
0x211: {  	v60 =	vld [tilespmem:$0x7E0];
	[tilespmem:$0xB60] =	vst v17;
	v17 =	vadd.s32 v32, v19;
	v19 =	vmul.u32 $0xC8, v35  }
0x212: {  	v61 =	vld [tilespmem:$0x7F0];
	[tilespmem:$0xB70] =	vst v17;
	v17 =	vadd.s32 v34, v18;
	v18 =	vmul.u32 $0xC8, v37  }
0x213: {  	v62 =	vld [tilespmem:$0x1CEE0];
	[tilespmem:$0xB80] =	vst v17;
	v17 =	vadd.s32 v36, v19;
	v19 =	vmul.u32 $0xC8, v54  }
0x214: {  	v63 =	vld [tilespmem:$0x1CEF0];
	[tilespmem:$0xB90] =	vst v17;
	v17 =	vadd.s32 v53, v18;
	v18 =	vmul.u32 $0xC8, v56  }
0x215: {  	[tilespmem:$0xBA0] =	vst v17;
	v17 =	vadd.s32 v55, v19;
	v19 =	vmul.u32 $0xC8, v58  }
0x216: {  	[tilespmem:$0xBB0] =	vst v17;
	v17 =	vadd.s32 v57, v18;
	v18 =	vmul.u32 $0xC8, v60  }
0x217: {  	[tilespmem:$0xBC0] =	vst v17;
	v17 =	vadd.s32 v59, v19;
	v19 =	vmul.u32 $0xC8, v61  }
0x218: {  	[tilespmem:$0xBD0] =	vst v17;
	v17 =	vadd.s32 v62, v18  }
0x219: {  	p0 =	slt.u32 s17, $0x2;
	[tilespmem:$0xBE0] =	vst v17;
	v17 =	vadd.s32 v63, v19  }
0x21a: {  	s12 =	simm.s32 @!p0 $0xC;
	[tilespmem:$0xBF0] =	vst v17  }
0x21b: {  	_ =	swait.ge @!p0 [sflag:s12], $0x3200  }
0x21c: {  	[sflag:s12] =	ssyncset.done @!p0 $0x0  }
0x21d: {  	[sflag:s12] =	ssyncadd.s32 @!p0 $0xFFFFCE00  }
0x21e: {  	_ =	swait.ge @!p0 [sflag:s12], $0x3200  }
0x21f: {  	[sflag:s12] =	ssyncset.done @!p0 $0x0  }
0x220: {  	s19 =	simm.s32 $0x300;
	[sflag:s12] =	ssyncadd.s32 @!p0 $0xFFFFCE00  }
0x221: {  	[tilespmem:s28], [sflag:$0x8] =	stream.indirect.gather [hbm4b:s6+s0], $0x40, s19, s0, $0xb8;
	[tilespmem:$0x1DC80] =	vst v63  }
0x222: {  	s23 =	simm.s32 $0xB00  }
0x223: {  	[tilespmem:s9], [sflag:$0x8] =	stream.indirect.gather [hbm4b:s10+s0], $0x40, s23, s0, $0xb8;
	[tilespmem:$0x1DC80] =	vst v63  }
0x224: {  	s26 =	simm.s32 $0x350;
	s19 =	simm.s32 $0xB600  }
0x225: {  	[tilespmem:s19], [sflag:$0x8] =	stream.indirect.gather [hbm4b:s6+s0], $0x40, s26, s0, $0xb8;
	[tilespmem:$0x1DC80] =	vst v63  }
0x226: {  	s23 =	simm.s32 $0xB50;
	s26 =	simm.s32 $0x17E00  }
0x227: {  	[tilespmem:s26], [sflag:$0x8] =	stream.indirect.gather [hbm4b:s10+s0], $0x40, s23, s0, $0xb8;
	[tilespmem:$0x1DC80] =	vst v63  }
0x228: {  	s23 =	simm.s32 $0x3A0;
	s26 =	simm.s32 $0xCA00  }
0x229: {  	[tilespmem:s26], [sflag:$0x8] =	stream.indirect.gather [hbm4b:s6+s15], $0x40, s23, s15, $0xb8;
	[tilespmem:$0x1DC80] =	vst v63  }
0x22a: {  	s23 =	simm.s32 $0xBA0;
	s26 =	simm.s32 $0x19200  }
0x22b: {  	[tilespmem:s26], [sflag:$0x8] =	stream.indirect.gather [hbm4b:s10+s15], $0x40, s23, s15, $0xb8;
	[tilespmem:$0x1DC80] =	vst v63  }
.LBB2_13:
0x22c: {  	_ =	swait.ge [sflag:s13], $0x1400  }
0x22d: {  	[sflag:s13] =	ssyncset.done $0x0  }
0x22e: {  	[sflag:s13] =	ssyncadd.s32 $0xFFFFEC00  }
0x22f: {  	_ =	swait.ge [sflag:s13], $0x1400  }
0x230: {  	[sflag:s13] =	ssyncset.done $0x0  }
0x231: {  	[sflag:s13] =	ssyncadd.s32 $0xFFFFEC00  }
0x232: {  	_ =	swait.ge [sflag:s13], $0x1400  }
0x233: {  	[sflag:s13] =	ssyncset.done $0x0  }
0x234: {  	[sflag:s13] =	ssyncadd.s32 $0xFFFFEC00  }
0x235: {  	_ =	swait.ge [sflag:s13], $0x1400  }
0x236: {  	[sflag:s13] =	ssyncset.done $0x0  }
0x237: {  	[sflag:s13] =	ssyncadd.s32 $0xFFFFEC00  }
0x238: {  	_ =	swait.ge [sflag:s13], $0xA00  }
0x239: {  	[sflag:s13] =	ssyncset.done $0x0  }
0x23a: {  	p0 =	sgt.u32 s17, $0x7B;
	[sflag:s13] =	ssyncadd.s32 $0xFFFFF600  }
0x23b: {  	s12 =	sadd.s32 @!p0 s17, s22;
	_ =	swait.ge [sflag:s13], $0xA00  }
0x23c: {  	s26 =	simm.s32 @!p0 $0x0;
	s12 =	sshll.u32 @!p0 s12, $0x5;
	[sflag:s13] =	ssyncset.done $0x0  }
0x23d: {  	s23 =	simm.s32 @!p0 $0x100;
	s19 =	sadd.s32 @!p0 s4, s12;
	[sflag:s13] =	ssyncadd.s32 $0xFFFFF600  }
0x23e: {  	[tilespmem:s23], [sflag:$0x2] =	stream.linear.gather @!p0 [hbm4b:s19+s26], $0x100, $0x38;
	[tilespmem:$0x1DC80] =	vst v63  }
0x23f: {  	s12 =	sadd.s32 @!p0 s5, s12;
	s19 =	simm.s32 @!p0 $0x500  }
0x240: {  	[tilespmem:s19], [sflag:$0x2] =	stream.linear.gather @!p0 [hbm4b:s12+s26], $0x100, $0x38;
	[tilespmem:$0x1DC80] =	vst v63  }
0x241: {  	s26 =	simm.s32 $0x0  }
0x242: {  	v22 =	vld [tilespmem:s26+$0x19C00]  }
0x243: {  	v23 =	vld [tilespmem:s26+$0x19C10]  }
0x244: {  	v18 =	vld [tilespmem:s26+$0x19C20]  }
0x245: {  	v17 =	vld [tilespmem:s26+$0x19C30]  }
0x246: {  	v19 =	vld [tilespmem:s26+$0x3E00]  }
0x247: {  	v21 =	vld [tilespmem:s26+$0x3E10]  }
0x248: {  	s12 =	simm.s32 $0x100;
	v20 =	vld [tilespmem:s26+$0x3E20]  }
.LBB2_14:
0x249: {  	s19 =	sshra.s32 s12, $0x2;
	p0 =	sne.s32 s12, $0xC700;
	v24 =	vld [tilespmem:s26+$0x3E30];
	v25 =	vmov v18  }
0x24a: {  	v26 =	vld [tilespmem:s19+$0x19C00];
	v27 =	vmov v17  }
0x24b: {  	v28 =	vld [tilespmem:s19+$0x19C10];
	v19 =	vadd.f32 v22, v19  }
.Ltmp15:
0x24c: {  	v18 =	vld [tilespmem:s19+$0x19C20];
	v21 =	vadd.f32 v23, v21;
	(pc) =	sbr.rel @p0 .LBB2_14-.Ltmp15, $4  }
0x24d: {  	v17 =	vld [tilespmem:s19+$0x19C30];
	[tilespmem:s26+$0x3E00] =	vst v19;
	v20 =	vadd.f32 v25, v20  }
0x24e: {  	v19 =	vld [tilespmem:s19+$0x3E00];
	[tilespmem:s26+$0x3E10] =	vst v21;
	v24 =	vadd.f32 v27, v24  }
0x24f: {  	v21 =	vld [tilespmem:s19+$0x3E10];
	[tilespmem:s26+$0x3E20] =	vst v20;
	v22 =	vmov v26  }
0x250: {  	s12 =	sadd.s32 $0x100, s12;
	v20 =	vld [tilespmem:s19+$0x3E20];
	[tilespmem:s26+$0x3E30] =	vst v24;
	v23 =	vmov v28;
	s26 =	smov.u32 s19  }
0x251: {  	v24 =	vld [tilespmem:s26+$0x3E30];
	_ =	sdelay $0x1  }
0x252: {  	v19 =	vadd.f32 v22, v19  }
0x253: {  	v21 =	vadd.f32 v23, v21  }
0x254: {  	s12 =	sor.u32 s11, s17;
	[tilespmem:s26+$0x3E00] =	vst v19;
	v18 =	vadd.f32 v18, v20  }
0x255: {  	s12 =	smul.u32 $0x640, s12;
	[tilespmem:s26+$0x3E10] =	vst v21;
	v17 =	vadd.f32 v17, v24  }
.Ltmp16:
0x256: {  	[tilespmem:s26+$0x3E20] =	vst v18;
	(pc) =	sbr.rel .LBB2_27-.Ltmp16, $4  }
0x257: {  	s19 =	sadd.s32 s1, s12;
	[tilespmem:s26+$0x3E30] =	vst v17  }
0x258: {  	[hbm4b:s19+s3] =	stream.linear.scatter [tilespmem:s21], [sflag:$0xA], $0x3200, $0x38;
	[tilespmem:$0x1DC80] =	vst v63  }
0x259: {  	s12 =	sadd.s32 s2, s12  }
0x25a: {  	[hbm4b:s12+s3] =	stream.linear.scatter [tilespmem:s29], [sflag:$0xA], $0x3200, $0x38;
	[tilespmem:$0x1DC80] =	vst v63  }
.LBB2_22:
.Ltmp17:
0x25b: {  	(pc) =	sbr.rel @p0 .LBB2_24-.Ltmp17, $1  }
0x25c: {  	_ =	sdelay $0x3  }
0x25d: {  	_ =	swait.ge [sflag:s20], $0x100  }
0x25e: {  	[sflag:s20] =	ssyncset.done $0x0  }
0x25f: {  	[sflag:s20] =	ssyncadd.s32 $0xFFFFFF00  }
0x260: {  	_ =	swait.ge [sflag:s20], $0x100  }
0x261: {  	[sflag:s20] =	ssyncset.done $0x0  }
0x262: {  	[sflag:s20] =	ssyncadd.s32 $0xFFFFFF00  }
0x263: {  	v17 =	vld [tilespmem:$0x500]  }
0x264: {  	v18 =	vld [tilespmem:$0x1CE00]  }
0x265: {  	v19 =	vld [tilespmem:$0x510]  }
0x266: {  	v20 =	vld [tilespmem:$0x1CE10]  }
0x267: {  	v21 =	vld [tilespmem:$0x520]  }
0x268: {  	v22 =	vld [tilespmem:$0x1CE20]  }
0x269: {  	v23 =	vld [tilespmem:$0x530]  }
0x26a: {  	v24 =	vld [tilespmem:$0x1CE30]  }
0x26b: {  	v25 =	vld [tilespmem:$0x540]  }
0x26c: {  	v26 =	vld [tilespmem:$0x1CE40]  }
0x26d: {  	v27 =	vld [tilespmem:$0x550]  }
0x26e: {  	v28 =	vld [tilespmem:$0x1CE50]  }
0x26f: {  	v29 =	vld [tilespmem:$0x560]  }
0x270: {  	v30 =	vld [tilespmem:$0x1CE60]  }
0x271: {  	v31 =	vld [tilespmem:$0x570]  }
0x272: {  	v32 =	vld [tilespmem:$0x1CE70]  }
0x273: {  	v33 =	vld [tilespmem:$0x580]  }
0x274: {  	v34 =	vld [tilespmem:$0x1CE80]  }
0x275: {  	v35 =	vld [tilespmem:$0x590]  }
0x276: {  	v36 =	vld [tilespmem:$0x1CE90];
	v17 =	vmul.u32 $0xC8, v17  }
0x277: {  	v37 =	vld [tilespmem:$0x5A0];
	v19 =	vmul.u32 $0xC8, v19  }
0x278: {  	v53 =	vld [tilespmem:$0x1CEA0];
	v17 =	vadd.s32 v18, v17;
	v18 =	vmul.u32 $0xC8, v21  }
0x279: {  	v54 =	vld [tilespmem:$0x5B0];
	[tilespmem:$0x900] =	vst v17;
	v17 =	vadd.s32 v20, v19;
	v19 =	vmul.u32 $0xC8, v23  }
0x27a: {  	v55 =	vld [tilespmem:$0x1CEB0];
	[tilespmem:$0x910] =	vst v17;
	v17 =	vadd.s32 v22, v18;
	v18 =	vmul.u32 $0xC8, v25  }
0x27b: {  	v56 =	vld [tilespmem:$0x5C0];
	[tilespmem:$0x920] =	vst v17;
	v17 =	vadd.s32 v24, v19;
	v19 =	vmul.u32 $0xC8, v27  }
0x27c: {  	v57 =	vld [tilespmem:$0x1CEC0];
	[tilespmem:$0x930] =	vst v17;
	v17 =	vadd.s32 v26, v18;
	v18 =	vmul.u32 $0xC8, v29  }
0x27d: {  	v58 =	vld [tilespmem:$0x5D0];
	[tilespmem:$0x940] =	vst v17;
	v17 =	vadd.s32 v28, v19;
	v19 =	vmul.u32 $0xC8, v31  }
0x27e: {  	v59 =	vld [tilespmem:$0x1CED0];
	[tilespmem:$0x950] =	vst v17;
	v17 =	vadd.s32 v30, v18;
	v18 =	vmul.u32 $0xC8, v33  }
0x27f: {  	v60 =	vld [tilespmem:$0x5E0];
	[tilespmem:$0x960] =	vst v17;
	v17 =	vadd.s32 v32, v19;
	v19 =	vmul.u32 $0xC8, v35  }
0x280: {  	v61 =	vld [tilespmem:$0x5F0];
	[tilespmem:$0x970] =	vst v17;
	v17 =	vadd.s32 v34, v18;
	v18 =	vmul.u32 $0xC8, v37  }
0x281: {  	v62 =	vld [tilespmem:$0x1CEE0];
	[tilespmem:$0x980] =	vst v17;
	v17 =	vadd.s32 v36, v19;
	v19 =	vmul.u32 $0xC8, v54  }
0x282: {  	v63 =	vld [tilespmem:$0x1CEF0];
	[tilespmem:$0x990] =	vst v17;
	v17 =	vadd.s32 v53, v18;
	v18 =	vmul.u32 $0xC8, v56  }
0x283: {  	[tilespmem:$0x9A0] =	vst v17;
	v17 =	vadd.s32 v55, v19;
	v19 =	vmul.u32 $0xC8, v58  }
0x284: {  	[tilespmem:$0x9B0] =	vst v17;
	v17 =	vadd.s32 v57, v18;
	v18 =	vmul.u32 $0xC8, v60  }
0x285: {  	[tilespmem:$0x9C0] =	vst v17;
	v17 =	vadd.s32 v59, v19;
	v19 =	vmul.u32 $0xC8, v61  }
0x286: {  	[tilespmem:$0x9D0] =	vst v17;
	v17 =	vadd.s32 v62, v18  }
0x287: {  	p0 =	slt.u32 s17, $0x2;
	[tilespmem:$0x9E0] =	vst v17;
	v17 =	vadd.s32 v63, v19  }
0x288: {  	s12 =	simm.s32 @!p0 $0xA;
	[tilespmem:$0x9F0] =	vst v17  }
0x289: {  	_ =	swait.ge @!p0 [sflag:s12], $0x3200  }
0x28a: {  	[sflag:s12] =	ssyncset.done @!p0 $0x0  }
0x28b: {  	[sflag:s12] =	ssyncadd.s32 @!p0 $0xFFFFCE00  }
0x28c: {  	_ =	swait.ge @!p0 [sflag:s12], $0x3200  }
0x28d: {  	[sflag:s12] =	ssyncset.done @!p0 $0x0  }
0x28e: {  	s19 =	simm.s32 $0x100;
	[sflag:s12] =	ssyncadd.s32 @!p0 $0xFFFFCE00  }
0x28f: {  	[tilespmem:s21], [sflag:$0x6] =	stream.indirect.gather [hbm4b:s6+s0], $0x40, s19, s0, $0xb8;
	[tilespmem:$0x1DC80] =	vst v63  }
0x290: {  	s23 =	simm.s32 $0x900  }
0x291: {  	[tilespmem:s29], [sflag:$0x6] =	stream.indirect.gather [hbm4b:s10+s0], $0x40, s23, s0, $0xb8;
	[tilespmem:$0x1DC80] =	vst v63  }
0x292: {  	s26 =	simm.s32 $0x150;
	s19 =	simm.s32 $0x5200  }
0x293: {  	[tilespmem:s19], [sflag:$0x6] =	stream.indirect.gather [hbm4b:s6+s0], $0x40, s26, s0, $0xb8;
	[tilespmem:$0x1DC80] =	vst v63  }
0x294: {  	s23 =	simm.s32 $0x950;
	s26 =	simm.s32 $0x11A00  }
0x295: {  	[tilespmem:s26], [sflag:$0x6] =	stream.indirect.gather [hbm4b:s10+s0], $0x40, s23, s0, $0xb8;
	[tilespmem:$0x1DC80] =	vst v63  }
0x296: {  	s23 =	simm.s32 $0x1A0;
	s26 =	simm.s32 $0x6600  }
0x297: {  	[tilespmem:s26], [sflag:$0x6] =	stream.indirect.gather [hbm4b:s6+s15], $0x40, s23, s15, $0xb8;
	[tilespmem:$0x1DC80] =	vst v63  }
0x298: {  	s23 =	simm.s32 $0x9A0;
	s26 =	simm.s32 $0x12E00  }
0x299: {  	[tilespmem:s26], [sflag:$0x6] =	stream.indirect.gather [hbm4b:s10+s15], $0x40, s23, s15, $0xb8;
	[tilespmem:$0x1DC80] =	vst v63  }
.LBB2_24:
0x29a: {  	_ =	swait.ge [sflag:s14], $0x1400  }
0x29b: {  	[sflag:s14] =	ssyncset.done $0x0  }
0x29c: {  	[sflag:s14] =	ssyncadd.s32 $0xFFFFEC00  }
0x29d: {  	_ =	swait.ge [sflag:s14], $0x1400  }
0x29e: {  	[sflag:s14] =	ssyncset.done $0x0  }
0x29f: {  	[sflag:s14] =	ssyncadd.s32 $0xFFFFEC00  }
0x2a0: {  	_ =	swait.ge [sflag:s14], $0x1400  }
0x2a1: {  	[sflag:s14] =	ssyncset.done $0x0  }
0x2a2: {  	[sflag:s14] =	ssyncadd.s32 $0xFFFFEC00  }
0x2a3: {  	_ =	swait.ge [sflag:s14], $0x1400  }
0x2a4: {  	[sflag:s14] =	ssyncset.done $0x0  }
0x2a5: {  	[sflag:s14] =	ssyncadd.s32 $0xFFFFEC00  }
0x2a6: {  	_ =	swait.ge [sflag:s14], $0xA00  }
0x2a7: {  	[sflag:s14] =	ssyncset.done $0x0  }
0x2a8: {  	p0 =	sgt.u32 s17, $0x7B;
	[sflag:s14] =	ssyncadd.s32 $0xFFFFF600  }
0x2a9: {  	s12 =	sadd.s32 @!p0 s17, s22;
	_ =	swait.ge [sflag:s14], $0xA00  }
0x2aa: {  	s23 =	simm.s32 @!p0 $0x0;
	s12 =	sshll.u32 @!p0 s12, $0x5;
	[sflag:s14] =	ssyncset.done $0x0  }
0x2ab: {  	s26 =	simm.s32 @!p0 $0x300;
	s19 =	sadd.s32 @!p0 s4, s12;
	[sflag:s14] =	ssyncadd.s32 $0xFFFFF600  }
0x2ac: {  	[tilespmem:s26], [sflag:$0x4] =	stream.linear.gather @!p0 [hbm4b:s19+s23], $0x100, $0x38;
	[tilespmem:$0x1DC80] =	vst v63  }
0x2ad: {  	s12 =	sadd.s32 @!p0 s5, s12;
	s19 =	simm.s32 @!p0 $0x700;
	s26 =	simm.s32 $0x0  }
0x2ae: {  	[tilespmem:s19], [sflag:$0x4] =	stream.linear.gather @!p0 [hbm4b:s12+s23], $0x100, $0x38;
	[tilespmem:$0x1DC80] =	vst v63  }
0x2af: {  	v22 =	vld [tilespmem:s26+$0x19C00]  }
0x2b0: {  	v23 =	vld [tilespmem:s26+$0x19C10]  }
0x2b1: {  	v18 =	vld [tilespmem:s26+$0x19C20]  }
0x2b2: {  	v17 =	vld [tilespmem:s26+$0x19C30]  }
0x2b3: {  	v19 =	vld [tilespmem:s26+$0xA200]  }
0x2b4: {  	v21 =	vld [tilespmem:s26+$0xA210]  }
0x2b5: {  	s12 =	simm.s32 $0x100;
	v20 =	vld [tilespmem:s26+$0xA220]  }
.LBB2_25:
0x2b6: {  	s19 =	sshra.s32 s12, $0x2;
	p0 =	sne.s32 s12, $0xC700;
	v24 =	vld [tilespmem:s26+$0xA230];
	v25 =	vmov v18  }
0x2b7: {  	v27 =	vmov v17;
	v26 =	vld [tilespmem:s19+$0x19C00]  }
0x2b8: {  	v19 =	vadd.f32 v22, v19;
	v28 =	vld [tilespmem:s19+$0x19C10]  }
.Ltmp18:
0x2b9: {  	v21 =	vadd.f32 v23, v21;
	v18 =	vld [tilespmem:s19+$0x19C20];
	(pc) =	sbr.rel @p0 .LBB2_25-.Ltmp18, $4  }
0x2ba: {  	v20 =	vadd.f32 v25, v20;
	v17 =	vld [tilespmem:s19+$0x19C30];
	[tilespmem:s26+$0xA200] =	vst v19  }
0x2bb: {  	v19 =	vld [tilespmem:s19+$0xA200];
	[tilespmem:s26+$0xA210] =	vst v21;
	v24 =	vadd.f32 v27, v24  }
0x2bc: {  	v21 =	vld [tilespmem:s19+$0xA210];
	[tilespmem:s26+$0xA220] =	vst v20;
	v22 =	vmov v26  }
0x2bd: {  	s12 =	sadd.s32 $0x100, s12;
	v20 =	vld [tilespmem:s19+$0xA220];
	[tilespmem:s26+$0xA230] =	vst v24;
	v23 =	vmov v28;
	s26 =	smov.u32 s19  }
.Ltmp19:
0x2be: {  	_ = 	snop;
	(pc) =	sbr.rel .LBB2_26-.Ltmp19, $1  }
0x2bf: {  	_ =	sdelay $0x3  }
.LBB2_29:
0x2c0: {  	_ =	sfence.sel $0x180000  }
0x2c1: {  	[bflag:$0x0] =	sbarrier.arrive $0xFFFF  }
0x2c2: {  	_ =	strace $0x90000047  }
0x2c3: {  	s0 =	stileid.u32;
	[bflag:$0x2] =	sbarrier.arrive $0xFFFF  }
0x2c4: {  	p0 =	sne.s32 s0, $0x0;
	s0 =	rddreg [dreg:$0x3]  }
0x2c5: {  	s0 =	sadd.s32 @!p0 $0x100000, s0  }
0x2c6: {  	[sflag:s0] =	ssyncadd.tile.s32 @!p0 $0x1;
	_ =	shalt  }
.Lfunc_end2:
_tile_overlayer_lowered:
.L_overlay_start_2:
0x2c7: {  	(tag) =	ssettag $0x2  }
0x2c8: {  	s0 =	rddreg [dreg:$0x0];
	s2 =	stileid.u32  }
0x2c9: {  	s1 =	rddreg [dreg:$0x1];
	p0 =	sne.s32 s2, $0x0  }
0x2ca: {  	s3 =	rddreg [dreg:$0x2];
	[bflag:$0x3] =	sbarrier.arrive $0xFFFF;
	s2 =	simm.s32 @!p0 $0x1C0E  }
0x2cb: {  	[timem:s3], [sflag:s2] =	dma.local @!p0 [hbm:s0], s1  }
0x2cc: {  	s0 =	simm.s32 @!p0 $0xE  }
0x2cd: {  	_ =	swait.ge @!p0 [sflag:s0], s1  }
0x2ce: {  	s1 =	ssub.s32 @!p0 $0x0, s1;
	[sflag:s0] =	ssyncset.done @!p0 $0x0  }
0x2cf: {  	[sflag:s0] =	ssyncadd.s32 @!p0 s1  }
0x2d0: {  	[bflag:$0x3] =	sbarrier.arrive $0xFFFF  }
0x2d1: {  	_ =	shalt  }

// kernel: sparse-core-data-format-call.1.cloned.1.call-start
scs
called_computation.1_lowered:
.L_overlay_start_0:
0x0: {  	s2 =	sld [smem:$0x3FD9]  }
0x1: {  	s3 =	sld [smem:$0x3FFE];
	_ =	sdelay $0x1  }
0x2: {  	s1 =	srdreg.scid  }
0x3: {  	s0 =	sand.u32 $0x1, s1  }
0x4: {  	s15 =	sshll.u32 s0, $0xA;
	s2 =	sadd.s32 s3, s2  }
0x5: {  	s2 =	sadd.s32 s2, s15  }
0x6: {  	[smem:$0x3FC3] =	sst s2  }
0x7: {  	_ = 	snop  }
0x8: {  	s2 =	sld [smem:$0x3FD0];
	_ =	sdelay $0x2  }
0x9: {  	s16 =	simm.s32 $0xB;
	s4 =	simm.s32 $0x10  }
0xa: {  	[smem:s4], [sflag:s16] =	dma.local [hbm:s2], $0x1  }
0xb: {  	_ =	swait.eq [sflag:s16], $0x1  }
0xc: {  	[sflag:s16] =	ssyncset.done $0x0  }
0xd: {  	[sflag:s16] =	ssyncadd.s32 $0xFFFFFFFF  }
0xe: {  	s17 =	sld [smem:$0x10];
	(tm) =	ssettm $0x1  }
0xf: {  	s18 =	sld [smem:$0x3FFB];
	_ =	sdelay $0x3  }
0x10: {  	_ =	strace s18  }
0x11: {  	s3 =	sld [smem:$0x3FFC];
	_ =	sdelay $0x3  }
0x12: {  	_ =	strace s3  }
0x13: {  	s3 =	sld [smem:$0x3FFD];
	_ =	sdelay $0x3  }
0x14: {  	_ =	strace s3  }
0x15: {  	_ =	strace $0x8FFFFFFF  }
0x16: {  	s19 =	sld [smem:$0x3FDB];
	_ =	sdelay $0x1  }
0x17: {  	s20 =	simm.s32 $_scs_section_size  }
0x18: {  	s5 =	simm.s32 $_size__tile_overlayer_lowered;
	s6 =	simm.s32 $_tile_overlayer_lowered  }
0x19: {  	s23 =	simm.s32 $0x1BFF;
	s22 =	sshll.u32 s6, $0x1;
	s3 =	sadd.s32 s20, s19  }
0x1a: {  	s7 =	simm.s32 $0x0;
	s21 =	sshll.u32 s5, $0x1;
	s5 =	sadd.s32 s22, s3  }
0x1b: {  	[timem:s7], [sflag:s23] =	dma.local [hbm:s5], s21  }
0x1c: {  	_ =	swait.ge [sflag:s23], s21  }
0x1d: {  	s4 =	ssub.s32 $0x0, s21;
	[sflag:s23] =	ssyncset.done $0x0  }
0x1e: {  	[sflag:s23] =	ssyncadd.s32 s4;
	_ =	sdelay $0x1  }
0x1f: {  	s24 =	simm.s32 $0x1B8B  }
0x20: {  	_ =	swait.ge [sflag:s24], $0x1  }
0x21: {  	[sflag:s24] =	ssyncset.done $0x0  }
0x22: {  	s26 =	simm.s32 $0x1B8E;
	s25 =	sld [smem:$0x3FFE];
	[sflag:s24] =	ssyncadd.s32 $0xFFFFFFFF  }
0x23: {  	s27 =	simm.s32 $execute0_lowered;
	[smem:$0x3FD2] =	sst s26  }
0x24: {  	s5 =	sshll.u32 s27, $0x1;
	_ =	strace $0x80000049;
	[dreg:$0x1] =	wrdreg $0xFFFFFFFF  }
0x25: {  	s28 =	simm.s32 $_size_execute0_lowered;
	s3 =	sadd.s32 s3, s5;
	[dreg:$0x0] =	wrdreg $0x0  }
0x26: {  	s5 =	sshll.u32 s28, $0x1;
	[dreg:$0x2] =	wrdreg s3  }
0x27: {  	[dreg:$0x3] =	wrdreg s5  }
0x28: {  	[dreg:$0x4] =	wrdreg $0xC0  }
0x29: {  	_ =	task [dreg:s7], $0x5FFFF  }
0x2a: {  	[dreg:$0x1] =	wrdreg $0xFFFFFFFF  }
0x2b: {  	[dreg:$0x0] =	wrdreg $0x60  }
0x2c: {  	[dreg:$0x2] =	wrdreg s25  }
0x2d: {  	[dreg:$0x3] =	wrdreg s17  }
0x2e: {  	[dreg:$0x4] =	wrdreg $0xA  }
0x2f: {  	_ =	task.clear_ibuf [dreg:s7], $0x5FFFF;
	_ =	strace $0x90000049  }
0x30: {  	s29 =	simm.s32 $0xA;
	_ =	strace $0x8000004B  }
0x31: {  	_ =	swait.ge [sflag:s29], $0x1  }
0x32: {  	[sflag:s29] =	ssyncadd.s32 $0xFFFFFFFF  }
0x33: {  	_ =	strace $0x9000004B  }
0x34: {  	_ =	sfence  }
0x35: {  	s30 =	sld [smem:$0x0];
	_ =	sdelay $0x2  }
0x36: {  	s31 =	sshll.u32 s1, $0xD;
	s1 =	sshrl.u32 s1, $0x2  }
0x37: {  	s3 =	sand.u32 $0x4000, s31;
	s1 =	sadd.s32 s1, s30  }
0x38: {  	s0 =	sor.u32 s3, s0;
	s1 =	sshll.u32 s1, $0x11  }
0x39: {  	s0 =	sor.u32 s1, s0  }
0x3a: {  	s0 =	sadd.s32 $0x8F2B, s0  }
0x3b: {  	[sflag:s0] =	ssyncadd.remote.s32 $0x1  }
0x3c: {  	_ =	sfence.sel $0xFFFF  }
0x3d: {  	[dreg:$0x0] =	wrdreg $0xFFFFFFFF;
	(pc) =	sbr.abs _section_cstart, $3  }
0x3e: {  	[dreg:$0x1] =	wrdreg $0xFFFFFFFF  }
0x3f: {  	_ =	task.clear_ibuf [dreg:s7], $0x2FFFF;
	_ =	strace $0x9FFFFFFF  }
0x40: {  	(tm) =	ssettm $0x7FFFFFFF  }
0x41: {  	_ =	shalt  }
tec
execute0_lowered:
.L_overlay_start_1:
0x0: {  	(tag) =	ssettag $0x1  }
0x1: {  	s0 =	srdreg.scid  }
0x2: {  	s1 =	sshll.u32 s0, $0x4  }
0x3: {  	s0 =	stileid.u32;
	s1 =	sand.u32 $0x10, s1  }
0x4: {  	s1 =	sor.u32 s0, s1  }
0x5: {  	s6 =	rddreg [dreg:$0x0];
	s4 =	simm.s32 $0x1;
	s2 =	sshll.u32 s1, $0x7  }
0x6: {  	s7 =	simm.s32 $0x2;
	s12 =	simm.s32 $0x0;
	s1 =	ssub.s32 $0x1000, s2  }
0x7: {  	s8 =	simm.s32 $0x8000;
	s13 =	simm.s32 $0x0;
	s3 =	sand.u32 $0xF80, s1  }
0x8: {  	s9 =	simm.s32 $0x0;
	s5 =	sshrl.u32 s1, $0xC;
	p0 =	sne.s32 s3, $0x0  }
.Ltmp0:
0x9: {  	s1 =	rddreg [dreg:$0x2];
	s4 =	simm.s32 @!p0 $0x0;
	(pc) =	sbr.rel .LBB1_1-.Ltmp0, $4  }
0xa: {  	s11 =	simm.s32 $0x0;
	s3 =	rddreg [dreg:$0x1];
	s5 =	sadd.s32 s4, s5  }
0xb: {  	_ =	strace $0x8000004A;
	s4 =	simm.s32 $0x1;
	s5 =	smul.u32 $0xC8, s5  }
0xc: {  	s6 =	sadd.s32 $0x1800, s6;
	s10 =	smov.u32 s2;
	[sflag:s4] =	ssyncpa.u1 $0x0  }
0xd: {  	p0 =	por $0x0, $0x0;
	[sflag:s7] =	ssyncpa.u1 $0x0;
	s7 =	sor.u32 $0x1, s5  }
.LBB1_4:
0xe: {  	s16 =	sshll.u32 s13, $0x3;
	s17 =	sand.u32 $0x78, s13  }
0xf: {  	s30 =	sand.u32 $0x7E00, s13;
	s12 =	sshll.u32 s12, $0xF;
	s16 =	sand.u32 $0xC00, s16  }
0x10: {  	[tilespmem:s15+$0x810 ss:$0x81] =	vst.msk $0xffff, v2;
	s31 =	sand.u32 $0x7, s13;
	s16 =	sor.u32 s17, s16;
	s17 =	sadd.s32 s3, s30  }
0x11: {  	[tilespmem:s15+$0x1020 ss:$0x81] =	vst.msk $0xffff, v0;
	s13 =	sshll.u32 s31, $0x12;
	s12 =	sadd.s32 s12, s17;
	s16 =	sshrl.u32 s16, $0x3  }
0x12: {  	[tilespmem:s15+$0x0 ss:$0x81] =	vst.msk $0xffff, v1;
	s13 =	sor.u32 $0x400, s13;
	s12 =	sadd.s32 s16, s12  }
0x13: {  	[hbm4b:s12+s13] =	stream.strided.scatter [tilespmem:s14], [sflag:$0x2], $0x2000, s8, s13, $0x20;
	[tilespmem:$0x8080] =	vst v63  }
.LBB1_5:
0x14: {  	s14 =	sadd.s32 $0x1, s9  }
0x15: {  	s12 =	sadd.s32 $0x1000, s10;
	s16 =	smov.u32 s10;
	p2 =	sgt.s32 s14, $0xC7  }
0x16: {  	s16 =	smov.u32 @p2 s12  }
0x17: {  	s14 =	simm.s32 @p2 $0x0;
	p2 =	sgt.s32 s16, $0xFFF  }
0x18: {  	s16 =	smov.u32 @p2 s2;
	p2 =	sne.s32 s11, s7  }
.Ltmp1:
0x19: {  	p1 =	slt.u32 s11, $0x2;
	(pc) =	sbr.rel @!p2 .LBB1_6-.Ltmp1, $4  }
0x1a: {  	s15 =	simm.s32 @!p1 $0x2  }
0x1b: {  	s13 =	smov.u32 s10;
	p0 =	por !p0, !p0;
	_ =	swait.ge @!p1 [sflag:s15], $0x2000  }
0x1c: {  	s12 =	smov.u32 s9;
	[sflag:s15] =	ssyncset.done @!p1 $0x0;
	s9 =	smov.u32 s14  }
0x1d: {  	s11 =	sadd.s32 $0x1, s11;
	[sflag:s15] =	ssyncadd.s32 @!p1 $0xFFFFE000;
	s10 =	smov.u32 s16  }
.LBB1_1:
0x1e: {  	p1 =	sge.u32 s11, s5  }
0x1f: {  	s14 =	sand.u32 @!p1 $0x1FFFFFF, s9  }
0x20: {  	s15 =	smulhi.u32 @!p1 $0x147AE15, s14;
	_ =	sdelay $0x1  }
0x21: {  	s15 =	smul.u32 @!p1 $0xC8, s15  }
0x22: {  	s16 =	sxor.u32 @!p1 $0xFFFFFFFF, s11;
	s17 =	smul.u32 @!p1 $0xC80, s10  }
0x23: {  	s31 =	sadd.s32 $0xFFFFFFFF, s11;
	s16 =	sshll.u32 @!p1 s16, $0xD;
	s14 =	ssub.s32 @!p1 s14, s15  }
0x24: {  	s15 =	sand.u32 @!p1 $0x2000, s16;
	s16 =	sadd.s32 @!p1 s6, s17;
	s14 =	sshll.u32 @!p1 s14, $0x4  }
0x25: {  	s17 =	simm.s32 @!p1 $0x6400;
	s14 =	sadd.s32 @!p1 s14, s16;
	s16 =	simm.s32 @!p1 $0x40  }
0x26: {  	[tilespmem:s15], [sflag:$0x1] =	stream.strided.gather @!p1 [hbm4b:s14+s16], $0x2000, s17, s16, $0x38;
	[tilespmem:$0x8080] =	vst v63  }
0x27: {  	p1 =	sge.u32 s31, s5  }
.Ltmp2:
0x28: {  	_ = 	snop;
	(pc) =	sbr.rel @p1 .LBB1_5-.Ltmp2, $1  }
0x29: {  	_ =	sdelay $0x3  }
0x2a: {  	s14 =	simm.s32 $0x1  }
0x2b: {  	_ =	swait.ge [sflag:s4], $0x2000;
	s14 =	simm.s32 @!p0 $0x0  }
0x2c: {  	[sflag:s4] =	ssyncset.done $0x0;
	s15 =	sshll.u32 s14, $0xD  }
0x2d: {  	[sflag:s4] =	ssyncadd.s32 $0xFFFFE000;
	s18 =	sor.u32 $0x20, s15  }
0x2e: {  	s14 =	smul.u32 $0x8100, s14;
	v3 =	vld [tilespmem:s18+$0x10]  }
0x2f: {  	s30 =	sand.u32 $0x1, s11;
	v2 =	vld [tilespmem:s18+$0xFFFFFFF0]  }
0x30: {  	s15 =	smul.u32 $0x8100, s30;
	s14 =	sshrl.u32 s14, $0x2;
	v0 =	vld [tilespmem:s18+$0x0]  }
0x31: {  	v1 =	vld [tilespmem:s18+$0xFFFFFFE0];
	s16 =	sor.u32 $0x4000, s14  }
0x32: {  	s31 =	sshrl.u32 s15, $0x2;
	s15 =	sadd.s32 $0x0, s16  }
0x33: {  	s17 =	simm.s32 $0x4;
	s18 =	sadd.s32 $0x40, s18;
	s14 =	sor.u32 $0x4000, s31;
	[tilespmem:s15+$0x1830 ss:$0x81] =	vst.msk $0xffff, v3  }
.LBB1_3:
0x34: {  	v3 =	vld [tilespmem:s18+$0x10];
	p1 =	sne.s32 s17, $0x1FC;
	[tilespmem:s15+$0x810 ss:$0x81] =	vst.msk $0xffff, v2;
	s19 =	smov.u32 s17;
	s17 =	sadd.s32 $0x4, s17  }
.Ltmp3:
0x35: {  	v2 =	vld [tilespmem:s18+$0xFFFFFFF0];
	[tilespmem:s15+$0x1020 ss:$0x81] =	vst.msk $0xffff, v0;
	(pc) =	sbr.rel @p1 .LBB1_3-.Ltmp3, $4  }
0x36: {  	v0 =	vld [tilespmem:s18+$0x0];
	[tilespmem:s15+$0x0 ss:$0x81] =	vst.msk $0xffff, v1  }
0x37: {  	s15 =	sshra.s32 s19, $0x2;
	v1 =	vld [tilespmem:s18+$0xFFFFFFE0]  }
0x38: {  	s15 =	sadd.s32 s15, s16  }
0x39: {  	s18 =	sadd.s32 $0x40, s18;
	[tilespmem:s15+$0x1830 ss:$0x81] =	vst.msk $0xffff, v3  }
.Ltmp4:
0x3a: {  	_ = 	snop;
	(pc) =	sbr.rel .LBB1_4-.Ltmp4, $1  }
0x3b: {  	_ =	sdelay $0x3  }
.LBB1_6:
0x3c: {  	_ =	sfence.sel $0x180000  }
0x3d: {  	s2 =	simm.s32 $0x1;
	[bflag:$0x0] =	sbarrier.arrive $0xFFFF  }
0x3e: {  	s31 =	simm.s32 $0x2;
	[sflag:s2] =	ssyncpa.u1 $0x1  }
0x3f: {  	[sflag:s31] =	ssyncpa.u1 $0x1  }
0x40: {  	p0 =	sne.s32 s0, $0x0;
	_ =	strace $0x9000004A  }
0x41: {  	s0 =	sadd.s32 @!p0 $0x100000, s1;
	[bflag:$0x2] =	sbarrier.arrive $0xFFFF  }
0x42: {  	[sflag:s0] =	ssyncadd.tile.s32 @!p0 $0x1;
	_ =	shalt  }
.Lfunc_end1:
_tile_overlayer_lowered:
.L_overlay_start_2:
0x43: {  	(tag) =	ssettag $0x2  }
0x44: {  	s0 =	rddreg [dreg:$0x0];
	s2 =	stileid.u32  }
0x45: {  	s1 =	rddreg [dreg:$0x1];
	p0 =	sne.s32 s2, $0x0  }
0x46: {  	s3 =	rddreg [dreg:$0x2];
	[bflag:$0x3] =	sbarrier.arrive $0xFFFF;
	s2 =	simm.s32 @!p0 $0x1C01  }
0x47: {  	[timem:s3], [sflag:s2] =	dma.local @!p0 [hbm:s0], s1  }
0x48: {  	s0 =	simm.s32 @!p0 $0x1  }
0x49: {  	_ =	swait.ge @!p0 [sflag:s0], s1  }
0x4a: {  	s1 =	ssub.s32 @!p0 $0x0, s1;
	[sflag:s0] =	ssyncset.done @!p0 $0x0  }
0x4b: {  	[sflag:s0] =	ssyncadd.s32 @!p0 s1  }
0x4c: {  	[bflag:$0x3] =	sbarrier.arrive $0xFFFF  }
0x4d: {  	_ =	shalt  }

// kernel: sparse-core-data-format-call.cloned.1.call-start
scs
called_computation_lowered:
.L_overlay_start_0:
0x0: {  	s2 =	sld [smem:$0x3FD9]  }
0x1: {  	s3 =	sld [smem:$0x3FFE];
	_ =	sdelay $0x1  }
0x2: {  	s1 =	srdreg.scid  }
0x3: {  	s0 =	sand.u32 $0x1, s1  }
0x4: {  	s16 =	sshll.u32 s0, $0xA;
	s2 =	sadd.s32 s3, s2  }
0x5: {  	s2 =	sadd.s32 s2, s16  }
0x6: {  	[smem:$0x3FC3] =	sst s2  }
0x7: {  	_ = 	snop  }
0x8: {  	s2 =	sld [smem:$0x3FD0];
	_ =	sdelay $0x2  }
0x9: {  	s17 =	simm.s32 $0xB;
	s4 =	simm.s32 $0x10  }
0xa: {  	[smem:s4], [sflag:s17] =	dma.local [hbm:s2], $0x1  }
0xb: {  	_ =	swait.eq [sflag:s17], $0x1  }
0xc: {  	[sflag:s17] =	ssyncset.done $0x0  }
0xd: {  	[sflag:s17] =	ssyncadd.s32 $0xFFFFFFFF  }
0xe: {  	s18 =	sld [smem:$0x11];
	(tm) =	ssettm $0x1  }
0xf: {  	s19 =	sld [smem:$0x3FFB];
	_ =	sdelay $0x3  }
0x10: {  	_ =	strace s19  }
0x11: {  	s2 =	sld [smem:$0x3FFC];
	_ =	sdelay $0x3  }
0x12: {  	_ =	strace s2  }
0x13: {  	s2 =	sld [smem:$0x3FFD];
	_ =	sdelay $0x3  }
0x14: {  	_ =	strace s2  }
0x15: {  	_ =	strace $0x8FFFFFFF  }
0x16: {  	s20 =	sld [smem:$0x3FDB];
	_ =	sdelay $0x1  }
0x17: {  	s21 =	simm.s32 $_scs_section_size  }
0x18: {  	s5 =	simm.s32 $_size__tile_overlayer_lowered;
	s6 =	simm.s32 $_tile_overlayer_lowered  }
0x19: {  	s7 =	simm.s32 $0x1BFF;
	s22 =	sshll.u32 s6, $0x1;
	s4 =	sadd.s32 s21, s20  }
0x1a: {  	s23 =	simm.s32 $0x0;
	s5 =	sshll.u32 s5, $0x1;
	s6 =	sadd.s32 s22, s4  }
0x1b: {  	[timem:s23], [sflag:s7] =	dma.local [hbm:s6], s5  }
0x1c: {  	_ =	swait.ge [sflag:s7], s5  }
0x1d: {  	s5 =	ssub.s32 $0x0, s5;
	[sflag:s7] =	ssyncset.done $0x0  }
0x1e: {  	[sflag:s7] =	ssyncadd.s32 s5;
	_ =	sdelay $0x1  }
0x1f: {  	s24 =	simm.s32 $0x1B8B  }
0x20: {  	_ =	swait.ge [sflag:s24], $0x1  }
0x21: {  	[sflag:s24] =	ssyncset.done $0x0  }
0x22: {  	[sflag:s24] =	ssyncadd.s32 $0xFFFFFFFF  }
0x23: {  	s5 =	sld [smem:$0x0]  }
0x24: {  	s6 =	sand.u32 $0xFFFFFFFE, s1  }
0x25: {  	p0 =	sne.s32 s1, s6  }
0x26: {  	s6 =	sshll.u32 @p0 s6, $0xE  }
0x27: {  	s6 =	sadd.s32 @p0 $0x11B8D, s6;
	s7 =	sshll.u32 @p0 s5, $0x11  }
0x28: {  	s6 =	sor.u32 @p0 s7, s6  }
0x29: {  	[sflag:s6] =	ssyncadd.remote.s32 @p0 $0x1;
	_ =	sdelay $0x1  }
0x2a: {  	s6 =	simm.s32 @p0 $0x1B8D  }
0x2b: {  	_ =	swait.eq @p0 [sflag:s6], $0x1  }
0x2c: {  	[sflag:s6] =	ssyncadd.s32 @p0 $0xFFFFFFFF  }
0x2d: {  	s7 =	sshll.u32 @!p0 s1, $0xE  }
0x2e: {  	s7 =	sor.u32 @!p0 $0x4000, s7;
	s6 =	simm.s32 @!p0 $0x1B8D  }
0x2f: {  	s5 =	sshll.u32 @!p0 s5, $0x11;
	s7 =	sadd.s32 @!p0 $0x11B8D, s7;
	_ =	swait.eq @!p0 [sflag:s6], $0x1  }
0x30: {  	s5 =	sor.u32 @!p0 s5, s7;
	[sflag:s6] =	ssyncadd.s32 @!p0 $0xFFFFFFFF  }
0x31: {  	s26 =	simm.s32 $0x1B8E;
	s25 =	sld [smem:$0x3FFE];
	[sflag:s5] =	ssyncadd.remote.s32 @!p0 $0x1  }
0x32: {  	s27 =	simm.s32 $execute0_lowered;
	[smem:$0x3FD2] =	sst s26  }
0x33: {  	s6 =	sshll.u32 s27, $0x1;
	_ =	strace $0x8000004C;
	[dreg:$0x1] =	wrdreg $0xFFFFFFFF  }
0x34: {  	s28 =	simm.s32 $_size_execute0_lowered;
	s4 =	sadd.s32 s4, s6;
	[dreg:$0x0] =	wrdreg $0x0  }
0x35: {  	s6 =	sshll.u32 s28, $0x1;
	[dreg:$0x2] =	wrdreg s4  }
0x36: {  	[dreg:$0x3] =	wrdreg s6  }
0x37: {  	[dreg:$0x4] =	wrdreg $0xC0  }
0x38: {  	_ =	task [dreg:s23], $0x5FFFF  }
0x39: {  	[dreg:$0x1] =	wrdreg $0xFFFFFFFF  }
0x3a: {  	[dreg:$0x0] =	wrdreg $0x60  }
0x3b: {  	[dreg:$0x2] =	wrdreg s25  }
0x3c: {  	[dreg:$0x3] =	wrdreg s18  }
0x3d: {  	[dreg:$0x4] =	wrdreg $0x9  }
0x3e: {  	_ =	task.clear_ibuf [dreg:s23], $0x5FFFF;
	_ =	strace $0x9000004C  }
0x3f: {  	s29 =	simm.s32 $0x9;
	_ =	strace $0x8000004E  }
0x40: {  	_ =	swait.ge [sflag:s29], $0x1  }
0x41: {  	[sflag:s29] =	ssyncadd.s32 $0xFFFFFFFF  }
0x42: {  	_ =	strace $0x9000004E  }
0x43: {  	_ =	sfence  }
0x44: {  	s30 =	sld [smem:$0x0];
	_ =	sdelay $0x2  }
0x45: {  	s31 =	sshll.u32 s1, $0xD;
	s1 =	sshrl.u32 s1, $0x2  }
0x46: {  	s4 =	sand.u32 $0x4000, s31;
	s1 =	sadd.s32 s1, s30  }
0x47: {  	s0 =	sor.u32 s4, s0;
	s1 =	sshll.u32 s1, $0x11  }
0x48: {  	s0 =	sor.u32 s1, s0  }
0x49: {  	s0 =	sadd.s32 $0x8F2B, s0  }
0x4a: {  	[sflag:s0] =	ssyncadd.remote.s32 $0x1  }
0x4b: {  	_ =	sfence.sel $0xFFFF  }
0x4c: {  	[dreg:$0x0] =	wrdreg $0xFFFFFFFF;
	(pc) =	sbr.abs _section_cstart, $3  }
0x4d: {  	[dreg:$0x1] =	wrdreg $0xFFFFFFFF  }
0x4e: {  	_ =	task.clear_ibuf [dreg:s23], $0x2FFFF;
	_ =	strace $0x9FFFFFFF  }
0x4f: {  	(tm) =	ssettm $0x7FFFFFFF  }
tec
execute0_lowered:
.L_overlay_start_1:
0x0: {  	(tag) =	ssettag $0x1  }
0x1: {  	s0 =	srdreg.scid  }
0x2: {  	s1 =	sshll.u32 s0, $0x4  }
0x3: {  	s0 =	stileid.u32;
	s1 =	sand.u32 $0x10, s1  }
0x4: {  	s1 =	sor.u32 s0, s1  }
0x5: {  	s6 =	rddreg [dreg:$0x0];
	s4 =	simm.s32 $0x1;
	s2 =	sshll.u32 s1, $0x7  }
0x6: {  	s7 =	simm.s32 $0x2;
	s12 =	simm.s32 $0x0;
	s1 =	ssub.s32 $0x1000, s2  }
0x7: {  	s8 =	simm.s32 $0x8000;
	s13 =	simm.s32 $0x0;
	s3 =	sand.u32 $0xF80, s1  }
0x8: {  	s9 =	simm.s32 $0x0;
	s5 =	sshrl.u32 s1, $0xC;
	p0 =	sne.s32 s3, $0x0  }
.Ltmp0:
0x9: {  	s1 =	rddreg [dreg:$0x2];
	s4 =	simm.s32 @!p0 $0x0;
	(pc) =	sbr.rel .LBB1_1-.Ltmp0, $4  }
0xa: {  	s11 =	simm.s32 $0x0;
	s3 =	rddreg [dreg:$0x1];
	s5 =	sadd.s32 s4, s5  }
0xb: {  	_ =	strace $0x8000004D;
	s4 =	simm.s32 $0x1;
	s5 =	smul.u32 $0xC8, s5  }
0xc: {  	s6 =	sadd.s32 $0xC81800, s6;
	s10 =	smov.u32 s2;
	[sflag:s4] =	ssyncpa.u1 $0x0  }
0xd: {  	p0 =	por $0x0, $0x0;
	[sflag:s7] =	ssyncpa.u1 $0x0;
	s7 =	sor.u32 $0x1, s5  }
.LBB1_4:
0xe: {  	s16 =	sshll.u32 s13, $0x3;
	s17 =	sand.u32 $0x78, s13  }
0xf: {  	s30 =	sand.u32 $0x7E00, s13;
	s12 =	sshll.u32 s12, $0xF;
	s16 =	sand.u32 $0xC00, s16  }
0x10: {  	[tilespmem:s15+$0x810 ss:$0x81] =	vst.msk $0xffff, v2;
	s31 =	sand.u32 $0x7, s13;
	s16 =	sor.u32 s17, s16;
	s17 =	sadd.s32 s3, s30  }
0x11: {  	[tilespmem:s15+$0x1020 ss:$0x81] =	vst.msk $0xffff, v0;
	s13 =	sshll.u32 s31, $0x12;
	s12 =	sadd.s32 s12, s17;
	s16 =	sshrl.u32 s16, $0x3  }
0x12: {  	[tilespmem:s15+$0x0 ss:$0x81] =	vst.msk $0xffff, v1;
	s13 =	sor.u32 $0x400, s13;
	s12 =	sadd.s32 s16, s12  }
0x13: {  	[hbm4b:s12+s13] =	stream.strided.scatter [tilespmem:s14], [sflag:$0x2], $0x2000, s8, s13, $0x20;
	[tilespmem:$0x8080] =	vst v63  }
.LBB1_5:
0x14: {  	s14 =	sadd.s32 $0x1, s9  }
0x15: {  	s12 =	sadd.s32 $0x1000, s10;
	s16 =	smov.u32 s10;
	p2 =	sgt.s32 s14, $0xC7  }
0x16: {  	s16 =	smov.u32 @p2 s12  }
0x17: {  	s14 =	simm.s32 @p2 $0x0;
	p2 =	sgt.s32 s16, $0xFFF  }
0x18: {  	s16 =	smov.u32 @p2 s2;
	p2 =	sne.s32 s11, s7  }
.Ltmp1:
0x19: {  	p1 =	slt.u32 s11, $0x2;
	(pc) =	sbr.rel @!p2 .LBB1_6-.Ltmp1, $4  }
0x1a: {  	s15 =	simm.s32 @!p1 $0x2  }
0x1b: {  	s13 =	smov.u32 s10;
	p0 =	por !p0, !p0;
	_ =	swait.ge @!p1 [sflag:s15], $0x2000  }
0x1c: {  	s12 =	smov.u32 s9;
	[sflag:s15] =	ssyncset.done @!p1 $0x0;
	s9 =	smov.u32 s14  }
0x1d: {  	s11 =	sadd.s32 $0x1, s11;
	[sflag:s15] =	ssyncadd.s32 @!p1 $0xFFFFE000;
	s10 =	smov.u32 s16  }
.LBB1_1:
0x1e: {  	p1 =	sge.u32 s11, s5  }
0x1f: {  	s14 =	sand.u32 @!p1 $0x1FFFFFF, s9  }
0x20: {  	s15 =	smulhi.u32 @!p1 $0x147AE15, s14;
	_ =	sdelay $0x1  }
0x21: {  	s15 =	smul.u32 @!p1 $0xC8, s15  }
0x22: {  	s16 =	sxor.u32 @!p1 $0xFFFFFFFF, s11;
	s17 =	smul.u32 @!p1 $0xC80, s10  }
0x23: {  	s31 =	sadd.s32 $0xFFFFFFFF, s11;
	s16 =	sshll.u32 @!p1 s16, $0xD;
	s14 =	ssub.s32 @!p1 s14, s15  }
0x24: {  	s15 =	sand.u32 @!p1 $0x2000, s16;
	s16 =	sadd.s32 @!p1 s6, s17;
	s14 =	sshll.u32 @!p1 s14, $0x4  }
0x25: {  	s17 =	simm.s32 @!p1 $0x6400;
	s14 =	sadd.s32 @!p1 s14, s16;
	s16 =	simm.s32 @!p1 $0x40  }
0x26: {  	[tilespmem:s15], [sflag:$0x1] =	stream.strided.gather @!p1 [hbm4b:s14+s16], $0x2000, s17, s16, $0x38;
	[tilespmem:$0x8080] =	vst v63  }
0x27: {  	p1 =	sge.u32 s31, s5  }
.Ltmp2:
0x28: {  	_ = 	snop;
	(pc) =	sbr.rel @p1 .LBB1_5-.Ltmp2, $1  }
0x29: {  	_ =	sdelay $0x3  }
0x2a: {  	s14 =	simm.s32 $0x1  }
0x2b: {  	_ =	swait.ge [sflag:s4], $0x2000;
	s14 =	simm.s32 @!p0 $0x0  }
0x2c: {  	[sflag:s4] =	ssyncset.done $0x0;
	s15 =	sshll.u32 s14, $0xD  }
0x2d: {  	[sflag:s4] =	ssyncadd.s32 $0xFFFFE000;
	s18 =	sor.u32 $0x20, s15  }
0x2e: {  	s14 =	smul.u32 $0x8100, s14;
	v3 =	vld [tilespmem:s18+$0x10]  }
0x2f: {  	s30 =	sand.u32 $0x1, s11;
	v2 =	vld [tilespmem:s18+$0xFFFFFFF0]  }
0x30: {  	s15 =	smul.u32 $0x8100, s30;
	s14 =	sshrl.u32 s14, $0x2;
	v0 =	vld [tilespmem:s18+$0x0]  }
0x31: {  	v1 =	vld [tilespmem:s18+$0xFFFFFFE0];
	s16 =	sor.u32 $0x4000, s14  }
0x32: {  	s31 =	sshrl.u32 s15, $0x2;
	s15 =	sadd.s32 $0x0, s16  }
0x33: {  	s17 =	simm.s32 $0x4;
	s18 =	sadd.s32 $0x40, s18;
	s14 =	sor.u32 $0x4000, s31;
	[tilespmem:s15+$0x1830 ss:$0x81] =	vst.msk $0xffff, v3  }
.LBB1_3:
0x34: {  	v3 =	vld [tilespmem:s18+$0x10];
	p1 =	sne.s32 s17, $0x1FC;
	[tilespmem:s15+$0x810 ss:$0x81] =	vst.msk $0xffff, v2;
	s19 =	smov.u32 s17;
	s17 =	sadd.s32 $0x4, s17  }
.Ltmp3:
0x35: {  	v2 =	vld [tilespmem:s18+$0xFFFFFFF0];
	[tilespmem:s15+$0x1020 ss:$0x81] =	vst.msk $0xffff, v0;
	(pc) =	sbr.rel @p1 .LBB1_3-.Ltmp3, $4  }
0x36: {  	v0 =	vld [tilespmem:s18+$0x0];
	[tilespmem:s15+$0x0 ss:$0x81] =	vst.msk $0xffff, v1  }
0x37: {  	s15 =	sshra.s32 s19, $0x2;
	v1 =	vld [tilespmem:s18+$0xFFFFFFE0]  }
0x38: {  	s15 =	sadd.s32 s15, s16  }
0x39: {  	s18 =	sadd.s32 $0x40, s18;
	[tilespmem:s15+$0x1830 ss:$0x81] =	vst.msk $0xffff, v3  }
.Ltmp4:
0x3a: {  	_ = 	snop;
	(pc) =	sbr.rel .LBB1_4-.Ltmp4, $1  }
0x3b: {  	_ =	sdelay $0x3  }
.LBB1_6:
0x3c: {  	_ =	sfence.sel $0x180000  }
0x3d: {  	s2 =	simm.s32 $0x1;
	[bflag:$0x0] =	sbarrier.arrive $0xFFFF  }
0x3e: {  	s31 =	simm.s32 $0x2;
	[sflag:s2] =	ssyncpa.u1 $0x1  }
0x3f: {  	[sflag:s31] =	ssyncpa.u1 $0x1  }
0x40: {  	p0 =	sne.s32 s0, $0x0;
	_ =	strace $0x9000004D  }
0x41: {  	s0 =	sadd.s32 @!p0 $0x100000, s1;
	[bflag:$0x2] =	sbarrier.arrive $0xFFFF  }
0x42: {  	[sflag:s0] =	ssyncadd.tile.s32 @!p0 $0x1;
	_ =	shalt  }
.Lfunc_end1:
_tile_overlayer_lowered:
.L_overlay_start_2:
0x43: {  	(tag) =	ssettag $0x2  }
0x44: {  	s0 =	rddreg [dreg:$0x0];
	s2 =	stileid.u32  }
0x45: {  	s1 =	rddreg [dreg:$0x1];
	p0 =	sne.s32 s2, $0x0  }
0x46: {  	s3 =	rddreg [dreg:$0x2];
	[bflag:$0x3] =	sbarrier.arrive $0xFFFF;
	s2 =	simm.s32 @!p0 $0x1C01  }
0x47: {  	[timem:s3], [sflag:s2] =	dma.local @!p0 [hbm:s0], s1  }
0x48: {  	s0 =	simm.s32 @!p0 $0x1  }
0x49: {  	_ =	swait.ge @!p0 [sflag:s0], s1  }
0x4a: {  	s1 =	ssub.s32 @!p0 $0x0, s1;
	[sflag:s0] =	ssyncset.done @!p0 $0x0  }
0x4b: {  	[sflag:s0] =	ssyncadd.s32 @!p0 s1  }
0x4c: {  	[bflag:$0x3] =	sbarrier.arrive $0xFFFF  }
0x4d: {  	_ =	shalt  }

</sc_bundles>
